<compile_context>
chip_gen: v7x
topology: tpu7x:2x2x1
jax: 0.10.2.dev20260603
libtpu: 0.0.44.dev20260713+nightly
codegen_flags: <defaults>
</compile_context>

<pallas_src>
import jax
import jax.numpy as jnp
from jax import lax
from jax.experimental import pallas as pl
from jax.experimental.pallas import tpu as pltpu
from jax.experimental.pallas import tpu_sc as plsc

PAD = 1
B = 4
S = 8192
D = 1024

NC = 2
NS = 16
L = 16

WTOK = S // NS
CHUNK = 64
SLACK = 4
UNION = CHUNK + SLACK
NPAIRS = WTOK // CHUNK
SLOTS = 1
NSTEPS = NPAIRS // SLOTS
UPAD = (UNION + L - 1) // L * L


def _sc_body(ids_hbm, w_hbm, out_hbm, idsA_v, idsB_v, uidx_v, sidx_v,
             stage_v, tot_v, rows_v, tot_sh, gA0, sA0, sB0):
    gsemA = [gA0]
    ssemA = [sA0]
    ssemB = [sB0]
    cid = lax.axis_index("c")
    sid = lax.axis_index("s")
    tbaseA = (2 * cid) * S + sid * WTOK
    tbaseB = (2 * cid + 1) * S + sid * WTOK

    pltpu.sync_copy(ids_hbm.at[pl.ds(tbaseA, WTOK)], idsA_v)
    pltpu.sync_copy(ids_hbm.at[pl.ds(tbaseB, WTOK)], idsB_v)

    def cs_body(i, carry):
        ca, cb = carry
        va = idsA_v[pl.ds(i * L, L)]
        vb = idsB_v[pl.ds(i * L, L)]
        ma = jnp.where(va != PAD, 1, 0).astype(jnp.int32)
        mb = jnp.where(vb != PAD, 1, 0).astype(jnp.int32)
        a = plsc.cumsum(ma) + ca
        bb = plsc.cumsum(mb) + cb
        idsA_v[pl.ds(i * L, L)] = a * ma
        idsB_v[pl.ds(i * L, L)] = bb * mb
        return a[L - 1], bb[L - 1]

    totalA, totalB = lax.fori_loop(
        0, WTOK // L, cs_body, (jnp.int32(0), jnp.int32(0)))

    stage_v[...] = jnp.full((L,), totalA, jnp.int32)
    pltpu.sync_copy(stage_v, tot_sh.at[pl.ds(sid * L, L)])
    stage_v[...] = jnp.full((L,), totalB, jnp.int32)
    pltpu.sync_copy(stage_v, tot_sh.at[pl.ds((NS + sid) * L, L)])
    plsc.subcore_barrier()
    pltpu.sync_copy(tot_sh, tot_v)

    offA = jnp.int32(0)
    offB = jnp.int32(0)
    for j in range(NS):
        tA = tot_v[pl.ds(j * L, L)][0]
        tB = tot_v[pl.ds((NS + j) * L, L)][0]
        keep = j < sid
        offA = offA + jnp.where(keep, tA, 0).astype(jnp.int32)
        offB = offB + jnp.where(keep, tB, 0).astype(jnp.int32)

    def idx_body(i, _):
        ea = idsA_v[pl.ds(i * L, L)]
        eb = idsB_v[pl.ds(i * L, L)]
        ma = jnp.where(ea > 0, 1, 0).astype(jnp.int32)
        mb = jnp.where(eb > 0, 1, 0).astype(jnp.int32)
        idsA_v[pl.ds(i * L, L)] = ea + offA * ma + PAD
        idsB_v[pl.ds(i * L, L)] = eb + offB * mb + PAD
        return 0

    lax.fori_loop(0, WTOK // L, idx_body, 0)

    lane = lax.broadcasted_iota(jnp.int32, (L,), 0)

    def run_continues(ref, f, d, k):
        lo = jnp.maximum(k * CHUNK - L, 0)
        vprev = ref[pl.ds(lo, L)]
        mism_lo = jnp.sum(jnp.where(
            jnp.logical_and(lane >= L - d, vprev != f - L + lane), 1, 0))
        hi = jnp.minimum(k * CHUNK + CHUNK, WTOK - L)
        vnext = ref[pl.ds(hi, L)]
        mism_hi = jnp.sum(jnp.where(
            jnp.logical_and(lane < SLACK - d, vnext != f + CHUNK + lane),
            1, 0))
        return (mism_lo + mism_hi) == 0

    def flags(k):
        vA = idsA_v[pl.ds(k * CHUNK, L)]
        wA = idsA_v[pl.ds(k * CHUNK + CHUNK - L, L)]
        vB = idsB_v[pl.ds(k * CHUNK, L)]
        wB = idsB_v[pl.ds(k * CHUNK + CHUNK - L, L)]
        fA, lA = vA[0], wA[L - 1]
        fB, lB = vB[0], wB[L - 1]
        cleanA = jnp.logical_and(fA > 1, lA - fA == CHUNK - 1)
        cleanB = jnp.logical_and(fB > 1, lB - fB == CHUNK - 1)
        both = jnp.logical_and(cleanA, cleanB)
        fmin = jnp.minimum(fA, fB)
        dA = fA - fmin
        dB = fB - fmin
        dmax = jnp.maximum(dA, dB)
        eq = jnp.logical_and(both, dmax == 0)
        un = jnp.logical_and(jnp.logical_and(both, dmax > 0),
                             dmax <= SLACK)
        ok = jnp.where(dA > 0, run_continues(idsA_v, fA, dA, k),
                       run_continues(idsB_v, fB, dB, k))
        inner = jnp.logical_and(k >= 1, k < NPAIRS - 1)
        un = jnp.logical_and(un, jnp.logical_and(ok, inner))
        sp = jnp.logical_not(jnp.logical_or(eq, un))
        return eq, un, sp, fmin, dA, dB

    def g_eq(k, b):
        pltpu.async_copy(
            w_hbm.at[idsA_v.at[pl.ds(k * CHUNK, CHUNK)]],
            rows_v.at[b, pl.ds(0, CHUNK)], gsemA[b])

    def g_eq_wait(b):
        pltpu.make_async_copy(
            w_hbm.at[idsA_v.at[pl.ds(0, CHUNK)]],
            rows_v.at[b, pl.ds(0, CHUNK)], gsemA[b]).wait()

    def g_un(fmin, b):
        for g in range(UPAD // L):
            uidx_v[pl.ds(b * UPAD + g * L, L)] = fmin + g * L + lane
        pltpu.async_copy(
            w_hbm.at[uidx_v.at[pl.ds(b * UPAD, UNION)]],
            rows_v.at[b, pl.ds(0, UNION)], gsemA[b])

    def g_un_wait(b):
        pltpu.make_async_copy(
            w_hbm.at[uidx_v.at[pl.ds(0, UNION)]],
            rows_v.at[b, pl.ds(0, UNION)], gsemA[b]).wait()

    def g_row(idx_ref, k, b):
        pltpu.async_copy(
            w_hbm.at[idx_ref.at[pl.ds(k * CHUNK, CHUNK)]],
            rows_v.at[b, pl.ds(0, CHUNK)], gsemA[b])

    def scat(b, dst, sem):
        pltpu.async_copy(
            rows_v.at[b, pl.ds(0, CHUNK)],
            out_hbm.at[pl.ds(dst, CHUNK)], sem)

    def scat_wait(b, sem):
        pltpu.make_async_copy(
            rows_v.at[b, pl.ds(0, CHUNK)], out_hbm.at[pl.ds(0, CHUNK)],
            sem).wait()

    def scat36(b, t0, sem):
        for g in range(UNION // L):
            sidx_v[b, pl.ds(g * L, L)] = t0 + g * L + lane
        sidx_v[b, pl.ds(UNION - L, L)] = t0 + UNION - L + lane
        pltpu.async_copy(
            rows_v.at[b, pl.ds(0, UNION)], out_hbm.at[sidx_v.at[b]], sem)

    def scat36_wait(b, sem):
        pltpu.make_async_copy(
            rows_v.at[b, pl.ds(0, UNION)], out_hbm.at[sidx_v.at[b]],
            sem).wait()

    def issue(k, b):
        eq, un, sp, fmin, dA, dB = flags(k)

        @pl.when(eq)
        def _():
            g_eq(k, b)

        @pl.when(un)
        def _():
            g_un(fmin, b)

    def consume(k, b):
        eq, un, sp, fmin, dA, dB = flags(k)
        dstA = tbaseA + k * CHUNK
        dstB = tbaseB + k * CHUNK

        @pl.when(eq)
        def _():
            g_eq_wait(b)
            scat(b, dstA, ssemA[b])
            scat(b, dstB, ssemB[b])
            scat_wait(b, ssemA[b])
            scat_wait(b, ssemB[b])

        @pl.when(un)
        def _():
            g_un_wait(b)

            @pl.when(dA > 0)
            def _():
                scat36(b, dstA - dA, ssemA[b])
                scat(b, dstB, ssemB[b])
                scat36_wait(b, ssemA[b])
                scat_wait(b, ssemB[b])

            @pl.when(dA == 0)
            def _():
                scat(b, dstA, ssemA[b])
                scat36(b, dstB - dB, ssemB[b])
                scat_wait(b, ssemA[b])
                scat36_wait(b, ssemB[b])

        @pl.when(sp)
        def _():
            g_row(idsA_v, k, b)
            g_eq_wait(b)
            scat(b, dstA, ssemA[b])
            scat_wait(b, ssemA[b])
            g_row(idsB_v, k, b)
            g_eq_wait(b)
            scat(b, dstB, ssemB[b])
            scat_wait(b, ssemB[b])

    for b in range(SLOTS):
        issue(b, b)

    def pipe_body(step, _):
        for b in range(SLOTS):
            k = step * SLOTS + b
            consume(k, b)
            issue(k + SLOTS, b)
        return 0

    lax.fori_loop(0, NSTEPS - 1, pipe_body, 0)

    for b in range(SLOTS):
        consume((NSTEPS - 1) * SLOTS + b, b)


@jax.jit
def _sc_embed(ids_flat, weights):
    mesh = plsc.VectorSubcoreMesh(
        core_axis_name="c", subcore_axis_name="s",
        num_cores=NC, num_subcores=NS)
    f = pl.kernel(
        _sc_body,
        out_type=jax.ShapeDtypeStruct((B * S, D), jnp.float32),
        mesh=mesh,
        compiler_params=pltpu.CompilerParams(needs_layout_passes=False),
        scratch_types=[
            pltpu.VMEM((WTOK,), jnp.int32),
            pltpu.VMEM((WTOK,), jnp.int32),
            pltpu.VMEM((SLOTS * UPAD,), jnp.int32),
            pltpu.VMEM((SLOTS, UNION), jnp.int32),
            pltpu.VMEM((L,), jnp.int32),
            pltpu.VMEM((2 * NS * L,), jnp.int32),
            pltpu.VMEM((SLOTS, UNION, D), jnp.float32),
            pltpu.VMEM_SHARED((2 * NS * L,), jnp.int32),
            pltpu.SemaphoreType.DMA,
            pltpu.SemaphoreType.DMA,
            pltpu.SemaphoreType.DMA,
        ],
    )
    return f(ids_flat, weights)


def kernel(input_ids, weights):
    out = _sc_embed(input_ids.reshape(-1), weights)
    return out.reshape(B, S, D)

# --- scband reference (transcript-rebuilt; emitter-appended) ---
"""Pipeline reference for scband-flax-indic-trans-sinusoidal-positional-embedding-13829794693733 (READ-ONLY COPY).

The authoritative reference and input builder live on the scoring server;
editing this copy changes nothing except your own understanding.
"""

import math
import jax, jax.numpy as jnp
import numpy as np

NUM_POSITIONS = 8192
EMBEDDING_DIM = 1024
PADDING_IDX = 1
OFFSET = 2
BATCH = 4
SEQ_LEN = 8192
VOCAB = 32000


def _get_embedding(num_embeddings, embedding_dim, padding_idx=None):
    half_dim = embedding_dim // 2
    emb = math.log(10000) / (half_dim - 1)
    emb = jnp.exp(-emb * jnp.arange(half_dim, dtype=jnp.float32))
    emb = jnp.arange(num_embeddings, dtype=jnp.float32).reshape(-1, 1) * emb.reshape(1, -1)
    emb = jnp.concatenate([jnp.sin(emb), jnp.cos(emb)], axis=1).reshape(num_embeddings, -1)
    if embedding_dim % 2 == 1:
        emb = jnp.concatenate([emb, jnp.zeros((num_embeddings, 1), dtype=emb.dtype)], axis=1)
    if padding_idx is not None:
        emb = emb.at[padding_idx].set(0)
    return emb


def setup_inputs(seed: int = 0) -> dict:
    key = jax.random.key(seed)
    input_ids = jax.random.randint(key, (BATCH, SEQ_LEN), 0, VOCAB, dtype=jnp.int32)
    weights = _get_embedding(NUM_POSITIONS + OFFSET, EMBEDDING_DIM, padding_idx=PADDING_IDX)
    return {"input_ids": input_ids, "weights": weights}


def reference(input_ids, weights):
    bsz, seq_len = input_ids.shape
    # position ids from input ids (padding-aware)
    mask = (input_ids != PADDING_IDX).astype(jnp.int32)
    incremental_indices = jnp.cumsum(mask, axis=1) * mask  # past_key_values_length = 0
    position_ids = incremental_indices + PADDING_IDX
    # gather sinusoidal embeddings
    out = jnp.take(weights, position_ids.ravel(), axis=0).reshape(bsz, seq_len, -1)
    return out

if __name__ == "__main__":
    import jax
    _d = setup_inputs()
    print(jax.jit(kernel)(*tuple(_d.values())))

</pallas_src>

<mosaic_0001>
#map = affine_map<(d0, d1) -> (0)>
#map1 = affine_map<(d0, d1) -> (0, 0)>
module attributes {stable_mosaic.version = 14 : i64} {
  func.func @_sc_body(%arg0: i32, %arg1: i32, %arg2: memref<32768xi32, #tpu.memory_space<hbm>>, %arg3: memref<8194x1024xf32, #tpu.memory_space<hbm>>, %arg4: memref<32768x1024xf32, #tpu.memory_space<hbm>>, %arg5: memref<512xi32, #tpu.memory_space<vmem>>, %arg6: memref<512xi32, #tpu.memory_space<vmem>>, %arg7: memref<80xi32, #tpu.memory_space<vmem>>, %arg8: memref<1x68xi32, #tpu.memory_space<vmem>>, %arg9: memref<16xi32, #tpu.memory_space<vmem>>, %arg10: memref<512xi32, #tpu.memory_space<vmem>>, %arg11: memref<1x68x1024xf32, #tpu.memory_space<vmem>>, %arg12: memref<512xi32, #tpu.memory_space<vmem_shared>>, %arg13: memref<!tpu.dma_semaphore, #tpu.memory_space<semaphore_mem>>, %arg14: memref<!tpu.dma_semaphore, #tpu.memory_space<semaphore_mem>>, %arg15: memref<!tpu.dma_semaphore, #tpu.memory_space<semaphore_mem>>) attributes {dimension_semantics = [#tpu.dimension_semantics<core_parallel>, #tpu.dimension_semantics<subcore_parallel>], iteration_bounds = array<i64: 2, 16>, scalar_prefetch = 0 : i64, scratch_operands = 11 : i64, tpu.core_type = #tpu.core_type<sc_vector_subcore>, window_params = [{transform_indices = #map}, {transform_indices = #map1}, {transform_indices = #map1}]} {
    %mul3A = arith.constant 2 : i32
    %mul3A_0 = arith.muli %mul3A, %arg0 : i32
    %mul3A_1 = arith.constant 8192 : i32
    %mul3A_2 = arith.muli %mul3A_0, %mul3A_1 : i32
    %mul3A_3 = arith.constant 512 : i32
    %mul3A_4 = arith.muli %arg1, %mul3A_3 : i32
    %add3A = arith.addi %mul3A_2, %mul3A_4 : i32
    %mul3A_5 = arith.constant 2 : i32
    %mul3A_6 = arith.muli %mul3A_5, %arg0 : i32
    %add3A_7 = arith.constant 1 : i32
    %add3A_8 = arith.addi %mul3A_6, %add3A_7 : i32
    %mul3A_9 = arith.constant 8192 : i32
    %mul3A_10 = arith.muli %add3A_8, %mul3A_9 : i32
    %mul3A_11 = arith.constant 512 : i32
    %mul3A_12 = arith.muli %arg1, %mul3A_11 : i32
    %add3A_13 = arith.addi %mul3A_10, %mul3A_12 : i32
    "tpu.region"() ({
      %run_scoped3A = tpu.sem_alloc : memref<!tpu.dma_semaphore, #tpu.memory_space<semaphore_mem>>
      %dma_start3A = tpu.memref_slice %arg2[%add3A] : memref<32768xi32, #tpu.memory_space<hbm>> -> memref<512xi32, #tpu.memory_space<hbm>>
      %dma_start3A_612 = tpu.memref_slice %arg2[%add3A] : memref<32768xi32, #tpu.memory_space<hbm>> -> memref<512xi32, #tpu.memory_space<hbm>>
      tpu.enqueue_dma source(%dma_start3A_612 : memref<512xi32, #tpu.memory_space<hbm>>) target(%arg5 : memref<512xi32, #tpu.memory_space<vmem>>) target_semaphore(%run_scoped3A : memref<!tpu.dma_semaphore, #tpu.memory_space<semaphore_mem>>)
      %dma_wait3A = tpu.memref_slice %arg2[%add3A] : memref<32768xi32, #tpu.memory_space<hbm>> -> memref<512xi32, #tpu.memory_space<hbm>>
      %dma_wait3A_613 = tpu.memref_slice %arg2[%add3A] : memref<32768xi32, #tpu.memory_space<hbm>> -> memref<512xi32, #tpu.memory_space<hbm>>
      tpu.wait_dma2 semaphore(%run_scoped3A : memref<!tpu.dma_semaphore, #tpu.memory_space<semaphore_mem>>) src(%dma_wait3A_613 : memref<512xi32, #tpu.memory_space<hbm>>) dst(%arg5 : memref<512xi32, #tpu.memory_space<vmem>>)
      tpu.yield
    }) : () -> ()
    "tpu.region"() ({
      %run_scoped3A = tpu.sem_alloc : memref<!tpu.dma_semaphore, #tpu.memory_space<semaphore_mem>>
      %dma_start3A = tpu.memref_slice %arg2[%add3A_13] : memref<32768xi32, #tpu.memory_space<hbm>> -> memref<512xi32, #tpu.memory_space<hbm>>
      %dma_start3A_612 = tpu.memref_slice %arg2[%add3A_13] : memref<32768xi32, #tpu.memory_space<hbm>> -> memref<512xi32, #tpu.memory_space<hbm>>
      tpu.enqueue_dma source(%dma_start3A_612 : memref<512xi32, #tpu.memory_space<hbm>>) target(%arg6 : memref<512xi32, #tpu.memory_space<vmem>>) target_semaphore(%run_scoped3A : memref<!tpu.dma_semaphore, #tpu.memory_space<semaphore_mem>>)
      %dma_wait3A = tpu.memref_slice %arg2[%add3A_13] : memref<32768xi32, #tpu.memory_space<hbm>> -> memref<512xi32, #tpu.memory_space<hbm>>
      %dma_wait3A_613 = tpu.memref_slice %arg2[%add3A_13] : memref<32768xi32, #tpu.memory_space<hbm>> -> memref<512xi32, #tpu.memory_space<hbm>>
      tpu.wait_dma2 semaphore(%run_scoped3A : memref<!tpu.dma_semaphore, #tpu.memory_space<semaphore_mem>>) src(%dma_wait3A_613 : memref<512xi32, #tpu.memory_space<hbm>>) dst(%arg6 : memref<512xi32, #tpu.memory_space<vmem>>)
      tpu.yield
    }) : () -> ()
    %scan3A = arith.constant 0 : i32
    %scan3A_14 = arith.constant 0 : i32
    %scan3A_15 = arith.constant 0 : i32
    %scan3A_16 = arith.constant 32 : i32
    %scan3A_17 = arith.addi %scan3A_15, %scan3A_16 : i32
    %scan3A_18 = arith.constant 1 : i32
    %scan3A_19:2 = scf.for %scan3A_612 = %scan3A_15 to %scan3A_17 step %scan3A_18 iter_args(%scan3A_613 = %scan3A, %scan3A_614 = %scan3A_14) -> (i32, i32)  : i32 {
      %mul3A_615 = arith.constant 16 : i32
      %mul3A_616 = arith.muli %scan3A_612, %mul3A_615 : i32
      %get3A_617 = arith.index_cast %mul3A_616 : i32 to index
      %get3A_618 = tpu.vector_load %arg5[%get3A_617] {strides = array<i32>} : memref<512xi32, #tpu.memory_space<vmem>>, vector<16xi32>,
      %mul3A_619 = arith.constant 16 : i32
      %mul3A_620 = arith.muli %scan3A_612, %mul3A_619 : i32
      %get3A_621 = arith.index_cast %mul3A_620 : i32 to index
      %get3A_622 = tpu.vector_load %arg6[%get3A_621] {strides = array<i32>} : memref<512xi32, #tpu.memory_space<vmem>>, vector<16xi32>,
      %ne3A_623 = arith.constant 1 : i32
      %ne3A_624 = vector.broadcast %ne3A_623 : i32 to vector<16xi32>
      %ne3A_625 = arith.cmpi ne, %get3A_618, %ne3A_624 : vector<16xi32>
      %jit3A_626 = arith.constant 1 : i32
      %jit3A_627 = arith.constant 0 : i32
      %broadcast_in_dim3A_628 = vector.broadcast %jit3A_626 : i32 to vector<16xi32>
      %broadcast_in_dim3A_629 = vector.broadcast %jit3A_627 : i32 to vector<16xi32>
      %select_n3A_630 = arith.select %ne3A_625, %broadcast_in_dim3A_628, %broadcast_in_dim3A_629 : vector<16xi1>, vector<16xi32>
      %ne3A_631 = arith.constant 1 : i32
      %ne3A_632 = vector.broadcast %ne3A_631 : i32 to vector<16xi32>
      %ne3A_633 = arith.cmpi ne, %get3A_622, %ne3A_632 : vector<16xi32>
      %jit3A_634 = arith.constant 1 : i32
      %jit3A_635 = arith.constant 0 : i32
      %broadcast_in_dim3A_636 = vector.broadcast %jit3A_634 : i32 to vector<16xi32>
      %broadcast_in_dim3A_637 = vector.broadcast %jit3A_635 : i32 to vector<16xi32>
      %select_n3A_638 = arith.select %ne3A_633, %broadcast_in_dim3A_636, %broadcast_in_dim3A_637 : vector<16xi1>, vector<16xi32>
      %broadcast_in_dim3A_639 = arith.constant true
      %broadcast_in_dim3A_640 = vector.broadcast %broadcast_in_dim3A_639 : i1 to vector<16xi1>
      %masked_cumsum3A = tpu.scan <sum>, %select_n3A_630 masked %broadcast_in_dim3A_640 : vector<16xi32>, vector<16xi1> -> vector<16xi32>
      %add3A_641 = vector.broadcast %scan3A_613 : i32 to vector<16xi32>
      %add3A_642 = arith.addi %masked_cumsum3A, %add3A_641 : vector<16xi32>
      %broadcast_in_dim3A_643 = arith.constant true
      %broadcast_in_dim3A_644 = vector.broadcast %broadcast_in_dim3A_643 : i1 to vector<16xi1>
      %masked_cumsum3A_645 = tpu.scan <sum>, %select_n3A_638 masked %broadcast_in_dim3A_644 : vector<16xi32>, vector<16xi1> -> vector<16xi32>
      %add3A_646 = vector.broadcast %scan3A_614 : i32 to vector<16xi32>
      %add3A_647 = arith.addi %masked_cumsum3A_645, %add3A_646 : vector<16xi32>
      %mul3A_648 = arith.muli %add3A_642, %select_n3A_630 : vector<16xi32>
      %mul3A_649 = arith.constant 16 : i32
      %mul3A_650 = arith.muli %scan3A_612, %mul3A_649 : i32
      %swap3A_651 = arith.index_cast %mul3A_650 : i32 to index
      %swap3A_652 = tpu.vector_load %arg5[%swap3A_651] {strides = array<i32>} : memref<512xi32, #tpu.memory_space<vmem>>, vector<16xi32>,
      tpu.vector_store %arg5[%swap3A_651], %mul3A_648 {strides = array<i32>} : memref<512xi32, #tpu.memory_space<vmem>>, vector<16xi32>,
      %mul3A_653 = arith.muli %add3A_647, %select_n3A_638 : vector<16xi32>
      %mul3A_654 = arith.constant 16 : i32
      %mul3A_655 = arith.muli %scan3A_612, %mul3A_654 : i32
      %swap3A_656 = arith.index_cast %mul3A_655 : i32 to index
      %swap3A_657 = tpu.vector_load %arg6[%swap3A_656] {strides = array<i32>} : memref<512xi32, #tpu.memory_space<vmem>>, vector<16xi32>,
      tpu.vector_store %arg6[%swap3A_656], %mul3A_653 {strides = array<i32>} : memref<512xi32, #tpu.memory_space<vmem>>, vector<16xi32>,
      %slice3A_658 = vector.extract_strided_slice %add3A_642 {offsets = [15], sizes = [1], strides = [1]} : vector<16xi32> to vector<1xi32>
      %squeeze3A_659 = vector.extract %slice3A_658[0] : i32 from vector<1xi32>
      %slice3A_660 = vector.extract_strided_slice %add3A_647 {offsets = [15], sizes = [1], strides = [1]} : vector<16xi32> to vector<1xi32>
      %squeeze3A_661 = vector.extract %slice3A_660[0] : i32 from vector<1xi32>
      scf.yield %squeeze3A_659, %squeeze3A_661 : i32, i32
    }
    %scan3A_20 = arith.constant 32 : i32
    %broadcast_in_dim3A = vector.broadcast %scan3A_19#0 : i32 to vector<16xi32>
    %swap3A = arith.constant 0 : index
    %swap3A_21 = tpu.vector_load %arg9[%swap3A] {strides = array<i32>} : memref<16xi32, #tpu.memory_space<vmem>>, vector<16xi32>,
    tpu.vector_store %arg9[%swap3A], %broadcast_in_dim3A {strides = array<i32>} : memref<16xi32, #tpu.memory_space<vmem>>, vector<16xi32>,
    %mul3A_22 = arith.constant 16 : i32
    %mul3A_23 = arith.muli %arg1, %mul3A_22 : i32
    "tpu.region"() ({
      %run_scoped3A = tpu.sem_alloc : memref<!tpu.dma_semaphore, #tpu.memory_space<semaphore_mem>>
      %dma_start3A = tpu.memref_slice %arg12[%mul3A_23] : memref<512xi32, #tpu.memory_space<vmem_shared>> -> memref<16xi32, #tpu.memory_space<vmem_shared>>
      %dma_start3A_612 = tpu.memref_slice %arg12[%mul3A_23] : memref<512xi32, #tpu.memory_space<vmem_shared>> -> memref<16xi32, #tpu.memory_space<vmem_shared>>
      tpu.enqueue_dma source(%arg9 : memref<16xi32, #tpu.memory_space<vmem>>) target(%dma_start3A_612 : memref<16xi32, #tpu.memory_space<vmem_shared>>) target_semaphore(%run_scoped3A : memref<!tpu.dma_semaphore, #tpu.memory_space<semaphore_mem>>)
      %dma_wait3A = tpu.memref_slice %arg12[%mul3A_23] : memref<512xi32, #tpu.memory_space<vmem_shared>> -> memref<16xi32, #tpu.memory_space<vmem_shared>>
      %dma_wait3A_613 = tpu.memref_slice %arg12[%mul3A_23] : memref<512xi32, #tpu.memory_space<vmem_shared>> -> memref<16xi32, #tpu.memory_space<vmem_shared>>
      tpu.wait_dma2 semaphore(%run_scoped3A : memref<!tpu.dma_semaphore, #tpu.memory_space<semaphore_mem>>) src(%arg9 : memref<16xi32, #tpu.memory_space<vmem>>) dst(%dma_wait3A_613 : memref<16xi32, #tpu.memory_space<vmem_shared>>)
      tpu.yield
    }) : () -> ()
    %broadcast_in_dim3A_24 = vector.broadcast %scan3A_19#1 : i32 to vector<16xi32>
    %swap3A_25 = arith.constant 0 : index
    %swap3A_26 = tpu.vector_load %arg9[%swap3A_25] {strides = array<i32>} : memref<16xi32, #tpu.memory_space<vmem>>, vector<16xi32>,
    tpu.vector_store %arg9[%swap3A_25], %broadcast_in_dim3A_24 {strides = array<i32>} : memref<16xi32, #tpu.memory_space<vmem>>, vector<16xi32>,
    %add3A_27 = arith.constant 16 : i32
    %add3A_28 = arith.addi %add3A_27, %arg1 : i32
    %mul3A_29 = arith.constant 16 : i32
    %mul3A_30 = arith.muli %add3A_28, %mul3A_29 : i32
    "tpu.region"() ({
      %run_scoped3A = tpu.sem_alloc : memref<!tpu.dma_semaphore, #tpu.memory_space<semaphore_mem>>
      %dma_start3A = tpu.memref_slice %arg12[%mul3A_30] : memref<512xi32, #tpu.memory_space<vmem_shared>> -> memref<16xi32, #tpu.memory_space<vmem_shared>>
      %dma_start3A_612 = tpu.memref_slice %arg12[%mul3A_30] : memref<512xi32, #tpu.memory_space<vmem_shared>> -> memref<16xi32, #tpu.memory_space<vmem_shared>>
      tpu.enqueue_dma source(%arg9 : memref<16xi32, #tpu.memory_space<vmem>>) target(%dma_start3A_612 : memref<16xi32, #tpu.memory_space<vmem_shared>>) target_semaphore(%run_scoped3A : memref<!tpu.dma_semaphore, #tpu.memory_space<semaphore_mem>>)
      %dma_wait3A = tpu.memref_slice %arg12[%mul3A_30] : memref<512xi32, #tpu.memory_space<vmem_shared>> -> memref<16xi32, #tpu.memory_space<vmem_shared>>
      %dma_wait3A_613 = tpu.memref_slice %arg12[%mul3A_30] : memref<512xi32, #tpu.memory_space<vmem_shared>> -> memref<16xi32, #tpu.memory_space<vmem_shared>>
      tpu.wait_dma2 semaphore(%run_scoped3A : memref<!tpu.dma_semaphore, #tpu.memory_space<semaphore_mem>>) src(%arg9 : memref<16xi32, #tpu.memory_space<vmem>>) dst(%dma_wait3A_613 : memref<16xi32, #tpu.memory_space<vmem_shared>>)
      tpu.yield
    }) : () -> ()
    %barrier3A = arith.constant 0 : index
    tpu.barrier barrier_id(%barrier3A)
    "tpu.region"() ({
      %run_scoped3A = tpu.sem_alloc : memref<!tpu.dma_semaphore, #tpu.memory_space<semaphore_mem>>
      tpu.enqueue_dma source(%arg12 : memref<512xi32, #tpu.memory_space<vmem_shared>>) target(%arg10 : memref<512xi32, #tpu.memory_space<vmem>>) target_semaphore(%run_scoped3A : memref<!tpu.dma_semaphore, #tpu.memory_space<semaphore_mem>>)
      tpu.wait_dma2 semaphore(%run_scoped3A : memref<!tpu.dma_semaphore, #tpu.memory_space<semaphore_mem>>) src(%arg12 : memref<512xi32, #tpu.memory_space<vmem_shared>>) dst(%arg10 : memref<512xi32, #tpu.memory_space<vmem>>)
      tpu.yield
    }) : () -> ()
    %get3A = arith.constant 0 : index
    %get3A_31 = tpu.vector_load %arg10[%get3A] {strides = array<i32>} : memref<512xi32, #tpu.memory_space<vmem>>, vector<16xi32>,
    %slice3A = vector.extract_strided_slice %get3A_31 {offsets = [0], sizes = [1], strides = [1]} : vector<16xi32> to vector<1xi32>
    %squeeze3A = vector.extract %slice3A[0] : i32 from vector<1xi32>
    %get3A_32 = arith.constant 256 : index
    %get3A_33 = tpu.vector_load %arg10[%get3A_32] {strides = array<i32>} : memref<512xi32, #tpu.memory_space<vmem>>, vector<16xi32>,
    %slice3A_34 = vector.extract_strided_slice %get3A_33 {offsets = [0], sizes = [1], strides = [1]} : vector<16xi32> to vector<1xi32>
    %squeeze3A_35 = vector.extract %slice3A_34[0] : i32 from vector<1xi32>
    %gt3A = arith.constant 0 : i32
    %gt3A_36 = arith.cmpi sgt, %arg1, %gt3A : i32
    %jit3A = arith.constant 0 : i32
    %select_n3A = arith.select %gt3A_36, %squeeze3A, %jit3A : i32
    %add3A_37 = arith.constant 0 : i32
    %add3A_38 = arith.addi %add3A_37, %select_n3A : i32
    %jit3A_39 = arith.constant 0 : i32
    %select_n3A_40 = arith.select %gt3A_36, %squeeze3A_35, %jit3A_39 : i32
    %add3A_41 = arith.constant 0 : i32
    %add3A_42 = arith.addi %add3A_41, %select_n3A_40 : i32
    %get3A_43 = arith.constant 16 : index
    %get3A_44 = tpu.vector_load %arg10[%get3A_43] {strides = array<i32>} : memref<512xi32, #tpu.memory_space<vmem>>, vector<16xi32>,
    %slice3A_45 = vector.extract_strided_slice %get3A_44 {offsets = [0], sizes = [1], strides = [1]} : vector<16xi32> to vector<1xi32>
    %squeeze3A_46 = vector.extract %slice3A_45[0] : i32 from vector<1xi32>
    %get3A_47 = arith.constant 272 : index
    %get3A_48 = tpu.vector_load %arg10[%get3A_47] {strides = array<i32>} : memref<512xi32, #tpu.memory_space<vmem>>, vector<16xi32>,
    %slice3A_49 = vector.extract_strided_slice %get3A_48 {offsets = [0], sizes = [1], strides = [1]} : vector<16xi32> to vector<1xi32>
    %squeeze3A_50 = vector.extract %slice3A_49[0] : i32 from vector<1xi32>
    %gt3A_51 = arith.constant 1 : i32
    %gt3A_52 = arith.cmpi sgt, %arg1, %gt3A_51 : i32
    %jit3A_53 = arith.constant 0 : i32
    %select_n3A_54 = arith.select %gt3A_52, %squeeze3A_46, %jit3A_53 : i32
    %add3A_55 = arith.addi %add3A_38, %select_n3A_54 : i32
    %jit3A_56 = arith.constant 0 : i32
    %select_n3A_57 = arith.select %gt3A_52, %squeeze3A_50, %jit3A_56 : i32
    %add3A_58 = arith.addi %add3A_42, %select_n3A_57 : i32
    %get3A_59 = arith.constant 32 : index
    %get3A_60 = tpu.vector_load %arg10[%get3A_59] {strides = array<i32>} : memref<512xi32, #tpu.memory_space<vmem>>, vector<16xi32>,
    %slice3A_61 = vector.extract_strided_slice %get3A_60 {offsets = [0], sizes = [1], strides = [1]} : vector<16xi32> to vector<1xi32>
    %squeeze3A_62 = vector.extract %slice3A_61[0] : i32 from vector<1xi32>
    %get3A_63 = arith.constant 288 : index
    %get3A_64 = tpu.vector_load %arg10[%get3A_63] {strides = array<i32>} : memref<512xi32, #tpu.memory_space<vmem>>, vector<16xi32>,
    %slice3A_65 = vector.extract_strided_slice %get3A_64 {offsets = [0], sizes = [1], strides = [1]} : vector<16xi32> to vector<1xi32>
    %squeeze3A_66 = vector.extract %slice3A_65[0] : i32 from vector<1xi32>
    %gt3A_67 = arith.constant 2 : i32
    %gt3A_68 = arith.cmpi sgt, %arg1, %gt3A_67 : i32
    %jit3A_69 = arith.constant 0 : i32
    %select_n3A_70 = arith.select %gt3A_68, %squeeze3A_62, %jit3A_69 : i32
    %add3A_71 = arith.addi %add3A_55, %select_n3A_70 : i32
    %jit3A_72 = arith.constant 0 : i32
    %select_n3A_73 = arith.select %gt3A_68, %squeeze3A_66, %jit3A_72 : i32
    %add3A_74 = arith.addi %add3A_58, %select_n3A_73 : i32
    %get3A_75 = arith.constant 48 : index
    %get3A_76 = tpu.vector_load %arg10[%get3A_75] {strides = array<i32>} : memref<512xi32, #tpu.memory_space<vmem>>, vector<16xi32>,
    %slice3A_77 = vector.extract_strided_slice %get3A_76 {offsets = [0], sizes = [1], strides = [1]} : vector<16xi32> to vector<1xi32>
    %squeeze3A_78 = vector.extract %slice3A_77[0] : i32 from vector<1xi32>
    %get3A_79 = arith.constant 304 : index
    %get3A_80 = tpu.vector_load %arg10[%get3A_79] {strides = array<i32>} : memref<512xi32, #tpu.memory_space<vmem>>, vector<16xi32>,
    %slice3A_81 = vector.extract_strided_slice %get3A_80 {offsets = [0], sizes = [1], strides = [1]} : vector<16xi32> to vector<1xi32>
    %squeeze3A_82 = vector.extract %slice3A_81[0] : i32 from vector<1xi32>
    %gt3A_83 = arith.constant 3 : i32
    %gt3A_84 = arith.cmpi sgt, %arg1, %gt3A_83 : i32
    %jit3A_85 = arith.constant 0 : i32
    %select_n3A_86 = arith.select %gt3A_84, %squeeze3A_78, %jit3A_85 : i32
    %add3A_87 = arith.addi %add3A_71, %select_n3A_86 : i32
    %jit3A_88 = arith.constant 0 : i32
    %select_n3A_89 = arith.select %gt3A_84, %squeeze3A_82, %jit3A_88 : i32
    %add3A_90 = arith.addi %add3A_74, %select_n3A_89 : i32
    %get3A_91 = arith.constant 64 : index
    %get3A_92 = tpu.vector_load %arg10[%get3A_91] {strides = array<i32>} : memref<512xi32, #tpu.memory_space<vmem>>, vector<16xi32>,
    %slice3A_93 = vector.extract_strided_slice %get3A_92 {offsets = [0], sizes = [1], strides = [1]} : vector<16xi32> to vector<1xi32>
    %squeeze3A_94 = vector.extract %slice3A_93[0] : i32 from vector<1xi32>
    %get3A_95 = arith.constant 320 : index
    %get3A_96 = tpu.vector_load %arg10[%get3A_95] {strides = array<i32>} : memref<512xi32, #tpu.memory_space<vmem>>, vector<16xi32>,
    %slice3A_97 = vector.extract_strided_slice %get3A_96 {offsets = [0], sizes = [1], strides = [1]} : vector<16xi32> to vector<1xi32>
    %squeeze3A_98 = vector.extract %slice3A_97[0] : i32 from vector<1xi32>
    %gt3A_99 = arith.constant 4 : i32
    %gt3A_100 = arith.cmpi sgt, %arg1, %gt3A_99 : i32
    %jit3A_101 = arith.constant 0 : i32
    %select_n3A_102 = arith.select %gt3A_100, %squeeze3A_94, %jit3A_101 : i32
    %add3A_103 = arith.addi %add3A_87, %select_n3A_102 : i32
    %jit3A_104 = arith.constant 0 : i32
    %select_n3A_105 = arith.select %gt3A_100, %squeeze3A_98, %jit3A_104 : i32
    %add3A_106 = arith.addi %add3A_90, %select_n3A_105 : i32
    %get3A_107 = arith.constant 80 : index
    %get3A_108 = tpu.vector_load %arg10[%get3A_107] {strides = array<i32>} : memref<512xi32, #tpu.memory_space<vmem>>, vector<16xi32>,
    %slice3A_109 = vector.extract_strided_slice %get3A_108 {offsets = [0], sizes = [1], strides = [1]} : vector<16xi32> to vector<1xi32>
    %squeeze3A_110 = vector.extract %slice3A_109[0] : i32 from vector<1xi32>
    %get3A_111 = arith.constant 336 : index
    %get3A_112 = tpu.vector_load %arg10[%get3A_111] {strides = array<i32>} : memref<512xi32, #tpu.memory_space<vmem>>, vector<16xi32>,
    %slice3A_113 = vector.extract_strided_slice %get3A_112 {offsets = [0], sizes = [1], strides = [1]} : vector<16xi32> to vector<1xi32>
    %squeeze3A_114 = vector.extract %slice3A_113[0] : i32 from vector<1xi32>
    %gt3A_115 = arith.constant 5 : i32
    %gt3A_116 = arith.cmpi sgt, %arg1, %gt3A_115 : i32
    %jit3A_117 = arith.constant 0 : i32
    %select_n3A_118 = arith.select %gt3A_116, %squeeze3A_110, %jit3A_117 : i32
    %add3A_119 = arith.addi %add3A_103, %select_n3A_118 : i32
    %jit3A_120 = arith.constant 0 : i32
    %select_n3A_121 = arith.select %gt3A_116, %squeeze3A_114, %jit3A_120 : i32
    %add3A_122 = arith.addi %add3A_106, %select_n3A_121 : i32
    %get3A_123 = arith.constant 96 : index
    %get3A_124 = tpu.vector_load %arg10[%get3A_123] {strides = array<i32>} : memref<512xi32, #tpu.memory_space<vmem>>, vector<16xi32>,
    %slice3A_125 = vector.extract_strided_slice %get3A_124 {offsets = [0], sizes = [1], strides = [1]} : vector<16xi32> to vector<1xi32>
    %squeeze3A_126 = vector.extract %slice3A_125[0] : i32 from vector<1xi32>
    %get3A_127 = arith.constant 352 : index
    %get3A_128 = tpu.vector_load %arg10[%get3A_127] {strides = array<i32>} : memref<512xi32, #tpu.memory_space<vmem>>, vector<16xi32>,
    %slice3A_129 = vector.extract_strided_slice %get3A_128 {offsets = [0], sizes = [1], strides = [1]} : vector<16xi32> to vector<1xi32>
    %squeeze3A_130 = vector.extract %slice3A_129[0] : i32 from vector<1xi32>
    %gt3A_131 = arith.constant 6 : i32
    %gt3A_132 = arith.cmpi sgt, %arg1, %gt3A_131 : i32
    %jit3A_133 = arith.constant 0 : i32
    %select_n3A_134 = arith.select %gt3A_132, %squeeze3A_126, %jit3A_133 : i32
    %add3A_135 = arith.addi %add3A_119, %select_n3A_134 : i32
    %jit3A_136 = arith.constant 0 : i32
    %select_n3A_137 = arith.select %gt3A_132, %squeeze3A_130, %jit3A_136 : i32
    %add3A_138 = arith.addi %add3A_122, %select_n3A_137 : i32
    %get3A_139 = arith.constant 112 : index
    %get3A_140 = tpu.vector_load %arg10[%get3A_139] {strides = array<i32>} : memref<512xi32, #tpu.memory_space<vmem>>, vector<16xi32>,
    %slice3A_141 = vector.extract_strided_slice %get3A_140 {offsets = [0], sizes = [1], strides = [1]} : vector<16xi32> to vector<1xi32>
    %squeeze3A_142 = vector.extract %slice3A_141[0] : i32 from vector<1xi32>
    %get3A_143 = arith.constant 368 : index
    %get3A_144 = tpu.vector_load %arg10[%get3A_143] {strides = array<i32>} : memref<512xi32, #tpu.memory_space<vmem>>, vector<16xi32>,
    %slice3A_145 = vector.extract_strided_slice %get3A_144 {offsets = [0], sizes = [1], strides = [1]} : vector<16xi32> to vector<1xi32>
    %squeeze3A_146 = vector.extract %slice3A_145[0] : i32 from vector<1xi32>
    %gt3A_147 = arith.constant 7 : i32
    %gt3A_148 = arith.cmpi sgt, %arg1, %gt3A_147 : i32
    %jit3A_149 = arith.constant 0 : i32
    %select_n3A_150 = arith.select %gt3A_148, %squeeze3A_142, %jit3A_149 : i32
    %add3A_151 = arith.addi %add3A_135, %select_n3A_150 : i32
    %jit3A_152 = arith.constant 0 : i32
    %select_n3A_153 = arith.select %gt3A_148, %squeeze3A_146, %jit3A_152 : i32
    %add3A_154 = arith.addi %add3A_138, %select_n3A_153 : i32
    %get3A_155 = arith.constant 128 : index
    %get3A_156 = tpu.vector_load %arg10[%get3A_155] {strides = array<i32>} : memref<512xi32, #tpu.memory_space<vmem>>, vector<16xi32>,
    %slice3A_157 = vector.extract_strided_slice %get3A_156 {offsets = [0], sizes = [1], strides = [1]} : vector<16xi32> to vector<1xi32>
    %squeeze3A_158 = vector.extract %slice3A_157[0] : i32 from vector<1xi32>
    %get3A_159 = arith.constant 384 : index
    %get3A_160 = tpu.vector_load %arg10[%get3A_159] {strides = array<i32>} : memref<512xi32, #tpu.memory_space<vmem>>, vector<16xi32>,
    %slice3A_161 = vector.extract_strided_slice %get3A_160 {offsets = [0], sizes = [1], strides = [1]} : vector<16xi32> to vector<1xi32>
    %squeeze3A_162 = vector.extract %slice3A_161[0] : i32 from vector<1xi32>
    %gt3A_163 = arith.constant 8 : i32
    %gt3A_164 = arith.cmpi sgt, %arg1, %gt3A_163 : i32
    %jit3A_165 = arith.constant 0 : i32
    %select_n3A_166 = arith.select %gt3A_164, %squeeze3A_158, %jit3A_165 : i32
    %add3A_167 = arith.addi %add3A_151, %select_n3A_166 : i32
    %jit3A_168 = arith.constant 0 : i32
    %select_n3A_169 = arith.select %gt3A_164, %squeeze3A_162, %jit3A_168 : i32
    %add3A_170 = arith.addi %add3A_154, %select_n3A_169 : i32
    %get3A_171 = arith.constant 144 : index
    %get3A_172 = tpu.vector_load %arg10[%get3A_171] {strides = array<i32>} : memref<512xi32, #tpu.memory_space<vmem>>, vector<16xi32>,
    %slice3A_173 = vector.extract_strided_slice %get3A_172 {offsets = [0], sizes = [1], strides = [1]} : vector<16xi32> to vector<1xi32>
    %squeeze3A_174 = vector.extract %slice3A_173[0] : i32 from vector<1xi32>
    %get3A_175 = arith.constant 400 : index
    %get3A_176 = tpu.vector_load %arg10[%get3A_175] {strides = array<i32>} : memref<512xi32, #tpu.memory_space<vmem>>, vector<16xi32>,
    %slice3A_177 = vector.extract_strided_slice %get3A_176 {offsets = [0], sizes = [1], strides = [1]} : vector<16xi32> to vector<1xi32>
    %squeeze3A_178 = vector.extract %slice3A_177[0] : i32 from vector<1xi32>
    %gt3A_179 = arith.constant 9 : i32
    %gt3A_180 = arith.cmpi sgt, %arg1, %gt3A_179 : i32
    %jit3A_181 = arith.constant 0 : i32
    %select_n3A_182 = arith.select %gt3A_180, %squeeze3A_174, %jit3A_181 : i32
    %add3A_183 = arith.addi %add3A_167, %select_n3A_182 : i32
    %jit3A_184 = arith.constant 0 : i32
    %select_n3A_185 = arith.select %gt3A_180, %squeeze3A_178, %jit3A_184 : i32
    %add3A_186 = arith.addi %add3A_170, %select_n3A_185 : i32
    %get3A_187 = arith.constant 160 : index
    %get3A_188 = tpu.vector_load %arg10[%get3A_187] {strides = array<i32>} : memref<512xi32, #tpu.memory_space<vmem>>, vector<16xi32>,
    %slice3A_189 = vector.extract_strided_slice %get3A_188 {offsets = [0], sizes = [1], strides = [1]} : vector<16xi32> to vector<1xi32>
    %squeeze3A_190 = vector.extract %slice3A_189[0] : i32 from vector<1xi32>
    %get3A_191 = arith.constant 416 : index
    %get3A_192 = tpu.vector_load %arg10[%get3A_191] {strides = array<i32>} : memref<512xi32, #tpu.memory_space<vmem>>, vector<16xi32>,
    %slice3A_193 = vector.extract_strided_slice %get3A_192 {offsets = [0], sizes = [1], strides = [1]} : vector<16xi32> to vector<1xi32>
    %squeeze3A_194 = vector.extract %slice3A_193[0] : i32 from vector<1xi32>
    %gt3A_195 = arith.constant 10 : i32
    %gt3A_196 = arith.cmpi sgt, %arg1, %gt3A_195 : i32
    %jit3A_197 = arith.constant 0 : i32
    %select_n3A_198 = arith.select %gt3A_196, %squeeze3A_190, %jit3A_197 : i32
    %add3A_199 = arith.addi %add3A_183, %select_n3A_198 : i32
    %jit3A_200 = arith.constant 0 : i32
    %select_n3A_201 = arith.select %gt3A_196, %squeeze3A_194, %jit3A_200 : i32
    %add3A_202 = arith.addi %add3A_186, %select_n3A_201 : i32
    %get3A_203 = arith.constant 176 : index
    %get3A_204 = tpu.vector_load %arg10[%get3A_203] {strides = array<i32>} : memref<512xi32, #tpu.memory_space<vmem>>, vector<16xi32>,
    %slice3A_205 = vector.extract_strided_slice %get3A_204 {offsets = [0], sizes = [1], strides = [1]} : vector<16xi32> to vector<1xi32>
    %squeeze3A_206 = vector.extract %slice3A_205[0] : i32 from vector<1xi32>
    %get3A_207 = arith.constant 432 : index
    %get3A_208 = tpu.vector_load %arg10[%get3A_207] {strides = array<i32>} : memref<512xi32, #tpu.memory_space<vmem>>, vector<16xi32>,
    %slice3A_209 = vector.extract_strided_slice %get3A_208 {offsets = [0], sizes = [1], strides = [1]} : vector<16xi32> to vector<1xi32>
    %squeeze3A_210 = vector.extract %slice3A_209[0] : i32 from vector<1xi32>
    %gt3A_211 = arith.constant 11 : i32
    %gt3A_212 = arith.cmpi sgt, %arg1, %gt3A_211 : i32
    %jit3A_213 = arith.constant 0 : i32
    %select_n3A_214 = arith.select %gt3A_212, %squeeze3A_206, %jit3A_213 : i32
    %add3A_215 = arith.addi %add3A_199, %select_n3A_214 : i32
    %jit3A_216 = arith.constant 0 : i32
    %select_n3A_217 = arith.select %gt3A_212, %squeeze3A_210, %jit3A_216 : i32
    %add3A_218 = arith.addi %add3A_202, %select_n3A_217 : i32
    %get3A_219 = arith.constant 192 : index
    %get3A_220 = tpu.vector_load %arg10[%get3A_219] {strides = array<i32>} : memref<512xi32, #tpu.memory_space<vmem>>, vector<16xi32>,
    %slice3A_221 = vector.extract_strided_slice %get3A_220 {offsets = [0], sizes = [1], strides = [1]} : vector<16xi32> to vector<1xi32>
    %squeeze3A_222 = vector.extract %slice3A_221[0] : i32 from vector<1xi32>
    %get3A_223 = arith.constant 448 : index
    %get3A_224 = tpu.vector_load %arg10[%get3A_223] {strides = array<i32>} : memref<512xi32, #tpu.memory_space<vmem>>, vector<16xi32>,
    %slice3A_225 = vector.extract_strided_slice %get3A_224 {offsets = [0], sizes = [1], strides = [1]} : vector<16xi32> to vector<1xi32>
    %squeeze3A_226 = vector.extract %slice3A_225[0] : i32 from vector<1xi32>
    %gt3A_227 = arith.constant 12 : i32
    %gt3A_228 = arith.cmpi sgt, %arg1, %gt3A_227 : i32
    %jit3A_229 = arith.constant 0 : i32
    %select_n3A_230 = arith.select %gt3A_228, %squeeze3A_222, %jit3A_229 : i32
    %add3A_231 = arith.addi %add3A_215, %select_n3A_230 : i32
    %jit3A_232 = arith.constant 0 : i32
    %select_n3A_233 = arith.select %gt3A_228, %squeeze3A_226, %jit3A_232 : i32
    %add3A_234 = arith.addi %add3A_218, %select_n3A_233 : i32
    %get3A_235 = arith.constant 208 : index
    %get3A_236 = tpu.vector_load %arg10[%get3A_235] {strides = array<i32>} : memref<512xi32, #tpu.memory_space<vmem>>, vector<16xi32>,
    %slice3A_237 = vector.extract_strided_slice %get3A_236 {offsets = [0], sizes = [1], strides = [1]} : vector<16xi32> to vector<1xi32>
    %squeeze3A_238 = vector.extract %slice3A_237[0] : i32 from vector<1xi32>
    %get3A_239 = arith.constant 464 : index
    %get3A_240 = tpu.vector_load %arg10[%get3A_239] {strides = array<i32>} : memref<512xi32, #tpu.memory_space<vmem>>, vector<16xi32>,
    %slice3A_241 = vector.extract_strided_slice %get3A_240 {offsets = [0], sizes = [1], strides = [1]} : vector<16xi32> to vector<1xi32>
    %squeeze3A_242 = vector.extract %slice3A_241[0] : i32 from vector<1xi32>
    %gt3A_243 = arith.constant 13 : i32
    %gt3A_244 = arith.cmpi sgt, %arg1, %gt3A_243 : i32
    %jit3A_245 = arith.constant 0 : i32
    %select_n3A_246 = arith.select %gt3A_244, %squeeze3A_238, %jit3A_245 : i32
    %add3A_247 = arith.addi %add3A_231, %select_n3A_246 : i32
    %jit3A_248 = arith.constant 0 : i32
    %select_n3A_249 = arith.select %gt3A_244, %squeeze3A_242, %jit3A_248 : i32
    %add3A_250 = arith.addi %add3A_234, %select_n3A_249 : i32
    %get3A_251 = arith.constant 224 : index
    %get3A_252 = tpu.vector_load %arg10[%get3A_251] {strides = array<i32>} : memref<512xi32, #tpu.memory_space<vmem>>, vector<16xi32>,
    %slice3A_253 = vector.extract_strided_slice %get3A_252 {offsets = [0], sizes = [1], strides = [1]} : vector<16xi32> to vector<1xi32>
    %squeeze3A_254 = vector.extract %slice3A_253[0] : i32 from vector<1xi32>
    %get3A_255 = arith.constant 480 : index
    %get3A_256 = tpu.vector_load %arg10[%get3A_255] {strides = array<i32>} : memref<512xi32, #tpu.memory_space<vmem>>, vector<16xi32>,
    %slice3A_257 = vector.extract_strided_slice %get3A_256 {offsets = [0], sizes = [1], strides = [1]} : vector<16xi32> to vector<1xi32>
    %squeeze3A_258 = vector.extract %slice3A_257[0] : i32 from vector<1xi32>
    %gt3A_259 = arith.constant 14 : i32
    %gt3A_260 = arith.cmpi sgt, %arg1, %gt3A_259 : i32
    %jit3A_261 = arith.constant 0 : i32
    %select_n3A_262 = arith.select %gt3A_260, %squeeze3A_254, %jit3A_261 : i32
    %add3A_263 = arith.addi %add3A_247, %select_n3A_262 : i32
    %jit3A_264 = arith.constant 0 : i32
    %select_n3A_265 = arith.select %gt3A_260, %squeeze3A_258, %jit3A_264 : i32
    %add3A_266 = arith.addi %add3A_250, %select_n3A_265 : i32
    %get3A_267 = arith.constant 240 : index
    %get3A_268 = tpu.vector_load %arg10[%get3A_267] {strides = array<i32>} : memref<512xi32, #tpu.memory_space<vmem>>, vector<16xi32>,
    %slice3A_269 = vector.extract_strided_slice %get3A_268 {offsets = [0], sizes = [1], strides = [1]} : vector<16xi32> to vector<1xi32>
    %squeeze3A_270 = vector.extract %slice3A_269[0] : i32 from vector<1xi32>
    %get3A_271 = arith.constant 496 : index
    %get3A_272 = tpu.vector_load %arg10[%get3A_271] {strides = array<i32>} : memref<512xi32, #tpu.memory_space<vmem>>, vector<16xi32>,
    %slice3A_273 = vector.extract_strided_slice %get3A_272 {offsets = [0], sizes = [1], strides = [1]} : vector<16xi32> to vector<1xi32>
    %squeeze3A_274 = vector.extract %slice3A_273[0] : i32 from vector<1xi32>
    %gt3A_275 = arith.constant 15 : i32
    %gt3A_276 = arith.cmpi sgt, %arg1, %gt3A_275 : i32
    %jit3A_277 = arith.constant 0 : i32
    %select_n3A_278 = arith.select %gt3A_276, %squeeze3A_270, %jit3A_277 : i32
    %add3A_279 = arith.addi %add3A_263, %select_n3A_278 : i32
    %jit3A_280 = arith.constant 0 : i32
    %select_n3A_281 = arith.select %gt3A_276, %squeeze3A_274, %jit3A_280 : i32
    %add3A_282 = arith.addi %add3A_266, %select_n3A_281 : i32
    %scan3A_283 = arith.constant 0 : i32
    %scan3A_284 = arith.constant 0 : i32
    %scan3A_285 = arith.constant 32 : i32
    %scan3A_286 = arith.addi %scan3A_284, %scan3A_285 : i32
    %scan3A_287 = arith.constant 1 : i32
    %scan3A_288 = scf.for %scan3A_612 = %scan3A_284 to %scan3A_286 step %scan3A_287 iter_args(%scan3A_613 = %scan3A_283) -> (i32)  : i32 {
      %mul3A_614 = arith.constant 16 : i32
      %mul3A_615 = arith.muli %scan3A_612, %mul3A_614 : i32
      %get3A_616 = arith.index_cast %mul3A_615 : i32 to index
      %get3A_617 = tpu.vector_load %arg5[%get3A_616] {strides = array<i32>} : memref<512xi32, #tpu.memory_space<vmem>>, vector<16xi32>,
      %mul3A_618 = arith.constant 16 : i32
      %mul3A_619 = arith.muli %scan3A_612, %mul3A_618 : i32
      %get3A_620 = arith.index_cast %mul3A_619 : i32 to index
      %get3A_621 = tpu.vector_load %arg6[%get3A_620] {strides = array<i32>} : memref<512xi32, #tpu.memory_space<vmem>>, vector<16xi32>,
      %gt3A_622 = arith.constant 0 : i32
      %gt3A_623 = vector.broadcast %gt3A_622 : i32 to vector<16xi32>
      %gt3A_624 = arith.cmpi sgt, %get3A_617, %gt3A_623 : vector<16xi32>
      %jit3A_625 = arith.constant 1 : i32
      %jit3A_626 = arith.constant 0 : i32
      %broadcast_in_dim3A_627 = vector.broadcast %jit3A_625 : i32 to vector<16xi32>
      %broadcast_in_dim3A_628 = vector.broadcast %jit3A_626 : i32 to vector<16xi32>
      %select_n3A_629 = arith.select %gt3A_624, %broadcast_in_dim3A_627, %broadcast_in_dim3A_628 : vector<16xi1>, vector<16xi32>
      %gt3A_630 = arith.constant 0 : i32
      %gt3A_631 = vector.broadcast %gt3A_630 : i32 to vector<16xi32>
      %gt3A_632 = arith.cmpi sgt, %get3A_621, %gt3A_631 : vector<16xi32>
      %jit3A_633 = arith.constant 1 : i32
      %jit3A_634 = arith.constant 0 : i32
      %broadcast_in_dim3A_635 = vector.broadcast %jit3A_633 : i32 to vector<16xi32>
      %broadcast_in_dim3A_636 = vector.broadcast %jit3A_634 : i32 to vector<16xi32>
      %select_n3A_637 = arith.select %gt3A_632, %broadcast_in_dim3A_635, %broadcast_in_dim3A_636 : vector<16xi1>, vector<16xi32>
      %mul3A_638 = vector.broadcast %add3A_279 : i32 to vector<16xi32>
      %mul3A_639 = arith.muli %mul3A_638, %select_n3A_629 : vector<16xi32>
      %add3A_640 = arith.addi %get3A_617, %mul3A_639 : vector<16xi32>
      %add3A_641 = arith.constant 1 : i32
      %add3A_642 = vector.broadcast %add3A_641 : i32 to vector<16xi32>
      %add3A_643 = arith.addi %add3A_640, %add3A_642 : vector<16xi32>
      %mul3A_644 = arith.constant 16 : i32
      %mul3A_645 = arith.muli %scan3A_612, %mul3A_644 : i32
      %swap3A_646 = arith.index_cast %mul3A_645 : i32 to index
      %swap3A_647 = tpu.vector_load %arg5[%swap3A_646] {strides = array<i32>} : memref<512xi32, #tpu.memory_space<vmem>>, vector<16xi32>,
      tpu.vector_store %arg5[%swap3A_646], %add3A_643 {strides = array<i32>} : memref<512xi32, #tpu.memory_space<vmem>>, vector<16xi32>,
      %mul3A_648 = vector.broadcast %add3A_282 : i32 to vector<16xi32>
      %mul3A_649 = arith.muli %mul3A_648, %select_n3A_637 : vector<16xi32>
      %add3A_650 = arith.addi %get3A_621, %mul3A_649 : vector<16xi32>
      %add3A_651 = arith.constant 1 : i32
      %add3A_652 = vector.broadcast %add3A_651 : i32 to vector<16xi32>
      %add3A_653 = arith.addi %add3A_650, %add3A_652 : vector<16xi32>
      %mul3A_654 = arith.constant 16 : i32
      %mul3A_655 = arith.muli %scan3A_612, %mul3A_654 : i32
      %swap3A_656 = arith.index_cast %mul3A_655 : i32 to index
      %swap3A_657 = tpu.vector_load %arg6[%swap3A_656] {strides = array<i32>} : memref<512xi32, #tpu.memory_space<vmem>>, vector<16xi32>,
      tpu.vector_store %arg6[%swap3A_656], %add3A_653 {strides = array<i32>} : memref<512xi32, #tpu.memory_space<vmem>>, vector<16xi32>,
      %scan3A_658 = arith.constant 0 : i32
      scf.yield %scan3A_658 : i32
    }
    %scan3A_289 = arith.constant 32 : i32
    %iota3A = tpu.iota {dimensions = array<i32: 0>} : vector<16xi32>
    %get3A_290 = arith.constant 0 : index
    %get3A_291 = tpu.vector_load %arg5[%get3A_290] {strides = array<i32>} : memref<512xi32, #tpu.memory_space<vmem>>, vector<16xi32>,
    %get3A_292 = arith.constant 48 : index
    %get3A_293 = tpu.vector_load %arg5[%get3A_292] {strides = array<i32>} : memref<512xi32, #tpu.memory_space<vmem>>, vector<16xi32>,
    %get3A_294 = arith.constant 0 : index
    %get3A_295 = tpu.vector_load %arg6[%get3A_294] {strides = array<i32>} : memref<512xi32, #tpu.memory_space<vmem>>, vector<16xi32>,
    %get3A_296 = arith.constant 48 : index
    %get3A_297 = tpu.vector_load %arg6[%get3A_296] {strides = array<i32>} : memref<512xi32, #tpu.memory_space<vmem>>, vector<16xi32>,
    %slice3A_298 = vector.extract_strided_slice %get3A_291 {offsets = [0], sizes = [1], strides = [1]} : vector<16xi32> to vector<1xi32>
    %squeeze3A_299 = vector.extract %slice3A_298[0] : i32 from vector<1xi32>
    %slice3A_300 = vector.extract_strided_slice %get3A_293 {offsets = [15], sizes = [1], strides = [1]} : vector<16xi32> to vector<1xi32>
    %squeeze3A_301 = vector.extract %slice3A_300[0] : i32 from vector<1xi32>
    %slice3A_302 = vector.extract_strided_slice %get3A_295 {offsets = [0], sizes = [1], strides = [1]} : vector<16xi32> to vector<1xi32>
    %squeeze3A_303 = vector.extract %slice3A_302[0] : i32 from vector<1xi32>
    %slice3A_304 = vector.extract_strided_slice %get3A_297 {offsets = [15], sizes = [1], strides = [1]} : vector<16xi32> to vector<1xi32>
    %squeeze3A_305 = vector.extract %slice3A_304[0] : i32 from vector<1xi32>
    %gt3A_306 = arith.constant 1 : i32
    %gt3A_307 = arith.cmpi sgt, %squeeze3A_299, %gt3A_306 : i32
    %sub3A = arith.subi %squeeze3A_301, %squeeze3A_299 : i32
    %eq3A = arith.constant 63 : i32
    %eq3A_308 = arith.cmpi eq, %sub3A, %eq3A : i32
    %and3A = arith.andi %gt3A_307, %eq3A_308 : i1
    %gt3A_309 = arith.constant 1 : i32
    %gt3A_310 = arith.cmpi sgt, %squeeze3A_303, %gt3A_309 : i32
    %sub3A_311 = arith.subi %squeeze3A_305, %squeeze3A_303 : i32
    %eq3A_312 = arith.constant 63 : i32
    %eq3A_313 = arith.cmpi eq, %sub3A_311, %eq3A_312 : i32
    %and3A_314 = arith.andi %gt3A_310, %eq3A_313 : i1
    %and3A_315 = arith.andi %and3A, %and3A_314 : i1
    %min3A = arith.minsi %squeeze3A_299, %squeeze3A_303 : i32
    %sub3A_316 = arith.subi %squeeze3A_299, %min3A : i32
    %sub3A_317 = arith.subi %squeeze3A_303, %min3A : i32
    %max3A = arith.maxsi %sub3A_316, %sub3A_317 : i32
    %eq3A_318 = arith.constant 0 : i32
    %eq3A_319 = arith.cmpi eq, %max3A, %eq3A_318 : i32
    %and3A_320 = arith.andi %and3A_315, %eq3A_319 : i1
    %gt3A_321 = arith.constant 0 : i32
    %gt3A_322 = arith.cmpi sgt, %max3A, %gt3A_321 : i32
    %and3A_323 = arith.andi %and3A_315, %gt3A_322 : i1
    %le3A = arith.constant 4 : i32
    %le3A_324 = arith.cmpi sle, %max3A, %le3A : i32
    %and3A_325 = arith.andi %and3A_323, %le3A_324 : i1
    %gt3A_326 = arith.constant 0 : i32
    %gt3A_327 = arith.cmpi sgt, %sub3A_316, %gt3A_326 : i32
    %max3A_328 = arith.constant -16 : i32
    %max3A_329 = arith.constant 0 : i32
    %max3A_330 = arith.maxsi %max3A_328, %max3A_329 : i32
    %get3A_331 = arith.index_cast %max3A_330 : i32 to index
    %get3A_332 = tpu.vector_load %arg5[%get3A_331] {strides = array<i32>} : memref<512xi32, #tpu.memory_space<vmem>>, vector<16xi32>,
    %sub3A_333 = arith.constant 16 : i32
    %sub3A_334 = arith.subi %sub3A_333, %sub3A_316 : i32
    %ge3A = vector.broadcast %sub3A_334 : i32 to vector<16xi32>
    %ge3A_335 = arith.cmpi sge, %iota3A, %ge3A : vector<16xi32>
    %sub3A_336 = arith.constant 16 : i32
    %sub3A_337 = arith.subi %squeeze3A_299, %sub3A_336 : i32
    %add3A_338 = vector.broadcast %sub3A_337 : i32 to vector<16xi32>
    %add3A_339 = arith.addi %add3A_338, %iota3A : vector<16xi32>
    %ne3A = arith.cmpi ne, %get3A_332, %add3A_339 : vector<16xi32>
    %and3A_340 = arith.andi %ge3A_335, %ne3A : vector<16xi1>
    %jit3A_341 = arith.constant 1 : i32
    %jit3A_342 = arith.constant 0 : i32
    %broadcast_in_dim3A_343 = vector.broadcast %jit3A_341 : i32 to vector<16xi32>
    %broadcast_in_dim3A_344 = vector.broadcast %jit3A_342 : i32 to vector<16xi32>
    %select_n3A_345 = arith.select %and3A_340, %broadcast_in_dim3A_343, %broadcast_in_dim3A_344 : vector<16xi1>, vector<16xi32>
    %reduce_sum3A = arith.constant true
    %reduce_sum3A_346 = vector.broadcast %reduce_sum3A : i1 to vector<16xi1>
    %reduce_sum3A_347 = tpu.scan <sum>, %select_n3A_345 masked %reduce_sum3A_346 : vector<16xi32>, vector<16xi1> -> vector<16xi32>
    %reduce_sum3A_348 = vector.extract %reduce_sum3A_347[15] : i32 from vector<16xi32>
    %min3A_349 = arith.constant 64 : i32
    %min3A_350 = arith.constant 496 : i32
    %min3A_351 = arith.minsi %min3A_349, %min3A_350 : i32
    %get3A_352 = arith.index_cast %min3A_351 : i32 to index
    %get3A_353 = tpu.vector_load %arg5[%get3A_352] {strides = array<i32>} : memref<512xi32, #tpu.memory_space<vmem>>, vector<16xi32>,
    %sub3A_354 = arith.constant 4 : i32
    %sub3A_355 = arith.subi %sub3A_354, %sub3A_316 : i32
    %lt3A = vector.broadcast %sub3A_355 : i32 to vector<16xi32>
    %lt3A_356 = arith.cmpi slt, %iota3A, %lt3A : vector<16xi32>
    %add3A_357 = arith.constant 64 : i32
    %add3A_358 = arith.addi %squeeze3A_299, %add3A_357 : i32
    %add3A_359 = vector.broadcast %add3A_358 : i32 to vector<16xi32>
    %add3A_360 = arith.addi %add3A_359, %iota3A : vector<16xi32>
    %ne3A_361 = arith.cmpi ne, %get3A_353, %add3A_360 : vector<16xi32>
    %and3A_362 = arith.andi %lt3A_356, %ne3A_361 : vector<16xi1>
    %jit3A_363 = arith.constant 1 : i32
    %jit3A_364 = arith.constant 0 : i32
    %broadcast_in_dim3A_365 = vector.broadcast %jit3A_363 : i32 to vector<16xi32>
    %broadcast_in_dim3A_366 = vector.broadcast %jit3A_364 : i32 to vector<16xi32>
    %select_n3A_367 = arith.select %and3A_362, %broadcast_in_dim3A_365, %broadcast_in_dim3A_366 : vector<16xi1>, vector<16xi32>
    %reduce_sum3A_368 = arith.constant true
    %reduce_sum3A_369 = vector.broadcast %reduce_sum3A_368 : i1 to vector<16xi1>
    %reduce_sum3A_370 = tpu.scan <sum>, %select_n3A_367 masked %reduce_sum3A_369 : vector<16xi32>, vector<16xi1> -> vector<16xi32>
    %reduce_sum3A_371 = vector.extract %reduce_sum3A_370[15] : i32 from vector<16xi32>
    %add3A_372 = arith.addi %reduce_sum3A_348, %reduce_sum3A_371 : i32
    %eq3A_373 = arith.constant 0 : i32
    %eq3A_374 = arith.cmpi eq, %add3A_372, %eq3A_373 : i32
    %max3A_375 = arith.constant -16 : i32
    %max3A_376 = arith.constant 0 : i32
    %max3A_377 = arith.maxsi %max3A_375, %max3A_376 : i32
    %get3A_378 = arith.index_cast %max3A_377 : i32 to index
    %get3A_379 = tpu.vector_load %arg6[%get3A_378] {strides = array<i32>} : memref<512xi32, #tpu.memory_space<vmem>>, vector<16xi32>,
    %sub3A_380 = arith.constant 16 : i32
    %sub3A_381 = arith.subi %sub3A_380, %sub3A_317 : i32
    %ge3A_382 = vector.broadcast %sub3A_381 : i32 to vector<16xi32>
    %ge3A_383 = arith.cmpi sge, %iota3A, %ge3A_382 : vector<16xi32>
    %sub3A_384 = arith.constant 16 : i32
    %sub3A_385 = arith.subi %squeeze3A_303, %sub3A_384 : i32
    %add3A_386 = vector.broadcast %sub3A_385 : i32 to vector<16xi32>
    %add3A_387 = arith.addi %add3A_386, %iota3A : vector<16xi32>
    %ne3A_388 = arith.cmpi ne, %get3A_379, %add3A_387 : vector<16xi32>
    %and3A_389 = arith.andi %ge3A_383, %ne3A_388 : vector<16xi1>
    %jit3A_390 = arith.constant 1 : i32
    %jit3A_391 = arith.constant 0 : i32
    %broadcast_in_dim3A_392 = vector.broadcast %jit3A_390 : i32 to vector<16xi32>
    %broadcast_in_dim3A_393 = vector.broadcast %jit3A_391 : i32 to vector<16xi32>
    %select_n3A_394 = arith.select %and3A_389, %broadcast_in_dim3A_392, %broadcast_in_dim3A_393 : vector<16xi1>, vector<16xi32>
    %reduce_sum3A_395 = arith.constant true
    %reduce_sum3A_396 = vector.broadcast %reduce_sum3A_395 : i1 to vector<16xi1>
    %reduce_sum3A_397 = tpu.scan <sum>, %select_n3A_394 masked %reduce_sum3A_396 : vector<16xi32>, vector<16xi1> -> vector<16xi32>
    %reduce_sum3A_398 = vector.extract %reduce_sum3A_397[15] : i32 from vector<16xi32>
    %min3A_399 = arith.constant 64 : i32
    %min3A_400 = arith.constant 496 : i32
    %min3A_401 = arith.minsi %min3A_399, %min3A_400 : i32
    %get3A_402 = arith.index_cast %min3A_401 : i32 to index
    %get3A_403 = tpu.vector_load %arg6[%get3A_402] {strides = array<i32>} : memref<512xi32, #tpu.memory_space<vmem>>, vector<16xi32>,
    %sub3A_404 = arith.constant 4 : i32
    %sub3A_405 = arith.subi %sub3A_404, %sub3A_317 : i32
    %lt3A_406 = vector.broadcast %sub3A_405 : i32 to vector<16xi32>
    %lt3A_407 = arith.cmpi slt, %iota3A, %lt3A_406 : vector<16xi32>
    %add3A_408 = arith.constant 64 : i32
    %add3A_409 = arith.addi %squeeze3A_303, %add3A_408 : i32
    %add3A_410 = vector.broadcast %add3A_409 : i32 to vector<16xi32>
    %add3A_411 = arith.addi %add3A_410, %iota3A : vector<16xi32>
    %ne3A_412 = arith.cmpi ne, %get3A_403, %add3A_411 : vector<16xi32>
    %and3A_413 = arith.andi %lt3A_407, %ne3A_412 : vector<16xi1>
    %jit3A_414 = arith.constant 1 : i32
    %jit3A_415 = arith.constant 0 : i32
    %broadcast_in_dim3A_416 = vector.broadcast %jit3A_414 : i32 to vector<16xi32>
    %broadcast_in_dim3A_417 = vector.broadcast %jit3A_415 : i32 to vector<16xi32>
    %select_n3A_418 = arith.select %and3A_413, %broadcast_in_dim3A_416, %broadcast_in_dim3A_417 : vector<16xi1>, vector<16xi32>
    %reduce_sum3A_419 = arith.constant true
    %reduce_sum3A_420 = vector.broadcast %reduce_sum3A_419 : i1 to vector<16xi1>
    %reduce_sum3A_421 = tpu.scan <sum>, %select_n3A_418 masked %reduce_sum3A_420 : vector<16xi32>, vector<16xi1> -> vector<16xi32>
    %reduce_sum3A_422 = vector.extract %reduce_sum3A_421[15] : i32 from vector<16xi32>
    %add3A_423 = arith.addi %reduce_sum3A_398, %reduce_sum3A_422 : i32
    %eq3A_424 = arith.constant 0 : i32
    %eq3A_425 = arith.cmpi eq, %add3A_423, %eq3A_424 : i32
    %select_n3A_426 = arith.select %gt3A_327, %eq3A_374, %eq3A_425 : i1
    %and3A_427 = arith.constant false
    %and3A_428 = arith.constant true
    %and3A_429 = arith.andi %and3A_427, %and3A_428 : i1
    %and3A_430 = arith.andi %select_n3A_426, %and3A_429 : i1
    %and3A_431 = arith.andi %and3A_325, %and3A_430 : i1
    %or3A = arith.ori %and3A_320, %and3A_431 : i1
    %not3A = arith.constant true
    %not3A_432 = arith.xori %or3A, %not3A : i1
    %convert_element_type3A = arith.extui %and3A_320 : i1 to i32
    %cond3A = arith.constant 0 : i32
    %cond3A_433 = arith.cmpi ne, %convert_element_type3A, %cond3A : i32
    scf.if %cond3A_433 {
      %dma_start3A = arith.constant 0 : i32
      %dma_start3A_612 = arith.constant 0 : i32
      %dma_start3A_613 = arith.constant 0 : i32
      %dma_start3A_614 = tpu.memref_slice %arg11[%dma_start3A, %dma_start3A_612, %dma_start3A_613] : memref<1x68x1024xf32, #tpu.memory_space<vmem>> -> memref<1x64x1024xf32, #tpu.memory_space<vmem>>
      %dma_start3A_615 = tpu.memref_squeeze %dma_start3A_614 : memref<1x64x1024xf32, #tpu.memory_space<vmem>> -> memref<64x1024xf32, #tpu.memory_space<vmem>>
      %dma_start3A_616 = arith.constant 0 : i32
      %dma_start3A_617 = tpu.memref_slice %arg5[%dma_start3A_616] : memref<512xi32, #tpu.memory_space<vmem>> -> memref<64xi32, #tpu.memory_space<vmem>>
      %dma_start3A_618 = arith.constant 0 : i32
      %dma_start3A_619 = arith.constant 0 : i32
      %dma_start3A_620 = tpu.memref_slice %arg3[%dma_start3A_618, %dma_start3A_619] : memref<8194x1024xf32, #tpu.memory_space<hbm>> -> memref<8194x1024xf32, #tpu.memory_space<hbm>>
      tpu.enqueue_indirect_dma source(%dma_start3A_620 : memref<8194x1024xf32, #tpu.memory_space<hbm>>) target(%dma_start3A_615 : memref<64x1024xf32, #tpu.memory_space<vmem>>) offsets(%dma_start3A_617 : memref<64xi32, #tpu.memory_space<vmem>>) semaphore(%arg13 : memref<!tpu.dma_semaphore, #tpu.memory_space<semaphore_mem>>)
    } else {
    }
    %convert_element_type3A_434 = arith.extui %and3A_431 : i1 to i32
    %cond3A_435 = arith.constant 0 : i32
    %cond3A_436 = arith.cmpi ne, %convert_element_type3A_434, %cond3A_435 : i32
    scf.if %cond3A_436 {
      %add3A_612 = arith.constant 0 : i32
      %add3A_613 = arith.addi %min3A, %add3A_612 : i32
      %add3A_614 = vector.broadcast %add3A_613 : i32 to vector<16xi32>
      %add3A_615 = arith.addi %add3A_614, %iota3A : vector<16xi32>
      %swap3A_616 = arith.constant 0 : index
      %swap3A_617 = tpu.vector_load %arg7[%swap3A_616] {strides = array<i32>} : memref<80xi32, #tpu.memory_space<vmem>>, vector<16xi32>,
      tpu.vector_store %arg7[%swap3A_616], %add3A_615 {strides = array<i32>} : memref<80xi32, #tpu.memory_space<vmem>>, vector<16xi32>,
      %add3A_618 = arith.constant 16 : i32
      %add3A_619 = arith.addi %min3A, %add3A_618 : i32
      %add3A_620 = vector.broadcast %add3A_619 : i32 to vector<16xi32>
      %add3A_621 = arith.addi %add3A_620, %iota3A : vector<16xi32>
      %swap3A_622 = arith.constant 16 : index
      %swap3A_623 = tpu.vector_load %arg7[%swap3A_622] {strides = array<i32>} : memref<80xi32, #tpu.memory_space<vmem>>, vector<16xi32>,
      tpu.vector_store %arg7[%swap3A_622], %add3A_621 {strides = array<i32>} : memref<80xi32, #tpu.memory_space<vmem>>, vector<16xi32>,
      %add3A_624 = arith.constant 32 : i32
      %add3A_625 = arith.addi %min3A, %add3A_624 : i32
      %add3A_626 = vector.broadcast %add3A_625 : i32 to vector<16xi32>
      %add3A_627 = arith.addi %add3A_626, %iota3A : vector<16xi32>
      %swap3A_628 = arith.constant 32 : index
      %swap3A_629 = tpu.vector_load %arg7[%swap3A_628] {strides = array<i32>} : memref<80xi32, #tpu.memory_space<vmem>>, vector<16xi32>,
      tpu.vector_store %arg7[%swap3A_628], %add3A_627 {strides = array<i32>} : memref<80xi32, #tpu.memory_space<vmem>>, vector<16xi32>,
      %add3A_630 = arith.constant 48 : i32
      %add3A_631 = arith.addi %min3A, %add3A_630 : i32
      %add3A_632 = vector.broadcast %add3A_631 : i32 to vector<16xi32>
      %add3A_633 = arith.addi %add3A_632, %iota3A : vector<16xi32>
      %swap3A_634 = arith.constant 48 : index
      %swap3A_635 = tpu.vector_load %arg7[%swap3A_634] {strides = array<i32>} : memref<80xi32, #tpu.memory_space<vmem>>, vector<16xi32>,
      tpu.vector_store %arg7[%swap3A_634], %add3A_633 {strides = array<i32>} : memref<80xi32, #tpu.memory_space<vmem>>, vector<16xi32>,
      %add3A_636 = arith.constant 64 : i32
      %add3A_637 = arith.addi %min3A, %add3A_636 : i32
      %add3A_638 = vector.broadcast %add3A_637 : i32 to vector<16xi32>
      %add3A_639 = arith.addi %add3A_638, %iota3A : vector<16xi32>
      %swap3A_640 = arith.constant 64 : index
      %swap3A_641 = tpu.vector_load %arg7[%swap3A_640] {strides = array<i32>} : memref<80xi32, #tpu.memory_space<vmem>>, vector<16xi32>,
      tpu.vector_store %arg7[%swap3A_640], %add3A_639 {strides = array<i32>} : memref<80xi32, #tpu.memory_space<vmem>>, vector<16xi32>,
      %dma_start3A = arith.constant 0 : i32
      %dma_start3A_642 = arith.constant 0 : i32
      %dma_start3A_643 = arith.constant 0 : i32
      %dma_start3A_644 = tpu.memref_slice %arg11[%dma_start3A, %dma_start3A_642, %dma_start3A_643] : memref<1x68x1024xf32, #tpu.memory_space<vmem>> -> memref<1x68x1024xf32, #tpu.memory_space<vmem>>
      %dma_start3A_645 = tpu.memref_squeeze %dma_start3A_644 : memref<1x68x1024xf32, #tpu.memory_space<vmem>> -> memref<68x1024xf32, #tpu.memory_space<vmem>>
      %dma_start3A_646 = arith.constant 0 : i32
      %dma_start3A_647 = tpu.memref_slice %arg7[%dma_start3A_646] : memref<80xi32, #tpu.memory_space<vmem>> -> memref<68xi32, #tpu.memory_space<vmem>>
      %dma_start3A_648 = arith.constant 0 : i32
      %dma_start3A_649 = arith.constant 0 : i32
      %dma_start3A_650 = tpu.memref_slice %arg3[%dma_start3A_648, %dma_start3A_649] : memref<8194x1024xf32, #tpu.memory_space<hbm>> -> memref<8194x1024xf32, #tpu.memory_space<hbm>>
      tpu.enqueue_indirect_dma source(%dma_start3A_650 : memref<8194x1024xf32, #tpu.memory_space<hbm>>) target(%dma_start3A_645 : memref<68x1024xf32, #tpu.memory_space<vmem>>) offsets(%dma_start3A_647 : memref<68xi32, #tpu.memory_space<vmem>>) semaphore(%arg13 : memref<!tpu.dma_semaphore, #tpu.memory_space<semaphore_mem>>)
    } else {
    }
    %scan3A_437 = arith.constant 0 : i32
    %scan3A_438 = arith.constant 0 : i32
    %scan3A_439 = arith.constant 7 : i32
    %scan3A_440 = arith.addi %scan3A_438, %scan3A_439 : i32
    %scan3A_441 = arith.constant 1 : i32
    %scan3A_442 = scf.for %scan3A_612 = %scan3A_438 to %scan3A_440 step %scan3A_441 iter_args(%scan3A_613 = %scan3A_437) -> (i32)  : i32 {
      %mul3A_614 = arith.constant 1 : i32
      %mul3A_615 = arith.muli %scan3A_612, %mul3A_614 : i32
      %add3A_616 = arith.constant 0 : i32
      %add3A_617 = arith.addi %mul3A_615, %add3A_616 : i32
      %mul3A_618 = arith.constant 64 : i32
      %mul3A_619 = arith.muli %add3A_617, %mul3A_618 : i32
      %get3A_620 = arith.index_cast %mul3A_619 : i32 to index
      %get3A_621 = tpu.vector_load %arg5[%get3A_620] {strides = array<i32>} : memref<512xi32, #tpu.memory_space<vmem>>, vector<16xi32>,
      %mul3A_622 = arith.constant 64 : i32
      %mul3A_623 = arith.muli %add3A_617, %mul3A_622 : i32
      %add3A_624 = arith.constant 64 : i32
      %add3A_625 = arith.addi %mul3A_623, %add3A_624 : i32
      %sub3A_626 = arith.constant 16 : i32
      %sub3A_627 = arith.subi %add3A_625, %sub3A_626 : i32
      %get3A_628 = arith.index_cast %sub3A_627 : i32 to index
      %get3A_629 = tpu.vector_load %arg5[%get3A_628] {strides = array<i32>} : memref<512xi32, #tpu.memory_space<vmem>>, vector<16xi32>,
      %mul3A_630 = arith.constant 64 : i32
      %mul3A_631 = arith.muli %add3A_617, %mul3A_630 : i32
      %get3A_632 = arith.index_cast %mul3A_631 : i32 to index
      %get3A_633 = tpu.vector_load %arg6[%get3A_632] {strides = array<i32>} : memref<512xi32, #tpu.memory_space<vmem>>, vector<16xi32>,
      %mul3A_634 = arith.constant 64 : i32
      %mul3A_635 = arith.muli %add3A_617, %mul3A_634 : i32
      %add3A_636 = arith.constant 64 : i32
      %add3A_637 = arith.addi %mul3A_635, %add3A_636 : i32
      %sub3A_638 = arith.constant 16 : i32
      %sub3A_639 = arith.subi %add3A_637, %sub3A_638 : i32
      %get3A_640 = arith.index_cast %sub3A_639 : i32 to index
      %get3A_641 = tpu.vector_load %arg6[%get3A_640] {strides = array<i32>} : memref<512xi32, #tpu.memory_space<vmem>>, vector<16xi32>,
      %slice3A_642 = vector.extract_strided_slice %get3A_621 {offsets = [0], sizes = [1], strides = [1]} : vector<16xi32> to vector<1xi32>
      %squeeze3A_643 = vector.extract %slice3A_642[0] : i32 from vector<1xi32>
      %slice3A_644 = vector.extract_strided_slice %get3A_629 {offsets = [15], sizes = [1], strides = [1]} : vector<16xi32> to vector<1xi32>
      %squeeze3A_645 = vector.extract %slice3A_644[0] : i32 from vector<1xi32>
      %slice3A_646 = vector.extract_strided_slice %get3A_633 {offsets = [0], sizes = [1], strides = [1]} : vector<16xi32> to vector<1xi32>
      %squeeze3A_647 = vector.extract %slice3A_646[0] : i32 from vector<1xi32>
      %slice3A_648 = vector.extract_strided_slice %get3A_641 {offsets = [15], sizes = [1], strides = [1]} : vector<16xi32> to vector<1xi32>
      %squeeze3A_649 = vector.extract %slice3A_648[0] : i32 from vector<1xi32>
      %gt3A_650 = arith.constant 1 : i32
      %gt3A_651 = arith.cmpi sgt, %squeeze3A_643, %gt3A_650 : i32
      %sub3A_652 = arith.subi %squeeze3A_645, %squeeze3A_643 : i32
      %eq3A_653 = arith.constant 63 : i32
      %eq3A_654 = arith.cmpi eq, %sub3A_652, %eq3A_653 : i32
      %and3A_655 = arith.andi %gt3A_651, %eq3A_654 : i1
      %gt3A_656 = arith.constant 1 : i32
      %gt3A_657 = arith.cmpi sgt, %squeeze3A_647, %gt3A_656 : i32
      %sub3A_658 = arith.subi %squeeze3A_649, %squeeze3A_647 : i32
      %eq3A_659 = arith.constant 63 : i32
      %eq3A_660 = arith.cmpi eq, %sub3A_658, %eq3A_659 : i32
      %and3A_661 = arith.andi %gt3A_657, %eq3A_660 : i1
      %and3A_662 = arith.andi %and3A_655, %and3A_661 : i1
      %min3A_663 = arith.minsi %squeeze3A_643, %squeeze3A_647 : i32
      %sub3A_664 = arith.subi %squeeze3A_643, %min3A_663 : i32
      %sub3A_665 = arith.subi %squeeze3A_647, %min3A_663 : i32
      %max3A_666 = arith.maxsi %sub3A_664, %sub3A_665 : i32
      %eq3A_667 = arith.constant 0 : i32
      %eq3A_668 = arith.cmpi eq, %max3A_666, %eq3A_667 : i32
      %and3A_669 = arith.andi %and3A_662, %eq3A_668 : i1
      %gt3A_670 = arith.constant 0 : i32
      %gt3A_671 = arith.cmpi sgt, %max3A_666, %gt3A_670 : i32
      %and3A_672 = arith.andi %and3A_662, %gt3A_671 : i1
      %le3A_673 = arith.constant 4 : i32
      %le3A_674 = arith.cmpi sle, %max3A_666, %le3A_673 : i32
      %and3A_675 = arith.andi %and3A_672, %le3A_674 : i1
      %gt3A_676 = arith.constant 0 : i32
      %gt3A_677 = arith.cmpi sgt, %sub3A_664, %gt3A_676 : i32
      %mul3A_678 = arith.constant 64 : i32
      %mul3A_679 = arith.muli %add3A_617, %mul3A_678 : i32
      %sub3A_680 = arith.constant 16 : i32
      %sub3A_681 = arith.subi %mul3A_679, %sub3A_680 : i32
      %max3A_682 = arith.constant 0 : i32
      %max3A_683 = arith.maxsi %sub3A_681, %max3A_682 : i32
      %get3A_684 = arith.index_cast %max3A_683 : i32 to index
      %get3A_685 = tpu.vector_load %arg5[%get3A_684] {strides = array<i32>} : memref<512xi32, #tpu.memory_space<vmem>>, vector<16xi32>,
      %sub3A_686 = arith.constant 16 : i32
      %sub3A_687 = arith.subi %sub3A_686, %sub3A_664 : i32
      %ge3A_688 = vector.broadcast %sub3A_687 : i32 to vector<16xi32>
      %ge3A_689 = arith.cmpi sge, %iota3A, %ge3A_688 : vector<16xi32>
      %sub3A_690 = arith.constant 16 : i32
      %sub3A_691 = arith.subi %squeeze3A_643, %sub3A_690 : i32
      %add3A_692 = vector.broadcast %sub3A_691 : i32 to vector<16xi32>
      %add3A_693 = arith.addi %add3A_692, %iota3A : vector<16xi32>
      %ne3A_694 = arith.cmpi ne, %get3A_685, %add3A_693 : vector<16xi32>
      %and3A_695 = arith.andi %ge3A_689, %ne3A_694 : vector<16xi1>
      %jit3A_696 = arith.constant 1 : i32
      %jit3A_697 = arith.constant 0 : i32
      %broadcast_in_dim3A_698 = vector.broadcast %jit3A_696 : i32 to vector<16xi32>
      %broadcast_in_dim3A_699 = vector.broadcast %jit3A_697 : i32 to vector<16xi32>
      %select_n3A_700 = arith.select %and3A_695, %broadcast_in_dim3A_698, %broadcast_in_dim3A_699 : vector<16xi1>, vector<16xi32>
      %reduce_sum3A_701 = arith.constant true
      %reduce_sum3A_702 = vector.broadcast %reduce_sum3A_701 : i1 to vector<16xi1>
      %reduce_sum3A_703 = tpu.scan <sum>, %select_n3A_700 masked %reduce_sum3A_702 : vector<16xi32>, vector<16xi1> -> vector<16xi32>
      %reduce_sum3A_704 = vector.extract %reduce_sum3A_703[15] : i32 from vector<16xi32>
      %mul3A_705 = arith.constant 64 : i32
      %mul3A_706 = arith.muli %add3A_617, %mul3A_705 : i32
      %add3A_707 = arith.constant 64 : i32
      %add3A_708 = arith.addi %mul3A_706, %add3A_707 : i32
      %min3A_709 = arith.constant 496 : i32
      %min3A_710 = arith.minsi %add3A_708, %min3A_709 : i32
      %get3A_711 = arith.index_cast %min3A_710 : i32 to index
      %get3A_712 = tpu.vector_load %arg5[%get3A_711] {strides = array<i32>} : memref<512xi32, #tpu.memory_space<vmem>>, vector<16xi32>,
      %sub3A_713 = arith.constant 4 : i32
      %sub3A_714 = arith.subi %sub3A_713, %sub3A_664 : i32
      %lt3A_715 = vector.broadcast %sub3A_714 : i32 to vector<16xi32>
      %lt3A_716 = arith.cmpi slt, %iota3A, %lt3A_715 : vector<16xi32>
      %add3A_717 = arith.constant 64 : i32
      %add3A_718 = arith.addi %squeeze3A_643, %add3A_717 : i32
      %add3A_719 = vector.broadcast %add3A_718 : i32 to vector<16xi32>
      %add3A_720 = arith.addi %add3A_719, %iota3A : vector<16xi32>
      %ne3A_721 = arith.cmpi ne, %get3A_712, %add3A_720 : vector<16xi32>
      %and3A_722 = arith.andi %lt3A_716, %ne3A_721 : vector<16xi1>
      %jit3A_723 = arith.constant 1 : i32
      %jit3A_724 = arith.constant 0 : i32
      %broadcast_in_dim3A_725 = vector.broadcast %jit3A_723 : i32 to vector<16xi32>
      %broadcast_in_dim3A_726 = vector.broadcast %jit3A_724 : i32 to vector<16xi32>
      %select_n3A_727 = arith.select %and3A_722, %broadcast_in_dim3A_725, %broadcast_in_dim3A_726 : vector<16xi1>, vector<16xi32>
      %reduce_sum3A_728 = arith.constant true
      %reduce_sum3A_729 = vector.broadcast %reduce_sum3A_728 : i1 to vector<16xi1>
      %reduce_sum3A_730 = tpu.scan <sum>, %select_n3A_727 masked %reduce_sum3A_729 : vector<16xi32>, vector<16xi1> -> vector<16xi32>
      %reduce_sum3A_731 = vector.extract %reduce_sum3A_730[15] : i32 from vector<16xi32>
      %add3A_732 = arith.addi %reduce_sum3A_704, %reduce_sum3A_731 : i32
      %eq3A_733 = arith.constant 0 : i32
      %eq3A_734 = arith.cmpi eq, %add3A_732, %eq3A_733 : i32
      %mul3A_735 = arith.constant 64 : i32
      %mul3A_736 = arith.muli %add3A_617, %mul3A_735 : i32
      %sub3A_737 = arith.constant 16 : i32
      %sub3A_738 = arith.subi %mul3A_736, %sub3A_737 : i32
      %max3A_739 = arith.constant 0 : i32
      %max3A_740 = arith.maxsi %sub3A_738, %max3A_739 : i32
      %get3A_741 = arith.index_cast %max3A_740 : i32 to index
      %get3A_742 = tpu.vector_load %arg6[%get3A_741] {strides = array<i32>} : memref<512xi32, #tpu.memory_space<vmem>>, vector<16xi32>,
      %sub3A_743 = arith.constant 16 : i32
      %sub3A_744 = arith.subi %sub3A_743, %sub3A_665 : i32
      %ge3A_745 = vector.broadcast %sub3A_744 : i32 to vector<16xi32>
      %ge3A_746 = arith.cmpi sge, %iota3A, %ge3A_745 : vector<16xi32>
      %sub3A_747 = arith.constant 16 : i32
      %sub3A_748 = arith.subi %squeeze3A_647, %sub3A_747 : i32
      %add3A_749 = vector.broadcast %sub3A_748 : i32 to vector<16xi32>
      %add3A_750 = arith.addi %add3A_749, %iota3A : vector<16xi32>
      %ne3A_751 = arith.cmpi ne, %get3A_742, %add3A_750 : vector<16xi32>
      %and3A_752 = arith.andi %ge3A_746, %ne3A_751 : vector<16xi1>
      %jit3A_753 = arith.constant 1 : i32
      %jit3A_754 = arith.constant 0 : i32
      %broadcast_in_dim3A_755 = vector.broadcast %jit3A_753 : i32 to vector<16xi32>
      %broadcast_in_dim3A_756 = vector.broadcast %jit3A_754 : i32 to vector<16xi32>
      %select_n3A_757 = arith.select %and3A_752, %broadcast_in_dim3A_755, %broadcast_in_dim3A_756 : vector<16xi1>, vector<16xi32>
      %reduce_sum3A_758 = arith.constant true
      %reduce_sum3A_759 = vector.broadcast %reduce_sum3A_758 : i1 to vector<16xi1>
      %reduce_sum3A_760 = tpu.scan <sum>, %select_n3A_757 masked %reduce_sum3A_759 : vector<16xi32>, vector<16xi1> -> vector<16xi32>
      %reduce_sum3A_761 = vector.extract %reduce_sum3A_760[15] : i32 from vector<16xi32>
      %mul3A_762 = arith.constant 64 : i32
      %mul3A_763 = arith.muli %add3A_617, %mul3A_762 : i32
      %add3A_764 = arith.constant 64 : i32
      %add3A_765 = arith.addi %mul3A_763, %add3A_764 : i32
      %min3A_766 = arith.constant 496 : i32
      %min3A_767 = arith.minsi %add3A_765, %min3A_766 : i32
      %get3A_768 = arith.index_cast %min3A_767 : i32 to index
      %get3A_769 = tpu.vector_load %arg6[%get3A_768] {strides = array<i32>} : memref<512xi32, #tpu.memory_space<vmem>>, vector<16xi32>,
      %sub3A_770 = arith.constant 4 : i32
      %sub3A_771 = arith.subi %sub3A_770, %sub3A_665 : i32
      %lt3A_772 = vector.broadcast %sub3A_771 : i32 to vector<16xi32>
      %lt3A_773 = arith.cmpi slt, %iota3A, %lt3A_772 : vector<16xi32>
      %add3A_774 = arith.constant 64 : i32
      %add3A_775 = arith.addi %squeeze3A_647, %add3A_774 : i32
      %add3A_776 = vector.broadcast %add3A_775 : i32 to vector<16xi32>
      %add3A_777 = arith.addi %add3A_776, %iota3A : vector<16xi32>
      %ne3A_778 = arith.cmpi ne, %get3A_769, %add3A_777 : vector<16xi32>
      %and3A_779 = arith.andi %lt3A_773, %ne3A_778 : vector<16xi1>
      %jit3A_780 = arith.constant 1 : i32
      %jit3A_781 = arith.constant 0 : i32
      %broadcast_in_dim3A_782 = vector.broadcast %jit3A_780 : i32 to vector<16xi32>
      %broadcast_in_dim3A_783 = vector.broadcast %jit3A_781 : i32 to vector<16xi32>
      %select_n3A_784 = arith.select %and3A_779, %broadcast_in_dim3A_782, %broadcast_in_dim3A_783 : vector<16xi1>, vector<16xi32>
      %reduce_sum3A_785 = arith.constant true
      %reduce_sum3A_786 = vector.broadcast %reduce_sum3A_785 : i1 to vector<16xi1>
      %reduce_sum3A_787 = tpu.scan <sum>, %select_n3A_784 masked %reduce_sum3A_786 : vector<16xi32>, vector<16xi1> -> vector<16xi32>
      %reduce_sum3A_788 = vector.extract %reduce_sum3A_787[15] : i32 from vector<16xi32>
      %add3A_789 = arith.addi %reduce_sum3A_761, %reduce_sum3A_788 : i32
      %eq3A_790 = arith.constant 0 : i32
      %eq3A_791 = arith.cmpi eq, %add3A_789, %eq3A_790 : i32
      %select_n3A_792 = arith.select %gt3A_677, %eq3A_734, %eq3A_791 : i1
      %ge3A_793 = arith.constant 1 : i32
      %ge3A_794 = arith.cmpi sge, %add3A_617, %ge3A_793 : i32
      %lt3A_795 = arith.constant 7 : i32
      %lt3A_796 = arith.cmpi slt, %add3A_617, %lt3A_795 : i32
      %and3A_797 = arith.andi %ge3A_794, %lt3A_796 : i1
      %and3A_798 = arith.andi %select_n3A_792, %and3A_797 : i1
      %and3A_799 = arith.andi %and3A_675, %and3A_798 : i1
      %or3A_800 = arith.ori %and3A_669, %and3A_799 : i1
      %not3A_801 = arith.constant true
      %not3A_802 = arith.xori %or3A_800, %not3A_801 : i1
      %mul3A_803 = arith.constant 64 : i32
      %mul3A_804 = arith.muli %add3A_617, %mul3A_803 : i32
      %add3A_805 = arith.addi %add3A, %mul3A_804 : i32
      %mul3A_806 = arith.constant 64 : i32
      %mul3A_807 = arith.muli %add3A_617, %mul3A_806 : i32
      %add3A_808 = arith.addi %add3A_13, %mul3A_807 : i32
      %convert_element_type3A_809 = arith.extui %and3A_669 : i1 to i32
      %cond3A_810 = arith.constant 0 : i32
      %cond3A_811 = arith.cmpi ne, %convert_element_type3A_809, %cond3A_810 : i32
      scf.if %cond3A_811 {
        %dma_wait3A = arith.constant 0 : i32
        %dma_wait3A_1012 = arith.constant 0 : i32
        %dma_wait3A_1013 = arith.constant 0 : i32
        %dma_wait3A_1014 = tpu.memref_slice %arg11[%dma_wait3A, %dma_wait3A_1012, %dma_wait3A_1013] : memref<1x68x1024xf32, #tpu.memory_space<vmem>> -> memref<1x64x1024xf32, #tpu.memory_space<vmem>>
        %dma_wait3A_1015 = tpu.memref_squeeze %dma_wait3A_1014 : memref<1x64x1024xf32, #tpu.memory_space<vmem>> -> memref<64x1024xf32, #tpu.memory_space<vmem>>
        %dma_wait3A_1016 = arith.constant 0 : i32
        %dma_wait3A_1017 = tpu.memref_slice %arg5[%dma_wait3A_1016] : memref<512xi32, #tpu.memory_space<vmem>> -> memref<64xi32, #tpu.memory_space<vmem>>
        %dma_wait3A_1018 = arith.constant 0 : i32
        %dma_wait3A_1019 = arith.constant 0 : i32
        %dma_wait3A_1020 = tpu.memref_slice %arg3[%dma_wait3A_1018, %dma_wait3A_1019] : memref<8194x1024xf32, #tpu.memory_space<hbm>> -> memref<8194x1024xf32, #tpu.memory_space<hbm>>
        tpu.wait_indirect_dma semaphore(%arg13 : memref<!tpu.dma_semaphore, #tpu.memory_space<semaphore_mem>>) src(%dma_wait3A_1020 : memref<8194x1024xf32, #tpu.memory_space<hbm>>) dst(%dma_wait3A_1015 : memref<64x1024xf32, #tpu.memory_space<vmem>>)
        %dma_start3A = arith.constant 0 : i32
        %dma_start3A_1021 = arith.constant 0 : i32
        %dma_start3A_1022 = arith.constant 0 : i32
        %dma_start3A_1023 = tpu.memref_slice %arg11[%dma_start3A, %dma_start3A_1021, %dma_start3A_1022] : memref<1x68x1024xf32, #tpu.memory_space<vmem>> -> memref<1x64x1024xf32, #tpu.memory_space<vmem>>
        %dma_start3A_1024 = tpu.memref_squeeze %dma_start3A_1023 : memref<1x64x1024xf32, #tpu.memory_space<vmem>> -> memref<64x1024xf32, #tpu.memory_space<vmem>>
        %dma_start3A_1025 = arith.constant 0 : i32
        %dma_start3A_1026 = tpu.memref_slice %arg4[%add3A_805, %dma_start3A_1025] : memref<32768x1024xf32, #tpu.memory_space<hbm>> -> memref<64x1024xf32, #tpu.memory_space<hbm>>
        %dma_start3A_1027 = arith.constant 0 : i32
        %dma_start3A_1028 = tpu.memref_slice %arg4[%add3A_805, %dma_start3A_1027] : memref<32768x1024xf32, #tpu.memory_space<hbm>> -> memref<64x1024xf32, #tpu.memory_space<hbm>>
        %dma_start3A_1029 = arith.constant 0 : i32
        %dma_start3A_1030 = arith.constant 0 : i32
        %dma_start3A_1031 = tpu.memref_slice %arg11[%dma_start3A, %dma_start3A_1029, %dma_start3A_1030] : memref<1x68x1024xf32, #tpu.memory_space<vmem>> -> memref<1x64x1024xf32, #tpu.memory_space<vmem>>
        %dma_start3A_1032 = tpu.memref_squeeze %dma_start3A_1031 : memref<1x64x1024xf32, #tpu.memory_space<vmem>> -> memref<64x1024xf32, #tpu.memory_space<vmem>>
        tpu.enqueue_dma source(%dma_start3A_1032 : memref<64x1024xf32, #tpu.memory_space<vmem>>) target(%dma_start3A_1028 : memref<64x1024xf32, #tpu.memory_space<hbm>>) target_semaphore(%arg14 : memref<!tpu.dma_semaphore, #tpu.memory_space<semaphore_mem>>)
        %dma_start3A_1033 = arith.constant 0 : i32
        %dma_start3A_1034 = arith.constant 0 : i32
        %dma_start3A_1035 = arith.constant 0 : i32
        %dma_start3A_1036 = tpu.memref_slice %arg11[%dma_start3A_1033, %dma_start3A_1034, %dma_start3A_1035] : memref<1x68x1024xf32, #tpu.memory_space<vmem>> -> memref<1x64x1024xf32, #tpu.memory_space<vmem>>
        %dma_start3A_1037 = tpu.memref_squeeze %dma_start3A_1036 : memref<1x64x1024xf32, #tpu.memory_space<vmem>> -> memref<64x1024xf32, #tpu.memory_space<vmem>>
        %dma_start3A_1038 = arith.constant 0 : i32
        %dma_start3A_1039 = tpu.memref_slice %arg4[%add3A_808, %dma_start3A_1038] : memref<32768x1024xf32, #tpu.memory_space<hbm>> -> memref<64x1024xf32, #tpu.memory_space<hbm>>
        %dma_start3A_1040 = arith.constant 0 : i32
        %dma_start3A_1041 = tpu.memref_slice %arg4[%add3A_808, %dma_start3A_1040] : memref<32768x1024xf32, #tpu.memory_space<hbm>> -> memref<64x1024xf32, #tpu.memory_space<hbm>>
        %dma_start3A_1042 = arith.constant 0 : i32
        %dma_start3A_1043 = arith.constant 0 : i32
        %dma_start3A_1044 = tpu.memref_slice %arg11[%dma_start3A_1033, %dma_start3A_1042, %dma_start3A_1043] : memref<1x68x1024xf32, #tpu.memory_space<vmem>> -> memref<1x64x1024xf32, #tpu.memory_space<vmem>>
        %dma_start3A_1045 = tpu.memref_squeeze %dma_start3A_1044 : memref<1x64x1024xf32, #tpu.memory_space<vmem>> -> memref<64x1024xf32, #tpu.memory_space<vmem>>
        tpu.enqueue_dma source(%dma_start3A_1045 : memref<64x1024xf32, #tpu.memory_space<vmem>>) target(%dma_start3A_1041 : memref<64x1024xf32, #tpu.memory_space<hbm>>) target_semaphore(%arg15 : memref<!tpu.dma_semaphore, #tpu.memory_space<semaphore_mem>>)
        %dma_wait3A_1046 = arith.constant 0 : i32
        %dma_wait3A_1047 = arith.constant 0 : i32
        %dma_wait3A_1048 = arith.constant 0 : i32
        %dma_wait3A_1049 = tpu.memref_slice %arg11[%dma_wait3A_1046, %dma_wait3A_1047, %dma_wait3A_1048] : memref<1x68x1024xf32, #tpu.memory_space<vmem>> -> memref<1x64x1024xf32, #tpu.memory_space<vmem>>
        %dma_wait3A_1050 = tpu.memref_squeeze %dma_wait3A_1049 : memref<1x64x1024xf32, #tpu.memory_space<vmem>> -> memref<64x1024xf32, #tpu.memory_space<vmem>>
        %dma_wait3A_1051 = arith.constant 0 : i32
        %dma_wait3A_1052 = arith.constant 0 : i32
        %dma_wait3A_1053 = tpu.memref_slice %arg4[%dma_wait3A_1051, %dma_wait3A_1052] : memref<32768x1024xf32, #tpu.memory_space<hbm>> -> memref<64x1024xf32, #tpu.memory_space<hbm>>
        %dma_wait3A_1054 = arith.constant 0 : i32
        %dma_wait3A_1055 = arith.constant 0 : i32
        %dma_wait3A_1056 = tpu.memref_slice %arg4[%dma_wait3A_1054, %dma_wait3A_1055] : memref<32768x1024xf32, #tpu.memory_space<hbm>> -> memref<64x1024xf32, #tpu.memory_space<hbm>>
        %dma_wait3A_1057 = arith.constant 0 : i32
        %dma_wait3A_1058 = arith.constant 0 : i32
        %dma_wait3A_1059 = tpu.memref_slice %arg11[%dma_wait3A_1046, %dma_wait3A_1057, %dma_wait3A_1058] : memref<1x68x1024xf32, #tpu.memory_space<vmem>> -> memref<1x64x1024xf32, #tpu.memory_space<vmem>>
        %dma_wait3A_1060 = tpu.memref_squeeze %dma_wait3A_1059 : memref<1x64x1024xf32, #tpu.memory_space<vmem>> -> memref<64x1024xf32, #tpu.memory_space<vmem>>
        tpu.wait_dma2 semaphore(%arg14 : memref<!tpu.dma_semaphore, #tpu.memory_space<semaphore_mem>>) src(%dma_wait3A_1060 : memref<64x1024xf32, #tpu.memory_space<vmem>>) dst(%dma_wait3A_1056 : memref<64x1024xf32, #tpu.memory_space<hbm>>)
        %dma_wait3A_1061 = arith.constant 0 : i32
        %dma_wait3A_1062 = arith.constant 0 : i32
        %dma_wait3A_1063 = arith.constant 0 : i32
        %dma_wait3A_1064 = tpu.memref_slice %arg11[%dma_wait3A_1061, %dma_wait3A_1062, %dma_wait3A_1063] : memref<1x68x1024xf32, #tpu.memory_space<vmem>> -> memref<1x64x1024xf32, #tpu.memory_space<vmem>>
        %dma_wait3A_1065 = tpu.memref_squeeze %dma_wait3A_1064 : memref<1x64x1024xf32, #tpu.memory_space<vmem>> -> memref<64x1024xf32, #tpu.memory_space<vmem>>
        %dma_wait3A_1066 = arith.constant 0 : i32
        %dma_wait3A_1067 = arith.constant 0 : i32
        %dma_wait3A_1068 = tpu.memref_slice %arg4[%dma_wait3A_1066, %dma_wait3A_1067] : memref<32768x1024xf32, #tpu.memory_space<hbm>> -> memref<64x1024xf32, #tpu.memory_space<hbm>>
        %dma_wait3A_1069 = arith.constant 0 : i32
        %dma_wait3A_1070 = arith.constant 0 : i32
        %dma_wait3A_1071 = tpu.memref_slice %arg4[%dma_wait3A_1069, %dma_wait3A_1070] : memref<32768x1024xf32, #tpu.memory_space<hbm>> -> memref<64x1024xf32, #tpu.memory_space<hbm>>
        %dma_wait3A_1072 = arith.constant 0 : i32
        %dma_wait3A_1073 = arith.constant 0 : i32
        %dma_wait3A_1074 = tpu.memref_slice %arg11[%dma_wait3A_1061, %dma_wait3A_1072, %dma_wait3A_1073] : memref<1x68x1024xf32, #tpu.memory_space<vmem>> -> memref<1x64x1024xf32, #tpu.memory_space<vmem>>
        %dma_wait3A_1075 = tpu.memref_squeeze %dma_wait3A_1074 : memref<1x64x1024xf32, #tpu.memory_space<vmem>> -> memref<64x1024xf32, #tpu.memory_space<vmem>>
        tpu.wait_dma2 semaphore(%arg15 : memref<!tpu.dma_semaphore, #tpu.memory_space<semaphore_mem>>) src(%dma_wait3A_1075 : memref<64x1024xf32, #tpu.memory_space<vmem>>) dst(%dma_wait3A_1071 : memref<64x1024xf32, #tpu.memory_space<hbm>>)
      } else {
      }
      %convert_element_type3A_812 = arith.extui %and3A_799 : i1 to i32
      %cond3A_813 = arith.constant 0 : i32
      %cond3A_814 = arith.cmpi ne, %convert_element_type3A_812, %cond3A_813 : i32
      scf.if %cond3A_814 {
        %dma_wait3A = arith.constant 0 : i32
        %dma_wait3A_1012 = arith.constant 0 : i32
        %dma_wait3A_1013 = arith.constant 0 : i32
        %dma_wait3A_1014 = tpu.memref_slice %arg11[%dma_wait3A, %dma_wait3A_1012, %dma_wait3A_1013] : memref<1x68x1024xf32, #tpu.memory_space<vmem>> -> memref<1x68x1024xf32, #tpu.memory_space<vmem>>
        %dma_wait3A_1015 = tpu.memref_squeeze %dma_wait3A_1014 : memref<1x68x1024xf32, #tpu.memory_space<vmem>> -> memref<68x1024xf32, #tpu.memory_space<vmem>>
        %dma_wait3A_1016 = arith.constant 0 : i32
        %dma_wait3A_1017 = tpu.memref_slice %arg7[%dma_wait3A_1016] : memref<80xi32, #tpu.memory_space<vmem>> -> memref<68xi32, #tpu.memory_space<vmem>>
        %dma_wait3A_1018 = arith.constant 0 : i32
        %dma_wait3A_1019 = arith.constant 0 : i32
        %dma_wait3A_1020 = tpu.memref_slice %arg3[%dma_wait3A_1018, %dma_wait3A_1019] : memref<8194x1024xf32, #tpu.memory_space<hbm>> -> memref<8194x1024xf32, #tpu.memory_space<hbm>>
        tpu.wait_indirect_dma semaphore(%arg13 : memref<!tpu.dma_semaphore, #tpu.memory_space<semaphore_mem>>) src(%dma_wait3A_1020 : memref<8194x1024xf32, #tpu.memory_space<hbm>>) dst(%dma_wait3A_1015 : memref<68x1024xf32, #tpu.memory_space<vmem>>)
        %gt3A_1021 = arith.constant 0 : i32
        %gt3A_1022 = arith.cmpi sgt, %sub3A_664, %gt3A_1021 : i32
        %convert_element_type3A_1023 = arith.extui %gt3A_1022 : i1 to i32
        %cond3A_1024 = arith.constant 0 : i32
        %cond3A_1025 = arith.cmpi ne, %convert_element_type3A_1023, %cond3A_1024 : i32
        scf.if %cond3A_1025 {
          %sub3A_1031 = arith.subi %add3A_805, %sub3A_664 : i32
          %add3A_1032 = arith.constant 0 : i32
          %add3A_1033 = arith.addi %sub3A_1031, %add3A_1032 : i32
          %add3A_1034 = vector.broadcast %add3A_1033 : i32 to vector<16xi32>
          %add3A_1035 = arith.addi %add3A_1034, %iota3A : vector<16xi32>
          %swap3A_1036 = arith.constant 0 : i32
          %swap3A_1037 = arith.index_cast %swap3A_1036 : i32 to index
          %swap3A_1038 = arith.constant 0 : index
          %swap3A_1039 = tpu.vector_load %arg8[%swap3A_1037, %swap3A_1038] {strides = array<i32>} : memref<1x68xi32, #tpu.memory_space<vmem>>, vector<16xi32>,
          tpu.vector_store %arg8[%swap3A_1037, %swap3A_1038], %add3A_1035 {strides = array<i32>} : memref<1x68xi32, #tpu.memory_space<vmem>>, vector<16xi32>,
          %add3A_1040 = arith.constant 16 : i32
          %add3A_1041 = arith.addi %sub3A_1031, %add3A_1040 : i32
          %add3A_1042 = vector.broadcast %add3A_1041 : i32 to vector<16xi32>
          %add3A_1043 = arith.addi %add3A_1042, %iota3A : vector<16xi32>
          %swap3A_1044 = arith.constant 0 : i32
          %swap3A_1045 = arith.index_cast %swap3A_1044 : i32 to index
          %swap3A_1046 = arith.constant 16 : index
          %swap3A_1047 = tpu.vector_load %arg8[%swap3A_1045, %swap3A_1046] {strides = array<i32>} : memref<1x68xi32, #tpu.memory_space<vmem>>, vector<16xi32>,
          tpu.vector_store %arg8[%swap3A_1045, %swap3A_1046], %add3A_1043 {strides = array<i32>} : memref<1x68xi32, #tpu.memory_space<vmem>>, vector<16xi32>,
          %add3A_1048 = arith.constant 32 : i32
          %add3A_1049 = arith.addi %sub3A_1031, %add3A_1048 : i32
          %add3A_1050 = vector.broadcast %add3A_1049 : i32 to vector<16xi32>
          %add3A_1051 = arith.addi %add3A_1050, %iota3A : vector<16xi32>
          %swap3A_1052 = arith.constant 0 : i32
          %swap3A_1053 = arith.index_cast %swap3A_1052 : i32 to index
          %swap3A_1054 = arith.constant 32 : index
          %swap3A_1055 = tpu.vector_load %arg8[%swap3A_1053, %swap3A_1054] {strides = array<i32>} : memref<1x68xi32, #tpu.memory_space<vmem>>, vector<16xi32>,
          tpu.vector_store %arg8[%swap3A_1053, %swap3A_1054], %add3A_1051 {strides = array<i32>} : memref<1x68xi32, #tpu.memory_space<vmem>>, vector<16xi32>,
          %add3A_1056 = arith.constant 48 : i32
          %add3A_1057 = arith.addi %sub3A_1031, %add3A_1056 : i32
          %add3A_1058 = vector.broadcast %add3A_1057 : i32 to vector<16xi32>
          %add3A_1059 = arith.addi %add3A_1058, %iota3A : vector<16xi32>
          %swap3A_1060 = arith.constant 0 : i32
          %swap3A_1061 = arith.index_cast %swap3A_1060 : i32 to index
          %swap3A_1062 = arith.constant 48 : index
          %swap3A_1063 = tpu.vector_load %arg8[%swap3A_1061, %swap3A_1062] {strides = array<i32>} : memref<1x68xi32, #tpu.memory_space<vmem>>, vector<16xi32>,
          tpu.vector_store %arg8[%swap3A_1061, %swap3A_1062], %add3A_1059 {strides = array<i32>} : memref<1x68xi32, #tpu.memory_space<vmem>>, vector<16xi32>,
          %add3A_1064 = arith.constant 68 : i32
          %add3A_1065 = arith.addi %sub3A_1031, %add3A_1064 : i32
          %sub3A_1066 = arith.constant 16 : i32
          %sub3A_1067 = arith.subi %add3A_1065, %sub3A_1066 : i32
          %add3A_1068 = vector.broadcast %sub3A_1067 : i32 to vector<16xi32>
          %add3A_1069 = arith.addi %add3A_1068, %iota3A : vector<16xi32>
          %swap3A_1070 = arith.constant 0 : i32
          %swap3A_1071 = arith.index_cast %swap3A_1070 : i32 to index
          %swap3A_1072 = arith.constant 52 : index
          %swap3A_1073 = tpu.vector_load %arg8[%swap3A_1071, %swap3A_1072] {strides = array<i32>} : memref<1x68xi32, #tpu.memory_space<vmem>>, vector<16xi32>,
          tpu.vector_store %arg8[%swap3A_1071, %swap3A_1072], %add3A_1069 {strides = array<i32>} : memref<1x68xi32, #tpu.memory_space<vmem>>, vector<16xi32>,
          %dma_start3A = arith.constant 0 : i32
          %dma_start3A_1074 = arith.constant 0 : i32
          %dma_start3A_1075 = arith.constant 0 : i32
          %dma_start3A_1076 = arith.constant 0 : i32
          %dma_start3A_1077 = tpu.memref_slice %arg11[%dma_start3A, %dma_start3A_1075, %dma_start3A_1076] : memref<1x68x1024xf32, #tpu.memory_space<vmem>> -> memref<1x68x1024xf32, #tpu.memory_space<vmem>>
          %dma_start3A_1078 = tpu.memref_squeeze %dma_start3A_1077 : memref<1x68x1024xf32, #tpu.memory_space<vmem>> -> memref<68x1024xf32, #tpu.memory_space<vmem>>
          %dma_start3A_1079 = arith.constant 0 : i32
          %dma_start3A_1080 = tpu.memref_slice %arg8[%dma_start3A_1074, %dma_start3A_1079] : memref<1x68xi32, #tpu.memory_space<vmem>> -> memref<1x68xi32, #tpu.memory_space<vmem>>
          %dma_start3A_1081 = tpu.memref_squeeze %dma_start3A_1080 : memref<1x68xi32, #tpu.memory_space<vmem>> -> memref<68xi32, #tpu.memory_space<vmem>>
          %dma_start3A_1082 = arith.constant 0 : i32
          %dma_start3A_1083 = arith.constant 0 : i32
          %dma_start3A_1084 = tpu.memref_slice %arg4[%dma_start3A_1082, %dma_start3A_1083] : memref<32768x1024xf32, #tpu.memory_space<hbm>> -> memref<32768x1024xf32, #tpu.memory_space<hbm>>
          tpu.enqueue_indirect_dma source(%dma_start3A_1078 : memref<68x1024xf32, #tpu.memory_space<vmem>>) target(%dma_start3A_1084 : memref<32768x1024xf32, #tpu.memory_space<hbm>>) offsets(%dma_start3A_1081 : memref<68xi32, #tpu.memory_space<vmem>>) semaphore(%arg14 : memref<!tpu.dma_semaphore, #tpu.memory_space<semaphore_mem>>)
          %dma_start3A_1085 = arith.constant 0 : i32
          %dma_start3A_1086 = arith.constant 0 : i32
          %dma_start3A_1087 = arith.constant 0 : i32
          %dma_start3A_1088 = tpu.memref_slice %arg11[%dma_start3A_1085, %dma_start3A_1086, %dma_start3A_1087] : memref<1x68x1024xf32, #tpu.memory_space<vmem>> -> memref<1x64x1024xf32, #tpu.memory_space<vmem>>
          %dma_start3A_1089 = tpu.memref_squeeze %dma_start3A_1088 : memref<1x64x1024xf32, #tpu.memory_space<vmem>> -> memref<64x1024xf32, #tpu.memory_space<vmem>>
          %dma_start3A_1090 = arith.constant 0 : i32
          %dma_start3A_1091 = tpu.memref_slice %arg4[%add3A_808, %dma_start3A_1090] : memref<32768x1024xf32, #tpu.memory_space<hbm>> -> memref<64x1024xf32, #tpu.memory_space<hbm>>
          %dma_start3A_1092 = arith.constant 0 : i32
          %dma_start3A_1093 = tpu.memref_slice %arg4[%add3A_808, %dma_start3A_1092] : memref<32768x1024xf32, #tpu.memory_space<hbm>> -> memref<64x1024xf32, #tpu.memory_space<hbm>>
          %dma_start3A_1094 = arith.constant 0 : i32
          %dma_start3A_1095 = arith.constant 0 : i32
          %dma_start3A_1096 = tpu.memref_slice %arg11[%dma_start3A_1085, %dma_start3A_1094, %dma_start3A_1095] : memref<1x68x1024xf32, #tpu.memory_space<vmem>> -> memref<1x64x1024xf32, #tpu.memory_space<vmem>>
          %dma_start3A_1097 = tpu.memref_squeeze %dma_start3A_1096 : memref<1x64x1024xf32, #tpu.memory_space<vmem>> -> memref<64x1024xf32, #tpu.memory_space<vmem>>
          tpu.enqueue_dma source(%dma_start3A_1097 : memref<64x1024xf32, #tpu.memory_space<vmem>>) target(%dma_start3A_1093 : memref<64x1024xf32, #tpu.memory_space<hbm>>) target_semaphore(%arg15 : memref<!tpu.dma_semaphore, #tpu.memory_space<semaphore_mem>>)
          %dma_wait3A_1098 = arith.constant 0 : i32
          %dma_wait3A_1099 = arith.constant 0 : i32
          %dma_wait3A_1100 = arith.constant 0 : i32
          %dma_wait3A_1101 = arith.constant 0 : i32
          %dma_wait3A_1102 = tpu.memref_slice %arg11[%dma_wait3A_1098, %dma_wait3A_1100, %dma_wait3A_1101] : memref<1x68x1024xf32, #tpu.memory_space<vmem>> -> memref<1x68x1024xf32, #tpu.memory_space<vmem>>
          %dma_wait3A_1103 = tpu.memref_squeeze %dma_wait3A_1102 : memref<1x68x1024xf32, #tpu.memory_space<vmem>> -> memref<68x1024xf32, #tpu.memory_space<vmem>>
          %dma_wait3A_1104 = arith.constant 0 : i32
          %dma_wait3A_1105 = tpu.memref_slice %arg8[%dma_wait3A_1099, %dma_wait3A_1104] : memref<1x68xi32, #tpu.memory_space<vmem>> -> memref<1x68xi32, #tpu.memory_space<vmem>>
          %dma_wait3A_1106 = tpu.memref_squeeze %dma_wait3A_1105 : memref<1x68xi32, #tpu.memory_space<vmem>> -> memref<68xi32, #tpu.memory_space<vmem>>
          %dma_wait3A_1107 = arith.constant 0 : i32
          %dma_wait3A_1108 = arith.constant 0 : i32
          %dma_wait3A_1109 = tpu.memref_slice %arg4[%dma_wait3A_1107, %dma_wait3A_1108] : memref<32768x1024xf32, #tpu.memory_space<hbm>> -> memref<32768x1024xf32, #tpu.memory_space<hbm>>
          tpu.wait_indirect_dma semaphore(%arg14 : memref<!tpu.dma_semaphore, #tpu.memory_space<semaphore_mem>>) src(%dma_wait3A_1103 : memref<68x1024xf32, #tpu.memory_space<vmem>>) dst(%dma_wait3A_1109 : memref<32768x1024xf32, #tpu.memory_space<hbm>>)
          %dma_wait3A_1110 = arith.constant 0 : i32
          %dma_wait3A_1111 = arith.constant 0 : i32
          %dma_wait3A_1112 = arith.constant 0 : i32
          %dma_wait3A_1113 = tpu.memref_slice %arg11[%dma_wait3A_1110, %dma_wait3A_1111, %dma_wait3A_1112] : memref<1x68x1024xf32, #tpu.memory_space<vmem>> -> memref<1x64x1024xf32, #tpu.memory_space<vmem>>
          %dma_wait3A_1114 = tpu.memref_squeeze %dma_wait3A_1113 : memref<1x64x1024xf32, #tpu.memory_space<vmem>> -> memref<64x1024xf32, #tpu.memory_space<vmem>>
          %dma_wait3A_1115 = arith.constant 0 : i32
          %dma_wait3A_1116 = arith.constant 0 : i32
          %dma_wait3A_1117 = tpu.memref_slice %arg4[%dma_wait3A_1115, %dma_wait3A_1116] : memref<32768x1024xf32, #tpu.memory_space<hbm>> -> memref<64x1024xf32, #tpu.memory_space<hbm>>
          %dma_wait3A_1118 = arith.constant 0 : i32
          %dma_wait3A_1119 = arith.constant 0 : i32
          %dma_wait3A_1120 = tpu.memref_slice %arg4[%dma_wait3A_1118, %dma_wait3A_1119] : memref<32768x1024xf32, #tpu.memory_space<hbm>> -> memref<64x1024xf32, #tpu.memory_space<hbm>>
          %dma_wait3A_1121 = arith.constant 0 : i32
          %dma_wait3A_1122 = arith.constant 0 : i32
          %dma_wait3A_1123 = tpu.memref_slice %arg11[%dma_wait3A_1110, %dma_wait3A_1121, %dma_wait3A_1122] : memref<1x68x1024xf32, #tpu.memory_space<vmem>> -> memref<1x64x1024xf32, #tpu.memory_space<vmem>>
          %dma_wait3A_1124 = tpu.memref_squeeze %dma_wait3A_1123 : memref<1x64x1024xf32, #tpu.memory_space<vmem>> -> memref<64x1024xf32, #tpu.memory_space<vmem>>
          tpu.wait_dma2 semaphore(%arg15 : memref<!tpu.dma_semaphore, #tpu.memory_space<semaphore_mem>>) src(%dma_wait3A_1124 : memref<64x1024xf32, #tpu.memory_space<vmem>>) dst(%dma_wait3A_1120 : memref<64x1024xf32, #tpu.memory_space<hbm>>)
        } else {
        }
        %eq3A_1026 = arith.constant 0 : i32
        %eq3A_1027 = arith.cmpi eq, %sub3A_664, %eq3A_1026 : i32
        %convert_element_type3A_1028 = arith.extui %eq3A_1027 : i1 to i32
        %cond3A_1029 = arith.constant 0 : i32
        %cond3A_1030 = arith.cmpi ne, %convert_element_type3A_1028, %cond3A_1029 : i32
        scf.if %cond3A_1030 {
          %dma_start3A = arith.constant 0 : i32
          %dma_start3A_1031 = arith.constant 0 : i32
          %dma_start3A_1032 = arith.constant 0 : i32
          %dma_start3A_1033 = tpu.memref_slice %arg11[%dma_start3A, %dma_start3A_1031, %dma_start3A_1032] : memref<1x68x1024xf32, #tpu.memory_space<vmem>> -> memref<1x64x1024xf32, #tpu.memory_space<vmem>>
          %dma_start3A_1034 = tpu.memref_squeeze %dma_start3A_1033 : memref<1x64x1024xf32, #tpu.memory_space<vmem>> -> memref<64x1024xf32, #tpu.memory_space<vmem>>
          %dma_start3A_1035 = arith.constant 0 : i32
          %dma_start3A_1036 = tpu.memref_slice %arg4[%add3A_805, %dma_start3A_1035] : memref<32768x1024xf32, #tpu.memory_space<hbm>> -> memref<64x1024xf32, #tpu.memory_space<hbm>>
          %dma_start3A_1037 = arith.constant 0 : i32
          %dma_start3A_1038 = tpu.memref_slice %arg4[%add3A_805, %dma_start3A_1037] : memref<32768x1024xf32, #tpu.memory_space<hbm>> -> memref<64x1024xf32, #tpu.memory_space<hbm>>
          %dma_start3A_1039 = arith.constant 0 : i32
          %dma_start3A_1040 = arith.constant 0 : i32
          %dma_start3A_1041 = tpu.memref_slice %arg11[%dma_start3A, %dma_start3A_1039, %dma_start3A_1040] : memref<1x68x1024xf32, #tpu.memory_space<vmem>> -> memref<1x64x1024xf32, #tpu.memory_space<vmem>>
          %dma_start3A_1042 = tpu.memref_squeeze %dma_start3A_1041 : memref<1x64x1024xf32, #tpu.memory_space<vmem>> -> memref<64x1024xf32, #tpu.memory_space<vmem>>
          tpu.enqueue_dma source(%dma_start3A_1042 : memref<64x1024xf32, #tpu.memory_space<vmem>>) target(%dma_start3A_1038 : memref<64x1024xf32, #tpu.memory_space<hbm>>) target_semaphore(%arg14 : memref<!tpu.dma_semaphore, #tpu.memory_space<semaphore_mem>>)
          %sub3A_1043 = arith.subi %add3A_808, %sub3A_665 : i32
          %add3A_1044 = arith.constant 0 : i32
          %add3A_1045 = arith.addi %sub3A_1043, %add3A_1044 : i32
          %add3A_1046 = vector.broadcast %add3A_1045 : i32 to vector<16xi32>
          %add3A_1047 = arith.addi %add3A_1046, %iota3A : vector<16xi32>
          %swap3A_1048 = arith.constant 0 : i32
          %swap3A_1049 = arith.index_cast %swap3A_1048 : i32 to index
          %swap3A_1050 = arith.constant 0 : index
          %swap3A_1051 = tpu.vector_load %arg8[%swap3A_1049, %swap3A_1050] {strides = array<i32>} : memref<1x68xi32, #tpu.memory_space<vmem>>, vector<16xi32>,
          tpu.vector_store %arg8[%swap3A_1049, %swap3A_1050], %add3A_1047 {strides = array<i32>} : memref<1x68xi32, #tpu.memory_space<vmem>>, vector<16xi32>,
          %add3A_1052 = arith.constant 16 : i32
          %add3A_1053 = arith.addi %sub3A_1043, %add3A_1052 : i32
          %add3A_1054 = vector.broadcast %add3A_1053 : i32 to vector<16xi32>
          %add3A_1055 = arith.addi %add3A_1054, %iota3A : vector<16xi32>
          %swap3A_1056 = arith.constant 0 : i32
          %swap3A_1057 = arith.index_cast %swap3A_1056 : i32 to index
          %swap3A_1058 = arith.constant 16 : index
          %swap3A_1059 = tpu.vector_load %arg8[%swap3A_1057, %swap3A_1058] {strides = array<i32>} : memref<1x68xi32, #tpu.memory_space<vmem>>, vector<16xi32>,
          tpu.vector_store %arg8[%swap3A_1057, %swap3A_1058], %add3A_1055 {strides = array<i32>} : memref<1x68xi32, #tpu.memory_space<vmem>>, vector<16xi32>,
          %add3A_1060 = arith.constant 32 : i32
          %add3A_1061 = arith.addi %sub3A_1043, %add3A_1060 : i32
          %add3A_1062 = vector.broadcast %add3A_1061 : i32 to vector<16xi32>
          %add3A_1063 = arith.addi %add3A_1062, %iota3A : vector<16xi32>
          %swap3A_1064 = arith.constant 0 : i32
          %swap3A_1065 = arith.index_cast %swap3A_1064 : i32 to index
          %swap3A_1066 = arith.constant 32 : index
          %swap3A_1067 = tpu.vector_load %arg8[%swap3A_1065, %swap3A_1066] {strides = array<i32>} : memref<1x68xi32, #tpu.memory_space<vmem>>, vector<16xi32>,
          tpu.vector_store %arg8[%swap3A_1065, %swap3A_1066], %add3A_1063 {strides = array<i32>} : memref<1x68xi32, #tpu.memory_space<vmem>>, vector<16xi32>,
          %add3A_1068 = arith.constant 48 : i32
          %add3A_1069 = arith.addi %sub3A_1043, %add3A_1068 : i32
          %add3A_1070 = vector.broadcast %add3A_1069 : i32 to vector<16xi32>
          %add3A_1071 = arith.addi %add3A_1070, %iota3A : vector<16xi32>
          %swap3A_1072 = arith.constant 0 : i32
          %swap3A_1073 = arith.index_cast %swap3A_1072 : i32 to index
          %swap3A_1074 = arith.constant 48 : index
          %swap3A_1075 = tpu.vector_load %arg8[%swap3A_1073, %swap3A_1074] {strides = array<i32>} : memref<1x68xi32, #tpu.memory_space<vmem>>, vector<16xi32>,
          tpu.vector_store %arg8[%swap3A_1073, %swap3A_1074], %add3A_1071 {strides = array<i32>} : memref<1x68xi32, #tpu.memory_space<vmem>>, vector<16xi32>,
          %add3A_1076 = arith.constant 68 : i32
          %add3A_1077 = arith.addi %sub3A_1043, %add3A_1076 : i32
          %sub3A_1078 = arith.constant 16 : i32
          %sub3A_1079 = arith.subi %add3A_1077, %sub3A_1078 : i32
          %add3A_1080 = vector.broadcast %sub3A_1079 : i32 to vector<16xi32>
          %add3A_1081 = arith.addi %add3A_1080, %iota3A : vector<16xi32>
          %swap3A_1082 = arith.constant 0 : i32
          %swap3A_1083 = arith.index_cast %swap3A_1082 : i32 to index
          %swap3A_1084 = arith.constant 52 : index
          %swap3A_1085 = tpu.vector_load %arg8[%swap3A_1083, %swap3A_1084] {strides = array<i32>} : memref<1x68xi32, #tpu.memory_space<vmem>>, vector<16xi32>,
          tpu.vector_store %arg8[%swap3A_1083, %swap3A_1084], %add3A_1081 {strides = array<i32>} : memref<1x68xi32, #tpu.memory_space<vmem>>, vector<16xi32>,
          %dma_start3A_1086 = arith.constant 0 : i32
          %dma_start3A_1087 = arith.constant 0 : i32
          %dma_start3A_1088 = arith.constant 0 : i32
          %dma_start3A_1089 = arith.constant 0 : i32
          %dma_start3A_1090 = tpu.memref_slice %arg11[%dma_start3A_1086, %dma_start3A_1088, %dma_start3A_1089] : memref<1x68x1024xf32, #tpu.memory_space<vmem>> -> memref<1x68x1024xf32, #tpu.memory_space<vmem>>
          %dma_start3A_1091 = tpu.memref_squeeze %dma_start3A_1090 : memref<1x68x1024xf32, #tpu.memory_space<vmem>> -> memref<68x1024xf32, #tpu.memory_space<vmem>>
          %dma_start3A_1092 = arith.constant 0 : i32
          %dma_start3A_1093 = tpu.memref_slice %arg8[%dma_start3A_1087, %dma_start3A_1092] : memref<1x68xi32, #tpu.memory_space<vmem>> -> memref<1x68xi32, #tpu.memory_space<vmem>>
          %dma_start3A_1094 = tpu.memref_squeeze %dma_start3A_1093 : memref<1x68xi32, #tpu.memory_space<vmem>> -> memref<68xi32, #tpu.memory_space<vmem>>
          %dma_start3A_1095 = arith.constant 0 : i32
          %dma_start3A_1096 = arith.constant 0 : i32
          %dma_start3A_1097 = tpu.memref_slice %arg4[%dma_start3A_1095, %dma_start3A_1096] : memref<32768x1024xf32, #tpu.memory_space<hbm>> -> memref<32768x1024xf32, #tpu.memory_space<hbm>>
          tpu.enqueue_indirect_dma source(%dma_start3A_1091 : memref<68x1024xf32, #tpu.memory_space<vmem>>) target(%dma_start3A_1097 : memref<32768x1024xf32, #tpu.memory_space<hbm>>) offsets(%dma_start3A_1094 : memref<68xi32, #tpu.memory_space<vmem>>) semaphore(%arg15 : memref<!tpu.dma_semaphore, #tpu.memory_space<semaphore_mem>>)
          %dma_wait3A_1098 = arith.constant 0 : i32
          %dma_wait3A_1099 = arith.constant 0 : i32
          %dma_wait3A_1100 = arith.constant 0 : i32
          %dma_wait3A_1101 = tpu.memref_slice %arg11[%dma_wait3A_1098, %dma_wait3A_1099, %dma_wait3A_1100] : memref<1x68x1024xf32, #tpu.memory_space<vmem>> -> memref<1x64x1024xf32, #tpu.memory_space<vmem>>
          %dma_wait3A_1102 = tpu.memref_squeeze %dma_wait3A_1101 : memref<1x64x1024xf32, #tpu.memory_space<vmem>> -> memref<64x1024xf32, #tpu.memory_space<vmem>>
          %dma_wait3A_1103 = arith.constant 0 : i32
          %dma_wait3A_1104 = arith.constant 0 : i32
          %dma_wait3A_1105 = tpu.memref_slice %arg4[%dma_wait3A_1103, %dma_wait3A_1104] : memref<32768x1024xf32, #tpu.memory_space<hbm>> -> memref<64x1024xf32, #tpu.memory_space<hbm>>
          %dma_wait3A_1106 = arith.constant 0 : i32
          %dma_wait3A_1107 = arith.constant 0 : i32
          %dma_wait3A_1108 = tpu.memref_slice %arg4[%dma_wait3A_1106, %dma_wait3A_1107] : memref<32768x1024xf32, #tpu.memory_space<hbm>> -> memref<64x1024xf32, #tpu.memory_space<hbm>>
          %dma_wait3A_1109 = arith.constant 0 : i32
          %dma_wait3A_1110 = arith.constant 0 : i32
          %dma_wait3A_1111 = tpu.memref_slice %arg11[%dma_wait3A_1098, %dma_wait3A_1109, %dma_wait3A_1110] : memref<1x68x1024xf32, #tpu.memory_space<vmem>> -> memref<1x64x1024xf32, #tpu.memory_space<vmem>>
          %dma_wait3A_1112 = tpu.memref_squeeze %dma_wait3A_1111 : memref<1x64x1024xf32, #tpu.memory_space<vmem>> -> memref<64x1024xf32, #tpu.memory_space<vmem>>
          tpu.wait_dma2 semaphore(%arg14 : memref<!tpu.dma_semaphore, #tpu.memory_space<semaphore_mem>>) src(%dma_wait3A_1112 : memref<64x1024xf32, #tpu.memory_space<vmem>>) dst(%dma_wait3A_1108 : memref<64x1024xf32, #tpu.memory_space<hbm>>)
          %dma_wait3A_1113 = arith.constant 0 : i32
          %dma_wait3A_1114 = arith.constant 0 : i32
          %dma_wait3A_1115 = arith.constant 0 : i32
          %dma_wait3A_1116 = arith.constant 0 : i32
          %dma_wait3A_1117 = tpu.memref_slice %arg11[%dma_wait3A_1113, %dma_wait3A_1115, %dma_wait3A_1116] : memref<1x68x1024xf32, #tpu.memory_space<vmem>> -> memref<1x68x1024xf32, #tpu.memory_space<vmem>>
          %dma_wait3A_1118 = tpu.memref_squeeze %dma_wait3A_1117 : memref<1x68x1024xf32, #tpu.memory_space<vmem>> -> memref<68x1024xf32, #tpu.memory_space<vmem>>
          %dma_wait3A_1119 = arith.constant 0 : i32
          %dma_wait3A_1120 = tpu.memref_slice %arg8[%dma_wait3A_1114, %dma_wait3A_1119] : memref<1x68xi32, #tpu.memory_space<vmem>> -> memref<1x68xi32, #tpu.memory_space<vmem>>
          %dma_wait3A_1121 = tpu.memref_squeeze %dma_wait3A_1120 : memref<1x68xi32, #tpu.memory_space<vmem>> -> memref<68xi32, #tpu.memory_space<vmem>>
          %dma_wait3A_1122 = arith.constant 0 : i32
          %dma_wait3A_1123 = arith.constant 0 : i32
          %dma_wait3A_1124 = tpu.memref_slice %arg4[%dma_wait3A_1122, %dma_wait3A_1123] : memref<32768x1024xf32, #tpu.memory_space<hbm>> -> memref<32768x1024xf32, #tpu.memory_space<hbm>>
          tpu.wait_indirect_dma semaphore(%arg15 : memref<!tpu.dma_semaphore, #tpu.memory_space<semaphore_mem>>) src(%dma_wait3A_1118 : memref<68x1024xf32, #tpu.memory_space<vmem>>) dst(%dma_wait3A_1124 : memref<32768x1024xf32, #tpu.memory_space<hbm>>)
        } else {
        }
      } else {
      }
      %convert_element_type3A_815 = arith.extui %not3A_802 : i1 to i32
      %cond3A_816 = arith.constant 0 : i32
      %cond3A_817 = arith.cmpi ne, %convert_element_type3A_815, %cond3A_816 : i32
      scf.if %cond3A_817 {
        %mul3A_1012 = arith.constant 64 : i32
        %mul3A_1013 = arith.muli %add3A_617, %mul3A_1012 : i32
        %dma_start3A = arith.constant 0 : i32
        %dma_start3A_1014 = arith.constant 0 : i32
        %dma_start3A_1015 = arith.constant 0 : i32
        %dma_start3A_1016 = tpu.memref_slice %arg11[%dma_start3A, %dma_start3A_1014, %dma_start3A_1015] : memref<1x68x1024xf32, #tpu.memory_space<vmem>> -> memref<1x64x1024xf32, #tpu.memory_space<vmem>>
        %dma_start3A_1017 = tpu.memref_squeeze %dma_start3A_1016 : memref<1x64x1024xf32, #tpu.memory_space<vmem>> -> memref<64x1024xf32, #tpu.memory_space<vmem>>
        %dma_start3A_1018 = tpu.memref_slice %arg5[%mul3A_1013] : memref<512xi32, #tpu.memory_space<vmem>> -> memref<64xi32, #tpu.memory_space<vmem>>
        %dma_start3A_1019 = arith.constant 0 : i32
        %dma_start3A_1020 = arith.constant 0 : i32
        %dma_start3A_1021 = tpu.memref_slice %arg3[%dma_start3A_1019, %dma_start3A_1020] : memref<8194x1024xf32, #tpu.memory_space<hbm>> -> memref<8194x1024xf32, #tpu.memory_space<hbm>>
        tpu.enqueue_indirect_dma source(%dma_start3A_1021 : memref<8194x1024xf32, #tpu.memory_space<hbm>>) target(%dma_start3A_1017 : memref<64x1024xf32, #tpu.memory_space<vmem>>) offsets(%dma_start3A_1018 : memref<64xi32, #tpu.memory_space<vmem>>) semaphore(%arg13 : memref<!tpu.dma_semaphore, #tpu.memory_space<semaphore_mem>>)
        %dma_wait3A = arith.constant 0 : i32
        %dma_wait3A_1022 = arith.constant 0 : i32
        %dma_wait3A_1023 = arith.constant 0 : i32
        %dma_wait3A_1024 = tpu.memref_slice %arg11[%dma_wait3A, %dma_wait3A_1022, %dma_wait3A_1023] : memref<1x68x1024xf32, #tpu.memory_space<vmem>> -> memref<1x64x1024xf32, #tpu.memory_space<vmem>>
        %dma_wait3A_1025 = tpu.memref_squeeze %dma_wait3A_1024 : memref<1x64x1024xf32, #tpu.memory_space<vmem>> -> memref<64x1024xf32, #tpu.memory_space<vmem>>
        %dma_wait3A_1026 = arith.constant 0 : i32
        %dma_wait3A_1027 = tpu.memref_slice %arg5[%dma_wait3A_1026] : memref<512xi32, #tpu.memory_space<vmem>> -> memref<64xi32, #tpu.memory_space<vmem>>
        %dma_wait3A_1028 = arith.constant 0 : i32
        %dma_wait3A_1029 = arith.constant 0 : i32
        %dma_wait3A_1030 = tpu.memref_slice %arg3[%dma_wait3A_1028, %dma_wait3A_1029] : memref<8194x1024xf32, #tpu.memory_space<hbm>> -> memref<8194x1024xf32, #tpu.memory_space<hbm>>
        tpu.wait_indirect_dma semaphore(%arg13 : memref<!tpu.dma_semaphore, #tpu.memory_space<semaphore_mem>>) src(%dma_wait3A_1030 : memref<8194x1024xf32, #tpu.memory_space<hbm>>) dst(%dma_wait3A_1025 : memref<64x1024xf32, #tpu.memory_space<vmem>>)
        %dma_start3A_1031 = arith.constant 0 : i32
        %dma_start3A_1032 = arith.constant 0 : i32
        %dma_start3A_1033 = arith.constant 0 : i32
        %dma_start3A_1034 = tpu.memref_slice %arg11[%dma_start3A_1031, %dma_start3A_1032, %dma_start3A_1033] : memref<1x68x1024xf32, #tpu.memory_space<vmem>> -> memref<1x64x1024xf32, #tpu.memory_space<vmem>>
        %dma_start3A_1035 = tpu.memref_squeeze %dma_start3A_1034 : memref<1x64x1024xf32, #tpu.memory_space<vmem>> -> memref<64x1024xf32, #tpu.memory_space<vmem>>
        %dma_start3A_1036 = arith.constant 0 : i32
        %dma_start3A_1037 = tpu.memref_slice %arg4[%add3A_805, %dma_start3A_1036] : memref<32768x1024xf32, #tpu.memory_space<hbm>> -> memref<64x1024xf32, #tpu.memory_space<hbm>>
        %dma_start3A_1038 = arith.constant 0 : i32
        %dma_start3A_1039 = tpu.memref_slice %arg4[%add3A_805, %dma_start3A_1038] : memref<32768x1024xf32, #tpu.memory_space<hbm>> -> memref<64x1024xf32, #tpu.memory_space<hbm>>
        %dma_start3A_1040 = arith.constant 0 : i32
        %dma_start3A_1041 = arith.constant 0 : i32
        %dma_start3A_1042 = tpu.memref_slice %arg11[%dma_start3A_1031, %dma_start3A_1040, %dma_start3A_1041] : memref<1x68x1024xf32, #tpu.memory_space<vmem>> -> memref<1x64x1024xf32, #tpu.memory_space<vmem>>
        %dma_start3A_1043 = tpu.memref_squeeze %dma_start3A_1042 : memref<1x64x1024xf32, #tpu.memory_space<vmem>> -> memref<64x1024xf32, #tpu.memory_space<vmem>>
        tpu.enqueue_dma source(%dma_start3A_1043 : memref<64x1024xf32, #tpu.memory_space<vmem>>) target(%dma_start3A_1039 : memref<64x1024xf32, #tpu.memory_space<hbm>>) target_semaphore(%arg14 : memref<!tpu.dma_semaphore, #tpu.memory_space<semaphore_mem>>)
        %dma_wait3A_1044 = arith.constant 0 : i32
        %dma_wait3A_1045 = arith.constant 0 : i32
        %dma_wait3A_1046 = arith.constant 0 : i32
        %dma_wait3A_1047 = tpu.memref_slice %arg11[%dma_wait3A_1044, %dma_wait3A_1045, %dma_wait3A_1046] : memref<1x68x1024xf32, #tpu.memory_space<vmem>> -> memref<1x64x1024xf32, #tpu.memory_space<vmem>>
        %dma_wait3A_1048 = tpu.memref_squeeze %dma_wait3A_1047 : memref<1x64x1024xf32, #tpu.memory_space<vmem>> -> memref<64x1024xf32, #tpu.memory_space<vmem>>
        %dma_wait3A_1049 = arith.constant 0 : i32
        %dma_wait3A_1050 = arith.constant 0 : i32
        %dma_wait3A_1051 = tpu.memref_slice %arg4[%dma_wait3A_1049, %dma_wait3A_1050] : memref<32768x1024xf32, #tpu.memory_space<hbm>> -> memref<64x1024xf32, #tpu.memory_space<hbm>>
        %dma_wait3A_1052 = arith.constant 0 : i32
        %dma_wait3A_1053 = arith.constant 0 : i32
        %dma_wait3A_1054 = tpu.memref_slice %arg4[%dma_wait3A_1052, %dma_wait3A_1053] : memref<32768x1024xf32, #tpu.memory_space<hbm>> -> memref<64x1024xf32, #tpu.memory_space<hbm>>
        %dma_wait3A_1055 = arith.constant 0 : i32
        %dma_wait3A_1056 = arith.constant 0 : i32
        %dma_wait3A_1057 = tpu.memref_slice %arg11[%dma_wait3A_1044, %dma_wait3A_1055, %dma_wait3A_1056] : memref<1x68x1024xf32, #tpu.memory_space<vmem>> -> memref<1x64x1024xf32, #tpu.memory_space<vmem>>
        %dma_wait3A_1058 = tpu.memref_squeeze %dma_wait3A_1057 : memref<1x64x1024xf32, #tpu.memory_space<vmem>> -> memref<64x1024xf32, #tpu.memory_space<vmem>>
        tpu.wait_dma2 semaphore(%arg14 : memref<!tpu.dma_semaphore, #tpu.memory_space<semaphore_mem>>) src(%dma_wait3A_1058 : memref<64x1024xf32, #tpu.memory_space<vmem>>) dst(%dma_wait3A_1054 : memref<64x1024xf32, #tpu.memory_space<hbm>>)
        %mul3A_1059 = arith.constant 64 : i32
        %mul3A_1060 = arith.muli %add3A_617, %mul3A_1059 : i32
        %dma_start3A_1061 = arith.constant 0 : i32
        %dma_start3A_1062 = arith.constant 0 : i32
        %dma_start3A_1063 = arith.constant 0 : i32
        %dma_start3A_1064 = tpu.memref_slice %arg11[%dma_start3A_1061, %dma_start3A_1062, %dma_start3A_1063] : memref<1x68x1024xf32, #tpu.memory_space<vmem>> -> memref<1x64x1024xf32, #tpu.memory_space<vmem>>
        %dma_start3A_1065 = tpu.memref_squeeze %dma_start3A_1064 : memref<1x64x1024xf32, #tpu.memory_space<vmem>> -> memref<64x1024xf32, #tpu.memory_space<vmem>>
        %dma_start3A_1066 = tpu.memref_slice %arg6[%mul3A_1060] : memref<512xi32, #tpu.memory_space<vmem>> -> memref<64xi32, #tpu.memory_space<vmem>>
        %dma_start3A_1067 = arith.constant 0 : i32
        %dma_start3A_1068 = arith.constant 0 : i32
        %dma_start3A_1069 = tpu.memref_slice %arg3[%dma_start3A_1067, %dma_start3A_1068] : memref<8194x1024xf32, #tpu.memory_space<hbm>> -> memref<8194x1024xf32, #tpu.memory_space<hbm>>
        tpu.enqueue_indirect_dma source(%dma_start3A_1069 : memref<8194x1024xf32, #tpu.memory_space<hbm>>) target(%dma_start3A_1065 : memref<64x1024xf32, #tpu.memory_space<vmem>>) offsets(%dma_start3A_1066 : memref<64xi32, #tpu.memory_space<vmem>>) semaphore(%arg13 : memref<!tpu.dma_semaphore, #tpu.memory_space<semaphore_mem>>)
        %dma_wait3A_1070 = arith.constant 0 : i32
        %dma_wait3A_1071 = arith.constant 0 : i32
        %dma_wait3A_1072 = arith.constant 0 : i32
        %dma_wait3A_1073 = tpu.memref_slice %arg11[%dma_wait3A_1070, %dma_wait3A_1071, %dma_wait3A_1072] : memref<1x68x1024xf32, #tpu.memory_space<vmem>> -> memref<1x64x1024xf32, #tpu.memory_space<vmem>>
        %dma_wait3A_1074 = tpu.memref_squeeze %dma_wait3A_1073 : memref<1x64x1024xf32, #tpu.memory_space<vmem>> -> memref<64x1024xf32, #tpu.memory_space<vmem>>
        %dma_wait3A_1075 = arith.constant 0 : i32
        %dma_wait3A_1076 = tpu.memref_slice %arg5[%dma_wait3A_1075] : memref<512xi32, #tpu.memory_space<vmem>> -> memref<64xi32, #tpu.memory_space<vmem>>
        %dma_wait3A_1077 = arith.constant 0 : i32
        %dma_wait3A_1078 = arith.constant 0 : i32
        %dma_wait3A_1079 = tpu.memref_slice %arg3[%dma_wait3A_1077, %dma_wait3A_1078] : memref<8194x1024xf32, #tpu.memory_space<hbm>> -> memref<8194x1024xf32, #tpu.memory_space<hbm>>
        tpu.wait_indirect_dma semaphore(%arg13 : memref<!tpu.dma_semaphore, #tpu.memory_space<semaphore_mem>>) src(%dma_wait3A_1079 : memref<8194x1024xf32, #tpu.memory_space<hbm>>) dst(%dma_wait3A_1074 : memref<64x1024xf32, #tpu.memory_space<vmem>>)
        %dma_start3A_1080 = arith.constant 0 : i32
        %dma_start3A_1081 = arith.constant 0 : i32
        %dma_start3A_1082 = arith.constant 0 : i32
        %dma_start3A_1083 = tpu.memref_slice %arg11[%dma_start3A_1080, %dma_start3A_1081, %dma_start3A_1082] : memref<1x68x1024xf32, #tpu.memory_space<vmem>> -> memref<1x64x1024xf32, #tpu.memory_space<vmem>>
        %dma_start3A_1084 = tpu.memref_squeeze %dma_start3A_1083 : memref<1x64x1024xf32, #tpu.memory_space<vmem>> -> memref<64x1024xf32, #tpu.memory_space<vmem>>
        %dma_start3A_1085 = arith.constant 0 : i32
        %dma_start3A_1086 = tpu.memref_slice %arg4[%add3A_808, %dma_start3A_1085] : memref<32768x1024xf32, #tpu.memory_space<hbm>> -> memref<64x1024xf32, #tpu.memory_space<hbm>>
        %dma_start3A_1087 = arith.constant 0 : i32
        %dma_start3A_1088 = tpu.memref_slice %arg4[%add3A_808, %dma_start3A_1087] : memref<32768x1024xf32, #tpu.memory_space<hbm>> -> memref<64x1024xf32, #tpu.memory_space<hbm>>
        %dma_start3A_1089 = arith.constant 0 : i32
        %dma_start3A_1090 = arith.constant 0 : i32
        %dma_start3A_1091 = tpu.memref_slice %arg11[%dma_start3A_1080, %dma_start3A_1089, %dma_start3A_1090] : memref<1x68x1024xf32, #tpu.memory_space<vmem>> -> memref<1x64x1024xf32, #tpu.memory_space<vmem>>
        %dma_start3A_1092 = tpu.memref_squeeze %dma_start3A_1091 : memref<1x64x1024xf32, #tpu.memory_space<vmem>> -> memref<64x1024xf32, #tpu.memory_space<vmem>>
        tpu.enqueue_dma source(%dma_start3A_1092 : memref<64x1024xf32, #tpu.memory_space<vmem>>) target(%dma_start3A_1088 : memref<64x1024xf32, #tpu.memory_space<hbm>>) target_semaphore(%arg15 : memref<!tpu.dma_semaphore, #tpu.memory_space<semaphore_mem>>)
        %dma_wait3A_1093 = arith.constant 0 : i32
        %dma_wait3A_1094 = arith.constant 0 : i32
        %dma_wait3A_1095 = arith.constant 0 : i32
        %dma_wait3A_1096 = tpu.memref_slice %arg11[%dma_wait3A_1093, %dma_wait3A_1094, %dma_wait3A_1095] : memref<1x68x1024xf32, #tpu.memory_space<vmem>> -> memref<1x64x1024xf32, #tpu.memory_space<vmem>>
        %dma_wait3A_1097 = tpu.memref_squeeze %dma_wait3A_1096 : memref<1x64x1024xf32, #tpu.memory_space<vmem>> -> memref<64x1024xf32, #tpu.memory_space<vmem>>
        %dma_wait3A_1098 = arith.constant 0 : i32
        %dma_wait3A_1099 = arith.constant 0 : i32
        %dma_wait3A_1100 = tpu.memref_slice %arg4[%dma_wait3A_1098, %dma_wait3A_1099] : memref<32768x1024xf32, #tpu.memory_space<hbm>> -> memref<64x1024xf32, #tpu.memory_space<hbm>>
        %dma_wait3A_1101 = arith.constant 0 : i32
        %dma_wait3A_1102 = arith.constant 0 : i32
        %dma_wait3A_1103 = tpu.memref_slice %arg4[%dma_wait3A_1101, %dma_wait3A_1102] : memref<32768x1024xf32, #tpu.memory_space<hbm>> -> memref<64x1024xf32, #tpu.memory_space<hbm>>
        %dma_wait3A_1104 = arith.constant 0 : i32
        %dma_wait3A_1105 = arith.constant 0 : i32
        %dma_wait3A_1106 = tpu.memref_slice %arg11[%dma_wait3A_1093, %dma_wait3A_1104, %dma_wait3A_1105] : memref<1x68x1024xf32, #tpu.memory_space<vmem>> -> memref<1x64x1024xf32, #tpu.memory_space<vmem>>
        %dma_wait3A_1107 = tpu.memref_squeeze %dma_wait3A_1106 : memref<1x64x1024xf32, #tpu.memory_space<vmem>> -> memref<64x1024xf32, #tpu.memory_space<vmem>>
        tpu.wait_dma2 semaphore(%arg15 : memref<!tpu.dma_semaphore, #tpu.memory_space<semaphore_mem>>) src(%dma_wait3A_1107 : memref<64x1024xf32, #tpu.memory_space<vmem>>) dst(%dma_wait3A_1103 : memref<64x1024xf32, #tpu.memory_space<hbm>>)
      } else {
      }
      %add3A_818 = arith.constant 1 : i32
      %add3A_819 = arith.addi %add3A_617, %add3A_818 : i32
      %mul3A_820 = arith.constant 64 : i32
      %mul3A_821 = arith.muli %add3A_819, %mul3A_820 : i32
      %get3A_822 = arith.index_cast %mul3A_821 : i32 to index
      %get3A_823 = tpu.vector_load %arg5[%get3A_822] {strides = array<i32>} : memref<512xi32, #tpu.memory_space<vmem>>, vector<16xi32>,
      %mul3A_824 = arith.constant 64 : i32
      %mul3A_825 = arith.muli %add3A_819, %mul3A_824 : i32
      %add3A_826 = arith.constant 64 : i32
      %add3A_827 = arith.addi %mul3A_825, %add3A_826 : i32
      %sub3A_828 = arith.constant 16 : i32
      %sub3A_829 = arith.subi %add3A_827, %sub3A_828 : i32
      %get3A_830 = arith.index_cast %sub3A_829 : i32 to index
      %get3A_831 = tpu.vector_load %arg5[%get3A_830] {strides = array<i32>} : memref<512xi32, #tpu.memory_space<vmem>>, vector<16xi32>,
      %mul3A_832 = arith.constant 64 : i32
      %mul3A_833 = arith.muli %add3A_819, %mul3A_832 : i32
      %get3A_834 = arith.index_cast %mul3A_833 : i32 to index
      %get3A_835 = tpu.vector_load %arg6[%get3A_834] {strides = array<i32>} : memref<512xi32, #tpu.memory_space<vmem>>, vector<16xi32>,
      %mul3A_836 = arith.constant 64 : i32
      %mul3A_837 = arith.muli %add3A_819, %mul3A_836 : i32
      %add3A_838 = arith.constant 64 : i32
      %add3A_839 = arith.addi %mul3A_837, %add3A_838 : i32
      %sub3A_840 = arith.constant 16 : i32
      %sub3A_841 = arith.subi %add3A_839, %sub3A_840 : i32
      %get3A_842 = arith.index_cast %sub3A_841 : i32 to index
      %get3A_843 = tpu.vector_load %arg6[%get3A_842] {strides = array<i32>} : memref<512xi32, #tpu.memory_space<vmem>>, vector<16xi32>,
      %slice3A_844 = vector.extract_strided_slice %get3A_823 {offsets = [0], sizes = [1], strides = [1]} : vector<16xi32> to vector<1xi32>
      %squeeze3A_845 = vector.extract %slice3A_844[0] : i32 from vector<1xi32>
      %slice3A_846 = vector.extract_strided_slice %get3A_831 {offsets = [15], sizes = [1], strides = [1]} : vector<16xi32> to vector<1xi32>
      %squeeze3A_847 = vector.extract %slice3A_846[0] : i32 from vector<1xi32>
      %slice3A_848 = vector.extract_strided_slice %get3A_835 {offsets = [0], sizes = [1], strides = [1]} : vector<16xi32> to vector<1xi32>
      %squeeze3A_849 = vector.extract %slice3A_848[0] : i32 from vector<1xi32>
      %slice3A_850 = vector.extract_strided_slice %get3A_843 {offsets = [15], sizes = [1], strides = [1]} : vector<16xi32> to vector<1xi32>
      %squeeze3A_851 = vector.extract %slice3A_850[0] : i32 from vector<1xi32>
      %gt3A_852 = arith.constant 1 : i32
      %gt3A_853 = arith.cmpi sgt, %squeeze3A_845, %gt3A_852 : i32
      %sub3A_854 = arith.subi %squeeze3A_847, %squeeze3A_845 : i32
      %eq3A_855 = arith.constant 63 : i32
      %eq3A_856 = arith.cmpi eq, %sub3A_854, %eq3A_855 : i32
      %and3A_857 = arith.andi %gt3A_853, %eq3A_856 : i1
      %gt3A_858 = arith.constant 1 : i32
      %gt3A_859 = arith.cmpi sgt, %squeeze3A_849, %gt3A_858 : i32
      %sub3A_860 = arith.subi %squeeze3A_851, %squeeze3A_849 : i32
      %eq3A_861 = arith.constant 63 : i32
      %eq3A_862 = arith.cmpi eq, %sub3A_860, %eq3A_861 : i32
      %and3A_863 = arith.andi %gt3A_859, %eq3A_862 : i1
      %and3A_864 = arith.andi %and3A_857, %and3A_863 : i1
      %min3A_865 = arith.minsi %squeeze3A_845, %squeeze3A_849 : i32
      %sub3A_866 = arith.subi %squeeze3A_845, %min3A_865 : i32
      %sub3A_867 = arith.subi %squeeze3A_849, %min3A_865 : i32
      %max3A_868 = arith.maxsi %sub3A_866, %sub3A_867 : i32
      %eq3A_869 = arith.constant 0 : i32
      %eq3A_870 = arith.cmpi eq, %max3A_868, %eq3A_869 : i32
      %and3A_871 = arith.andi %and3A_864, %eq3A_870 : i1
      %gt3A_872 = arith.constant 0 : i32
      %gt3A_873 = arith.cmpi sgt, %max3A_868, %gt3A_872 : i32
      %and3A_874 = arith.andi %and3A_864, %gt3A_873 : i1
      %le3A_875 = arith.constant 4 : i32
      %le3A_876 = arith.cmpi sle, %max3A_868, %le3A_875 : i32
      %and3A_877 = arith.andi %and3A_874, %le3A_876 : i1
      %gt3A_878 = arith.constant 0 : i32
      %gt3A_879 = arith.cmpi sgt, %sub3A_866, %gt3A_878 : i32
      %mul3A_880 = arith.constant 64 : i32
      %mul3A_881 = arith.muli %add3A_819, %mul3A_880 : i32
      %sub3A_882 = arith.constant 16 : i32
      %sub3A_883 = arith.subi %mul3A_881, %sub3A_882 : i32
      %max3A_884 = arith.constant 0 : i32
      %max3A_885 = arith.maxsi %sub3A_883, %max3A_884 : i32
      %get3A_886 = arith.index_cast %max3A_885 : i32 to index
      %get3A_887 = tpu.vector_load %arg5[%get3A_886] {strides = array<i32>} : memref<512xi32, #tpu.memory_space<vmem>>, vector<16xi32>,
      %sub3A_888 = arith.constant 16 : i32
      %sub3A_889 = arith.subi %sub3A_888, %sub3A_866 : i32
      %ge3A_890 = vector.broadcast %sub3A_889 : i32 to vector<16xi32>
      %ge3A_891 = arith.cmpi sge, %iota3A, %ge3A_890 : vector<16xi32>
      %sub3A_892 = arith.constant 16 : i32
      %sub3A_893 = arith.subi %squeeze3A_845, %sub3A_892 : i32
      %add3A_894 = vector.broadcast %sub3A_893 : i32 to vector<16xi32>
      %add3A_895 = arith.addi %add3A_894, %iota3A : vector<16xi32>
      %ne3A_896 = arith.cmpi ne, %get3A_887, %add3A_895 : vector<16xi32>
      %and3A_897 = arith.andi %ge3A_891, %ne3A_896 : vector<16xi1>
      %jit3A_898 = arith.constant 1 : i32
      %jit3A_899 = arith.constant 0 : i32
      %broadcast_in_dim3A_900 = vector.broadcast %jit3A_898 : i32 to vector<16xi32>
      %broadcast_in_dim3A_901 = vector.broadcast %jit3A_899 : i32 to vector<16xi32>
      %select_n3A_902 = arith.select %and3A_897, %broadcast_in_dim3A_900, %broadcast_in_dim3A_901 : vector<16xi1>, vector<16xi32>
      %reduce_sum3A_903 = arith.constant true
      %reduce_sum3A_904 = vector.broadcast %reduce_sum3A_903 : i1 to vector<16xi1>
      %reduce_sum3A_905 = tpu.scan <sum>, %select_n3A_902 masked %reduce_sum3A_904 : vector<16xi32>, vector<16xi1> -> vector<16xi32>
      %reduce_sum3A_906 = vector.extract %reduce_sum3A_905[15] : i32 from vector<16xi32>
      %mul3A_907 = arith.constant 64 : i32
      %mul3A_908 = arith.muli %add3A_819, %mul3A_907 : i32
      %add3A_909 = arith.constant 64 : i32
      %add3A_910 = arith.addi %mul3A_908, %add3A_909 : i32
      %min3A_911 = arith.constant 496 : i32
      %min3A_912 = arith.minsi %add3A_910, %min3A_911 : i32
      %get3A_913 = arith.index_cast %min3A_912 : i32 to index
      %get3A_914 = tpu.vector_load %arg5[%get3A_913] {strides = array<i32>} : memref<512xi32, #tpu.memory_space<vmem>>, vector<16xi32>,
      %sub3A_915 = arith.constant 4 : i32
      %sub3A_916 = arith.subi %sub3A_915, %sub3A_866 : i32
      %lt3A_917 = vector.broadcast %sub3A_916 : i32 to vector<16xi32>
      %lt3A_918 = arith.cmpi slt, %iota3A, %lt3A_917 : vector<16xi32>
      %add3A_919 = arith.constant 64 : i32
      %add3A_920 = arith.addi %squeeze3A_845, %add3A_919 : i32
      %add3A_921 = vector.broadcast %add3A_920 : i32 to vector<16xi32>
      %add3A_922 = arith.addi %add3A_921, %iota3A : vector<16xi32>
      %ne3A_923 = arith.cmpi ne, %get3A_914, %add3A_922 : vector<16xi32>
      %and3A_924 = arith.andi %lt3A_918, %ne3A_923 : vector<16xi1>
      %jit3A_925 = arith.constant 1 : i32
      %jit3A_926 = arith.constant 0 : i32
      %broadcast_in_dim3A_927 = vector.broadcast %jit3A_925 : i32 to vector<16xi32>
      %broadcast_in_dim3A_928 = vector.broadcast %jit3A_926 : i32 to vector<16xi32>
      %select_n3A_929 = arith.select %and3A_924, %broadcast_in_dim3A_927, %broadcast_in_dim3A_928 : vector<16xi1>, vector<16xi32>
      %reduce_sum3A_930 = arith.constant true
      %reduce_sum3A_931 = vector.broadcast %reduce_sum3A_930 : i1 to vector<16xi1>
      %reduce_sum3A_932 = tpu.scan <sum>, %select_n3A_929 masked %reduce_sum3A_931 : vector<16xi32>, vector<16xi1> -> vector<16xi32>
      %reduce_sum3A_933 = vector.extract %reduce_sum3A_932[15] : i32 from vector<16xi32>
      %add3A_934 = arith.addi %reduce_sum3A_906, %reduce_sum3A_933 : i32
      %eq3A_935 = arith.constant 0 : i32
      %eq3A_936 = arith.cmpi eq, %add3A_934, %eq3A_935 : i32
      %mul3A_937 = arith.constant 64 : i32
      %mul3A_938 = arith.muli %add3A_819, %mul3A_937 : i32
      %sub3A_939 = arith.constant 16 : i32
      %sub3A_940 = arith.subi %mul3A_938, %sub3A_939 : i32
      %max3A_941 = arith.constant 0 : i32
      %max3A_942 = arith.maxsi %sub3A_940, %max3A_941 : i32
      %get3A_943 = arith.index_cast %max3A_942 : i32 to index
      %get3A_944 = tpu.vector_load %arg6[%get3A_943] {strides = array<i32>} : memref<512xi32, #tpu.memory_space<vmem>>, vector<16xi32>,
      %sub3A_945 = arith.constant 16 : i32
      %sub3A_946 = arith.subi %sub3A_945, %sub3A_867 : i32
      %ge3A_947 = vector.broadcast %sub3A_946 : i32 to vector<16xi32>
      %ge3A_948 = arith.cmpi sge, %iota3A, %ge3A_947 : vector<16xi32>
      %sub3A_949 = arith.constant 16 : i32
      %sub3A_950 = arith.subi %squeeze3A_849, %sub3A_949 : i32
      %add3A_951 = vector.broadcast %sub3A_950 : i32 to vector<16xi32>
      %add3A_952 = arith.addi %add3A_951, %iota3A : vector<16xi32>
      %ne3A_953 = arith.cmpi ne, %get3A_944, %add3A_952 : vector<16xi32>
      %and3A_954 = arith.andi %ge3A_948, %ne3A_953 : vector<16xi1>
      %jit3A_955 = arith.constant 1 : i32
      %jit3A_956 = arith.constant 0 : i32
      %broadcast_in_dim3A_957 = vector.broadcast %jit3A_955 : i32 to vector<16xi32>
      %broadcast_in_dim3A_958 = vector.broadcast %jit3A_956 : i32 to vector<16xi32>
      %select_n3A_959 = arith.select %and3A_954, %broadcast_in_dim3A_957, %broadcast_in_dim3A_958 : vector<16xi1>, vector<16xi32>
      %reduce_sum3A_960 = arith.constant true
      %reduce_sum3A_961 = vector.broadcast %reduce_sum3A_960 : i1 to vector<16xi1>
      %reduce_sum3A_962 = tpu.scan <sum>, %select_n3A_959 masked %reduce_sum3A_961 : vector<16xi32>, vector<16xi1> -> vector<16xi32>
      %reduce_sum3A_963 = vector.extract %reduce_sum3A_962[15] : i32 from vector<16xi32>
      %mul3A_964 = arith.constant 64 : i32
      %mul3A_965 = arith.muli %add3A_819, %mul3A_964 : i32
      %add3A_966 = arith.constant 64 : i32
      %add3A_967 = arith.addi %mul3A_965, %add3A_966 : i32
      %min3A_968 = arith.constant 496 : i32
      %min3A_969 = arith.minsi %add3A_967, %min3A_968 : i32
      %get3A_970 = arith.index_cast %min3A_969 : i32 to index
      %get3A_971 = tpu.vector_load %arg6[%get3A_970] {strides = array<i32>} : memref<512xi32, #tpu.memory_space<vmem>>, vector<16xi32>,
      %sub3A_972 = arith.constant 4 : i32
      %sub3A_973 = arith.subi %sub3A_972, %sub3A_867 : i32
      %lt3A_974 = vector.broadcast %sub3A_973 : i32 to vector<16xi32>
      %lt3A_975 = arith.cmpi slt, %iota3A, %lt3A_974 : vector<16xi32>
      %add3A_976 = arith.constant 64 : i32
      %add3A_977 = arith.addi %squeeze3A_849, %add3A_976 : i32
      %add3A_978 = vector.broadcast %add3A_977 : i32 to vector<16xi32>
      %add3A_979 = arith.addi %add3A_978, %iota3A : vector<16xi32>
      %ne3A_980 = arith.cmpi ne, %get3A_971, %add3A_979 : vector<16xi32>
      %and3A_981 = arith.andi %lt3A_975, %ne3A_980 : vector<16xi1>
      %jit3A_982 = arith.constant 1 : i32
      %jit3A_983 = arith.constant 0 : i32
      %broadcast_in_dim3A_984 = vector.broadcast %jit3A_982 : i32 to vector<16xi32>
      %broadcast_in_dim3A_985 = vector.broadcast %jit3A_983 : i32 to vector<16xi32>
      %select_n3A_986 = arith.select %and3A_981, %broadcast_in_dim3A_984, %broadcast_in_dim3A_985 : vector<16xi1>, vector<16xi32>
      %reduce_sum3A_987 = arith.constant true
      %reduce_sum3A_988 = vector.broadcast %reduce_sum3A_987 : i1 to vector<16xi1>
      %reduce_sum3A_989 = tpu.scan <sum>, %select_n3A_986 masked %reduce_sum3A_988 : vector<16xi32>, vector<16xi1> -> vector<16xi32>
      %reduce_sum3A_990 = vector.extract %reduce_sum3A_989[15] : i32 from vector<16xi32>
      %add3A_991 = arith.addi %reduce_sum3A_963, %reduce_sum3A_990 : i32
      %eq3A_992 = arith.constant 0 : i32
      %eq3A_993 = arith.cmpi eq, %add3A_991, %eq3A_992 : i32
      %select_n3A_994 = arith.select %gt3A_879, %eq3A_936, %eq3A_993 : i1
      %ge3A_995 = arith.constant 1 : i32
      %ge3A_996 = arith.cmpi sge, %add3A_819, %ge3A_995 : i32
      %lt3A_997 = arith.constant 7 : i32
      %lt3A_998 = arith.cmpi slt, %add3A_819, %lt3A_997 : i32
      %and3A_999 = arith.andi %ge3A_996, %lt3A_998 : i1
      %and3A_1000 = arith.andi %select_n3A_994, %and3A_999 : i1
      %and3A_1001 = arith.andi %and3A_877, %and3A_1000 : i1
      %or3A_1002 = arith.ori %and3A_871, %and3A_1001 : i1
      %not3A_1003 = arith.constant true
      %not3A_1004 = arith.xori %or3A_1002, %not3A_1003 : i1
      %convert_element_type3A_1005 = arith.extui %and3A_871 : i1 to i32
      %cond3A_1006 = arith.constant 0 : i32
      %cond3A_1007 = arith.cmpi ne, %convert_element_type3A_1005, %cond3A_1006 : i32
      scf.if %cond3A_1007 {
        %mul3A_1012 = arith.constant 64 : i32
        %mul3A_1013 = arith.muli %add3A_819, %mul3A_1012 : i32
        %dma_start3A = arith.constant 0 : i32
        %dma_start3A_1014 = arith.constant 0 : i32
        %dma_start3A_1015 = arith.constant 0 : i32
        %dma_start3A_1016 = tpu.memref_slice %arg11[%dma_start3A, %dma_start3A_1014, %dma_start3A_1015] : memref<1x68x1024xf32, #tpu.memory_space<vmem>> -> memref<1x64x1024xf32, #tpu.memory_space<vmem>>
        %dma_start3A_1017 = tpu.memref_squeeze %dma_start3A_1016 : memref<1x64x1024xf32, #tpu.memory_space<vmem>> -> memref<64x1024xf32, #tpu.memory_space<vmem>>
        %dma_start3A_1018 = tpu.memref_slice %arg5[%mul3A_1013] : memref<512xi32, #tpu.memory_space<vmem>> -> memref<64xi32, #tpu.memory_space<vmem>>
        %dma_start3A_1019 = arith.constant 0 : i32
        %dma_start3A_1020 = arith.constant 0 : i32
        %dma_start3A_1021 = tpu.memref_slice %arg3[%dma_start3A_1019, %dma_start3A_1020] : memref<8194x1024xf32, #tpu.memory_space<hbm>> -> memref<8194x1024xf32, #tpu.memory_space<hbm>>
        tpu.enqueue_indirect_dma source(%dma_start3A_1021 : memref<8194x1024xf32, #tpu.memory_space<hbm>>) target(%dma_start3A_1017 : memref<64x1024xf32, #tpu.memory_space<vmem>>) offsets(%dma_start3A_1018 : memref<64xi32, #tpu.memory_space<vmem>>) semaphore(%arg13 : memref<!tpu.dma_semaphore, #tpu.memory_space<semaphore_mem>>)
      } else {
      }
      %convert_element_type3A_1008 = arith.extui %and3A_1001 : i1 to i32
      %cond3A_1009 = arith.constant 0 : i32
      %cond3A_1010 = arith.cmpi ne, %convert_element_type3A_1008, %cond3A_1009 : i32
      scf.if %cond3A_1010 {
        %add3A_1012 = arith.constant 0 : i32
        %add3A_1013 = arith.addi %min3A_865, %add3A_1012 : i32
        %add3A_1014 = vector.broadcast %add3A_1013 : i32 to vector<16xi32>
        %add3A_1015 = arith.addi %add3A_1014, %iota3A : vector<16xi32>
        %swap3A_1016 = arith.constant 0 : index
        %swap3A_1017 = tpu.vector_load %arg7[%swap3A_1016] {strides = array<i32>} : memref<80xi32, #tpu.memory_space<vmem>>, vector<16xi32>,
        tpu.vector_store %arg7[%swap3A_1016], %add3A_1015 {strides = array<i32>} : memref<80xi32, #tpu.memory_space<vmem>>, vector<16xi32>,
        %add3A_1018 = arith.constant 16 : i32
        %add3A_1019 = arith.addi %min3A_865, %add3A_1018 : i32
        %add3A_1020 = vector.broadcast %add3A_1019 : i32 to vector<16xi32>
        %add3A_1021 = arith.addi %add3A_1020, %iota3A : vector<16xi32>
        %swap3A_1022 = arith.constant 16 : index
        %swap3A_1023 = tpu.vector_load %arg7[%swap3A_1022] {strides = array<i32>} : memref<80xi32, #tpu.memory_space<vmem>>, vector<16xi32>,
        tpu.vector_store %arg7[%swap3A_1022], %add3A_1021 {strides = array<i32>} : memref<80xi32, #tpu.memory_space<vmem>>, vector<16xi32>,
        %add3A_1024 = arith.constant 32 : i32
        %add3A_1025 = arith.addi %min3A_865, %add3A_1024 : i32
        %add3A_1026 = vector.broadcast %add3A_1025 : i32 to vector<16xi32>
        %add3A_1027 = arith.addi %add3A_1026, %iota3A : vector<16xi32>
        %swap3A_1028 = arith.constant 32 : index
        %swap3A_1029 = tpu.vector_load %arg7[%swap3A_1028] {strides = array<i32>} : memref<80xi32, #tpu.memory_space<vmem>>, vector<16xi32>,
        tpu.vector_store %arg7[%swap3A_1028], %add3A_1027 {strides = array<i32>} : memref<80xi32, #tpu.memory_space<vmem>>, vector<16xi32>,
        %add3A_1030 = arith.constant 48 : i32
        %add3A_1031 = arith.addi %min3A_865, %add3A_1030 : i32
        %add3A_1032 = vector.broadcast %add3A_1031 : i32 to vector<16xi32>
        %add3A_1033 = arith.addi %add3A_1032, %iota3A : vector<16xi32>
        %swap3A_1034 = arith.constant 48 : index
        %swap3A_1035 = tpu.vector_load %arg7[%swap3A_1034] {strides = array<i32>} : memref<80xi32, #tpu.memory_space<vmem>>, vector<16xi32>,
        tpu.vector_store %arg7[%swap3A_1034], %add3A_1033 {strides = array<i32>} : memref<80xi32, #tpu.memory_space<vmem>>, vector<16xi32>,
        %add3A_1036 = arith.constant 64 : i32
        %add3A_1037 = arith.addi %min3A_865, %add3A_1036 : i32
        %add3A_1038 = vector.broadcast %add3A_1037 : i32 to vector<16xi32>
        %add3A_1039 = arith.addi %add3A_1038, %iota3A : vector<16xi32>
        %swap3A_1040 = arith.constant 64 : index
        %swap3A_1041 = tpu.vector_load %arg7[%swap3A_1040] {strides = array<i32>} : memref<80xi32, #tpu.memory_space<vmem>>, vector<16xi32>,
        tpu.vector_store %arg7[%swap3A_1040], %add3A_1039 {strides = array<i32>} : memref<80xi32, #tpu.memory_space<vmem>>, vector<16xi32>,
        %dma_start3A = arith.constant 0 : i32
        %dma_start3A_1042 = arith.constant 0 : i32
        %dma_start3A_1043 = arith.constant 0 : i32
        %dma_start3A_1044 = tpu.memref_slice %arg11[%dma_start3A, %dma_start3A_1042, %dma_start3A_1043] : memref<1x68x1024xf32, #tpu.memory_space<vmem>> -> memref<1x68x1024xf32, #tpu.memory_space<vmem>>
        %dma_start3A_1045 = tpu.memref_squeeze %dma_start3A_1044 : memref<1x68x1024xf32, #tpu.memory_space<vmem>> -> memref<68x1024xf32, #tpu.memory_space<vmem>>
        %dma_start3A_1046 = arith.constant 0 : i32
        %dma_start3A_1047 = tpu.memref_slice %arg7[%dma_start3A_1046] : memref<80xi32, #tpu.memory_space<vmem>> -> memref<68xi32, #tpu.memory_space<vmem>>
        %dma_start3A_1048 = arith.constant 0 : i32
        %dma_start3A_1049 = arith.constant 0 : i32
        %dma_start3A_1050 = tpu.memref_slice %arg3[%dma_start3A_1048, %dma_start3A_1049] : memref<8194x1024xf32, #tpu.memory_space<hbm>> -> memref<8194x1024xf32, #tpu.memory_space<hbm>>
        tpu.enqueue_indirect_dma source(%dma_start3A_1050 : memref<8194x1024xf32, #tpu.memory_space<hbm>>) target(%dma_start3A_1045 : memref<68x1024xf32, #tpu.memory_space<vmem>>) offsets(%dma_start3A_1047 : memref<68xi32, #tpu.memory_space<vmem>>) semaphore(%arg13 : memref<!tpu.dma_semaphore, #tpu.memory_space<semaphore_mem>>)
      } else {
      }
      %scan3A_1011 = arith.constant 0 : i32
      scf.yield %scan3A_1011 : i32
    }
    %scan3A_443 = arith.constant 7 : i32
    %get3A_444 = arith.constant 448 : index
    %get3A_445 = tpu.vector_load %arg5[%get3A_444] {strides = array<i32>} : memref<512xi32, #tpu.memory_space<vmem>>, vector<16xi32>,
    %get3A_446 = arith.constant 496 : index
    %get3A_447 = tpu.vector_load %arg5[%get3A_446] {strides = array<i32>} : memref<512xi32, #tpu.memory_space<vmem>>, vector<16xi32>,
    %get3A_448 = arith.constant 448 : index
    %get3A_449 = tpu.vector_load %arg6[%get3A_448] {strides = array<i32>} : memref<512xi32, #tpu.memory_space<vmem>>, vector<16xi32>,
    %get3A_450 = arith.constant 496 : index
    %get3A_451 = tpu.vector_load %arg6[%get3A_450] {strides = array<i32>} : memref<512xi32, #tpu.memory_space<vmem>>, vector<16xi32>,
    %slice3A_452 = vector.extract_strided_slice %get3A_445 {offsets = [0], sizes = [1], strides = [1]} : vector<16xi32> to vector<1xi32>
    %squeeze3A_453 = vector.extract %slice3A_452[0] : i32 from vector<1xi32>
    %slice3A_454 = vector.extract_strided_slice %get3A_447 {offsets = [15], sizes = [1], strides = [1]} : vector<16xi32> to vector<1xi32>
    %squeeze3A_455 = vector.extract %slice3A_454[0] : i32 from vector<1xi32>
    %slice3A_456 = vector.extract_strided_slice %get3A_449 {offsets = [0], sizes = [1], strides = [1]} : vector<16xi32> to vector<1xi32>
    %squeeze3A_457 = vector.extract %slice3A_456[0] : i32 from vector<1xi32>
    %slice3A_458 = vector.extract_strided_slice %get3A_451 {offsets = [15], sizes = [1], strides = [1]} : vector<16xi32> to vector<1xi32>
    %squeeze3A_459 = vector.extract %slice3A_458[0] : i32 from vector<1xi32>
    %gt3A_460 = arith.constant 1 : i32
    %gt3A_461 = arith.cmpi sgt, %squeeze3A_453, %gt3A_460 : i32
    %sub3A_462 = arith.subi %squeeze3A_455, %squeeze3A_453 : i32
    %eq3A_463 = arith.constant 63 : i32
    %eq3A_464 = arith.cmpi eq, %sub3A_462, %eq3A_463 : i32
    %and3A_465 = arith.andi %gt3A_461, %eq3A_464 : i1
    %gt3A_466 = arith.constant 1 : i32
    %gt3A_467 = arith.cmpi sgt, %squeeze3A_457, %gt3A_466 : i32
    %sub3A_468 = arith.subi %squeeze3A_459, %squeeze3A_457 : i32
    %eq3A_469 = arith.constant 63 : i32
    %eq3A_470 = arith.cmpi eq, %sub3A_468, %eq3A_469 : i32
    %and3A_471 = arith.andi %gt3A_467, %eq3A_470 : i1
    %and3A_472 = arith.andi %and3A_465, %and3A_471 : i1
    %min3A_473 = arith.minsi %squeeze3A_453, %squeeze3A_457 : i32
    %sub3A_474 = arith.subi %squeeze3A_453, %min3A_473 : i32
    %sub3A_475 = arith.subi %squeeze3A_457, %min3A_473 : i32
    %max3A_476 = arith.maxsi %sub3A_474, %sub3A_475 : i32
    %eq3A_477 = arith.constant 0 : i32
    %eq3A_478 = arith.cmpi eq, %max3A_476, %eq3A_477 : i32
    %and3A_479 = arith.andi %and3A_472, %eq3A_478 : i1
    %gt3A_480 = arith.constant 0 : i32
    %gt3A_481 = arith.cmpi sgt, %max3A_476, %gt3A_480 : i32
    %and3A_482 = arith.andi %and3A_472, %gt3A_481 : i1
    %le3A_483 = arith.constant 4 : i32
    %le3A_484 = arith.cmpi sle, %max3A_476, %le3A_483 : i32
    %and3A_485 = arith.andi %and3A_482, %le3A_484 : i1
    %gt3A_486 = arith.constant 0 : i32
    %gt3A_487 = arith.cmpi sgt, %sub3A_474, %gt3A_486 : i32
    %max3A_488 = arith.constant 432 : i32
    %max3A_489 = arith.constant 0 : i32
    %max3A_490 = arith.maxsi %max3A_488, %max3A_489 : i32
    %get3A_491 = arith.index_cast %max3A_490 : i32 to index
    %get3A_492 = tpu.vector_load %arg5[%get3A_491] {strides = array<i32>} : memref<512xi32, #tpu.memory_space<vmem>>, vector<16xi32>,
    %sub3A_493 = arith.constant 16 : i32
    %sub3A_494 = arith.subi %sub3A_493, %sub3A_474 : i32
    %ge3A_495 = vector.broadcast %sub3A_494 : i32 to vector<16xi32>
    %ge3A_496 = arith.cmpi sge, %iota3A, %ge3A_495 : vector<16xi32>
    %sub3A_497 = arith.constant 16 : i32
    %sub3A_498 = arith.subi %squeeze3A_453, %sub3A_497 : i32
    %add3A_499 = vector.broadcast %sub3A_498 : i32 to vector<16xi32>
    %add3A_500 = arith.addi %add3A_499, %iota3A : vector<16xi32>
    %ne3A_501 = arith.cmpi ne, %get3A_492, %add3A_500 : vector<16xi32>
    %and3A_502 = arith.andi %ge3A_496, %ne3A_501 : vector<16xi1>
    %jit3A_503 = arith.constant 1 : i32
    %jit3A_504 = arith.constant 0 : i32
    %broadcast_in_dim3A_505 = vector.broadcast %jit3A_503 : i32 to vector<16xi32>
    %broadcast_in_dim3A_506 = vector.broadcast %jit3A_504 : i32 to vector<16xi32>
    %select_n3A_507 = arith.select %and3A_502, %broadcast_in_dim3A_505, %broadcast_in_dim3A_506 : vector<16xi1>, vector<16xi32>
    %reduce_sum3A_508 = arith.constant true
    %reduce_sum3A_509 = vector.broadcast %reduce_sum3A_508 : i1 to vector<16xi1>
    %reduce_sum3A_510 = tpu.scan <sum>, %select_n3A_507 masked %reduce_sum3A_509 : vector<16xi32>, vector<16xi1> -> vector<16xi32>
    %reduce_sum3A_511 = vector.extract %reduce_sum3A_510[15] : i32 from vector<16xi32>
    %min3A_512 = arith.constant 512 : i32
    %min3A_513 = arith.constant 496 : i32
    %min3A_514 = arith.minsi %min3A_512, %min3A_513 : i32
    %get3A_515 = arith.index_cast %min3A_514 : i32 to index
    %get3A_516 = tpu.vector_load %arg5[%get3A_515] {strides = array<i32>} : memref<512xi32, #tpu.memory_space<vmem>>, vector<16xi32>,
    %sub3A_517 = arith.constant 4 : i32
    %sub3A_518 = arith.subi %sub3A_517, %sub3A_474 : i32
    %lt3A_519 = vector.broadcast %sub3A_518 : i32 to vector<16xi32>
    %lt3A_520 = arith.cmpi slt, %iota3A, %lt3A_519 : vector<16xi32>
    %add3A_521 = arith.constant 64 : i32
    %add3A_522 = arith.addi %squeeze3A_453, %add3A_521 : i32
    %add3A_523 = vector.broadcast %add3A_522 : i32 to vector<16xi32>
    %add3A_524 = arith.addi %add3A_523, %iota3A : vector<16xi32>
    %ne3A_525 = arith.cmpi ne, %get3A_516, %add3A_524 : vector<16xi32>
    %and3A_526 = arith.andi %lt3A_520, %ne3A_525 : vector<16xi1>
    %jit3A_527 = arith.constant 1 : i32
    %jit3A_528 = arith.constant 0 : i32
    %broadcast_in_dim3A_529 = vector.broadcast %jit3A_527 : i32 to vector<16xi32>
    %broadcast_in_dim3A_530 = vector.broadcast %jit3A_528 : i32 to vector<16xi32>
    %select_n3A_531 = arith.select %and3A_526, %broadcast_in_dim3A_529, %broadcast_in_dim3A_530 : vector<16xi1>, vector<16xi32>
    %reduce_sum3A_532 = arith.constant true
    %reduce_sum3A_533 = vector.broadcast %reduce_sum3A_532 : i1 to vector<16xi1>
    %reduce_sum3A_534 = tpu.scan <sum>, %select_n3A_531 masked %reduce_sum3A_533 : vector<16xi32>, vector<16xi1> -> vector<16xi32>
    %reduce_sum3A_535 = vector.extract %reduce_sum3A_534[15] : i32 from vector<16xi32>
    %add3A_536 = arith.addi %reduce_sum3A_511, %reduce_sum3A_535 : i32
    %eq3A_537 = arith.constant 0 : i32
    %eq3A_538 = arith.cmpi eq, %add3A_536, %eq3A_537 : i32
    %max3A_539 = arith.constant 432 : i32
    %max3A_540 = arith.constant 0 : i32
    %max3A_541 = arith.maxsi %max3A_539, %max3A_540 : i32
    %get3A_542 = arith.index_cast %max3A_541 : i32 to index
    %get3A_543 = tpu.vector_load %arg6[%get3A_542] {strides = array<i32>} : memref<512xi32, #tpu.memory_space<vmem>>, vector<16xi32>,
    %sub3A_544 = arith.constant 16 : i32
    %sub3A_545 = arith.subi %sub3A_544, %sub3A_475 : i32
    %ge3A_546 = vector.broadcast %sub3A_545 : i32 to vector<16xi32>
    %ge3A_547 = arith.cmpi sge, %iota3A, %ge3A_546 : vector<16xi32>
    %sub3A_548 = arith.constant 16 : i32
    %sub3A_549 = arith.subi %squeeze3A_457, %sub3A_548 : i32
    %add3A_550 = vector.broadcast %sub3A_549 : i32 to vector<16xi32>
    %add3A_551 = arith.addi %add3A_550, %iota3A : vector<16xi32>
    %ne3A_552 = arith.cmpi ne, %get3A_543, %add3A_551 : vector<16xi32>
    %and3A_553 = arith.andi %ge3A_547, %ne3A_552 : vector<16xi1>
    %jit3A_554 = arith.constant 1 : i32
    %jit3A_555 = arith.constant 0 : i32
    %broadcast_in_dim3A_556 = vector.broadcast %jit3A_554 : i32 to vector<16xi32>
    %broadcast_in_dim3A_557 = vector.broadcast %jit3A_555 : i32 to vector<16xi32>
    %select_n3A_558 = arith.select %and3A_553, %broadcast_in_dim3A_556, %broadcast_in_dim3A_557 : vector<16xi1>, vector<16xi32>
    %reduce_sum3A_559 = arith.constant true
    %reduce_sum3A_560 = vector.broadcast %reduce_sum3A_559 : i1 to vector<16xi1>
    %reduce_sum3A_561 = tpu.scan <sum>, %select_n3A_558 masked %reduce_sum3A_560 : vector<16xi32>, vector<16xi1> -> vector<16xi32>
    %reduce_sum3A_562 = vector.extract %reduce_sum3A_561[15] : i32 from vector<16xi32>
    %min3A_563 = arith.constant 512 : i32
    %min3A_564 = arith.constant 496 : i32
    %min3A_565 = arith.minsi %min3A_563, %min3A_564 : i32
    %get3A_566 = arith.index_cast %min3A_565 : i32 to index
    %get3A_567 = tpu.vector_load %arg6[%get3A_566] {strides = array<i32>} : memref<512xi32, #tpu.memory_space<vmem>>, vector<16xi32>,
    %sub3A_568 = arith.constant 4 : i32
    %sub3A_569 = arith.subi %sub3A_568, %sub3A_475 : i32
    %lt3A_570 = vector.broadcast %sub3A_569 : i32 to vector<16xi32>
    %lt3A_571 = arith.cmpi slt, %iota3A, %lt3A_570 : vector<16xi32>
    %add3A_572 = arith.constant 64 : i32
    %add3A_573 = arith.addi %squeeze3A_457, %add3A_572 : i32
    %add3A_574 = vector.broadcast %add3A_573 : i32 to vector<16xi32>
    %add3A_575 = arith.addi %add3A_574, %iota3A : vector<16xi32>
    %ne3A_576 = arith.cmpi ne, %get3A_567, %add3A_575 : vector<16xi32>
    %and3A_577 = arith.andi %lt3A_571, %ne3A_576 : vector<16xi1>
    %jit3A_578 = arith.constant 1 : i32
    %jit3A_579 = arith.constant 0 : i32
    %broadcast_in_dim3A_580 = vector.broadcast %jit3A_578 : i32 to vector<16xi32>
    %broadcast_in_dim3A_581 = vector.broadcast %jit3A_579 : i32 to vector<16xi32>
    %select_n3A_582 = arith.select %and3A_577, %broadcast_in_dim3A_580, %broadcast_in_dim3A_581 : vector<16xi1>, vector<16xi32>
    %reduce_sum3A_583 = arith.constant true
    %reduce_sum3A_584 = vector.broadcast %reduce_sum3A_583 : i1 to vector<16xi1>
    %reduce_sum3A_585 = tpu.scan <sum>, %select_n3A_582 masked %reduce_sum3A_584 : vector<16xi32>, vector<16xi1> -> vector<16xi32>
    %reduce_sum3A_586 = vector.extract %reduce_sum3A_585[15] : i32 from vector<16xi32>
    %add3A_587 = arith.addi %reduce_sum3A_562, %reduce_sum3A_586 : i32
    %eq3A_588 = arith.constant 0 : i32
    %eq3A_589 = arith.cmpi eq, %add3A_587, %eq3A_588 : i32
    %select_n3A_590 = arith.select %gt3A_487, %eq3A_538, %eq3A_589 : i1
    %and3A_591 = arith.constant true
    %and3A_592 = arith.constant false
    %and3A_593 = arith.andi %and3A_591, %and3A_592 : i1
    %and3A_594 = arith.andi %select_n3A_590, %and3A_593 : i1
    %and3A_595 = arith.andi %and3A_485, %and3A_594 : i1
    %or3A_596 = arith.ori %and3A_479, %and3A_595 : i1
    %not3A_597 = arith.constant true
    %not3A_598 = arith.xori %or3A_596, %not3A_597 : i1
    %add3A_599 = arith.constant 448 : i32
    %add3A_600 = arith.addi %add3A, %add3A_599 : i32
    %add3A_601 = arith.constant 448 : i32
    %add3A_602 = arith.addi %add3A_13, %add3A_601 : i32
    %convert_element_type3A_603 = arith.extui %and3A_479 : i1 to i32
    %cond3A_604 = arith.constant 0 : i32
    %cond3A_605 = arith.cmpi ne, %convert_element_type3A_603, %cond3A_604 : i32
    scf.if %cond3A_605 {
      %dma_wait3A = arith.constant 0 : i32
      %dma_wait3A_612 = arith.constant 0 : i32
      %dma_wait3A_613 = arith.constant 0 : i32
      %dma_wait3A_614 = tpu.memref_slice %arg11[%dma_wait3A, %dma_wait3A_612, %dma_wait3A_613] : memref<1x68x1024xf32, #tpu.memory_space<vmem>> -> memref<1x64x1024xf32, #tpu.memory_space<vmem>>
      %dma_wait3A_615 = tpu.memref_squeeze %dma_wait3A_614 : memref<1x64x1024xf32, #tpu.memory_space<vmem>> -> memref<64x1024xf32, #tpu.memory_space<vmem>>
      %dma_wait3A_616 = arith.constant 0 : i32
      %dma_wait3A_617 = tpu.memref_slice %arg5[%dma_wait3A_616] : memref<512xi32, #tpu.memory_space<vmem>> -> memref<64xi32, #tpu.memory_space<vmem>>
      %dma_wait3A_618 = arith.constant 0 : i32
      %dma_wait3A_619 = arith.constant 0 : i32
      %dma_wait3A_620 = tpu.memref_slice %arg3[%dma_wait3A_618, %dma_wait3A_619] : memref<8194x1024xf32, #tpu.memory_space<hbm>> -> memref<8194x1024xf32, #tpu.memory_space<hbm>>
      tpu.wait_indirect_dma semaphore(%arg13 : memref<!tpu.dma_semaphore, #tpu.memory_space<semaphore_mem>>) src(%dma_wait3A_620 : memref<8194x1024xf32, #tpu.memory_space<hbm>>) dst(%dma_wait3A_615 : memref<64x1024xf32, #tpu.memory_space<vmem>>)
      %dma_start3A = arith.constant 0 : i32
      %dma_start3A_621 = arith.constant 0 : i32
      %dma_start3A_622 = arith.constant 0 : i32
      %dma_start3A_623 = tpu.memref_slice %arg11[%dma_start3A, %dma_start3A_621, %dma_start3A_622] : memref<1x68x1024xf32, #tpu.memory_space<vmem>> -> memref<1x64x1024xf32, #tpu.memory_space<vmem>>
      %dma_start3A_624 = tpu.memref_squeeze %dma_start3A_623 : memref<1x64x1024xf32, #tpu.memory_space<vmem>> -> memref<64x1024xf32, #tpu.memory_space<vmem>>
      %dma_start3A_625 = arith.constant 0 : i32
      %dma_start3A_626 = tpu.memref_slice %arg4[%add3A_600, %dma_start3A_625] : memref<32768x1024xf32, #tpu.memory_space<hbm>> -> memref<64x1024xf32, #tpu.memory_space<hbm>>
      %dma_start3A_627 = arith.constant 0 : i32
      %dma_start3A_628 = tpu.memref_slice %arg4[%add3A_600, %dma_start3A_627] : memref<32768x1024xf32, #tpu.memory_space<hbm>> -> memref<64x1024xf32, #tpu.memory_space<hbm>>
      %dma_start3A_629 = arith.constant 0 : i32
      %dma_start3A_630 = arith.constant 0 : i32
      %dma_start3A_631 = tpu.memref_slice %arg11[%dma_start3A, %dma_start3A_629, %dma_start3A_630] : memref<1x68x1024xf32, #tpu.memory_space<vmem>> -> memref<1x64x1024xf32, #tpu.memory_space<vmem>>
      %dma_start3A_632 = tpu.memref_squeeze %dma_start3A_631 : memref<1x64x1024xf32, #tpu.memory_space<vmem>> -> memref<64x1024xf32, #tpu.memory_space<vmem>>
      tpu.enqueue_dma source(%dma_start3A_632 : memref<64x1024xf32, #tpu.memory_space<vmem>>) target(%dma_start3A_628 : memref<64x1024xf32, #tpu.memory_space<hbm>>) target_semaphore(%arg14 : memref<!tpu.dma_semaphore, #tpu.memory_space<semaphore_mem>>)
      %dma_start3A_633 = arith.constant 0 : i32
      %dma_start3A_634 = arith.constant 0 : i32
      %dma_start3A_635 = arith.constant 0 : i32
      %dma_start3A_636 = tpu.memref_slice %arg11[%dma_start3A_633, %dma_start3A_634, %dma_start3A_635] : memref<1x68x1024xf32, #tpu.memory_space<vmem>> -> memref<1x64x1024xf32, #tpu.memory_space<vmem>>
      %dma_start3A_637 = tpu.memref_squeeze %dma_start3A_636 : memref<1x64x1024xf32, #tpu.memory_space<vmem>> -> memref<64x1024xf32, #tpu.memory_space<vmem>>
      %dma_start3A_638 = arith.constant 0 : i32
      %dma_start3A_639 = tpu.memref_slice %arg4[%add3A_602, %dma_start3A_638] : memref<32768x1024xf32, #tpu.memory_space<hbm>> -> memref<64x1024xf32, #tpu.memory_space<hbm>>
      %dma_start3A_640 = arith.constant 0 : i32
      %dma_start3A_641 = tpu.memref_slice %arg4[%add3A_602, %dma_start3A_640] : memref<32768x1024xf32, #tpu.memory_space<hbm>> -> memref<64x1024xf32, #tpu.memory_space<hbm>>
      %dma_start3A_642 = arith.constant 0 : i32
      %dma_start3A_643 = arith.constant 0 : i32
      %dma_start3A_644 = tpu.memref_slice %arg11[%dma_start3A_633, %dma_start3A_642, %dma_start3A_643] : memref<1x68x1024xf32, #tpu.memory_space<vmem>> -> memref<1x64x1024xf32, #tpu.memory_space<vmem>>
      %dma_start3A_645 = tpu.memref_squeeze %dma_start3A_644 : memref<1x64x1024xf32, #tpu.memory_space<vmem>> -> memref<64x1024xf32, #tpu.memory_space<vmem>>
      tpu.enqueue_dma source(%dma_start3A_645 : memref<64x1024xf32, #tpu.memory_space<vmem>>) target(%dma_start3A_641 : memref<64x1024xf32, #tpu.memory_space<hbm>>) target_semaphore(%arg15 : memref<!tpu.dma_semaphore, #tpu.memory_space<semaphore_mem>>)
      %dma_wait3A_646 = arith.constant 0 : i32
      %dma_wait3A_647 = arith.constant 0 : i32
      %dma_wait3A_648 = arith.constant 0 : i32
      %dma_wait3A_649 = tpu.memref_slice %arg11[%dma_wait3A_646, %dma_wait3A_647, %dma_wait3A_648] : memref<1x68x1024xf32, #tpu.memory_space<vmem>> -> memref<1x64x1024xf32, #tpu.memory_space<vmem>>
      %dma_wait3A_650 = tpu.memref_squeeze %dma_wait3A_649 : memref<1x64x1024xf32, #tpu.memory_space<vmem>> -> memref<64x1024xf32, #tpu.memory_space<vmem>>
      %dma_wait3A_651 = arith.constant 0 : i32
      %dma_wait3A_652 = arith.constant 0 : i32
      %dma_wait3A_653 = tpu.memref_slice %arg4[%dma_wait3A_651, %dma_wait3A_652] : memref<32768x1024xf32, #tpu.memory_space<hbm>> -> memref<64x1024xf32, #tpu.memory_space<hbm>>
      %dma_wait3A_654 = arith.constant 0 : i32
      %dma_wait3A_655 = arith.constant 0 : i32
      %dma_wait3A_656 = tpu.memref_slice %arg4[%dma_wait3A_654, %dma_wait3A_655] : memref<32768x1024xf32, #tpu.memory_space<hbm>> -> memref<64x1024xf32, #tpu.memory_space<hbm>>
      %dma_wait3A_657 = arith.constant 0 : i32
      %dma_wait3A_658 = arith.constant 0 : i32
      %dma_wait3A_659 = tpu.memref_slice %arg11[%dma_wait3A_646, %dma_wait3A_657, %dma_wait3A_658] : memref<1x68x1024xf32, #tpu.memory_space<vmem>> -> memref<1x64x1024xf32, #tpu.memory_space<vmem>>
      %dma_wait3A_660 = tpu.memref_squeeze %dma_wait3A_659 : memref<1x64x1024xf32, #tpu.memory_space<vmem>> -> memref<64x1024xf32, #tpu.memory_space<vmem>>
      tpu.wait_dma2 semaphore(%arg14 : memref<!tpu.dma_semaphore, #tpu.memory_space<semaphore_mem>>) src(%dma_wait3A_660 : memref<64x1024xf32, #tpu.memory_space<vmem>>) dst(%dma_wait3A_656 : memref<64x1024xf32, #tpu.memory_space<hbm>>)
      %dma_wait3A_661 = arith.constant 0 : i32
      %dma_wait3A_662 = arith.constant 0 : i32
      %dma_wait3A_663 = arith.constant 0 : i32
      %dma_wait3A_664 = tpu.memref_slice %arg11[%dma_wait3A_661, %dma_wait3A_662, %dma_wait3A_663] : memref<1x68x1024xf32, #tpu.memory_space<vmem>> -> memref<1x64x1024xf32, #tpu.memory_space<vmem>>
      %dma_wait3A_665 = tpu.memref_squeeze %dma_wait3A_664 : memref<1x64x1024xf32, #tpu.memory_space<vmem>> -> memref<64x1024xf32, #tpu.memory_space<vmem>>
      %dma_wait3A_666 = arith.constant 0 : i32
      %dma_wait3A_667 = arith.constant 0 : i32
      %dma_wait3A_668 = tpu.memref_slice %arg4[%dma_wait3A_666, %dma_wait3A_667] : memref<32768x1024xf32, #tpu.memory_space<hbm>> -> memref<64x1024xf32, #tpu.memory_space<hbm>>
      %dma_wait3A_669 = arith.constant 0 : i32
      %dma_wait3A_670 = arith.constant 0 : i32
      %dma_wait3A_671 = tpu.memref_slice %arg4[%dma_wait3A_669, %dma_wait3A_670] : memref<32768x1024xf32, #tpu.memory_space<hbm>> -> memref<64x1024xf32, #tpu.memory_space<hbm>>
      %dma_wait3A_672 = arith.constant 0 : i32
      %dma_wait3A_673 = arith.constant 0 : i32
      %dma_wait3A_674 = tpu.memref_slice %arg11[%dma_wait3A_661, %dma_wait3A_672, %dma_wait3A_673] : memref<1x68x1024xf32, #tpu.memory_space<vmem>> -> memref<1x64x1024xf32, #tpu.memory_space<vmem>>
      %dma_wait3A_675 = tpu.memref_squeeze %dma_wait3A_674 : memref<1x64x1024xf32, #tpu.memory_space<vmem>> -> memref<64x1024xf32, #tpu.memory_space<vmem>>
      tpu.wait_dma2 semaphore(%arg15 : memref<!tpu.dma_semaphore, #tpu.memory_space<semaphore_mem>>) src(%dma_wait3A_675 : memref<64x1024xf32, #tpu.memory_space<vmem>>) dst(%dma_wait3A_671 : memref<64x1024xf32, #tpu.memory_space<hbm>>)
    } else {
    }
    %convert_element_type3A_606 = arith.extui %and3A_595 : i1 to i32
    %cond3A_607 = arith.constant 0 : i32
    %cond3A_608 = arith.cmpi ne, %convert_element_type3A_606, %cond3A_607 : i32
    scf.if %cond3A_608 {
      %dma_wait3A = arith.constant 0 : i32
      %dma_wait3A_612 = arith.constant 0 : i32
      %dma_wait3A_613 = arith.constant 0 : i32
      %dma_wait3A_614 = tpu.memref_slice %arg11[%dma_wait3A, %dma_wait3A_612, %dma_wait3A_613] : memref<1x68x1024xf32, #tpu.memory_space<vmem>> -> memref<1x68x1024xf32, #tpu.memory_space<vmem>>
      %dma_wait3A_615 = tpu.memref_squeeze %dma_wait3A_614 : memref<1x68x1024xf32, #tpu.memory_space<vmem>> -> memref<68x1024xf32, #tpu.memory_space<vmem>>
      %dma_wait3A_616 = arith.constant 0 : i32
      %dma_wait3A_617 = tpu.memref_slice %arg7[%dma_wait3A_616] : memref<80xi32, #tpu.memory_space<vmem>> -> memref<68xi32, #tpu.memory_space<vmem>>
      %dma_wait3A_618 = arith.constant 0 : i32
      %dma_wait3A_619 = arith.constant 0 : i32
      %dma_wait3A_620 = tpu.memref_slice %arg3[%dma_wait3A_618, %dma_wait3A_619] : memref<8194x1024xf32, #tpu.memory_space<hbm>> -> memref<8194x1024xf32, #tpu.memory_space<hbm>>
      tpu.wait_indirect_dma semaphore(%arg13 : memref<!tpu.dma_semaphore, #tpu.memory_space<semaphore_mem>>) src(%dma_wait3A_620 : memref<8194x1024xf32, #tpu.memory_space<hbm>>) dst(%dma_wait3A_615 : memref<68x1024xf32, #tpu.memory_space<vmem>>)
      %gt3A_621 = arith.constant 0 : i32
      %gt3A_622 = arith.cmpi sgt, %sub3A_474, %gt3A_621 : i32
      %convert_element_type3A_623 = arith.extui %gt3A_622 : i1 to i32
      %cond3A_624 = arith.constant 0 : i32
      %cond3A_625 = arith.cmpi ne, %convert_element_type3A_623, %cond3A_624 : i32
      scf.if %cond3A_625 {
        %sub3A_631 = arith.subi %add3A_600, %sub3A_474 : i32
        %add3A_632 = arith.constant 0 : i32
        %add3A_633 = arith.addi %sub3A_631, %add3A_632 : i32
        %add3A_634 = vector.broadcast %add3A_633 : i32 to vector<16xi32>
        %add3A_635 = arith.addi %add3A_634, %iota3A : vector<16xi32>
        %swap3A_636 = arith.constant 0 : i32
        %swap3A_637 = arith.index_cast %swap3A_636 : i32 to index
        %swap3A_638 = arith.constant 0 : index
        %swap3A_639 = tpu.vector_load %arg8[%swap3A_637, %swap3A_638] {strides = array<i32>} : memref<1x68xi32, #tpu.memory_space<vmem>>, vector<16xi32>,
        tpu.vector_store %arg8[%swap3A_637, %swap3A_638], %add3A_635 {strides = array<i32>} : memref<1x68xi32, #tpu.memory_space<vmem>>, vector<16xi32>,
        %add3A_640 = arith.constant 16 : i32
        %add3A_641 = arith.addi %sub3A_631, %add3A_640 : i32
        %add3A_642 = vector.broadcast %add3A_641 : i32 to vector<16xi32>
        %add3A_643 = arith.addi %add3A_642, %iota3A : vector<16xi32>
        %swap3A_644 = arith.constant 0 : i32
        %swap3A_645 = arith.index_cast %swap3A_644 : i32 to index
        %swap3A_646 = arith.constant 16 : index
        %swap3A_647 = tpu.vector_load %arg8[%swap3A_645, %swap3A_646] {strides = array<i32>} : memref<1x68xi32, #tpu.memory_space<vmem>>, vector<16xi32>,
        tpu.vector_store %arg8[%swap3A_645, %swap3A_646], %add3A_643 {strides = array<i32>} : memref<1x68xi32, #tpu.memory_space<vmem>>, vector<16xi32>,
        %add3A_648 = arith.constant 32 : i32
        %add3A_649 = arith.addi %sub3A_631, %add3A_648 : i32
        %add3A_650 = vector.broadcast %add3A_649 : i32 to vector<16xi32>
        %add3A_651 = arith.addi %add3A_650, %iota3A : vector<16xi32>
        %swap3A_652 = arith.constant 0 : i32
        %swap3A_653 = arith.index_cast %swap3A_652 : i32 to index
        %swap3A_654 = arith.constant 32 : index
        %swap3A_655 = tpu.vector_load %arg8[%swap3A_653, %swap3A_654] {strides = array<i32>} : memref<1x68xi32, #tpu.memory_space<vmem>>, vector<16xi32>,
        tpu.vector_store %arg8[%swap3A_653, %swap3A_654], %add3A_651 {strides = array<i32>} : memref<1x68xi32, #tpu.memory_space<vmem>>, vector<16xi32>,
        %add3A_656 = arith.constant 48 : i32
        %add3A_657 = arith.addi %sub3A_631, %add3A_656 : i32
        %add3A_658 = vector.broadcast %add3A_657 : i32 to vector<16xi32>
        %add3A_659 = arith.addi %add3A_658, %iota3A : vector<16xi32>
        %swap3A_660 = arith.constant 0 : i32
        %swap3A_661 = arith.index_cast %swap3A_660 : i32 to index
        %swap3A_662 = arith.constant 48 : index
        %swap3A_663 = tpu.vector_load %arg8[%swap3A_661, %swap3A_662] {strides = array<i32>} : memref<1x68xi32, #tpu.memory_space<vmem>>, vector<16xi32>,
        tpu.vector_store %arg8[%swap3A_661, %swap3A_662], %add3A_659 {strides = array<i32>} : memref<1x68xi32, #tpu.memory_space<vmem>>, vector<16xi32>,
        %add3A_664 = arith.constant 68 : i32
        %add3A_665 = arith.addi %sub3A_631, %add3A_664 : i32
        %sub3A_666 = arith.constant 16 : i32
        %sub3A_667 = arith.subi %add3A_665, %sub3A_666 : i32
        %add3A_668 = vector.broadcast %sub3A_667 : i32 to vector<16xi32>
        %add3A_669 = arith.addi %add3A_668, %iota3A : vector<16xi32>
        %swap3A_670 = arith.constant 0 : i32
        %swap3A_671 = arith.index_cast %swap3A_670 : i32 to index
        %swap3A_672 = arith.constant 52 : index
        %swap3A_673 = tpu.vector_load %arg8[%swap3A_671, %swap3A_672] {strides = array<i32>} : memref<1x68xi32, #tpu.memory_space<vmem>>, vector<16xi32>,
        tpu.vector_store %arg8[%swap3A_671, %swap3A_672], %add3A_669 {strides = array<i32>} : memref<1x68xi32, #tpu.memory_space<vmem>>, vector<16xi32>,
        %dma_start3A = arith.constant 0 : i32
        %dma_start3A_674 = arith.constant 0 : i32
        %dma_start3A_675 = arith.constant 0 : i32
        %dma_start3A_676 = arith.constant 0 : i32
        %dma_start3A_677 = tpu.memref_slice %arg11[%dma_start3A, %dma_start3A_675, %dma_start3A_676] : memref<1x68x1024xf32, #tpu.memory_space<vmem>> -> memref<1x68x1024xf32, #tpu.memory_space<vmem>>
        %dma_start3A_678 = tpu.memref_squeeze %dma_start3A_677 : memref<1x68x1024xf32, #tpu.memory_space<vmem>> -> memref<68x1024xf32, #tpu.memory_space<vmem>>
        %dma_start3A_679 = arith.constant 0 : i32
        %dma_start3A_680 = tpu.memref_slice %arg8[%dma_start3A_674, %dma_start3A_679] : memref<1x68xi32, #tpu.memory_space<vmem>> -> memref<1x68xi32, #tpu.memory_space<vmem>>
        %dma_start3A_681 = tpu.memref_squeeze %dma_start3A_680 : memref<1x68xi32, #tpu.memory_space<vmem>> -> memref<68xi32, #tpu.memory_space<vmem>>
        %dma_start3A_682 = arith.constant 0 : i32
        %dma_start3A_683 = arith.constant 0 : i32
        %dma_start3A_684 = tpu.memref_slice %arg4[%dma_start3A_682, %dma_start3A_683] : memref<32768x1024xf32, #tpu.memory_space<hbm>> -> memref<32768x1024xf32, #tpu.memory_space<hbm>>
        tpu.enqueue_indirect_dma source(%dma_start3A_678 : memref<68x1024xf32, #tpu.memory_space<vmem>>) target(%dma_start3A_684 : memref<32768x1024xf32, #tpu.memory_space<hbm>>) offsets(%dma_start3A_681 : memref<68xi32, #tpu.memory_space<vmem>>) semaphore(%arg14 : memref<!tpu.dma_semaphore, #tpu.memory_space<semaphore_mem>>)
        %dma_start3A_685 = arith.constant 0 : i32
        %dma_start3A_686 = arith.constant 0 : i32
        %dma_start3A_687 = arith.constant 0 : i32
        %dma_start3A_688 = tpu.memref_slice %arg11[%dma_start3A_685, %dma_start3A_686, %dma_start3A_687] : memref<1x68x1024xf32, #tpu.memory_space<vmem>> -> memref<1x64x1024xf32, #tpu.memory_space<vmem>>
        %dma_start3A_689 = tpu.memref_squeeze %dma_start3A_688 : memref<1x64x1024xf32, #tpu.memory_space<vmem>> -> memref<64x1024xf32, #tpu.memory_space<vmem>>
        %dma_start3A_690 = arith.constant 0 : i32
        %dma_start3A_691 = tpu.memref_slice %arg4[%add3A_602, %dma_start3A_690] : memref<32768x1024xf32, #tpu.memory_space<hbm>> -> memref<64x1024xf32, #tpu.memory_space<hbm>>
        %dma_start3A_692 = arith.constant 0 : i32
        %dma_start3A_693 = tpu.memref_slice %arg4[%add3A_602, %dma_start3A_692] : memref<32768x1024xf32, #tpu.memory_space<hbm>> -> memref<64x1024xf32, #tpu.memory_space<hbm>>
        %dma_start3A_694 = arith.constant 0 : i32
        %dma_start3A_695 = arith.constant 0 : i32
        %dma_start3A_696 = tpu.memref_slice %arg11[%dma_start3A_685, %dma_start3A_694, %dma_start3A_695] : memref<1x68x1024xf32, #tpu.memory_space<vmem>> -> memref<1x64x1024xf32, #tpu.memory_space<vmem>>
        %dma_start3A_697 = tpu.memref_squeeze %dma_start3A_696 : memref<1x64x1024xf32, #tpu.memory_space<vmem>> -> memref<64x1024xf32, #tpu.memory_space<vmem>>
        tpu.enqueue_dma source(%dma_start3A_697 : memref<64x1024xf32, #tpu.memory_space<vmem>>) target(%dma_start3A_693 : memref<64x1024xf32, #tpu.memory_space<hbm>>) target_semaphore(%arg15 : memref<!tpu.dma_semaphore, #tpu.memory_space<semaphore_mem>>)
        %dma_wait3A_698 = arith.constant 0 : i32
        %dma_wait3A_699 = arith.constant 0 : i32
        %dma_wait3A_700 = arith.constant 0 : i32
        %dma_wait3A_701 = arith.constant 0 : i32
        %dma_wait3A_702 = tpu.memref_slice %arg11[%dma_wait3A_698, %dma_wait3A_700, %dma_wait3A_701] : memref<1x68x1024xf32, #tpu.memory_space<vmem>> -> memref<1x68x1024xf32, #tpu.memory_space<vmem>>
        %dma_wait3A_703 = tpu.memref_squeeze %dma_wait3A_702 : memref<1x68x1024xf32, #tpu.memory_space<vmem>> -> memref<68x1024xf32, #tpu.memory_space<vmem>>
        %dma_wait3A_704 = arith.constant 0 : i32
        %dma_wait3A_705 = tpu.memref_slice %arg8[%dma_wait3A_699, %dma_wait3A_704] : memref<1x68xi32, #tpu.memory_space<vmem>> -> memref<1x68xi32, #tpu.memory_space<vmem>>
        %dma_wait3A_706 = tpu.memref_squeeze %dma_wait3A_705 : memref<1x68xi32, #tpu.memory_space<vmem>> -> memref<68xi32, #tpu.memory_space<vmem>>
        %dma_wait3A_707 = arith.constant 0 : i32
        %dma_wait3A_708 = arith.constant 0 : i32
        %dma_wait3A_709 = tpu.memref_slice %arg4[%dma_wait3A_707, %dma_wait3A_708] : memref<32768x1024xf32, #tpu.memory_space<hbm>> -> memref<32768x1024xf32, #tpu.memory_space<hbm>>
        tpu.wait_indirect_dma semaphore(%arg14 : memref<!tpu.dma_semaphore, #tpu.memory_space<semaphore_mem>>) src(%dma_wait3A_703 : memref<68x1024xf32, #tpu.memory_space<vmem>>) dst(%dma_wait3A_709 : memref<32768x1024xf32, #tpu.memory_space<hbm>>)
        %dma_wait3A_710 = arith.constant 0 : i32
        %dma_wait3A_711 = arith.constant 0 : i32
        %dma_wait3A_712 = arith.constant 0 : i32
        %dma_wait3A_713 = tpu.memref_slice %arg11[%dma_wait3A_710, %dma_wait3A_711, %dma_wait3A_712] : memref<1x68x1024xf32, #tpu.memory_space<vmem>> -> memref<1x64x1024xf32, #tpu.memory_space<vmem>>
        %dma_wait3A_714 = tpu.memref_squeeze %dma_wait3A_713 : memref<1x64x1024xf32, #tpu.memory_space<vmem>> -> memref<64x1024xf32, #tpu.memory_space<vmem>>
        %dma_wait3A_715 = arith.constant 0 : i32
        %dma_wait3A_716 = arith.constant 0 : i32
        %dma_wait3A_717 = tpu.memref_slice %arg4[%dma_wait3A_715, %dma_wait3A_716] : memref<32768x1024xf32, #tpu.memory_space<hbm>> -> memref<64x1024xf32, #tpu.memory_space<hbm>>
        %dma_wait3A_718 = arith.constant 0 : i32
        %dma_wait3A_719 = arith.constant 0 : i32
        %dma_wait3A_720 = tpu.memref_slice %arg4[%dma_wait3A_718, %dma_wait3A_719] : memref<32768x1024xf32, #tpu.memory_space<hbm>> -> memref<64x1024xf32, #tpu.memory_space<hbm>>
        %dma_wait3A_721 = arith.constant 0 : i32
        %dma_wait3A_722 = arith.constant 0 : i32
        %dma_wait3A_723 = tpu.memref_slice %arg11[%dma_wait3A_710, %dma_wait3A_721, %dma_wait3A_722] : memref<1x68x1024xf32, #tpu.memory_space<vmem>> -> memref<1x64x1024xf32, #tpu.memory_space<vmem>>
        %dma_wait3A_724 = tpu.memref_squeeze %dma_wait3A_723 : memref<1x64x1024xf32, #tpu.memory_space<vmem>> -> memref<64x1024xf32, #tpu.memory_space<vmem>>
        tpu.wait_dma2 semaphore(%arg15 : memref<!tpu.dma_semaphore, #tpu.memory_space<semaphore_mem>>) src(%dma_wait3A_724 : memref<64x1024xf32, #tpu.memory_space<vmem>>) dst(%dma_wait3A_720 : memref<64x1024xf32, #tpu.memory_space<hbm>>)
      } else {
      }
      %eq3A_626 = arith.constant 0 : i32
      %eq3A_627 = arith.cmpi eq, %sub3A_474, %eq3A_626 : i32
      %convert_element_type3A_628 = arith.extui %eq3A_627 : i1 to i32
      %cond3A_629 = arith.constant 0 : i32
      %cond3A_630 = arith.cmpi ne, %convert_element_type3A_628, %cond3A_629 : i32
      scf.if %cond3A_630 {
        %dma_start3A = arith.constant 0 : i32
        %dma_start3A_631 = arith.constant 0 : i32
        %dma_start3A_632 = arith.constant 0 : i32
        %dma_start3A_633 = tpu.memref_slice %arg11[%dma_start3A, %dma_start3A_631, %dma_start3A_632] : memref<1x68x1024xf32, #tpu.memory_space<vmem>> -> memref<1x64x1024xf32, #tpu.memory_space<vmem>>
        %dma_start3A_634 = tpu.memref_squeeze %dma_start3A_633 : memref<1x64x1024xf32, #tpu.memory_space<vmem>> -> memref<64x1024xf32, #tpu.memory_space<vmem>>
        %dma_start3A_635 = arith.constant 0 : i32
        %dma_start3A_636 = tpu.memref_slice %arg4[%add3A_600, %dma_start3A_635] : memref<32768x1024xf32, #tpu.memory_space<hbm>> -> memref<64x1024xf32, #tpu.memory_space<hbm>>
        %dma_start3A_637 = arith.constant 0 : i32
        %dma_start3A_638 = tpu.memref_slice %arg4[%add3A_600, %dma_start3A_637] : memref<32768x1024xf32, #tpu.memory_space<hbm>> -> memref<64x1024xf32, #tpu.memory_space<hbm>>
        %dma_start3A_639 = arith.constant 0 : i32
        %dma_start3A_640 = arith.constant 0 : i32
        %dma_start3A_641 = tpu.memref_slice %arg11[%dma_start3A, %dma_start3A_639, %dma_start3A_640] : memref<1x68x1024xf32, #tpu.memory_space<vmem>> -> memref<1x64x1024xf32, #tpu.memory_space<vmem>>
        %dma_start3A_642 = tpu.memref_squeeze %dma_start3A_641 : memref<1x64x1024xf32, #tpu.memory_space<vmem>> -> memref<64x1024xf32, #tpu.memory_space<vmem>>
        tpu.enqueue_dma source(%dma_start3A_642 : memref<64x1024xf32, #tpu.memory_space<vmem>>) target(%dma_start3A_638 : memref<64x1024xf32, #tpu.memory_space<hbm>>) target_semaphore(%arg14 : memref<!tpu.dma_semaphore, #tpu.memory_space<semaphore_mem>>)
        %sub3A_643 = arith.subi %add3A_602, %sub3A_475 : i32
        %add3A_644 = arith.constant 0 : i32
        %add3A_645 = arith.addi %sub3A_643, %add3A_644 : i32
        %add3A_646 = vector.broadcast %add3A_645 : i32 to vector<16xi32>
        %add3A_647 = arith.addi %add3A_646, %iota3A : vector<16xi32>
        %swap3A_648 = arith.constant 0 : i32
        %swap3A_649 = arith.index_cast %swap3A_648 : i32 to index
        %swap3A_650 = arith.constant 0 : index
        %swap3A_651 = tpu.vector_load %arg8[%swap3A_649, %swap3A_650] {strides = array<i32>} : memref<1x68xi32, #tpu.memory_space<vmem>>, vector<16xi32>,
        tpu.vector_store %arg8[%swap3A_649, %swap3A_650], %add3A_647 {strides = array<i32>} : memref<1x68xi32, #tpu.memory_space<vmem>>, vector<16xi32>,
        %add3A_652 = arith.constant 16 : i32
        %add3A_653 = arith.addi %sub3A_643, %add3A_652 : i32
        %add3A_654 = vector.broadcast %add3A_653 : i32 to vector<16xi32>
        %add3A_655 = arith.addi %add3A_654, %iota3A : vector<16xi32>
        %swap3A_656 = arith.constant 0 : i32
        %swap3A_657 = arith.index_cast %swap3A_656 : i32 to index
        %swap3A_658 = arith.constant 16 : index
        %swap3A_659 = tpu.vector_load %arg8[%swap3A_657, %swap3A_658] {strides = array<i32>} : memref<1x68xi32, #tpu.memory_space<vmem>>, vector<16xi32>,
        tpu.vector_store %arg8[%swap3A_657, %swap3A_658], %add3A_655 {strides = array<i32>} : memref<1x68xi32, #tpu.memory_space<vmem>>, vector<16xi32>,
        %add3A_660 = arith.constant 32 : i32
        %add3A_661 = arith.addi %sub3A_643, %add3A_660 : i32
        %add3A_662 = vector.broadcast %add3A_661 : i32 to vector<16xi32>
        %add3A_663 = arith.addi %add3A_662, %iota3A : vector<16xi32>
        %swap3A_664 = arith.constant 0 : i32
        %swap3A_665 = arith.index_cast %swap3A_664 : i32 to index
        %swap3A_666 = arith.constant 32 : index
        %swap3A_667 = tpu.vector_load %arg8[%swap3A_665, %swap3A_666] {strides = array<i32>} : memref<1x68xi32, #tpu.memory_space<vmem>>, vector<16xi32>,
        tpu.vector_store %arg8[%swap3A_665, %swap3A_666], %add3A_663 {strides = array<i32>} : memref<1x68xi32, #tpu.memory_space<vmem>>, vector<16xi32>,
        %add3A_668 = arith.constant 48 : i32
        %add3A_669 = arith.addi %sub3A_643, %add3A_668 : i32
        %add3A_670 = vector.broadcast %add3A_669 : i32 to vector<16xi32>
        %add3A_671 = arith.addi %add3A_670, %iota3A : vector<16xi32>
        %swap3A_672 = arith.constant 0 : i32
        %swap3A_673 = arith.index_cast %swap3A_672 : i32 to index
        %swap3A_674 = arith.constant 48 : index
        %swap3A_675 = tpu.vector_load %arg8[%swap3A_673, %swap3A_674] {strides = array<i32>} : memref<1x68xi32, #tpu.memory_space<vmem>>, vector<16xi32>,
        tpu.vector_store %arg8[%swap3A_673, %swap3A_674], %add3A_671 {strides = array<i32>} : memref<1x68xi32, #tpu.memory_space<vmem>>, vector<16xi32>,
        %add3A_676 = arith.constant 68 : i32
        %add3A_677 = arith.addi %sub3A_643, %add3A_676 : i32
        %sub3A_678 = arith.constant 16 : i32
        %sub3A_679 = arith.subi %add3A_677, %sub3A_678 : i32
        %add3A_680 = vector.broadcast %sub3A_679 : i32 to vector<16xi32>
        %add3A_681 = arith.addi %add3A_680, %iota3A : vector<16xi32>
        %swap3A_682 = arith.constant 0 : i32
        %swap3A_683 = arith.index_cast %swap3A_682 : i32 to index
        %swap3A_684 = arith.constant 52 : index
        %swap3A_685 = tpu.vector_load %arg8[%swap3A_683, %swap3A_684] {strides = array<i32>} : memref<1x68xi32, #tpu.memory_space<vmem>>, vector<16xi32>,
        tpu.vector_store %arg8[%swap3A_683, %swap3A_684], %add3A_681 {strides = array<i32>} : memref<1x68xi32, #tpu.memory_space<vmem>>, vector<16xi32>,
        %dma_start3A_686 = arith.constant 0 : i32
        %dma_start3A_687 = arith.constant 0 : i32
        %dma_start3A_688 = arith.constant 0 : i32
        %dma_start3A_689 = arith.constant 0 : i32
        %dma_start3A_690 = tpu.memref_slice %arg11[%dma_start3A_686, %dma_start3A_688, %dma_start3A_689] : memref<1x68x1024xf32, #tpu.memory_space<vmem>> -> memref<1x68x1024xf32, #tpu.memory_space<vmem>>
        %dma_start3A_691 = tpu.memref_squeeze %dma_start3A_690 : memref<1x68x1024xf32, #tpu.memory_space<vmem>> -> memref<68x1024xf32, #tpu.memory_space<vmem>>
        %dma_start3A_692 = arith.constant 0 : i32
        %dma_start3A_693 = tpu.memref_slice %arg8[%dma_start3A_687, %dma_start3A_692] : memref<1x68xi32, #tpu.memory_space<vmem>> -> memref<1x68xi32, #tpu.memory_space<vmem>>
        %dma_start3A_694 = tpu.memref_squeeze %dma_start3A_693 : memref<1x68xi32, #tpu.memory_space<vmem>> -> memref<68xi32, #tpu.memory_space<vmem>>
        %dma_start3A_695 = arith.constant 0 : i32
        %dma_start3A_696 = arith.constant 0 : i32
        %dma_start3A_697 = tpu.memref_slice %arg4[%dma_start3A_695, %dma_start3A_696] : memref<32768x1024xf32, #tpu.memory_space<hbm>> -> memref<32768x1024xf32, #tpu.memory_space<hbm>>
        tpu.enqueue_indirect_dma source(%dma_start3A_691 : memref<68x1024xf32, #tpu.memory_space<vmem>>) target(%dma_start3A_697 : memref<32768x1024xf32, #tpu.memory_space<hbm>>) offsets(%dma_start3A_694 : memref<68xi32, #tpu.memory_space<vmem>>) semaphore(%arg15 : memref<!tpu.dma_semaphore, #tpu.memory_space<semaphore_mem>>)
        %dma_wait3A_698 = arith.constant 0 : i32
        %dma_wait3A_699 = arith.constant 0 : i32
        %dma_wait3A_700 = arith.constant 0 : i32
        %dma_wait3A_701 = tpu.memref_slice %arg11[%dma_wait3A_698, %dma_wait3A_699, %dma_wait3A_700] : memref<1x68x1024xf32, #tpu.memory_space<vmem>> -> memref<1x64x1024xf32, #tpu.memory_space<vmem>>
        %dma_wait3A_702 = tpu.memref_squeeze %dma_wait3A_701 : memref<1x64x1024xf32, #tpu.memory_space<vmem>> -> memref<64x1024xf32, #tpu.memory_space<vmem>>
        %dma_wait3A_703 = arith.constant 0 : i32
        %dma_wait3A_704 = arith.constant 0 : i32
        %dma_wait3A_705 = tpu.memref_slice %arg4[%dma_wait3A_703, %dma_wait3A_704] : memref<32768x1024xf32, #tpu.memory_space<hbm>> -> memref<64x1024xf32, #tpu.memory_space<hbm>>
        %dma_wait3A_706 = arith.constant 0 : i32
        %dma_wait3A_707 = arith.constant 0 : i32
        %dma_wait3A_708 = tpu.memref_slice %arg4[%dma_wait3A_706, %dma_wait3A_707] : memref<32768x1024xf32, #tpu.memory_space<hbm>> -> memref<64x1024xf32, #tpu.memory_space<hbm>>
        %dma_wait3A_709 = arith.constant 0 : i32
        %dma_wait3A_710 = arith.constant 0 : i32
        %dma_wait3A_711 = tpu.memref_slice %arg11[%dma_wait3A_698, %dma_wait3A_709, %dma_wait3A_710] : memref<1x68x1024xf32, #tpu.memory_space<vmem>> -> memref<1x64x1024xf32, #tpu.memory_space<vmem>>
        %dma_wait3A_712 = tpu.memref_squeeze %dma_wait3A_711 : memref<1x64x1024xf32, #tpu.memory_space<vmem>> -> memref<64x1024xf32, #tpu.memory_space<vmem>>
        tpu.wait_dma2 semaphore(%arg14 : memref<!tpu.dma_semaphore, #tpu.memory_space<semaphore_mem>>) src(%dma_wait3A_712 : memref<64x1024xf32, #tpu.memory_space<vmem>>) dst(%dma_wait3A_708 : memref<64x1024xf32, #tpu.memory_space<hbm>>)
        %dma_wait3A_713 = arith.constant 0 : i32
        %dma_wait3A_714 = arith.constant 0 : i32
        %dma_wait3A_715 = arith.constant 0 : i32
        %dma_wait3A_716 = arith.constant 0 : i32
        %dma_wait3A_717 = tpu.memref_slice %arg11[%dma_wait3A_713, %dma_wait3A_715, %dma_wait3A_716] : memref<1x68x1024xf32, #tpu.memory_space<vmem>> -> memref<1x68x1024xf32, #tpu.memory_space<vmem>>
        %dma_wait3A_718 = tpu.memref_squeeze %dma_wait3A_717 : memref<1x68x1024xf32, #tpu.memory_space<vmem>> -> memref<68x1024xf32, #tpu.memory_space<vmem>>
        %dma_wait3A_719 = arith.constant 0 : i32
        %dma_wait3A_720 = tpu.memref_slice %arg8[%dma_wait3A_714, %dma_wait3A_719] : memref<1x68xi32, #tpu.memory_space<vmem>> -> memref<1x68xi32, #tpu.memory_space<vmem>>
        %dma_wait3A_721 = tpu.memref_squeeze %dma_wait3A_720 : memref<1x68xi32, #tpu.memory_space<vmem>> -> memref<68xi32, #tpu.memory_space<vmem>>
        %dma_wait3A_722 = arith.constant 0 : i32
        %dma_wait3A_723 = arith.constant 0 : i32
        %dma_wait3A_724 = tpu.memref_slice %arg4[%dma_wait3A_722, %dma_wait3A_723] : memref<32768x1024xf32, #tpu.memory_space<hbm>> -> memref<32768x1024xf32, #tpu.memory_space<hbm>>
        tpu.wait_indirect_dma semaphore(%arg15 : memref<!tpu.dma_semaphore, #tpu.memory_space<semaphore_mem>>) src(%dma_wait3A_718 : memref<68x1024xf32, #tpu.memory_space<vmem>>) dst(%dma_wait3A_724 : memref<32768x1024xf32, #tpu.memory_space<hbm>>)
      } else {
      }
    } else {
    }
    %convert_element_type3A_609 = arith.extui %not3A_598 : i1 to i32
    %cond3A_610 = arith.constant 0 : i32
    %cond3A_611 = arith.cmpi ne, %convert_element_type3A_609, %cond3A_610 : i32
    scf.if %cond3A_611 {
      %dma_start3A = arith.constant 0 : i32
      %dma_start3A_612 = arith.constant 0 : i32
      %dma_start3A_613 = arith.constant 0 : i32
      %dma_start3A_614 = tpu.memref_slice %arg11[%dma_start3A, %dma_start3A_612, %dma_start3A_613] : memref<1x68x1024xf32, #tpu.memory_space<vmem>> -> memref<1x64x1024xf32, #tpu.memory_space<vmem>>
      %dma_start3A_615 = tpu.memref_squeeze %dma_start3A_614 : memref<1x64x1024xf32, #tpu.memory_space<vmem>> -> memref<64x1024xf32, #tpu.memory_space<vmem>>
      %dma_start3A_616 = arith.constant 448 : i32
      %dma_start3A_617 = tpu.memref_slice %arg5[%dma_start3A_616] : memref<512xi32, #tpu.memory_space<vmem>> -> memref<64xi32, #tpu.memory_space<vmem>>
      %dma_start3A_618 = arith.constant 0 : i32
      %dma_start3A_619 = arith.constant 0 : i32
      %dma_start3A_620 = tpu.memref_slice %arg3[%dma_start3A_618, %dma_start3A_619] : memref<8194x1024xf32, #tpu.memory_space<hbm>> -> memref<8194x1024xf32, #tpu.memory_space<hbm>>
      tpu.enqueue_indirect_dma source(%dma_start3A_620 : memref<8194x1024xf32, #tpu.memory_space<hbm>>) target(%dma_start3A_615 : memref<64x1024xf32, #tpu.memory_space<vmem>>) offsets(%dma_start3A_617 : memref<64xi32, #tpu.memory_space<vmem>>) semaphore(%arg13 : memref<!tpu.dma_semaphore, #tpu.memory_space<semaphore_mem>>)
      %dma_wait3A = arith.constant 0 : i32
      %dma_wait3A_621 = arith.constant 0 : i32
      %dma_wait3A_622 = arith.constant 0 : i32
      %dma_wait3A_623 = tpu.memref_slice %arg11[%dma_wait3A, %dma_wait3A_621, %dma_wait3A_622] : memref<1x68x1024xf32, #tpu.memory_space<vmem>> -> memref<1x64x1024xf32, #tpu.memory_space<vmem>>
      %dma_wait3A_624 = tpu.memref_squeeze %dma_wait3A_623 : memref<1x64x1024xf32, #tpu.memory_space<vmem>> -> memref<64x1024xf32, #tpu.memory_space<vmem>>
      %dma_wait3A_625 = arith.constant 0 : i32
      %dma_wait3A_626 = tpu.memref_slice %arg5[%dma_wait3A_625] : memref<512xi32, #tpu.memory_space<vmem>> -> memref<64xi32, #tpu.memory_space<vmem>>
      %dma_wait3A_627 = arith.constant 0 : i32
      %dma_wait3A_628 = arith.constant 0 : i32
      %dma_wait3A_629 = tpu.memref_slice %arg3[%dma_wait3A_627, %dma_wait3A_628] : memref<8194x1024xf32, #tpu.memory_space<hbm>> -> memref<8194x1024xf32, #tpu.memory_space<hbm>>
      tpu.wait_indirect_dma semaphore(%arg13 : memref<!tpu.dma_semaphore, #tpu.memory_space<semaphore_mem>>) src(%dma_wait3A_629 : memref<8194x1024xf32, #tpu.memory_space<hbm>>) dst(%dma_wait3A_624 : memref<64x1024xf32, #tpu.memory_space<vmem>>)
      %dma_start3A_630 = arith.constant 0 : i32
      %dma_start3A_631 = arith.constant 0 : i32
      %dma_start3A_632 = arith.constant 0 : i32
      %dma_start3A_633 = tpu.memref_slice %arg11[%dma_start3A_630, %dma_start3A_631, %dma_start3A_632] : memref<1x68x1024xf32, #tpu.memory_space<vmem>> -> memref<1x64x1024xf32, #tpu.memory_space<vmem>>
      %dma_start3A_634 = tpu.memref_squeeze %dma_start3A_633 : memref<1x64x1024xf32, #tpu.memory_space<vmem>> -> memref<64x1024xf32, #tpu.memory_space<vmem>>
      %dma_start3A_635 = arith.constant 0 : i32
      %dma_start3A_636 = tpu.memref_slice %arg4[%add3A_600, %dma_start3A_635] : memref<32768x1024xf32, #tpu.memory_space<hbm>> -> memref<64x1024xf32, #tpu.memory_space<hbm>>
      %dma_start3A_637 = arith.constant 0 : i32
      %dma_start3A_638 = tpu.memref_slice %arg4[%add3A_600, %dma_start3A_637] : memref<32768x1024xf32, #tpu.memory_space<hbm>> -> memref<64x1024xf32, #tpu.memory_space<hbm>>
      %dma_start3A_639 = arith.constant 0 : i32
      %dma_start3A_640 = arith.constant 0 : i32
      %dma_start3A_641 = tpu.memref_slice %arg11[%dma_start3A_630, %dma_start3A_639, %dma_start3A_640] : memref<1x68x1024xf32, #tpu.memory_space<vmem>> -> memref<1x64x1024xf32, #tpu.memory_space<vmem>>
      %dma_start3A_642 = tpu.memref_squeeze %dma_start3A_641 : memref<1x64x1024xf32, #tpu.memory_space<vmem>> -> memref<64x1024xf32, #tpu.memory_space<vmem>>
      tpu.enqueue_dma source(%dma_start3A_642 : memref<64x1024xf32, #tpu.memory_space<vmem>>) target(%dma_start3A_638 : memref<64x1024xf32, #tpu.memory_space<hbm>>) target_semaphore(%arg14 : memref<!tpu.dma_semaphore, #tpu.memory_space<semaphore_mem>>)
      %dma_wait3A_643 = arith.constant 0 : i32
      %dma_wait3A_644 = arith.constant 0 : i32
      %dma_wait3A_645 = arith.constant 0 : i32
      %dma_wait3A_646 = tpu.memref_slice %arg11[%dma_wait3A_643, %dma_wait3A_644, %dma_wait3A_645] : memref<1x68x1024xf32, #tpu.memory_space<vmem>> -> memref<1x64x1024xf32, #tpu.memory_space<vmem>>
      %dma_wait3A_647 = tpu.memref_squeeze %dma_wait3A_646 : memref<1x64x1024xf32, #tpu.memory_space<vmem>> -> memref<64x1024xf32, #tpu.memory_space<vmem>>
      %dma_wait3A_648 = arith.constant 0 : i32
      %dma_wait3A_649 = arith.constant 0 : i32
      %dma_wait3A_650 = tpu.memref_slice %arg4[%dma_wait3A_648, %dma_wait3A_649] : memref<32768x1024xf32, #tpu.memory_space<hbm>> -> memref<64x1024xf32, #tpu.memory_space<hbm>>
      %dma_wait3A_651 = arith.constant 0 : i32
      %dma_wait3A_652 = arith.constant 0 : i32
      %dma_wait3A_653 = tpu.memref_slice %arg4[%dma_wait3A_651, %dma_wait3A_652] : memref<32768x1024xf32, #tpu.memory_space<hbm>> -> memref<64x1024xf32, #tpu.memory_space<hbm>>
      %dma_wait3A_654 = arith.constant 0 : i32
      %dma_wait3A_655 = arith.constant 0 : i32
      %dma_wait3A_656 = tpu.memref_slice %arg11[%dma_wait3A_643, %dma_wait3A_654, %dma_wait3A_655] : memref<1x68x1024xf32, #tpu.memory_space<vmem>> -> memref<1x64x1024xf32, #tpu.memory_space<vmem>>
      %dma_wait3A_657 = tpu.memref_squeeze %dma_wait3A_656 : memref<1x64x1024xf32, #tpu.memory_space<vmem>> -> memref<64x1024xf32, #tpu.memory_space<vmem>>
      tpu.wait_dma2 semaphore(%arg14 : memref<!tpu.dma_semaphore, #tpu.memory_space<semaphore_mem>>) src(%dma_wait3A_657 : memref<64x1024xf32, #tpu.memory_space<vmem>>) dst(%dma_wait3A_653 : memref<64x1024xf32, #tpu.memory_space<hbm>>)
      %dma_start3A_658 = arith.constant 0 : i32
      %dma_start3A_659 = arith.constant 0 : i32
      %dma_start3A_660 = arith.constant 0 : i32
      %dma_start3A_661 = tpu.memref_slice %arg11[%dma_start3A_658, %dma_start3A_659, %dma_start3A_660] : memref<1x68x1024xf32, #tpu.memory_space<vmem>> -> memref<1x64x1024xf32, #tpu.memory_space<vmem>>
      %dma_start3A_662 = tpu.memref_squeeze %dma_start3A_661 : memref<1x64x1024xf32, #tpu.memory_space<vmem>> -> memref<64x1024xf32, #tpu.memory_space<vmem>>
      %dma_start3A_663 = arith.constant 448 : i32
      %dma_start3A_664 = tpu.memref_slice %arg6[%dma_start3A_663] : memref<512xi32, #tpu.memory_space<vmem>> -> memref<64xi32, #tpu.memory_space<vmem>>
      %dma_start3A_665 = arith.constant 0 : i32
      %dma_start3A_666 = arith.constant 0 : i32
      %dma_start3A_667 = tpu.memref_slice %arg3[%dma_start3A_665, %dma_start3A_666] : memref<8194x1024xf32, #tpu.memory_space<hbm>> -> memref<8194x1024xf32, #tpu.memory_space<hbm>>
      tpu.enqueue_indirect_dma source(%dma_start3A_667 : memref<8194x1024xf32, #tpu.memory_space<hbm>>) target(%dma_start3A_662 : memref<64x1024xf32, #tpu.memory_space<vmem>>) offsets(%dma_start3A_664 : memref<64xi32, #tpu.memory_space<vmem>>) semaphore(%arg13 : memref<!tpu.dma_semaphore, #tpu.memory_space<semaphore_mem>>)
      %dma_wait3A_668 = arith.constant 0 : i32
      %dma_wait3A_669 = arith.constant 0 : i32
      %dma_wait3A_670 = arith.constant 0 : i32
      %dma_wait3A_671 = tpu.memref_slice %arg11[%dma_wait3A_668, %dma_wait3A_669, %dma_wait3A_670] : memref<1x68x1024xf32, #tpu.memory_space<vmem>> -> memref<1x64x1024xf32, #tpu.memory_space<vmem>>
      %dma_wait3A_672 = tpu.memref_squeeze %dma_wait3A_671 : memref<1x64x1024xf32, #tpu.memory_space<vmem>> -> memref<64x1024xf32, #tpu.memory_space<vmem>>
      %dma_wait3A_673 = arith.constant 0 : i32
      %dma_wait3A_674 = tpu.memref_slice %arg5[%dma_wait3A_673] : memref<512xi32, #tpu.memory_space<vmem>> -> memref<64xi32, #tpu.memory_space<vmem>>
      %dma_wait3A_675 = arith.constant 0 : i32
      %dma_wait3A_676 = arith.constant 0 : i32
      %dma_wait3A_677 = tpu.memref_slice %arg3[%dma_wait3A_675, %dma_wait3A_676] : memref<8194x1024xf32, #tpu.memory_space<hbm>> -> memref<8194x1024xf32, #tpu.memory_space<hbm>>
      tpu.wait_indirect_dma semaphore(%arg13 : memref<!tpu.dma_semaphore, #tpu.memory_space<semaphore_mem>>) src(%dma_wait3A_677 : memref<8194x1024xf32, #tpu.memory_space<hbm>>) dst(%dma_wait3A_672 : memref<64x1024xf32, #tpu.memory_space<vmem>>)
      %dma_start3A_678 = arith.constant 0 : i32
      %dma_start3A_679 = arith.constant 0 : i32
      %dma_start3A_680 = arith.constant 0 : i32
      %dma_start3A_681 = tpu.memref_slice %arg11[%dma_start3A_678, %dma_start3A_679, %dma_start3A_680] : memref<1x68x1024xf32, #tpu.memory_space<vmem>> -> memref<1x64x1024xf32, #tpu.memory_space<vmem>>
      %dma_start3A_682 = tpu.memref_squeeze %dma_start3A_681 : memref<1x64x1024xf32, #tpu.memory_space<vmem>> -> memref<64x1024xf32, #tpu.memory_space<vmem>>
      %dma_start3A_683 = arith.constant 0 : i32
      %dma_start3A_684 = tpu.memref_slice %arg4[%add3A_602, %dma_start3A_683] : memref<32768x1024xf32, #tpu.memory_space<hbm>> -> memref<64x1024xf32, #tpu.memory_space<hbm>>
      %dma_start3A_685 = arith.constant 0 : i32
      %dma_start3A_686 = tpu.memref_slice %arg4[%add3A_602, %dma_start3A_685] : memref<32768x1024xf32, #tpu.memory_space<hbm>> -> memref<64x1024xf32, #tpu.memory_space<hbm>>
      %dma_start3A_687 = arith.constant 0 : i32
      %dma_start3A_688 = arith.constant 0 : i32
      %dma_start3A_689 = tpu.memref_slice %arg11[%dma_start3A_678, %dma_start3A_687, %dma_start3A_688] : memref<1x68x1024xf32, #tpu.memory_space<vmem>> -> memref<1x64x1024xf32, #tpu.memory_space<vmem>>
      %dma_start3A_690 = tpu.memref_squeeze %dma_start3A_689 : memref<1x64x1024xf32, #tpu.memory_space<vmem>> -> memref<64x1024xf32, #tpu.memory_space<vmem>>
      tpu.enqueue_dma source(%dma_start3A_690 : memref<64x1024xf32, #tpu.memory_space<vmem>>) target(%dma_start3A_686 : memref<64x1024xf32, #tpu.memory_space<hbm>>) target_semaphore(%arg15 : memref<!tpu.dma_semaphore, #tpu.memory_space<semaphore_mem>>)
      %dma_wait3A_691 = arith.constant 0 : i32
      %dma_wait3A_692 = arith.constant 0 : i32
      %dma_wait3A_693 = arith.constant 0 : i32
      %dma_wait3A_694 = tpu.memref_slice %arg11[%dma_wait3A_691, %dma_wait3A_692, %dma_wait3A_693] : memref<1x68x1024xf32, #tpu.memory_space<vmem>> -> memref<1x64x1024xf32, #tpu.memory_space<vmem>>
      %dma_wait3A_695 = tpu.memref_squeeze %dma_wait3A_694 : memref<1x64x1024xf32, #tpu.memory_space<vmem>> -> memref<64x1024xf32, #tpu.memory_space<vmem>>
      %dma_wait3A_696 = arith.constant 0 : i32
      %dma_wait3A_697 = arith.constant 0 : i32
      %dma_wait3A_698 = tpu.memref_slice %arg4[%dma_wait3A_696, %dma_wait3A_697] : memref<32768x1024xf32, #tpu.memory_space<hbm>> -> memref<64x1024xf32, #tpu.memory_space<hbm>>
      %dma_wait3A_699 = arith.constant 0 : i32
      %dma_wait3A_700 = arith.constant 0 : i32
      %dma_wait3A_701 = tpu.memref_slice %arg4[%dma_wait3A_699, %dma_wait3A_700] : memref<32768x1024xf32, #tpu.memory_space<hbm>> -> memref<64x1024xf32, #tpu.memory_space<hbm>>
      %dma_wait3A_702 = arith.constant 0 : i32
      %dma_wait3A_703 = arith.constant 0 : i32
      %dma_wait3A_704 = tpu.memref_slice %arg11[%dma_wait3A_691, %dma_wait3A_702, %dma_wait3A_703] : memref<1x68x1024xf32, #tpu.memory_space<vmem>> -> memref<1x64x1024xf32, #tpu.memory_space<vmem>>
      %dma_wait3A_705 = tpu.memref_squeeze %dma_wait3A_704 : memref<1x64x1024xf32, #tpu.memory_space<vmem>> -> memref<64x1024xf32, #tpu.memory_space<vmem>>
      tpu.wait_dma2 semaphore(%arg15 : memref<!tpu.dma_semaphore, #tpu.memory_space<semaphore_mem>>) src(%dma_wait3A_705 : memref<64x1024xf32, #tpu.memory_space<vmem>>) dst(%dma_wait3A_701 : memref<64x1024xf32, #tpu.memory_space<hbm>>)
    } else {
    }
    return
  }
}

</mosaic_0001>

<sc_bundles>
// kernel: _sc_embed.3.cloned.1.call-start
scs
__scs_entry_jumppad:
0x0: {  	(pc) =	sbr.rel $0x88, $3  }
0x1: {  	(tag) =	ssettag $0x0;
	lr =	simm.s32 $0x1  }
0x2: {  	[smem:$0x3F9F] =	sst lr;
	_ =	strace $0xD0000000  }
0x3: {  	_ = 	snop  }
0x4: {  	_ = 	snop  }
0x5: {  	_ = 	snop  }
0x6: {  	_ = 	snop  }
0x7: {  	_ = 	snop  }
__scs_overlays_trampoline_lowered:
0x8: {  	[smem:$0x3FAE] =	sst s0  }
0x9: {  	[smem:$0x3FAF] =	sst s1  }
0xa: {  	[smem:$0x3FB0] =	sst s2  }
0xb: {  	[smem:$0x3FB1] =	sst s3  }
0xc: {  	[smem:$0x3FB2] =	sst s4  }
0xd: {  	[smem:$0x3FB3] =	sst s5  }
0xe: {  	[smem:$0x3FB4] =	sst s6  }
0xf: {  	[smem:$0x3FB5] =	sst s7  }
0x10: {  	[smem:$0x3FB6] =	sst s8  }
0x11: {  	[smem:$0x3FB7] =	sst s9;
	s0 =	simm.s32 @!p0 $0x0  }
0x12: {  	s1 =	sld [smem:$0x3F9D];
	s0 =	simm.s32 @p0 $0x1  }
0x13: {  	[smem:$0x3FB8] =	sst s0;
	s0 =	simm.s32 @!p1 $0x0  }
0x14: {  	s2 =	sld [smem:$0x3F9C];
	s0 =	simm.s32 @p1 $0x1  }
0x15: {  	[smem:$0x3FB9] =	sst s0;
	s0 =	simm.s32 @!p2 $0x0  }
0x16: {  	s3 =	sld [smem:$0x3FDB];
	s0 =	simm.s32 @p2 $0x1  }
0x17: {  	s4 =	simm.s32 $0x1BF5;
	[smem:$0x3FBB] =	sst s0  }
0x18: {  	s0 =	sld [smem:$0x3F9E];
	_ =	swait.ge [sflag:s4], $0x0  }
0x19: {  	s7 =	sld [smem:$0x3F9F]  }
0x1a: {  	s8 =	sadd.s32 $0xFFFFE003, lr  }
0x1b: {  	s9 =	sadd.s32 $0xFFFFFEF7, lr;
	s5 =	simm.s32 $0xFFFFFFFF;
	p2 =	slt.u32 s8, $0xFFFFF086  }
0x1c: {  	p1 =	slt.u32 s9, $0xF7A;
	s5 =	simm.s32 @!p2 $0x0  }
0x1d: {  	s5 =	simm.s32 @p1 $0x1;
	p0 =	seq.s32 s7, s2  }
0x1e: {  	s7 =	smul.u32 @!p0 $0xF7A, s2;
	p2 =	seq.s32 @!p0 s5, $0x0  }
0x1f: {  	s9 =	smul.u32 $0xF7A, s1;
	s8 =	simm.s32 @!p0 $0x1BF5;
	p2 =	por !p2, p0  }
0x20: {  	[sflag:s8] =	ssyncset.s32 @!p0 $0xFFFFF086;
	s6 =	sadd.s32 @!p0 s3, s7;
	s7 =	simm.s32 @!p0 $0x108  }
0x21: {  	s3 =	sadd.s32 s3, s9;
	s6 =	sadd.s32 @!p0 $0x88, s6;
	s7 =	simm.s32 @p2 $0x1082  }
0x22: {  	[simem:s7], [sflag:s8] =	dma.local @!p0 [hbm:s6], $0xF7A  }
0x23: {  	s9 =	sor.u32 $0xD0000000, s2;
	s6 =	simm.s32 $0x108;
	_ =	swait.ge @!p0 [sflag:s8], $0x0  }
0x24: {  	s3 =	sadd.s32 $0x88, s3;
	s6 =	simm.s32 @!p1 $0x1082;
	[sflag:s4] =	ssyncset.s32 $0xFFFFF086  }
0x25: {  	[simem:s6], [sflag:s4] =	dma.local [hbm:s3], $0xF7A  }
0x26: {  	[smem:$0x3F9F] =	sst s1;
	(tag) =	ssettag s2;
	_ =	strace s9  }
0x27: {  	s1 =	sld [smem:$0x3FAF]  }
0x28: {  	s2 =	sld [smem:$0x3FB0]  }
0x29: {  	s4 =	sld [smem:$0x3FB2]  }
0x2a: {  	p0 =	seq.s32 s5, $0x0;
	s5 =	sld [smem:$0x3FB3]  }
0x2b: {  	s6 =	sld [smem:$0x3FB4]  }
0x2c: {  	s7 =	sld [smem:$0x3FB5]  }
0x2d: {  	s3 =	simm.s32 $0x108;
	s8 =	sld [smem:$0x3FB6]  }
0x2e: {  	s3 =	simm.s32 @!p0 $0x1082;
	s9 =	sld [smem:$0x3FB7]  }
0x2f: {  	lr =	sadd.s32 s0, s3;
	s0 =	sld [smem:$0x3FAE]  }
0x30: {  	s3 =	sld [smem:$0x3FB1]  }
0x31: {  	[smem:$0x3FBA] =	sst s10  }
0x32: {  	s10 =	sld [smem:$0x3FB8];
	_ =	sdelay $0x3  }
0x33: {  	p0 =	seq.s32 s10, $0x1;
	s10 =	sld [smem:$0x3FBA];
	_ =	sdelay $0x3  }
0x34: {  	[smem:$0x3FBA] =	sst s10  }
0x35: {  	s10 =	sld [smem:$0x3FB9];
	_ =	sdelay $0x3  }
0x36: {  	p1 =	seq.s32 s10, $0x1;
	s10 =	sld [smem:$0x3FBA];
	_ =	sdelay $0x3  }
0x37: {  	[smem:$0x3FBA] =	sst s10  }
0x38: {  	s10 =	sld [smem:$0x3FBB]  }
0x39: {  	_ = 	snop;
	(pc) =	sbr.ind lr, $3  }
0x3a: {  	_ = 	snop  }
0x3b: {  	_ = 	snop  }
0x3c: {  	p2 =	seq.s32 s10, $0x1;
	s10 =	sld [smem:$0x3FBA]  }
0x3d: {  	_ =	shalt  }
0x3e: {  	_ =	shalt  }
0x3f: {  	_ =	shalt  }
0x40: {  	_ =	shalt  }
0x41: {  	_ =	shalt  }
0x42: {  	_ =	shalt  }
0x43: {  	_ =	shalt  }
0x44: {  	_ =	shalt  }
0x45: {  	_ =	shalt  }
0x46: {  	_ =	shalt  }
0x47: {  	_ =	shalt  }
0x48: {  	_ =	shalt  }
0x49: {  	_ =	shalt  }
0x4a: {  	_ =	shalt  }
0x4b: {  	_ =	shalt  }
0x4c: {  	_ =	shalt  }
0x4d: {  	_ =	shalt  }
0x4e: {  	_ =	shalt  }
0x4f: {  	_ =	shalt  }
0x50: {  	_ =	shalt  }
0x51: {  	_ =	shalt  }
0x52: {  	_ =	shalt  }
0x53: {  	_ =	shalt  }
0x54: {  	_ =	shalt  }
0x55: {  	_ =	shalt  }
0x56: {  	_ =	shalt  }
0x57: {  	_ =	shalt  }
0x58: {  	_ =	shalt  }
0x59: {  	_ =	shalt  }
0x5a: {  	_ =	shalt  }
0x5b: {  	_ =	shalt  }
0x5c: {  	_ =	shalt  }
0x5d: {  	_ =	shalt  }
0x5e: {  	_ =	shalt  }
0x5f: {  	_ =	shalt  }
0x60: {  	_ =	shalt  }
0x61: {  	_ =	shalt  }
0x62: {  	_ =	shalt  }
0x63: {  	_ =	shalt  }
0x64: {  	_ =	shalt  }
0x65: {  	_ =	shalt  }
0x66: {  	_ =	shalt  }
0x67: {  	_ =	shalt  }
0x68: {  	_ =	shalt  }
0x69: {  	_ =	shalt  }
0x6a: {  	_ =	shalt  }
0x6b: {  	_ =	shalt  }
0x6c: {  	_ =	shalt  }
0x6d: {  	_ =	shalt  }
0x6e: {  	_ =	shalt  }
0x6f: {  	_ =	shalt  }
0x70: {  	_ =	shalt  }
0x71: {  	_ =	shalt  }
0x72: {  	_ =	shalt  }
0x73: {  	_ =	shalt  }
0x74: {  	_ =	shalt  }
0x75: {  	_ =	shalt  }
0x76: {  	_ =	shalt  }
0x77: {  	_ =	shalt  }
0x78: {  	_ =	shalt  }
0x79: {  	_ =	shalt  }
0x7a: {  	_ =	shalt  }
0x7b: {  	_ =	shalt  }
0x7c: {  	_ =	shalt  }
0x7d: {  	_ =	shalt  }
0x7e: {  	_ =	shalt  }
0x7f: {  	_ =	shalt  }
0x80: {  	_ =	shalt  }
0x81: {  	_ =	shalt  }
0x82: {  	_ =	shalt  }
0x83: {  	_ =	shalt  }
0x84: {  	_ =	shalt  }
0x85: {  	_ =	shalt  }
0x86: {  	_ =	shalt  }
0x87: {  	_ =	shalt  }
.Lfunc_end0:
.L_simem_size_0:
called_computation_lowered:
.L_overlay_start_0:
0x88: {  	s2 =	sld [smem:$0x3FD9]  }
0x89: {  	s3 =	sld [smem:$0x3FFE];
	_ =	sdelay $0x1  }
0x8a: {  	s1 =	srdreg.scid  }
0x8b: {  	s0 =	sand.u32 $0x1, s1  }
0x8c: {  	s18 =	sshll.u32 s0, $0xA;
	s2 =	sadd.s32 s3, s2  }
0x8d: {  	s2 =	sadd.s32 s2, s18  }
0x8e: {  	[smem:$0x3FC6] =	sst s2  }
0x8f: {  	_ = 	snop  }
0x90: {  	s2 =	sld [smem:$0x3FC9]  }
0x91: {  	s19 =	sld [smem:$0x3FC8]  }
0x92: {  	s4 =	sld [smem:$0x3FD0];
	(tm) =	ssettm $0x1  }
0x93: {  	s5 =	sld [smem:$0x3FFB];
	_ =	sdelay $0x3  }
0x94: {  	_ =	strace s5  }
0x95: {  	s5 =	sld [smem:$0x3FFC];
	_ =	sdelay $0x3  }
0x96: {  	_ =	strace s5  }
0x97: {  	s5 =	sld [smem:$0x3FFD];
	_ =	sdelay $0x3  }
0x98: {  	_ =	strace s5  }
0x99: {  	_ =	strace $0x8FFFFFFF  }
0x9a: {  	s20 =	sld [smem:$0x3FDB];
	_ =	sdelay $0x1  }
0x9b: {  	s6 =	simm.s32 $_scs_section_size  }
0x9c: {  	s7 =	simm.s32 $_size__tile_overlayer_lowered;
	s8 =	simm.s32 $_tile_overlayer_lowered  }
0x9d: {  	s23 =	simm.s32 $0x1BFF;
	s22 =	sshll.u32 s8, $0x1;
	s5 =	sadd.s32 s6, s20  }
0x9e: {  	s9 =	simm.s32 $0x0;
	s21 =	sshll.u32 s7, $0x1;
	s7 =	sadd.s32 s22, s5  }
0x9f: {  	[timem:s9], [sflag:s23] =	dma.local [hbm:s7], s21  }
0xa0: {  	_ =	swait.ge [sflag:s23], s21  }
0xa1: {  	s6 =	ssub.s32 $0x0, s21;
	[sflag:s23] =	ssyncset.done $0x0  }
0xa2: {  	[sflag:s23] =	ssyncadd.s32 s6;
	_ =	sdelay $0x1  }
0xa3: {  	s24 =	simm.s32 $0x1B8B  }
0xa4: {  	_ =	swait.ge [sflag:s24], $0x1  }
0xa5: {  	[sflag:s24] =	ssyncset.done $0x0  }
0xa6: {  	s25 =	simm.s32 $0x1B8E;
	[sflag:s24] =	ssyncadd.s32 $0xFFFFFFFF  }
0xa7: {  	s26 =	simm.s32 $execute0_lowered;
	[smem:$0x3FD2] =	sst s25  }
0xa8: {  	s6 =	sshll.u32 s26, $0x1;
	_ =	strace $0x80000046;
	[dreg:$0x1] =	wrdreg $0xFFFFFFFF  }
0xa9: {  	s28 =	simm.s32 $_size_execute0_lowered;
	s5 =	sadd.s32 s5, s6;
	[dreg:$0x0] =	wrdreg $0x0  }
0xaa: {  	s6 =	sshll.u32 s28, $0x1;
	[dreg:$0x2] =	wrdreg s5  }
0xab: {  	[dreg:$0x3] =	wrdreg s6  }
0xac: {  	[dreg:$0x4] =	wrdreg $0xC0  }
0xad: {  	_ =	task [dreg:s9], $0x5FFFF  }
0xae: {  	[dreg:$0x1] =	wrdreg $0xFFFFFFFF  }
0xaf: {  	[dreg:$0x0] =	wrdreg $0x60  }
0xb0: {  	[dreg:$0x2] =	wrdreg s2  }
0xb1: {  	[dreg:$0x3] =	wrdreg s19  }
0xb2: {  	[dreg:$0x4] =	wrdreg s4  }
0xb3: {  	[dreg:$0x5] =	wrdreg $0x127800  }
0xb4: {  	[dreg:$0x6] =	wrdreg $0x9  }
0xb5: {  	_ =	task.clear_ibuf [dreg:s9], $0x7FFFF;
	_ =	strace $0x90000046  }
0xb6: {  	s29 =	simm.s32 $0x9;
	_ =	strace $0x80000048  }
0xb7: {  	_ =	swait.ge [sflag:s29], $0x1  }
0xb8: {  	[sflag:s29] =	ssyncadd.s32 $0xFFFFFFFF  }
0xb9: {  	_ =	strace $0x90000048  }
0xba: {  	_ =	sfence  }
0xbb: {  	s30 =	sld [smem:$0x0];
	_ =	sdelay $0x2  }
0xbc: {  	s31 =	sshll.u32 s1, $0xD;
	s1 =	sshrl.u32 s1, $0x2  }
0xbd: {  	s3 =	sand.u32 $0x4000, s31;
	s1 =	sadd.s32 s1, s30  }
0xbe: {  	s0 =	sor.u32 s3, s0;
	s1 =	sshll.u32 s1, $0x11  }
0xbf: {  	s0 =	sor.u32 s1, s0  }
0xc0: {  	s0 =	sadd.s32 $0x8F2B, s0  }
0xc1: {  	[sflag:s0] =	ssyncadd.remote.s32 $0x1  }
0xc2: {  	_ =	sfence.sel $0xFFFF  }
0xc3: {  	[dreg:$0x0] =	wrdreg $0xFFFFFFFF;
	(pc) =	sbr.abs _section_cstart, $3  }
0xc4: {  	[dreg:$0x1] =	wrdreg $0xFFFFFFFF  }
0xc5: {  	_ =	task.clear_ibuf [dreg:s9], $0x2FFFF;
	_ =	strace $0x9FFFFFFF  }
0xc6: {  	(tm) =	ssettm $0x7FFFFFFF  }
0xc7: {  	_ =	shalt  }
tec
execute0_lowered:
.L_overlay_start_1:
0x0: {  	(tag) =	ssettag $0x1  }
0x1: {  	s0 =	rddreg [dreg:$0x0]  }
0x2: {  	s1 =	rddreg [dreg:$0x1]  }
0x3: {  	s2 =	rddreg [dreg:$0x2]  }
0x4: {  	s9 =	rddreg [dreg:$0x3];
	s5 =	simm.s32 $0x0;
	s3 =	srdreg.scid  }
0x5: {  	s10 =	stileid.u32;
	[smem:$0x7FF] =	sst s5;
	s3 =	sand.u32 $0x1, s3  }
0x6: {  	s7 =	sshll.u32 s10, $0x9;
	s28 =	sshll.u32 s10, $0x10;
	s6 =	sshll.u32 s3, $0xE  }
0x7: {  	s4 =	ssub.s32 $0x2, s3;
	_ =	strace $0x80000047;
	s16 =	sor.u32 s7, s6  }
0x8: {  	s3 =	sshll.u32 s3, $0x15;
	s8 =	sshrl.u32 s4, $0x1;
	s6 =	sor.u32 $0x2000, s16  }
0x9: {  	s4 =	ssub.s32 s4, s8;
	s23 =	sshrl.u32 s16, $0x3;
	s6 =	sshrl.u32 s6, $0x3  }
0xa: {  	s25 =	sshll.u32 s16, $0x7;
	s8 =	sadd.s32 s0, s23;
	s0 =	sadd.s32 s0, s6  }
0xb: {  	s3 =	sadd.s32 s3, s2;
	[dreg:$0x8] =	wrdreg s0;
	s0 =	sadd.s32 s25, s2  }
0xc: {  	s30 =	sadd.s32 s28, s3;
	s26 =	sadd.s32 $0xE000, s0;
	s0 =	sadd.s32 $0x10E000, s0  }
0xd: {  	p0 =	seq.s32 s10, $0xF;
	[dreg:$0xb] =	wrdreg s0;
	s0 =	sadd.s32 $0x100000, s30  }
0xe: {  	[dreg:$0xd] =	wrdreg s0;
	s0 =	simm.s32 @!p0 $0x0  }
0xf: {  	s0 =	simm.s32 @p0 $0x1;
	p0 =	sgt.u32 s10, $0xD  }
0x10: {  	s18 =	simm.s32 $0x4;
	[smem:$0x7F0] =	sst s0;
	s0 =	simm.s32 @!p0 $0x0  }
0x11: {  	s31 =	simm.s32 $0x780;
	s0 =	simm.s32 @p0 $0x1;
	p0 =	sgt.u32 s10, $0xC  }
0x12: {  	s14 =	simm.s32 $0x2;
	[smem:$0x7F1] =	sst s0;
	s0 =	simm.s32 @!p0 $0x0  }
0x13: {  	s22 =	sshll.u32 s10, $0x4;
	s0 =	simm.s32 @p0 $0x1;
	p0 =	sgt.u32 s10, $0xB  }
0x14: {  	s11 =	sadd.s32 $0x100, s1;
	[smem:$0x7F2] =	sst s0;
	s0 =	simm.s32 @!p0 $0x0  }
0x15: {  	s12 =	sadd.s32 $0x200, s1;
	s0 =	simm.s32 @p0 $0x1;
	p0 =	sgt.u32 s10, $0xA  }
0x16: {  	s13 =	sadd.s32 $0x300, s1;
	[smem:$0x7F3] =	sst s0;
	s0 =	simm.s32 @!p0 $0x0  }
0x17: {  	s15 =	sadd.s32 $0x200, s2;
	s0 =	simm.s32 @p0 $0x1;
	p0 =	sgt.u32 s10, $0x9  }
0x18: {  	s7 =	sadd.s32 s22, s9;
	[smem:$0x7F4] =	sst s0;
	s0 =	simm.s32 @!p0 $0x0  }
0x19: {  	s22 =	simm.s32 $0x8780;
	s0 =	simm.s32 @p0 $0x1;
	p0 =	sgt.u32 s10, $0x8  }
0x1a: {  	s9 =	simm.s32 $0xB780;
	[smem:$0x7F5] =	sst s0;
	s0 =	simm.s32 @!p0 $0x0  }
0x1b: {  	[dreg:$0x6] =	wrdreg s7;
	s0 =	simm.s32 @p0 $0x1;
	p0 =	sgt.u32 s10, $0x7  }
0x1c: {  	s24 =	sadd.s32 $0x100, s7;
	[smem:$0x7F6] =	sst s0;
	s0 =	simm.s32 @!p0 $0x0  }
0x1d: {  	[dreg:$0x5] =	wrdreg s16;
	s0 =	simm.s32 @p0 $0x1;
	p0 =	sgt.u32 s10, $0x6  }
0x1e: {  	s16 =	sadd.s32 $0x300, s2;
	[smem:$0x7F7] =	sst s0;
	s0 =	simm.s32 @!p0 $0x0  }
0x1f: {  	s3 =	simm.s32 $0x9780;
	s0 =	simm.s32 @p0 $0x1;
	p0 =	sgt.u32 s10, $0x5  }
0x20: {  	s7 =	simm.s32 $0x0;
	[smem:$0x7F8] =	sst s0;
	s0 =	simm.s32 @!p0 $0x0  }
0x21: {  	[dreg:$0x9] =	wrdreg s24;
	s0 =	simm.s32 @p0 $0x1;
	p0 =	sgt.u32 s10, $0x4  }
0x22: {  	s29 =	smax.u32 s4, $0x1;
	[smem:$0x7F9] =	sst s0;
	s0 =	simm.s32 @!p0 $0x0  }
0x23: {  	s4 =	simm.s32 $0xC780;
	s0 =	simm.s32 @p0 $0x1;
	p0 =	sgt.u32 s10, $0x3  }
0x24: {  	s24 =	simm.s32 $0xFF80;
	[smem:$0x7FA] =	sst s0;
	s0 =	simm.s32 @!p0 $0x0  }
0x25: {  	[dreg:$0x7] =	wrdreg s8;
	s0 =	simm.s32 @p0 $0x1;
	p0 =	sgt.u32 s10, $0x2  }
.Ltmp0:
0x26: {  	[smem:$0x7FB] =	sst s0;
	s0 =	simm.s32 @!p0 $0x0;
	(pc) =	sbr.rel .LBB2_1-.Ltmp0, $4  }
0x27: {  	v0 =	vlaneseq.u32;
	v1 =	vimm.s32 $0x0;
	[dreg:$0xc] =	wrdreg s29;
	s0 =	simm.s32 @p0 $0x1;
	p0 =	sgt.u32 s10, $0x1  }
0x28: {  	vm0 =	vmmov $0xffff;
	vm1 =	vcmask $0x2F20;
	vm2 =	vcmask $0xF00;
	s8 =	sadd.s32 $0x100, s2;
	[smem:$0x7FC] =	sst s0;
	s0 =	simm.s32 @!p0 $0x0  }
0x29: {  	v3 =	vshrl.u32 v0, $0x3;
	v2 =	vand.u32 $0x7, v0;
	v4 =	vor.u32 $0x8, v0;
	s25 =	simm.s32 $0xA780;
	[dreg:$0xa] =	wrdreg s26;
	s0 =	simm.s32 @p0 $0x1  }
0x2a: {  	v5 =	vadd.s32 $0x1, v0;
	vm1 =	vmor vm2, vm1;
	v3 =	vmul.u32 $0x8, v3;
	p0 =	seq.s32 s10, $0x0;
	s10 =	simm.s32 $0xF780;
	[smem:$0x7FD] =	sst s0  }
.LBB2_24:
0x2b: {  	v7 =	vshll.u32 v6, $0x3  }
0x2c: {  	v6 =	vand.u32 $0x7, v6;
	v7 =	vand.u32 $0xFFFFFFC0, v7  }
0x2d: {  	v6 =	vor.u32 v6, v7  }
0x2e: {  	v7 =	vperm.xlane v6, v2;
	_ =	sdelay $0x1  }
0x2f: {  	v7 =	vadd.s32 v3, v7;
	_ =	sdelay $0x4  }
0x30: {  	[tilespmem:s31], [sflag:$0x1] =	stream.indirect_vreg.gather [hbm4b:s1+s5], $0x80, v7, vm0, $0xb8;
	[tilespmem:$0x127A0] =	vst v63  }
0x31: {  	s6 =	simm.s32 $0xF80;
	v6 =	vperm.xlane v6, v4  }
0x32: {  	[tilespmem:s6], [sflag:$0x1] =	stream.indirect_vreg.gather [hbm4b:s11+s5], $0x80, v7, vm0, $0xb8;
	[tilespmem:$0x127A0] =	vst v63  }
0x33: {  	s7 =	simm.s32 $0x1780;
	v6 =	vadd.s32 v3, v6  }
0x34: {  	[tilespmem:s7], [sflag:$0x1] =	stream.indirect_vreg.gather [hbm4b:s12+s5], $0x80, v7, vm0, $0xb8;
	[tilespmem:$0x127A0] =	vst v63  }
0x35: {  	s17 =	simm.s32 $0x1F80  }
0x36: {  	[tilespmem:s17], [sflag:$0x1] =	stream.indirect_vreg.gather [hbm4b:s13+s5], $0x80, v7, vm0, $0xb8;
	[tilespmem:$0x127A0] =	vst v63  }
0x37: {  	s18 =	simm.s32 $0x2780  }
0x38: {  	[tilespmem:s18], [sflag:$0x1] =	stream.indirect_vreg.gather [hbm4b:s1+s5], $0x80, v6, vm0, $0xb8;
	[tilespmem:$0x127A0] =	vst v63  }
0x39: {  	s19 =	simm.s32 $0x2F80  }
0x3a: {  	[tilespmem:s19], [sflag:$0x1] =	stream.indirect_vreg.gather [hbm4b:s11+s5], $0x80, v6, vm0, $0xb8;
	[tilespmem:$0x127A0] =	vst v63  }
0x3b: {  	s20 =	simm.s32 $0x3780  }
0x3c: {  	[tilespmem:s20], [sflag:$0x1] =	stream.indirect_vreg.gather [hbm4b:s12+s5], $0x80, v6, vm0, $0xb8;
	[tilespmem:$0x127A0] =	vst v63  }
0x3d: {  	s21 =	simm.s32 $0x3F80  }
0x3e: {  	[tilespmem:s21], [sflag:$0x1] =	stream.indirect_vreg.gather [hbm4b:s13+s5], $0x80, v6, vm0, $0xb8;
	[tilespmem:$0x127A0] =	vst v63  }
0x3f: {  	v6 =	vld [tilespmem:$0x1D0];
	_ =	sdelay $0x4  }
0x40: {  	v7 =	vshll.u32 v6, $0x3  }
0x41: {  	v6 =	vand.u32 $0x7, v6;
	v7 =	vand.u32 $0xFFFFFFC0, v7  }
0x42: {  	v6 =	vor.u32 v6, v7  }
0x43: {  	v7 =	vperm.xlane v6, v2;
	_ =	sdelay $0x1  }
0x44: {  	v7 =	vadd.s32 v3, v7;
	_ =	sdelay $0x3  }
0x45: {  	s23 =	simm.s32 $0x4780  }
0x46: {  	[tilespmem:s23], [sflag:$0x1] =	stream.indirect_vreg.gather [hbm4b:s1+s5], $0x80, v7, vm0, $0xb8;
	[tilespmem:$0x127A0] =	vst v63  }
0x47: {  	s22 =	simm.s32 $0x4F80;
	v6 =	vperm.xlane v6, v4  }
0x48: {  	[tilespmem:s22], [sflag:$0x1] =	stream.indirect_vreg.gather [hbm4b:s11+s5], $0x80, v7, vm0, $0xb8;
	[tilespmem:$0x127A0] =	vst v63  }
0x49: {  	s0 =	simm.s32 $0x5780;
	v6 =	vadd.s32 v3, v6  }
0x4a: {  	[tilespmem:s0], [sflag:$0x1] =	stream.indirect_vreg.gather [hbm4b:s12+s5], $0x80, v7, vm0, $0xb8;
	[tilespmem:$0x127A0] =	vst v63  }
0x4b: {  	s24 =	simm.s32 $0x5F80  }
0x4c: {  	[tilespmem:s24], [sflag:$0x1] =	stream.indirect_vreg.gather [hbm4b:s13+s5], $0x80, v7, vm0, $0xb8;
	[tilespmem:$0x127A0] =	vst v63  }
0x4d: {  	s4 =	simm.s32 $0x6780  }
0x4e: {  	[tilespmem:s4], [sflag:$0x1] =	stream.indirect_vreg.gather [hbm4b:s1+s5], $0x80, v6, vm0, $0xb8;
	[tilespmem:$0x127A0] =	vst v63  }
0x4f: {  	s10 =	simm.s32 $0x6F80  }
0x50: {  	[tilespmem:s10], [sflag:$0x1] =	stream.indirect_vreg.gather [hbm4b:s11+s5], $0x80, v6, vm0, $0xb8;
	[tilespmem:$0x127A0] =	vst v63  }
0x51: {  	s9 =	simm.s32 $0x7780  }
0x52: {  	[tilespmem:s9], [sflag:$0x1] =	stream.indirect_vreg.gather [hbm4b:s12+s5], $0x80, v6, vm0, $0xb8;
	[tilespmem:$0x127A0] =	vst v63  }
0x53: {  	s2 =	simm.s32 $0x7F80  }
0x54: {  	[tilespmem:s2], [sflag:$0x1] =	stream.indirect_vreg.gather [hbm4b:s13+s5], $0x80, v6, vm0, $0xb8;
	[tilespmem:$0x127A0] =	vst v63  }
0x55: {  	v6 =	vld [tilespmem:$0x1E0];
	_ =	sdelay $0x4  }
0x56: {  	v7 =	vshll.u32 v6, $0x3  }
0x57: {  	v6 =	vand.u32 $0x7, v6;
	v7 =	vand.u32 $0xFFFFFFC0, v7  }
0x58: {  	v6 =	vor.u32 v6, v7  }
0x59: {  	v7 =	vperm.xlane v6, v2;
	_ =	sdelay $0x1  }
0x5a: {  	v7 =	vadd.s32 v3, v7;
	_ =	sdelay $0x3  }
0x5b: {  	s14 =	simm.s32 $0x8780  }
0x5c: {  	[tilespmem:s14], [sflag:$0x1] =	stream.indirect_vreg.gather [hbm4b:s1+s5], $0x80, v7, vm0, $0xb8;
	[tilespmem:$0x127A0] =	vst v63  }
0x5d: {  	s3 =	simm.s32 $0x8F80;
	v6 =	vperm.xlane v6, v4  }
0x5e: {  	[tilespmem:s3], [sflag:$0x1] =	stream.indirect_vreg.gather [hbm4b:s11+s5], $0x80, v7, vm0, $0xb8;
	[tilespmem:$0x127A0] =	vst v63  }
0x5f: {  	s25 =	simm.s32 $0x9780;
	v6 =	vadd.s32 v3, v6  }
0x60: {  	[tilespmem:s25], [sflag:$0x1] =	stream.indirect_vreg.gather [hbm4b:s12+s5], $0x80, v7, vm0, $0xb8;
	[tilespmem:$0x127A0] =	vst v63  }
0x61: {  	s25 =	simm.s32 $0x9F80  }
0x62: {  	[tilespmem:s25], [sflag:$0x1] =	stream.indirect_vreg.gather [hbm4b:s13+s5], $0x80, v7, vm0, $0xb8;
	[tilespmem:$0x127A0] =	vst v63  }
0x63: {  	s26 =	simm.s32 $0xA780  }
0x64: {  	[tilespmem:s26], [sflag:$0x1] =	stream.indirect_vreg.gather [hbm4b:s1+s5], $0x80, v6, vm0, $0xb8;
	[tilespmem:$0x127A0] =	vst v63  }
0x65: {  	s9 =	simm.s32 $0xAF80  }
0x66: {  	[tilespmem:s9], [sflag:$0x1] =	stream.indirect_vreg.gather [hbm4b:s11+s5], $0x80, v6, vm0, $0xb8;
	[tilespmem:$0x127A0] =	vst v63  }
0x67: {  	s28 =	simm.s32 $0xB780  }
0x68: {  	[tilespmem:s28], [sflag:$0x1] =	stream.indirect_vreg.gather [hbm4b:s12+s5], $0x80, v6, vm0, $0xb8;
	[tilespmem:$0x127A0] =	vst v63  }
0x69: {  	s4 =	simm.s32 $0xBF80  }
0x6a: {  	[tilespmem:s4], [sflag:$0x1] =	stream.indirect_vreg.gather [hbm4b:s13+s5], $0x80, v6, vm0, $0xb8;
	[tilespmem:$0x127A0] =	vst v63  }
0x6b: {  	v6 =	vld [tilespmem:$0x1F0];
	_ =	sdelay $0x4  }
0x6c: {  	v7 =	vshll.u32 v6, $0x3  }
0x6d: {  	v6 =	vand.u32 $0x7, v6;
	v7 =	vand.u32 $0xFFFFFFC0, v7  }
0x6e: {  	v6 =	vor.u32 v6, v7  }
0x6f: {  	v7 =	vperm.xlane v6, v2;
	_ =	sdelay $0x1  }
0x70: {  	v7 =	vadd.s32 v3, v7;
	_ =	sdelay $0x3  }
0x71: {  	s29 =	simm.s32 $0xC780  }
0x72: {  	[tilespmem:s29], [sflag:$0x1] =	stream.indirect_vreg.gather [hbm4b:s1+s5], $0x80, v7, vm0, $0xb8;
	[tilespmem:$0x127A0] =	vst v63  }
0x73: {  	s30 =	simm.s32 $0xCF80;
	v6 =	vperm.xlane v6, v4  }
0x74: {  	[tilespmem:s30], [sflag:$0x1] =	stream.indirect_vreg.gather [hbm4b:s11+s5], $0x80, v7, vm0, $0xb8;
	[tilespmem:$0x127A0] =	vst v63  }
0x75: {  	s26 =	simm.s32 $0xD780;
	v6 =	vadd.s32 v3, v6  }
0x76: {  	[tilespmem:s26], [sflag:$0x1] =	stream.indirect_vreg.gather [hbm4b:s12+s5], $0x80, v7, vm0, $0xb8;
	[tilespmem:$0x127A0] =	vst v63  }
0x77: {  	s28 =	simm.s32 $0xDF80  }
0x78: {  	[tilespmem:s28], [sflag:$0x1] =	stream.indirect_vreg.gather [hbm4b:s13+s5], $0x80, v7, vm0, $0xb8;
	[tilespmem:$0x127A0] =	vst v63  }
0x79: {  	s29 =	simm.s32 $0xE780  }
0x7a: {  	[tilespmem:s29], [sflag:$0x1] =	stream.indirect_vreg.gather [hbm4b:s1+s5], $0x80, v6, vm0, $0xb8;
	[tilespmem:$0x127A0] =	vst v63  }
0x7b: {  	s30 =	simm.s32 $0xEF80  }
0x7c: {  	[tilespmem:s30], [sflag:$0x1] =	stream.indirect_vreg.gather [hbm4b:s11+s5], $0x80, v6, vm0, $0xb8;
	[tilespmem:$0x127A0] =	vst v63  }
0x7d: {  	s2 =	simm.s32 $0xF780  }
0x7e: {  	[tilespmem:s2], [sflag:$0x1] =	stream.indirect_vreg.gather [hbm4b:s12+s5], $0x80, v6, vm0, $0xb8;
	[tilespmem:$0x127A0] =	vst v63  }
0x7f: {  	s14 =	simm.s32 $0xFF80  }
0x80: {  	[tilespmem:s14], [sflag:$0x1] =	stream.indirect_vreg.gather [hbm4b:s13+s5], $0x80, v6, vm0, $0xb8;
	[tilespmem:$0x127A0] =	vst v63  }
0x81: {  	s14 =	simm.s32 $0x1  }
0x82: {  	_ =	swait.ge [sflag:s14], $0x10000  }
0x83: {  	[sflag:s14] =	ssyncset.done $0x0  }
0x84: {  	s2 =	simm.s32 $0x2;
	s0 =	rddreg [dreg:$0xa];
	[sflag:s14] =	ssyncadd.s32 $0xFFFF0000  }
0x85: {  	[hbm4b:s0+s5] =	stream.linear.scatter [tilespmem:s31], [sflag:$0x2], $0x10000, $0x38;
	[tilespmem:$0x127A0] =	vst v63  }
0x86: {  	_ =	swait.ge [sflag:s2], $0x10000  }
0x87: {  	[sflag:s2] =	ssyncset.done $0x0  }
0x88: {  	[sflag:s2] =	ssyncadd.s32 $0xFFFF0000  }
0x89: {  	v6 =	vld [tilespmem:$0x3C0];
	_ =	sdelay $0x4  }
0x8a: {  	v7 =	vshll.u32 v6, $0x3  }
0x8b: {  	v6 =	vand.u32 $0x7, v6;
	v7 =	vand.u32 $0xFFFFFFC0, v7  }
0x8c: {  	v6 =	vor.u32 v6, v7  }
0x8d: {  	v7 =	vperm.xlane v6, v2;
	_ =	sdelay $0x1  }
0x8e: {  	v7 =	vadd.s32 v3, v7;
	_ =	sdelay $0x4  }
0x8f: {  	[tilespmem:s31], [sflag:$0x1] =	stream.indirect_vreg.gather [hbm4b:s1+s5], $0x80, v7, vm0, $0xb8;
	[tilespmem:$0x127A0] =	vst v63  }
0x90: {  	v6 =	vperm.xlane v6, v4  }
0x91: {  	[tilespmem:s6], [sflag:$0x1] =	stream.indirect_vreg.gather [hbm4b:s11+s5], $0x80, v7, vm0, $0xb8;
	[tilespmem:$0x127A0] =	vst v63  }
0x92: {  	v6 =	vadd.s32 v3, v6  }
0x93: {  	[tilespmem:s7], [sflag:$0x1] =	stream.indirect_vreg.gather [hbm4b:s12+s5], $0x80, v7, vm0, $0xb8;
	[tilespmem:$0x127A0] =	vst v63  }
0x94: {  	_ = 	snop  }
0x95: {  	[tilespmem:s17], [sflag:$0x1] =	stream.indirect_vreg.gather [hbm4b:s13+s5], $0x80, v7, vm0, $0xb8;
	[tilespmem:$0x127A0] =	vst v63  }
0x96: {  	_ = 	snop  }
0x97: {  	[tilespmem:s18], [sflag:$0x1] =	stream.indirect_vreg.gather [hbm4b:s1+s5], $0x80, v6, vm0, $0xb8;
	[tilespmem:$0x127A0] =	vst v63  }
0x98: {  	_ = 	snop  }
0x99: {  	[tilespmem:s19], [sflag:$0x1] =	stream.indirect_vreg.gather [hbm4b:s11+s5], $0x80, v6, vm0, $0xb8;
	[tilespmem:$0x127A0] =	vst v63  }
0x9a: {  	_ = 	snop  }
0x9b: {  	[tilespmem:s20], [sflag:$0x1] =	stream.indirect_vreg.gather [hbm4b:s12+s5], $0x80, v6, vm0, $0xb8;
	[tilespmem:$0x127A0] =	vst v63  }
0x9c: {  	_ = 	snop  }
0x9d: {  	[tilespmem:s21], [sflag:$0x1] =	stream.indirect_vreg.gather [hbm4b:s13+s5], $0x80, v6, vm0, $0xb8;
	[tilespmem:$0x127A0] =	vst v63  }
0x9e: {  	v6 =	vld [tilespmem:$0x3D0];
	_ =	sdelay $0x4  }
0x9f: {  	v7 =	vshll.u32 v6, $0x3  }
0xa0: {  	v6 =	vand.u32 $0x7, v6;
	v7 =	vand.u32 $0xFFFFFFC0, v7  }
0xa1: {  	v6 =	vor.u32 v6, v7  }
0xa2: {  	v7 =	vperm.xlane v6, v2;
	_ =	sdelay $0x1  }
0xa3: {  	v7 =	vadd.s32 v3, v7;
	_ =	sdelay $0x4  }
0xa4: {  	[tilespmem:s23], [sflag:$0x1] =	stream.indirect_vreg.gather [hbm4b:s1+s5], $0x80, v7, vm0, $0xb8;
	[tilespmem:$0x127A0] =	vst v63  }
0xa5: {  	v6 =	vperm.xlane v6, v4  }
0xa6: {  	[tilespmem:s22], [sflag:$0x1] =	stream.indirect_vreg.gather [hbm4b:s11+s5], $0x80, v7, vm0, $0xb8;
	[tilespmem:$0x127A0] =	vst v63  }
0xa7: {  	s20 =	simm.s32 $0x5780;
	v6 =	vadd.s32 v3, v6  }
0xa8: {  	[tilespmem:s20], [sflag:$0x1] =	stream.indirect_vreg.gather [hbm4b:s12+s5], $0x80, v7, vm0, $0xb8;
	[tilespmem:$0x127A0] =	vst v63  }
0xa9: {  	_ = 	snop  }
0xaa: {  	[tilespmem:s24], [sflag:$0x1] =	stream.indirect_vreg.gather [hbm4b:s13+s5], $0x80, v7, vm0, $0xb8;
	[tilespmem:$0x127A0] =	vst v63  }
0xab: {  	s21 =	simm.s32 $0x6780  }
0xac: {  	[tilespmem:s21], [sflag:$0x1] =	stream.indirect_vreg.gather [hbm4b:s1+s5], $0x80, v6, vm0, $0xb8;
	[tilespmem:$0x127A0] =	vst v63  }
0xad: {  	_ = 	snop  }
0xae: {  	[tilespmem:s10], [sflag:$0x1] =	stream.indirect_vreg.gather [hbm4b:s11+s5], $0x80, v6, vm0, $0xb8;
	[tilespmem:$0x127A0] =	vst v63  }
0xaf: {  	s22 =	simm.s32 $0x7780  }
0xb0: {  	[tilespmem:s22], [sflag:$0x1] =	stream.indirect_vreg.gather [hbm4b:s12+s5], $0x80, v6, vm0, $0xb8;
	[tilespmem:$0x127A0] =	vst v63  }
0xb1: {  	s23 =	simm.s32 $0x7F80  }
0xb2: {  	[tilespmem:s23], [sflag:$0x1] =	stream.indirect_vreg.gather [hbm4b:s13+s5], $0x80, v6, vm0, $0xb8;
	[tilespmem:$0x127A0] =	vst v63  }
0xb3: {  	v6 =	vld [tilespmem:$0x3E0];
	_ =	sdelay $0x4  }
0xb4: {  	v7 =	vshll.u32 v6, $0x3  }
0xb5: {  	v6 =	vand.u32 $0x7, v6;
	v7 =	vand.u32 $0xFFFFFFC0, v7  }
0xb6: {  	v6 =	vor.u32 v6, v7  }
0xb7: {  	v7 =	vperm.xlane v6, v2;
	_ =	sdelay $0x1  }
0xb8: {  	v7 =	vadd.s32 v3, v7;
	_ =	sdelay $0x3  }
0xb9: {  	s22 =	simm.s32 $0x8780  }
0xba: {  	[tilespmem:s22], [sflag:$0x1] =	stream.indirect_vreg.gather [hbm4b:s1+s5], $0x80, v7, vm0, $0xb8;
	[tilespmem:$0x127A0] =	vst v63  }
0xbb: {  	v6 =	vperm.xlane v6, v4  }
0xbc: {  	[tilespmem:s3], [sflag:$0x1] =	stream.indirect_vreg.gather [hbm4b:s11+s5], $0x80, v7, vm0, $0xb8;
	[tilespmem:$0x127A0] =	vst v63  }
0xbd: {  	v6 =	vadd.s32 v3, v6;
	s3 =	simm.s32 $0x9780  }
0xbe: {  	[tilespmem:s3], [sflag:$0x1] =	stream.indirect_vreg.gather [hbm4b:s12+s5], $0x80, v7, vm0, $0xb8;
	[tilespmem:$0x127A0] =	vst v63  }
0xbf: {  	_ = 	snop  }
0xc0: {  	[tilespmem:s25], [sflag:$0x1] =	stream.indirect_vreg.gather [hbm4b:s13+s5], $0x80, v7, vm0, $0xb8;
	[tilespmem:$0x127A0] =	vst v63  }
0xc1: {  	s25 =	simm.s32 $0xA780  }
0xc2: {  	[tilespmem:s25], [sflag:$0x1] =	stream.indirect_vreg.gather [hbm4b:s1+s5], $0x80, v6, vm0, $0xb8;
	[tilespmem:$0x127A0] =	vst v63  }
0xc3: {  	_ = 	snop  }
0xc4: {  	[tilespmem:s9], [sflag:$0x1] =	stream.indirect_vreg.gather [hbm4b:s11+s5], $0x80, v6, vm0, $0xb8;
	[tilespmem:$0x127A0] =	vst v63  }
0xc5: {  	s9 =	simm.s32 $0xB780  }
0xc6: {  	[tilespmem:s9], [sflag:$0x1] =	stream.indirect_vreg.gather [hbm4b:s12+s5], $0x80, v6, vm0, $0xb8;
	[tilespmem:$0x127A0] =	vst v63  }
0xc7: {  	_ = 	snop  }
0xc8: {  	[tilespmem:s4], [sflag:$0x1] =	stream.indirect_vreg.gather [hbm4b:s13+s5], $0x80, v6, vm0, $0xb8;
	[tilespmem:$0x127A0] =	vst v63  }
0xc9: {  	v6 =	vld [tilespmem:$0x3F0];
	_ =	sdelay $0x4  }
0xca: {  	v7 =	vshll.u32 v6, $0x3  }
0xcb: {  	v6 =	vand.u32 $0x7, v6;
	v7 =	vand.u32 $0xFFFFFFC0, v7  }
0xcc: {  	v6 =	vor.u32 v6, v7  }
0xcd: {  	v7 =	vperm.xlane v6, v2;
	_ =	sdelay $0x1  }
0xce: {  	v7 =	vadd.s32 v3, v7;
	_ =	sdelay $0x3  }
0xcf: {  	s4 =	simm.s32 $0xC780  }
0xd0: {  	[tilespmem:s4], [sflag:$0x1] =	stream.indirect_vreg.gather [hbm4b:s1+s5], $0x80, v7, vm0, $0xb8;
	[tilespmem:$0x127A0] =	vst v63  }
0xd1: {  	s24 =	simm.s32 $0xCF80;
	v6 =	vperm.xlane v6, v4  }
0xd2: {  	[tilespmem:s24], [sflag:$0x1] =	stream.indirect_vreg.gather [hbm4b:s11+s5], $0x80, v7, vm0, $0xb8;
	[tilespmem:$0x127A0] =	vst v63  }
0xd3: {  	v6 =	vadd.s32 v3, v6  }
0xd4: {  	[tilespmem:s26], [sflag:$0x1] =	stream.indirect_vreg.gather [hbm4b:s12+s5], $0x80, v7, vm0, $0xb8;
	[tilespmem:$0x127A0] =	vst v63  }
0xd5: {  	_ = 	snop  }
0xd6: {  	[tilespmem:s28], [sflag:$0x1] =	stream.indirect_vreg.gather [hbm4b:s13+s5], $0x80, v7, vm0, $0xb8;
	[tilespmem:$0x127A0] =	vst v63  }
0xd7: {  	_ = 	snop  }
0xd8: {  	[tilespmem:s29], [sflag:$0x1] =	stream.indirect_vreg.gather [hbm4b:s1+s5], $0x80, v6, vm0, $0xb8;
	[tilespmem:$0x127A0] =	vst v63  }
0xd9: {  	_ = 	snop  }
0xda: {  	[tilespmem:s30], [sflag:$0x1] =	stream.indirect_vreg.gather [hbm4b:s11+s5], $0x80, v6, vm0, $0xb8;
	[tilespmem:$0x127A0] =	vst v63  }
0xdb: {  	s28 =	simm.s32 $0xF780  }
0xdc: {  	[tilespmem:s28], [sflag:$0x1] =	stream.indirect_vreg.gather [hbm4b:s12+s5], $0x80, v6, vm0, $0xb8;
	[tilespmem:$0x127A0] =	vst v63  }
0xdd: {  	s2 =	rddreg [dreg:$0x2];
	s29 =	simm.s32 $0xFF80  }
0xde: {  	[tilespmem:s29], [sflag:$0x1] =	stream.indirect_vreg.gather [hbm4b:s13+s5], $0x80, v6, vm0, $0xb8;
	[tilespmem:$0x127A0] =	vst v63  }
0xdf: {  	s18 =	simm.s32 $0x4;
	s10 =	simm.s32 $0xF780;
	_ =	swait.ge [sflag:s14], $0x10000  }
0xe0: {  	s24 =	simm.s32 $0xFF80;
	[sflag:s14] =	ssyncset.done $0x0;
	s30 =	rddreg [dreg:$0xb]  }
0xe1: {  	s7 =	rddreg [dreg:$0xe];
	[sflag:s14] =	ssyncadd.s32 $0xFFFF0000;
	s14 =	simm.s32 $0x2  }
0xe2: {  	[hbm4b:s30+s5] =	stream.linear.scatter [tilespmem:s31], [sflag:$0x3], $0x10000, $0x38;
	[tilespmem:$0x127A0] =	vst v63  }
.LBB2_25:
0xe3: {  	s6 =	simm.s32 $0x3  }
0xe4: {  	_ =	swait.ge [sflag:s6], $0x10000  }
0xe5: {  	s7 =	sadd.s32 $0x1, s7;
	s0 =	rddreg [dreg:$0xc]  }
0xe6: {  	p1 =	sne.s32 s7, s0  }
.Ltmp1:
0xe7: {  	_ = 	snop;
	(pc) =	sbr.rel @!p1 .LBB2_26-.Ltmp1, $3  }
0xe8: {  	_ =	sdelay $0x1  }
0xe9: {  	[sflag:s6] =	ssyncset.done $0x0  }
0xea: {  	[sflag:s6] =	ssyncadd.s32 $0xFFFF0000  }
.LBB2_1:
0xeb: {  	[dreg:$0xe] =	wrdreg s7  }
0xec: {  	s0 =	rddreg [dreg:$0x7]  }
0xed: {  	[tilespmem:s5], [sflag:$0x4] =	stream.linear.gather [hbm4b:s0+s5], $0x200, $0x38;
	[tilespmem:$0x127A0] =	vst v63  }
0xee: {  	_ =	swait.ge [sflag:s18], $0x200  }
0xef: {  	[sflag:s18] =	ssyncset.done $0x0  }
0xf0: {  	s6 =	simm.s32 $0x200;
	s30 =	rddreg [dreg:$0x8];
	[sflag:s18] =	ssyncadd.s32 $0xFFFFFE00  }
0xf1: {  	[tilespmem:s6], [sflag:$0x4] =	stream.linear.gather [hbm4b:s30+s5], $0x200, $0x38;
	[tilespmem:$0x127A0] =	vst v63  }
0xf2: {  	_ =	swait.ge [sflag:s18], $0x200  }
0xf3: {  	[sflag:s18] =	ssyncset.done $0x0  }
0xf4: {  	s17 =	simm.s32 $0x0;
	[sflag:s18] =	ssyncadd.s32 $0xFFFFFE00  }
0xf5: {  	v6 =	vld [tilespmem:s17+$0x0]  }
0xf6: {  	v7 =	vld [tilespmem:s17+$0x200];
	_ =	sdelay $0x3  }
0xf7: {  	vm2 =	vne.s32 v6, $0x1  }
0xf8: {  	vm3 =	vne.s32 v7, $0x1;
	v6 =	vsel vm2, $0x1, v1  }
0xf9: {  	(xrf0) =	vadd.scan.msk.s32 $0xffff, v6;
	v6 =	vsel vm3, $0x1, v1  }
0xfa: {  	(xrf0) =	vadd.scan.msk.s32 $0xffff, v6;
	_ =	sdelay $0x4  }
0xfb: {  	v6, _, _ =	vpop (xrf0)  }
0xfc: {  	v6 =	vadd.s32 s5, v6;
	v7, _, _ =	vpop (xrf0)  }
0xfd: {  	v8 =	vnsel vm2, $0x0, v6;
	v7 =	vadd.s32 s5, v7;
	(v2sf) =	vpush v6, $0xF  }
0xfe: {  	s6 =	simm.s32 $0x10;
	[tilespmem:s17+$0x0] =	vst v8;
	v8 =	vnsel vm3, $0x0, v7;
	(v2sf) =	vpush v7, $0xF  }
0xff: {  	s7 =	simm.s32 $0x80;
	v6 =	vld [tilespmem:s6+$0x0];
	[tilespmem:s17+$0x200] =	vst v8  }
.LBB2_2:
0x100: {  	p1 =	sne.s32 s7, $0x7C0;
	v7 =	vld [tilespmem:s6+$0x200];
	_ =	sdelay $0x3  }
0x101: {  	vm2 =	vne.s32 v6, $0x1  }
0x102: {  	v6 =	vsel vm2, $0x1, v1;
	vm3 =	vne.s32 v7, $0x1  }
0x103: {  	v7 =	vsel vm3, $0x1, v1;
	(xrf0) =	vadd.scan.msk.s32 $0xffff, v6  }
0x104: {  	(xrf0) =	vadd.scan.msk.s32 $0xffff, v7;
	_ =	sdelay $0x4  }
.Ltmp2:
0x105: {  	v6, _, _ =	vpop (xrf0);
	s17 =	spop (v2sf);
	(pc) =	sbr.rel @p1 .LBB2_2-.Ltmp2, $4  }
0x106: {  	v6 =	vadd.s32 s17, v6;
	v7, _, _ =	vpop (xrf0);
	s17 =	spop (v2sf)  }
0x107: {  	v7 =	vadd.s32 s17, v7;
	v8 =	vnsel vm2, $0x0, v6;
	(v2sf) =	vpush v6, $0xF  }
0x108: {  	s17 =	sshra.s32 s7, $0x2;
	[tilespmem:s6+$0x0] =	vst v8;
	v8 =	vnsel vm3, $0x0, v7;
	(v2sf) =	vpush v7, $0xF  }
0x109: {  	s7 =	sadd.s32 $0x40, s7;
	v6 =	vld [tilespmem:s17+$0x0];
	[tilespmem:s6+$0x200] =	vst v8;
	s6 =	smov.u32 s17  }
0x10a: {  	v7 =	vld [tilespmem:s6+$0x200];
	_ =	sdelay $0x3  }
0x10b: {  	vm2 =	vne.s32 v6, $0x1  }
0x10c: {  	v6 =	vsel vm2, $0x1, v1;
	vm3 =	vne.s32 v7, $0x1  }
0x10d: {  	v7 =	vsel vm3, $0x1, v1;
	(xrf0) =	vadd.scan.msk.s32 $0xffff, v6  }
0x10e: {  	(xrf0) =	vadd.scan.msk.s32 $0xffff, v7;
	_ =	sdelay $0x4  }
0x10f: {  	v6, _, _ =	vpop (xrf0);
	s7 =	spop (v2sf)  }
0x110: {  	v6 =	vadd.s32 s7, v6;
	v7, _, _ =	vpop (xrf0);
	s26 =	spop (v2sf)  }
0x111: {  	v7 =	vadd.s32 s26, v7;
	(v2sf) =	vpush v6, $0xF  }
0x112: {  	(v2sf) =	vpush v7, $0xF;
	_ =	sdelay $0x8  }
0x113: {  	v8 =	vnsel vm2, $0x0, v6  }
0x114: {  	v6 =	vbroadcast v6, $0xF;
	[tilespmem:s6+$0x0] =	vst v8;
	v8 =	vnsel vm3, $0x0, v7  }
0x115: {  	[tilespmem:s6+$0x200] =	vst v8  }
0x116: {  	s0 =	rddreg [dreg:$0x6];
	s6 =	simm.s32 $0x500;
	[tilespmem:$0x500] =	vst v6  }
0x117: {  	[spmem:s0] =	stream.linear.scatter [tilespmem:s6], [sflag:$0x4], $0x10, $0x38;
	[tilespmem:$0x127A0] =	vst v63  }
0x118: {  	s28 =	spop (v2sf)  }
0x119: {  	s29 =	spop (v2sf)  }
0x11a: {  	_ =	swait.ge [sflag:s18], $0x10  }
0x11b: {  	v6 =	vbroadcast v7, $0xF;
	[sflag:s18] =	ssyncset.done $0x0  }
0x11c: {  	[sflag:s18] =	ssyncadd.s32 $0xFFFFFFF0  }
0x11d: {  	s30 =	rddreg [dreg:$0x9];
	[tilespmem:$0x500] =	vst v6  }
0x11e: {  	[spmem:s30] =	stream.linear.scatter [tilespmem:s6], [sflag:$0x4], $0x10, $0x38;
	[tilespmem:$0x127A0] =	vst v63  }
0x11f: {  	_ =	swait.ge [sflag:s18], $0x10  }
0x120: {  	[sflag:s18] =	ssyncset.done $0x0  }
0x121: {  	[sflag:s18] =	ssyncadd.s32 $0xFFFFFFF0  }
0x122: {  	[bflag:$0x0] =	sbarrier.arrive $0xFFFF  }
0x123: {  	s17 =	simm.s32 $0x580;
	s7 =	rddreg [dreg:$0x3]  }
0x124: {  	[tilespmem:s17], [sflag:$0x4] =	stream.linear.gather [spmem:s7], $0x200, $0x38;
	[tilespmem:$0x127A0] =	vst v63  }
0x125: {  	_ =	swait.ge [sflag:s18], $0x200  }
0x126: {  	[sflag:s18] =	ssyncset.done $0x0  }
0x127: {  	[sflag:s18] =	ssyncadd.s32 $0xFFFFFE00  }
0x128: {  	v6 =	vld [tilespmem:$0x580]  }
0x129: {  	v7 =	vld [tilespmem:$0x680]  }
0x12a: {  	v8 =	vld [tilespmem:$0x590]  }
0x12b: {  	v9 =	vld [tilespmem:$0x690]  }
0x12c: {  	v10 =	vld [tilespmem:$0x5A0]  }
0x12d: {  	(v2sf) =	vpush v6, $0x0  }
0x12e: {  	v6 =	vld [tilespmem:$0x6A0];
	(v2sf) =	vpush v7, $0x0  }
0x12f: {  	v7 =	vld [tilespmem:$0x5B0];
	(v2sf) =	vpush v8, $0x0  }
0x130: {  	v8 =	vld [tilespmem:$0x6B0];
	(v2sf) =	vpush v9, $0x0  }
0x131: {  	v9 =	vld [tilespmem:$0x5C0];
	(v2sf) =	vpush v10, $0x0;
	_ =	sdelay $0x1  }
0x132: {  	v10 =	vld [tilespmem:$0x6C0];
	(v2sf) =	vpush v6, $0x0  }
0x133: {  	v6 =	vld [tilespmem:$0x5D0];
	(v2sf) =	vpush v7, $0x0  }
0x134: {  	(v2sf) =	vpush v8, $0x0  }
0x135: {  	v7 =	vld [tilespmem:$0x6D0];
	(v2sf) =	vpush v9, $0x0  }
0x136: {  	s19 =	sld [smem:$0x7FD];
	v8 =	vld [tilespmem:$0x5E0]  }
0x137: {  	s20 =	sld [smem:$0x7FC];
	v9 =	vld [tilespmem:$0x6E0];
	(v2sf) =	vpush v10, $0x0  }
0x138: {  	s21 =	sld [smem:$0x7FB];
	v10 =	vld [tilespmem:$0x5F0];
	(v2sf) =	vpush v6, $0x0  }
0x139: {  	s23 =	sld [smem:$0x7FA]  }
0x13a: {  	s26 =	sld [smem:$0x7F9];
	v6 =	vld [tilespmem:$0x6F0];
	(v2sf) =	vpush v7, $0x0  }
0x13b: {  	s28 =	sld [smem:$0x7F8];
	v7 =	vld [tilespmem:$0x600];
	(v2sf) =	vpush v8, $0x0;
	s6 =	spop (v2sf)  }
0x13c: {  	s29 =	sld [smem:$0x7F7];
	v8 =	vld [tilespmem:$0x700];
	(v2sf) =	vpush v9, $0x0;
	s7 =	spop (v2sf)  }
0x13d: {  	s30 =	sld [smem:$0x7F6];
	p1 =	seq.s32 s19, $0x1;
	v9 =	vld [tilespmem:$0x610];
	(v2sf) =	vpush v10, $0x0;
	s17 =	spop (v2sf)  }
0x13e: {  	s6 =	simm.s32 @p0 $0x0;
	s18 =	spop (v2sf);
	s17 =	simm.s32 @!p1 $0x0  }
0x13f: {  	v10 =	vld [tilespmem:$0x710];
	(v2sf) =	vpush v6, $0x0;
	s7 =	simm.s32 @p0 $0x0;
	s19 =	spop (v2sf);
	s6 =	sadd.s32 s6, s17  }
0x140: {  	v6 =	vld [tilespmem:$0x620];
	(v2sf) =	vpush v7, $0x0;
	s18 =	simm.s32 @!p1 $0x0;
	p1 =	seq.s32 s20, $0x1;
	s20 =	sld [smem:$0x7F5]  }
0x141: {  	v7 =	vld [tilespmem:$0x720];
	(v2sf) =	vpush v8, $0x0;
	s17 =	spop (v2sf);
	s7 =	sadd.s32 s7, s18;
	s19 =	simm.s32 @!p1 $0x0  }
0x142: {  	v8 =	vld [tilespmem:$0x630];
	(v2sf) =	vpush v9, $0x0;
	s18 =	spop (v2sf);
	s6 =	sadd.s32 s19, s6;
	s17 =	simm.s32 @!p1 $0x0  }
0x143: {  	v9 =	vld [tilespmem:$0x730];
	p1 =	seq.s32 s21, $0x1;
	s21 =	sld [smem:$0x7F4];
	s19 =	spop (v2sf)  }
0x144: {  	(v2sf) =	vpush v10, $0x0;
	v10 =	vld [tilespmem:$0x640];
	s7 =	sadd.s32 s17, s7;
	s18 =	simm.s32 @!p1 $0x0;
	s17 =	spop (v2sf)  }
0x145: {  	(v2sf) =	vpush v6, $0x0;
	s6 =	sadd.s32 s18, s6;
	s19 =	simm.s32 @!p1 $0x0;
	p1 =	seq.s32 s23, $0x1  }
0x146: {  	v6 =	vld [tilespmem:$0x740];
	(v2sf) =	vpush v7, $0x0;
	s23 =	sld [smem:$0x7F3];
	s18 =	spop (v2sf);
	s17 =	simm.s32 @!p1 $0x0  }
0x147: {  	v7 =	vld [tilespmem:$0x650];
	(v2sf) =	vpush v8, $0x0;
	s7 =	sadd.s32 s19, s7;
	s19 =	spop (v2sf);
	s6 =	sadd.s32 s17, s6  }
0x148: {  	v8 =	vld [tilespmem:$0x750];
	(v2sf) =	vpush v9, $0x0;
	s18 =	simm.s32 @!p1 $0x0;
	p1 =	seq.s32 s26, $0x1;
	s26 =	sld [smem:$0x7F2]  }
0x149: {  	v9 =	vld [tilespmem:$0x660];
	(v2sf) =	vpush v10, $0x0;
	s17 =	spop (v2sf);
	s7 =	sadd.s32 s18, s7;
	s19 =	simm.s32 @!p1 $0x0  }
0x14a: {  	v10 =	vld [tilespmem:$0x760];
	s18 =	spop (v2sf);
	s6 =	sadd.s32 s19, s6;
	s17 =	simm.s32 @!p1 $0x0  }
0x14b: {  	(v2sf) =	vpush v6, $0x0;
	p1 =	seq.s32 s28, $0x1;
	s28 =	sld [smem:$0x7F1];
	s19 =	spop (v2sf)  }
0x14c: {  	(v2sf) =	vpush v7, $0x0;
	s7 =	sadd.s32 s17, s7;
	s18 =	simm.s32 @!p1 $0x0;
	s17 =	spop (v2sf)  }
0x14d: {  	(v2sf) =	vpush v8, $0x0;
	s6 =	sadd.s32 s18, s6;
	s19 =	simm.s32 @!p1 $0x0;
	p1 =	seq.s32 s29, $0x1  }
0x14e: {  	(v2sf) =	vpush v9, $0x0;
	s29 =	sld [smem:$0x7F0];
	s18 =	spop (v2sf);
	s17 =	simm.s32 @!p1 $0x0  }
0x14f: {  	(v2sf) =	vpush v10, $0x0;
	s7 =	sadd.s32 s19, s7;
	s19 =	spop (v2sf);
	s6 =	sadd.s32 s17, s6  }
0x150: {  	s18 =	simm.s32 @!p1 $0x0;
	p1 =	seq.s32 s30, $0x1;
	s17 =	spop (v2sf)  }
0x151: {  	s7 =	sadd.s32 s18, s7;
	s19 =	simm.s32 @!p1 $0x0;
	s18 =	spop (v2sf)  }
0x152: {  	s6 =	sadd.s32 s19, s6;
	s17 =	simm.s32 @!p1 $0x0;
	p1 =	seq.s32 s20, $0x1  }
0x153: {  	s19 =	spop (v2sf);
	s7 =	sadd.s32 s17, s7;
	s18 =	simm.s32 @!p1 $0x0  }
0x154: {  	s17 =	spop (v2sf);
	s19 =	simm.s32 @!p1 $0x0;
	p1 =	seq.s32 s21, $0x1  }
0x155: {  	s6 =	sadd.s32 s18, s6;
	s18 =	spop (v2sf);
	s17 =	simm.s32 @!p1 $0x0  }
0x156: {  	s7 =	sadd.s32 s19, s7;
	s19 =	spop (v2sf);
	s6 =	sadd.s32 s17, s6  }
0x157: {  	s18 =	simm.s32 @!p1 $0x0;
	p1 =	seq.s32 s23, $0x1;
	s17 =	spop (v2sf)  }
0x158: {  	s7 =	sadd.s32 s18, s7;
	s19 =	simm.s32 @!p1 $0x0;
	s18 =	spop (v2sf)  }
0x159: {  	s6 =	sadd.s32 s19, s6;
	s17 =	simm.s32 @!p1 $0x0;
	p1 =	seq.s32 s26, $0x1  }
0x15a: {  	s19 =	spop (v2sf);
	s7 =	sadd.s32 s17, s7;
	s18 =	simm.s32 @!p1 $0x0  }
0x15b: {  	s17 =	spop (v2sf);
	s19 =	simm.s32 @!p1 $0x0;
	p1 =	seq.s32 s28, $0x1  }
0x15c: {  	s6 =	sadd.s32 s18, s6;
	s18 =	spop (v2sf);
	s17 =	simm.s32 @!p1 $0x0  }
0x15d: {  	s7 =	sadd.s32 s19, s7;
	s19 =	spop (v2sf);
	s6 =	sadd.s32 s17, s6  }
0x15e: {  	s18 =	simm.s32 @!p1 $0x0;
	p1 =	seq.s32 s29, $0x1;
	s17 =	spop (v2sf)  }
0x15f: {  	s7 =	sadd.s32 s18, s7;
	s19 =	simm.s32 @!p1 $0x0;
	s17 =	simm.s32 @!p1 $0x0  }
0x160: {  	s30 =	sadd.s32 s19, s6;
	s6 =	simm.s32 $0x0;
	s7 =	sadd.s32 s17, s7  }
0x161: {  	v7 =	vmov s30;
	v8 =	vld [tilespmem:s6+$0x0];
	v6 =	vmov s7;
	s7 =	simm.s32 $0x40  }
.LBB2_4:
0x162: {  	p1 =	sne.s32 s7, $0x7C0;
	v9 =	vld [tilespmem:s6+$0x200];
	_ =	sdelay $0x3  }
0x163: {  	vm2 =	vgt.s32 v8, $0x0  }
.Ltmp3:
0x164: {  	vm3 =	vgt.s32 v9, $0x0;
	v10 =	vnsel vm2, $0x0, v7;
	(pc) =	sbr.rel @p1 .LBB2_4-.Ltmp3, $4  }
0x165: {  	v8 =	vadd.s32 v10, v8;
	v10 =	vnsel vm3, $0x0, v6  }
0x166: {  	v8 =	vadd.s32 $0x1, v8;
	v9 =	vadd.s32 v10, v9  }
0x167: {  	s17 =	sshra.s32 s7, $0x2;
	[tilespmem:s6+$0x0] =	vst v8;
	v9 =	vadd.s32 $0x1, v9  }
0x168: {  	s7 =	sadd.s32 $0x40, s7;
	v8 =	vld [tilespmem:s17+$0x0];
	[tilespmem:s6+$0x200] =	vst v9;
	s6 =	smov.u32 s17  }
0x169: {  	v9 =	vld [tilespmem:s6+$0x200];
	_ =	sdelay $0x3  }
0x16a: {  	vm2 =	vgt.s32 v8, $0x0  }
0x16b: {  	vm3 =	vgt.s32 v9, $0x0;
	v7 =	vnsel vm2, $0x0, v7  }
0x16c: {  	v7 =	vadd.s32 v7, v8;
	v6 =	vnsel vm3, $0x0, v6  }
0x16d: {  	v7 =	vadd.s32 $0x1, v7;
	v6 =	vadd.s32 v6, v9  }
0x16e: {  	[tilespmem:s6+$0x0] =	vst v7;
	v6 =	vadd.s32 $0x1, v6  }
0x16f: {  	[tilespmem:s6+$0x200] =	vst v6  }
0x170: {  	v6 =	vld [tilespmem:$0x0]  }
0x171: {  	v7 =	vld [tilespmem:$0x30]  }
0x172: {  	v8 =	vld [tilespmem:$0x200];
	_ =	sdelay $0x2  }
0x173: {  	(v2sf) =	vpush v6, $0x0  }
0x174: {  	(v2sf) =	vpush v7, $0xF  }
0x175: {  	(v2sf) =	vpush v8, $0x0;
	_ =	sdelay $0x5  }
0x176: {  	v7 =	vld [tilespmem:$0x230];
	_ =	sdelay $0x4  }
0x177: {  	(v2sf) =	vpush v7, $0xF;
	_ =	sdelay $0x1  }
0x178: {  	s6 =	spop (v2sf)  }
0x179: {  	s7 =	spop (v2sf)  }
0x17a: {  	s17 =	spop (v2sf)  }
0x17b: {  	p1 =	slt.s32 s6, s17;
	s18 =	smov.u32 s17  }
0x17c: {  	s18 =	smov.u32 @p1 s6  }
0x17d: {  	s19 =	ssub.s32 s6, s18;
	s18 =	ssub.s32 s17, s18  }
0x17e: {  	p1 =	sgt.s32 s19, s18  }
0x17f: {  	s18 =	smov.u32 @p1 s19  }
0x180: {  	p1 =	sne.s32 s18, $0x0  }
0x181: {  	p2 =	slt.s32 @!p1 s6, $0x2  }
0x182: {  	s6 =	ssub.s32 s7, s6;
	p1 =	por p1, p2  }
0x183: {  	p2 =	sne.s32 @!p1 s6, $0x3F  }
0x184: {  	p1 =	por p1, p2  }
0x185: {  	s30 =	spop (v2sf);
	p2 =	slt.s32 @!p1 s17, $0x2  }
0x186: {  	s6 =	ssub.s32 s30, s17;
	p1 =	por p1, p2  }
0x187: {  	p2 =	sne.s32 @!p1 s6, $0x3F  }
0x188: {  	p1 =	por p1, p2  }
.Ltmp4:
0x189: {  	_ = 	snop;
	(pc) =	sbr.rel @p1 .LBB2_7-.Ltmp4, $1  }
0x18a: {  	_ =	sdelay $0x3  }
0x18b: {  	v7 =	vshll.u32 v6, $0x3  }
0x18c: {  	v6 =	vand.u32 $0x7, v6;
	v7 =	vand.u32 $0xFFFFFFC0, v7  }
0x18d: {  	v6 =	vor.u32 v6, v7  }
0x18e: {  	v7 =	vperm.xlane v6, v2;
	_ =	sdelay $0x1  }
0x18f: {  	v7 =	vadd.s32 v3, v7;
	_ =	sdelay $0x4  }
0x190: {  	[tilespmem:s31], [sflag:$0x1] =	stream.indirect_vreg.gather [hbm4b:s1+s5], $0x80, v7, vm0, $0xb8;
	[tilespmem:$0x127A0] =	vst v63  }
0x191: {  	s0 =	simm.s32 $0xF80;
	v6 =	vperm.xlane v6, v4  }
0x192: {  	[tilespmem:s0], [sflag:$0x1] =	stream.indirect_vreg.gather [hbm4b:s11+s5], $0x80, v7, vm0, $0xb8;
	[tilespmem:$0x127A0] =	vst v63  }
0x193: {  	s7 =	simm.s32 $0x1780;
	v6 =	vadd.s32 v3, v6  }
0x194: {  	[tilespmem:s7], [sflag:$0x1] =	stream.indirect_vreg.gather [hbm4b:s12+s5], $0x80, v7, vm0, $0xb8;
	[tilespmem:$0x127A0] =	vst v63  }
0x195: {  	s17 =	simm.s32 $0x1F80  }
0x196: {  	[tilespmem:s17], [sflag:$0x1] =	stream.indirect_vreg.gather [hbm4b:s13+s5], $0x80, v7, vm0, $0xb8;
	[tilespmem:$0x127A0] =	vst v63  }
0x197: {  	s18 =	simm.s32 $0x2780  }
0x198: {  	[tilespmem:s18], [sflag:$0x1] =	stream.indirect_vreg.gather [hbm4b:s1+s5], $0x80, v6, vm0, $0xb8;
	[tilespmem:$0x127A0] =	vst v63  }
0x199: {  	s19 =	simm.s32 $0x2F80  }
0x19a: {  	[tilespmem:s19], [sflag:$0x1] =	stream.indirect_vreg.gather [hbm4b:s11+s5], $0x80, v6, vm0, $0xb8;
	[tilespmem:$0x127A0] =	vst v63  }
0x19b: {  	s20 =	simm.s32 $0x3780  }
0x19c: {  	[tilespmem:s20], [sflag:$0x1] =	stream.indirect_vreg.gather [hbm4b:s12+s5], $0x80, v6, vm0, $0xb8;
	[tilespmem:$0x127A0] =	vst v63  }
0x19d: {  	s21 =	simm.s32 $0x3F80  }
0x19e: {  	[tilespmem:s21], [sflag:$0x1] =	stream.indirect_vreg.gather [hbm4b:s13+s5], $0x80, v6, vm0, $0xb8;
	[tilespmem:$0x127A0] =	vst v63  }
0x19f: {  	v6 =	vld [tilespmem:$0x10];
	_ =	sdelay $0x4  }
0x1a0: {  	v7 =	vshll.u32 v6, $0x3  }
0x1a1: {  	v6 =	vand.u32 $0x7, v6;
	v7 =	vand.u32 $0xFFFFFFC0, v7  }
0x1a2: {  	v6 =	vor.u32 v6, v7  }
0x1a3: {  	v7 =	vperm.xlane v6, v2;
	_ =	sdelay $0x1  }
0x1a4: {  	v7 =	vadd.s32 v3, v7;
	_ =	sdelay $0x3  }
0x1a5: {  	s23 =	simm.s32 $0x4780  }
0x1a6: {  	[tilespmem:s23], [sflag:$0x1] =	stream.indirect_vreg.gather [hbm4b:s1+s5], $0x80, v7, vm0, $0xb8;
	[tilespmem:$0x127A0] =	vst v63  }
0x1a7: {  	s26 =	simm.s32 $0x4F80;
	v6 =	vperm.xlane v6, v4  }
0x1a8: {  	[tilespmem:s26], [sflag:$0x1] =	stream.indirect_vreg.gather [hbm4b:s11+s5], $0x80, v7, vm0, $0xb8;
	[tilespmem:$0x127A0] =	vst v63  }
0x1a9: {  	s28 =	simm.s32 $0x5780;
	v6 =	vadd.s32 v3, v6  }
0x1aa: {  	[tilespmem:s28], [sflag:$0x1] =	stream.indirect_vreg.gather [hbm4b:s12+s5], $0x80, v7, vm0, $0xb8;
	[tilespmem:$0x127A0] =	vst v63  }
0x1ab: {  	s29 =	simm.s32 $0x5F80  }
0x1ac: {  	[tilespmem:s29], [sflag:$0x1] =	stream.indirect_vreg.gather [hbm4b:s13+s5], $0x80, v7, vm0, $0xb8;
	[tilespmem:$0x127A0] =	vst v63  }
0x1ad: {  	s30 =	simm.s32 $0x6780  }
0x1ae: {  	[tilespmem:s30], [sflag:$0x1] =	stream.indirect_vreg.gather [hbm4b:s1+s5], $0x80, v6, vm0, $0xb8;
	[tilespmem:$0x127A0] =	vst v63  }
0x1af: {  	s6 =	simm.s32 $0x6F80  }
0x1b0: {  	[tilespmem:s6], [sflag:$0x1] =	stream.indirect_vreg.gather [hbm4b:s11+s5], $0x80, v6, vm0, $0xb8;
	[tilespmem:$0x127A0] =	vst v63  }
0x1b1: {  	s7 =	simm.s32 $0x7780  }
0x1b2: {  	[tilespmem:s7], [sflag:$0x1] =	stream.indirect_vreg.gather [hbm4b:s12+s5], $0x80, v6, vm0, $0xb8;
	[tilespmem:$0x127A0] =	vst v63  }
0x1b3: {  	s17 =	simm.s32 $0x7F80  }
0x1b4: {  	[tilespmem:s17], [sflag:$0x1] =	stream.indirect_vreg.gather [hbm4b:s13+s5], $0x80, v6, vm0, $0xb8;
	[tilespmem:$0x127A0] =	vst v63  }
0x1b5: {  	v6 =	vld [tilespmem:$0x20];
	_ =	sdelay $0x4  }
0x1b6: {  	v7 =	vshll.u32 v6, $0x3  }
0x1b7: {  	v6 =	vand.u32 $0x7, v6;
	v7 =	vand.u32 $0xFFFFFFC0, v7  }
0x1b8: {  	v6 =	vor.u32 v6, v7  }
0x1b9: {  	v7 =	vperm.xlane v6, v2;
	_ =	sdelay $0x1  }
0x1ba: {  	v7 =	vadd.s32 v3, v7;
	_ =	sdelay $0x4  }
0x1bb: {  	[tilespmem:s22], [sflag:$0x1] =	stream.indirect_vreg.gather [hbm4b:s1+s5], $0x80, v7, vm0, $0xb8;
	[tilespmem:$0x127A0] =	vst v63  }
0x1bc: {  	s18 =	simm.s32 $0x8F80;
	v6 =	vperm.xlane v6, v4  }
0x1bd: {  	[tilespmem:s18], [sflag:$0x1] =	stream.indirect_vreg.gather [hbm4b:s11+s5], $0x80, v7, vm0, $0xb8;
	[tilespmem:$0x127A0] =	vst v63  }
0x1be: {  	v6 =	vadd.s32 v3, v6  }
0x1bf: {  	[tilespmem:s3], [sflag:$0x1] =	stream.indirect_vreg.gather [hbm4b:s12+s5], $0x80, v7, vm0, $0xb8;
	[tilespmem:$0x127A0] =	vst v63  }
0x1c0: {  	s19 =	simm.s32 $0x9F80  }
0x1c1: {  	[tilespmem:s19], [sflag:$0x1] =	stream.indirect_vreg.gather [hbm4b:s13+s5], $0x80, v7, vm0, $0xb8;
	[tilespmem:$0x127A0] =	vst v63  }
0x1c2: {  	_ = 	snop  }
0x1c3: {  	[tilespmem:s25], [sflag:$0x1] =	stream.indirect_vreg.gather [hbm4b:s1+s5], $0x80, v6, vm0, $0xb8;
	[tilespmem:$0x127A0] =	vst v63  }
0x1c4: {  	s20 =	simm.s32 $0xAF80  }
0x1c5: {  	[tilespmem:s20], [sflag:$0x1] =	stream.indirect_vreg.gather [hbm4b:s11+s5], $0x80, v6, vm0, $0xb8;
	[tilespmem:$0x127A0] =	vst v63  }
0x1c6: {  	_ = 	snop  }
0x1c7: {  	[tilespmem:s9], [sflag:$0x1] =	stream.indirect_vreg.gather [hbm4b:s12+s5], $0x80, v6, vm0, $0xb8;
	[tilespmem:$0x127A0] =	vst v63  }
0x1c8: {  	s21 =	simm.s32 $0xBF80  }
0x1c9: {  	[tilespmem:s21], [sflag:$0x1] =	stream.indirect_vreg.gather [hbm4b:s13+s5], $0x80, v6, vm0, $0xb8;
	[tilespmem:$0x127A0] =	vst v63  }
0x1ca: {  	v6 =	vld [tilespmem:$0x30];
	_ =	sdelay $0x4  }
0x1cb: {  	v7 =	vshll.u32 v6, $0x3  }
0x1cc: {  	v6 =	vand.u32 $0x7, v6;
	v7 =	vand.u32 $0xFFFFFFC0, v7  }
0x1cd: {  	v6 =	vor.u32 v6, v7  }
0x1ce: {  	v7 =	vperm.xlane v6, v2;
	_ =	sdelay $0x1  }
0x1cf: {  	v7 =	vadd.s32 v3, v7;
	_ =	sdelay $0x4  }
0x1d0: {  	[tilespmem:s4], [sflag:$0x1] =	stream.indirect_vreg.gather [hbm4b:s1+s5], $0x80, v7, vm0, $0xb8;
	[tilespmem:$0x127A0] =	vst v63  }
0x1d1: {  	s23 =	simm.s32 $0xCF80;
	v6 =	vperm.xlane v6, v4  }
0x1d2: {  	[tilespmem:s23], [sflag:$0x1] =	stream.indirect_vreg.gather [hbm4b:s11+s5], $0x80, v7, vm0, $0xb8;
	[tilespmem:$0x127A0] =	vst v63  }
0x1d3: {  	s26 =	simm.s32 $0xD780;
	v6 =	vadd.s32 v3, v6  }
0x1d4: {  	[tilespmem:s26], [sflag:$0x1] =	stream.indirect_vreg.gather [hbm4b:s12+s5], $0x80, v7, vm0, $0xb8;
	[tilespmem:$0x127A0] =	vst v63  }
0x1d5: {  	s28 =	simm.s32 $0xDF80  }
0x1d6: {  	[tilespmem:s28], [sflag:$0x1] =	stream.indirect_vreg.gather [hbm4b:s13+s5], $0x80, v7, vm0, $0xb8;
	[tilespmem:$0x127A0] =	vst v63  }
0x1d7: {  	s29 =	simm.s32 $0xE780  }
0x1d8: {  	[tilespmem:s29], [sflag:$0x1] =	stream.indirect_vreg.gather [hbm4b:s1+s5], $0x80, v6, vm0, $0xb8;
	[tilespmem:$0x127A0] =	vst v63  }
0x1d9: {  	s30 =	simm.s32 $0xEF80  }
0x1da: {  	[tilespmem:s30], [sflag:$0x1] =	stream.indirect_vreg.gather [hbm4b:s11+s5], $0x80, v6, vm0, $0xb8;
	[tilespmem:$0x127A0] =	vst v63  }
0x1db: {  	_ = 	snop  }
0x1dc: {  	[tilespmem:s10], [sflag:$0x1] =	stream.indirect_vreg.gather [hbm4b:s12+s5], $0x80, v6, vm0, $0xb8;
	[tilespmem:$0x127A0] =	vst v63  }
0x1dd: {  	_ = 	snop  }
0x1de: {  	[tilespmem:s24], [sflag:$0x1] =	stream.indirect_vreg.gather [hbm4b:s13+s5], $0x80, v6, vm0, $0xb8;
	[tilespmem:$0x127A0] =	vst v63  }
.LBB2_7:
.Ltmp5:
0x1df: {  	(pc) =	sbr.rel .LBB2_8-.Ltmp5, $2  }
0x1e0: {  	_ =	sdelay $0x2  }
0x1e1: {  	s20 =	simm.s32 $0x0;
	s23 =	rddreg [dreg:$0xd];
	s17 =	simm.s32 $0x0  }
.LBB2_21:
0x1e2: {  	p1 =	sne.s32 s18, $0x1C0  }
.Ltmp6:
0x1e3: {  	_ = 	snop;
	(pc) =	sbr.rel @!p1 .LBB2_22-.Ltmp6, $2  }
0x1e4: {  	_ =	sdelay $0x2  }
0x1e5: {  	s17 =	sadd.s32 $0x100, s17;
	s23 =	sadd.s32 $0x2000, s23;
	s20 =	smov.u32 s18  }
.LBB2_8:
0x1e6: {  	s19 =	sshra.s32 s17, $0x2  }
0x1e7: {  	v6 =	vld [tilespmem:s19+$0x0]  }
0x1e8: {  	v7 =	vld [tilespmem:s19+$0x30]  }
0x1e9: {  	v8 =	vld [tilespmem:s19+$0x200];
	_ =	sdelay $0x2  }
0x1ea: {  	(v2sf) =	vpush v6, $0x0  }
0x1eb: {  	(v2sf) =	vpush v7, $0xF  }
0x1ec: {  	(v2sf) =	vpush v8, $0x0;
	_ =	sdelay $0xa  }
0x1ed: {  	s6 =	smin.u32 s20, $0x10  }
0x1ee: {  	s6 =	sshll.u32 s6, $0x2  }
0x1ef: {  	s6 =	ssub.s32 $0x0, s6;
	s18 =	spop (v2sf)  }
0x1f0: {  	s6 =	sshra.s32 s6, $0x2;
	s26 =	spop (v2sf)  }
0x1f1: {  	s28 =	sadd.s32 s19, s6;
	s7 =	spop (v2sf)  }
0x1f2: {  	v7 =	vld [tilespmem:s28+$0x0];
	p1 =	slt.s32 s18, s7;
	s21 =	smov.u32 s7  }
0x1f3: {  	s21 =	smov.u32 @p1 s18  }
0x1f4: {  	v8 =	vld [tilespmem:s19+$0x40];
	s6 =	ssub.s32 s18, s21  }
0x1f5: {  	v10 =	vld [tilespmem:s28+$0x200];
	s30 =	sadd.s32 $0xFFFFFFF0, s18;
	s0 =	sadd.s32 $0x40, s18;
	s29 =	ssub.s32 $0x10, s6  }
0x1f6: {  	v61 =	vadd.s32 s30, v0;
	v62 =	vadd.s32 s0, v0;
	s30 =	ssub.s32 s7, s21;
	s28 =	ssub.s32 $0x4, s6;
	v9 =	vmov s29  }
0x1f7: {  	v11 =	vld [tilespmem:s19+$0x240];
	vm3 =	vne.s32 v7, v61;
	v7 =	vmov s28;
	s28 =	ssub.s32 $0x10, s30;
	vm2 =	vlt.s32 v9, v5  }
0x1f8: {  	s0 =	sadd.s32 $0xFFFFFFF0, s7;
	vm4 =	vgt.s32 v7, v0;
	v7 =	vmov s28;
	vm2 =	vmand vm3, vm2  }
0x1f9: {  	vm3 =	vne.s32 v8, v62;
	v8 =	vadd.s32 s0, v0;
	vm14 =	vlt.s32 v7, v5  }
0x1fa: {  	s28 =	ssub.s32 $0x4, s30;
	s0 =	sadd.s32 $0x40, s7;
	vm3 =	vmand vm3, vm4;
	v7 =	vsel vm2, $0x1, v1;
	vm2 =	vne.s32 v10, v8  }
0x1fb: {  	v8 =	vmov s28;
	v63 =	vadd.s32 s0, v0;
	vm2 =	vmand vm2, vm14  }
0x1fc: {  	(xrf0) =	vadd.scan.msk.s32 $0xffff, v7;
	vm15 =	vne.s32 v11, v63;
	v7 =	vsel vm3, $0x1, v1;
	vm3 =	vgt.s32 v8, v0  }
0x1fd: {  	vm3 =	vmand vm15, vm3;
	(xrf0) =	vadd.scan.msk.s32 $0xffff, v7;
	v7 =	vld [tilespmem:s19+$0x230];
	v8 =	vsel vm2, $0x1, v1  }
0x1fe: {  	(xrf0) =	vadd.scan.msk.s32 $0xffff, v8;
	v8 =	vsel vm3, $0x1, v1  }
0x1ff: {  	(xrf0) =	vadd.scan.msk.s32 $0xffff, v8;
	_ =	sdelay $0x2  }
0x200: {  	v8, _, _ =	vpop (xrf0);
	(v2sf) =	vpush v7, $0xF  }
0x201: {  	v7, _, _ =	vpop (xrf0);
	(v2sf) =	vpush v8, $0xF  }
0x202: {  	v8, _, _ =	vpop (xrf0);
	(v2sf) =	vpush v7, $0xF  }
0x203: {  	(v2sf) =	vpush v8, $0xF;
	v7, _, _ =	vpop (xrf0)  }
0x204: {  	(v2sf) =	vpush v7, $0xF;
	_ =	sdelay $0x9  }
0x205: {  	s26 =	ssub.s32 s26, s18  }
0x206: {  	p2 =	sgt.s32 s18, $0x1;
	p4 =	seq.s32 s26, $0x3F;
	s0 =	spop (v2sf)  }
0x207: {  	p5 =	sgt.s32 s7, $0x1;
	p1 =	por !p2, !p4;
	s29 =	spop (v2sf)  }
0x208: {  	p1 =	por !p1, !p1;
	s26 =	ssub.s32 s0, s7;
	s0 =	spop (v2sf)  }
0x209: {  	p3 =	seq.s32 s26, $0x3F;
	s26 =	spop (v2sf);
	s28 =	ssub.s32 $0x0, s0  }
0x20a: {  	p2 =	por !p5, !p3;
	p3 =	sgt.s32 s6, s30;
	s0 =	spop (v2sf)  }
0x20b: {  	p5 =	sgt.s32 s6, $0x0;
	p4 =	seq.s32 s29, s28;
	s28 =	ssub.s32 $0x0, s0  }
0x20c: {  	s30 =	smov.u32 @p3 s6;
	p2 =	por !p2, !p2;
	p6 =	seq.s32 s26, s28  }
0x20d: {  	p1 =	por !p1, !p2;
	p4 =	por @!p5 p6, p6;
	p6 =	sne.s32 s20, $0x0  }
0x20e: {  	s29 =	sadd.s32 $0xFFFFFFFF, s30;
	p1 =	por !p1, !p1;
	p3 =	por !p6, !p4  }
0x20f: {  	p5 =	slt.u32 s29, $0x4;
	p6 =	seq.s32 s30, $0x0;
	p3 =	por !p3, !p3  }
0x210: {  	p2 =	por !p5, !p3;
	p5 =	por !p6, !p1  }
0x211: {  	p6 =	por !p2, !p2;
	p2 =	por !p5, !p5  }
.Ltmp7:
0x212: {  	_ = 	snop;
	(pc) =	sbr.rel @!p2 .LBB2_9-.Ltmp7, $3  }
0x213: {  	_ =	sdelay $0x1  }
0x214: {  	p1 =	por !p1, !p6  }
0x215: {  	p1 =	por !p1, !p1  }
0x216: {  	s0 =	simm.s32 $0x1  }
0x217: {  	_ =	swait.ge [sflag:s0], $0x10000  }
0x218: {  	[sflag:s0] =	ssyncset.done $0x0  }
0x219: {  	s26 =	sadd.s32 $0xFFF00000, s23;
	[sflag:s0] =	ssyncadd.s32 $0xFFFF0000  }
0x21a: {  	[hbm4b:s26+s5] =	stream.linear.scatter [tilespmem:s31], [sflag:$0x2], $0x10000, $0x38;
	[tilespmem:$0x127A0] =	vst v63  }
0x21b: {  	_ = 	snop  }
0x21c: {  	[hbm4b:s23+s5] =	stream.linear.scatter [tilespmem:s31], [sflag:$0x3], $0x10000, $0x38;
	[tilespmem:$0x127A0] =	vst v63  }
0x21d: {  	_ =	swait.ge [sflag:s14], $0x10000  }
.Ltmp8:
0x21e: {  	[sflag:s14] =	ssyncset.done $0x0;
	(pc) =	sbr.rel @!p1 .LBB2_17-.Ltmp8, $4  }
.Ltmp9:
0x21f: {  	s30 =	simm.s32 $0x3;
	[sflag:s14] =	ssyncadd.s32 $0xFFFF0000;
	(pc) =	sbr.rel @p1 .LBB2_13-.Ltmp9, $4  }
0x220: {  	_ =	swait.ge [sflag:s30], $0x10000  }
0x221: {  	[sflag:s30] =	ssyncset.done $0x0  }
0x222: {  	[sflag:s30] =	ssyncadd.s32 $0xFFFF0000  }
0x223: {  	_ = 	snop  }
.LBB2_9:
.Ltmp10:
0x224: {  	(pc) =	sbr.rel @!p1 .LBB2_10-.Ltmp10, $1  }
0x225: {  	_ =	sdelay $0x3  }
.LBB2_13:
0x226: {  	p1 =	slt.s32 s6, $0x1  }
.Ltmp11:
0x227: {  	_ = 	snop;
	(pc) =	sbr.rel @p1 .LBB2_15-.Ltmp11, $4  }
0x228: {  	s0 =	simm.s32 $0x1  }
0x229: {  	_ =	swait.ge [sflag:s0], $0x11000  }
0x22a: {  	[sflag:s0] =	ssyncset.done $0x0;
	s30 =	rddreg [dreg:$0x5]  }
0x22b: {  	[sflag:s0] =	ssyncadd.s32 $0xFFFEF000;
	s6 =	sadd.s32 s20, s30  }
0x22c: {  	s26 =	ssub.s32 s21, s18  }
0x22d: {  	s26 =	sadd.s32 s26, s6  }
0x22e: {  	v6 =	vadd.s32 s26, v0  }
0x22f: {  	v7 =	vshll.u32 v6, $0x3  }
0x230: {  	v8 =	vand.u32 $0x7, v6;
	v7 =	vand.u32 $0xFFFFFFC0, v7  }
0x231: {  	v7 =	vor.u32 v8, v7  }
0x232: {  	v8 =	vperm.xlane v7, v2  }
0x233: {  	s28 =	sadd.s32 $0x10, s26  }
0x234: {  	s0 =	sadd.s32 $0x30, s26;
	[tilespmem:$0x480] =	vst v6;
	v6 =	vadd.s32 s28, v0;
	v8 =	vadd.s32 v3, v8  }
0x235: {  	s30 =	sadd.s32 $0x20, s26;
	v9 =	vadd.s32 s0, v0;
	[tilespmem:$0x490] =	vst v6  }
0x236: {  	s26 =	sadd.s32 $0x34, s26;
	v6 =	vadd.s32 s30, v0;
	[tilespmem:$0x4B0] =	vst v9  }
0x237: {  	[tilespmem:$0x4A0] =	vst v6;
	v6 =	vadd.s32 s26, v0  }
0x238: {  	[tilespmem:$0x4B4] =	vst v6  }
0x239: {  	[hbm4b:s2+s5] =	stream.indirect_vreg.scatter [tilespmem:s31], [sflag:$0x2], $0x80, v8, vm0, $0xb8;
	[tilespmem:$0x127A0] =	vst v63  }
0x23a: {  	s0 =	simm.s32 $0xF80;
	v6 =	vperm.xlane v7, v4  }
0x23b: {  	[hbm4b:s8+s5] =	stream.indirect_vreg.scatter [tilespmem:s0], [sflag:$0x2], $0x80, v8, vm0, $0xb8;
	[tilespmem:$0x127A0] =	vst v63  }
0x23c: {  	s26 =	simm.s32 $0x1780;
	v6 =	vadd.s32 v3, v6  }
0x23d: {  	[hbm4b:s15+s5] =	stream.indirect_vreg.scatter [tilespmem:s26], [sflag:$0x2], $0x80, v8, vm0, $0xb8;
	[tilespmem:$0x127A0] =	vst v63  }
0x23e: {  	s28 =	simm.s32 $0x1F80  }
0x23f: {  	[hbm4b:s16+s5] =	stream.indirect_vreg.scatter [tilespmem:s28], [sflag:$0x2], $0x80, v8, vm0, $0xb8;
	[tilespmem:$0x127A0] =	vst v63  }
0x240: {  	s29 =	simm.s32 $0x2780  }
0x241: {  	[hbm4b:s2+s5] =	stream.indirect_vreg.scatter [tilespmem:s29], [sflag:$0x2], $0x80, v6, vm0, $0xb8;
	[tilespmem:$0x127A0] =	vst v63  }
0x242: {  	s30 =	simm.s32 $0x2F80  }
0x243: {  	[hbm4b:s8+s5] =	stream.indirect_vreg.scatter [tilespmem:s30], [sflag:$0x2], $0x80, v6, vm0, $0xb8;
	[tilespmem:$0x127A0] =	vst v63  }
0x244: {  	s26 =	simm.s32 $0x3780  }
0x245: {  	[hbm4b:s15+s5] =	stream.indirect_vreg.scatter [tilespmem:s26], [sflag:$0x2], $0x80, v6, vm0, $0xb8;
	[tilespmem:$0x127A0] =	vst v63  }
0x246: {  	s28 =	simm.s32 $0x3F80  }
0x247: {  	[hbm4b:s16+s5] =	stream.indirect_vreg.scatter [tilespmem:s28], [sflag:$0x2], $0x80, v6, vm0, $0xb8;
	[tilespmem:$0x127A0] =	vst v63  }
0x248: {  	v6 =	vld [tilespmem:$0x490];
	_ =	sdelay $0x4  }
0x249: {  	v7 =	vshll.u32 v6, $0x3  }
0x24a: {  	v6 =	vand.u32 $0x7, v6;
	v7 =	vand.u32 $0xFFFFFFC0, v7  }
0x24b: {  	v6 =	vor.u32 v6, v7  }
0x24c: {  	v7 =	vperm.xlane v6, v2;
	_ =	sdelay $0x1  }
0x24d: {  	v7 =	vadd.s32 v3, v7;
	_ =	sdelay $0x3  }
0x24e: {  	s29 =	simm.s32 $0x4780  }
0x24f: {  	[hbm4b:s2+s5] =	stream.indirect_vreg.scatter [tilespmem:s29], [sflag:$0x2], $0x80, v7, vm0, $0xb8;
	[tilespmem:$0x127A0] =	vst v63  }
0x250: {  	s30 =	simm.s32 $0x4F80;
	v6 =	vperm.xlane v6, v4  }
0x251: {  	[hbm4b:s8+s5] =	stream.indirect_vreg.scatter [tilespmem:s30], [sflag:$0x2], $0x80, v7, vm0, $0xb8;
	[tilespmem:$0x127A0] =	vst v63  }
0x252: {  	s26 =	simm.s32 $0x5780;
	v6 =	vadd.s32 v3, v6  }
0x253: {  	[hbm4b:s15+s5] =	stream.indirect_vreg.scatter [tilespmem:s26], [sflag:$0x2], $0x80, v7, vm0, $0xb8;
	[tilespmem:$0x127A0] =	vst v63  }
0x254: {  	s28 =	simm.s32 $0x5F80  }
0x255: {  	[hbm4b:s16+s5] =	stream.indirect_vreg.scatter [tilespmem:s28], [sflag:$0x2], $0x80, v7, vm0, $0xb8;
	[tilespmem:$0x127A0] =	vst v63  }
0x256: {  	s29 =	simm.s32 $0x6780  }
0x257: {  	[hbm4b:s2+s5] =	stream.indirect_vreg.scatter [tilespmem:s29], [sflag:$0x2], $0x80, v6, vm0, $0xb8;
	[tilespmem:$0x127A0] =	vst v63  }
0x258: {  	s30 =	simm.s32 $0x6F80  }
0x259: {  	[hbm4b:s8+s5] =	stream.indirect_vreg.scatter [tilespmem:s30], [sflag:$0x2], $0x80, v6, vm0, $0xb8;
	[tilespmem:$0x127A0] =	vst v63  }
0x25a: {  	s26 =	simm.s32 $0x7780  }
0x25b: {  	[hbm4b:s15+s5] =	stream.indirect_vreg.scatter [tilespmem:s26], [sflag:$0x2], $0x80, v6, vm0, $0xb8;
	[tilespmem:$0x127A0] =	vst v63  }
0x25c: {  	s28 =	simm.s32 $0x7F80  }
0x25d: {  	[hbm4b:s16+s5] =	stream.indirect_vreg.scatter [tilespmem:s28], [sflag:$0x2], $0x80, v6, vm0, $0xb8;
	[tilespmem:$0x127A0] =	vst v63  }
0x25e: {  	v6 =	vld [tilespmem:$0x4A0];
	_ =	sdelay $0x4  }
0x25f: {  	v7 =	vshll.u32 v6, $0x3  }
0x260: {  	v6 =	vand.u32 $0x7, v6;
	v7 =	vand.u32 $0xFFFFFFC0, v7  }
0x261: {  	v6 =	vor.u32 v6, v7  }
0x262: {  	v7 =	vperm.xlane v6, v2;
	_ =	sdelay $0x1  }
0x263: {  	v7 =	vadd.s32 v3, v7;
	_ =	sdelay $0x4  }
0x264: {  	[hbm4b:s2+s5] =	stream.indirect_vreg.scatter [tilespmem:s22], [sflag:$0x2], $0x80, v7, vm0, $0xb8;
	[tilespmem:$0x127A0] =	vst v63  }
0x265: {  	s29 =	simm.s32 $0x8F80;
	v6 =	vperm.xlane v6, v4  }
0x266: {  	[hbm4b:s8+s5] =	stream.indirect_vreg.scatter [tilespmem:s29], [sflag:$0x2], $0x80, v7, vm0, $0xb8;
	[tilespmem:$0x127A0] =	vst v63  }
0x267: {  	v6 =	vadd.s32 v3, v6  }
0x268: {  	[hbm4b:s15+s5] =	stream.indirect_vreg.scatter [tilespmem:s3], [sflag:$0x2], $0x80, v7, vm0, $0xb8;
	[tilespmem:$0x127A0] =	vst v63  }
0x269: {  	s30 =	simm.s32 $0x9F80  }
0x26a: {  	[hbm4b:s16+s5] =	stream.indirect_vreg.scatter [tilespmem:s30], [sflag:$0x2], $0x80, v7, vm0, $0xb8;
	[tilespmem:$0x127A0] =	vst v63  }
0x26b: {  	_ = 	snop  }
0x26c: {  	[hbm4b:s2+s5] =	stream.indirect_vreg.scatter [tilespmem:s25], [sflag:$0x2], $0x80, v6, vm0, $0xb8;
	[tilespmem:$0x127A0] =	vst v63  }
0x26d: {  	s26 =	simm.s32 $0xAF80  }
0x26e: {  	[hbm4b:s8+s5] =	stream.indirect_vreg.scatter [tilespmem:s26], [sflag:$0x2], $0x80, v6, vm0, $0xb8;
	[tilespmem:$0x127A0] =	vst v63  }
0x26f: {  	_ = 	snop  }
0x270: {  	[hbm4b:s15+s5] =	stream.indirect_vreg.scatter [tilespmem:s9], [sflag:$0x2], $0x80, v6, vm0, $0xb8;
	[tilespmem:$0x127A0] =	vst v63  }
0x271: {  	s28 =	simm.s32 $0xBF80  }
0x272: {  	[hbm4b:s16+s5] =	stream.indirect_vreg.scatter [tilespmem:s28], [sflag:$0x2], $0x80, v6, vm0, $0xb8;
	[tilespmem:$0x127A0] =	vst v63  }
0x273: {  	v6 =	vld [tilespmem:$0x4B0];
	_ =	sdelay $0x4  }
0x274: {  	v7 =	vshll.u32 v6, $0x3  }
0x275: {  	v6 =	vand.u32 $0x7, v6;
	v7 =	vand.u32 $0xFFFFFFC0, v7  }
0x276: {  	v6 =	vor.u32 v6, v7  }
0x277: {  	v7 =	vperm.xlane v6, v2;
	_ =	sdelay $0x1  }
0x278: {  	v7 =	vadd.s32 v3, v7;
	_ =	sdelay $0x4  }
0x279: {  	[hbm4b:s2+s5] =	stream.indirect_vreg.scatter [tilespmem:s4], [sflag:$0x2], $0x80, v7, vm0, $0xb8;
	[tilespmem:$0x127A0] =	vst v63  }
0x27a: {  	s29 =	simm.s32 $0xCF80;
	v6 =	vperm.xlane v6, v4  }
0x27b: {  	[hbm4b:s8+s5] =	stream.indirect_vreg.scatter [tilespmem:s29], [sflag:$0x2], $0x80, v7, vm0, $0xb8;
	[tilespmem:$0x127A0] =	vst v63  }
0x27c: {  	s30 =	simm.s32 $0xD780;
	v6 =	vadd.s32 v3, v6  }
0x27d: {  	[hbm4b:s15+s5] =	stream.indirect_vreg.scatter [tilespmem:s30], [sflag:$0x2], $0x80, v7, vm0, $0xb8;
	[tilespmem:$0x127A0] =	vst v63  }
0x27e: {  	s26 =	simm.s32 $0xDF80  }
0x27f: {  	[hbm4b:s16+s5] =	stream.indirect_vreg.scatter [tilespmem:s26], [sflag:$0x2], $0x80, v7, vm0, $0xb8;
	[tilespmem:$0x127A0] =	vst v63  }
0x280: {  	s28 =	simm.s32 $0xE780  }
0x281: {  	[hbm4b:s2+s5] =	stream.indirect_vreg.scatter [tilespmem:s28], [sflag:$0x2], $0x80, v6, vm0, $0xb8;
	[tilespmem:$0x127A0] =	vst v63  }
0x282: {  	s29 =	simm.s32 $0xEF80  }
0x283: {  	[hbm4b:s8+s5] =	stream.indirect_vreg.scatter [tilespmem:s29], [sflag:$0x2], $0x80, v6, vm0, $0xb8;
	[tilespmem:$0x127A0] =	vst v63  }
0x284: {  	_ = 	snop  }
0x285: {  	[hbm4b:s15+s5] =	stream.indirect_vreg.scatter [tilespmem:s10], [sflag:$0x2], $0x80, v6, vm0, $0xb8;
	[tilespmem:$0x127A0] =	vst v63  }
0x286: {  	_ = 	snop  }
0x287: {  	[hbm4b:s16+s5] =	stream.indirect_vreg.scatter [tilespmem:s24], [sflag:$0x2], $0x80, v6, vm0, $0xb8;
	[tilespmem:$0x127A0] =	vst v63  }
0x288: {  	v6 =	vld.msk [tilespmem:$0x4C0], $0xf;
	_ =	sdelay $0x4  }
0x289: {  	v7 =	vshll.u32 v6, $0x3  }
0x28a: {  	v6 =	vand.u32 $0x7, v6;
	v7 =	vand.u32 $0xFFFFFFC0, v7  }
0x28b: {  	v6 =	vor.u32 v6, v7  }
0x28c: {  	v6 =	vperm.xlane v6, v2;
	_ =	sdelay $0x1  }
0x28d: {  	v6 =	vadd.s32 v3, v6;
	_ =	sdelay $0x3  }
0x28e: {  	s30 =	simm.s32 $0x10780  }
0x28f: {  	[hbm4b:s2+s5] =	stream.indirect_vreg.scatter [tilespmem:s30], [sflag:$0x2], $0x80, v6, vm1, $0xb8;
	[tilespmem:$0x127A0] =	vst v63  }
0x290: {  	s26 =	simm.s32 $0x10F80  }
0x291: {  	[hbm4b:s8+s5] =	stream.indirect_vreg.scatter [tilespmem:s26], [sflag:$0x2], $0x80, v6, vm1, $0xb8;
	[tilespmem:$0x127A0] =	vst v63  }
0x292: {  	s28 =	simm.s32 $0x11780  }
0x293: {  	[hbm4b:s15+s5] =	stream.indirect_vreg.scatter [tilespmem:s28], [sflag:$0x2], $0x80, v6, vm1, $0xb8;
	[tilespmem:$0x127A0] =	vst v63  }
0x294: {  	s29 =	simm.s32 $0x11F80  }
0x295: {  	[hbm4b:s16+s5] =	stream.indirect_vreg.scatter [tilespmem:s29], [sflag:$0x2], $0x80, v6, vm1, $0xb8;
	[tilespmem:$0x127A0] =	vst v63  }
0x296: {  	_ = 	snop  }
0x297: {  	[hbm4b:s23+s5] =	stream.linear.scatter [tilespmem:s31], [sflag:$0x3], $0x10000, $0x38;
	[tilespmem:$0x127A0] =	vst v63  }
0x298: {  	_ =	swait.ge [sflag:s14], $0x11000  }
0x299: {  	[sflag:s14] =	ssyncset.done $0x0  }
0x29a: {  	s30 =	simm.s32 $0x3;
	[sflag:s14] =	ssyncadd.s32 $0xFFFEF000  }
0x29b: {  	_ =	swait.ge [sflag:s30], $0x10000  }
0x29c: {  	[sflag:s30] =	ssyncset.done $0x0  }
0x29d: {  	[sflag:s30] =	ssyncadd.s32 $0xFFFF0000  }
.LBB2_15:
0x29e: {  	p1 =	sgt.u32 s18, s7  }
.Ltmp12:
0x29f: {  	_ = 	snop;
	(pc) =	sbr.rel @p1 .LBB2_17-.Ltmp12, $1  }
0x2a0: {  	_ =	sdelay $0x3  }
0x2a1: {  	s7 =	ssub.s32 s21, s7  }
0x2a2: {  	s6 =	sadd.s32 s7, s6  }
0x2a3: {  	s7 =	sadd.s32 $0x2000, s6  }
0x2a4: {  	v6 =	vadd.s32 s7, v0  }
0x2a5: {  	v7 =	vshll.u32 v6, $0x3  }
0x2a6: {  	v8 =	vand.u32 $0x7, v6;
	v7 =	vand.u32 $0xFFFFFFC0, v7  }
0x2a7: {  	s26 =	sadd.s32 $0xFFF00000, s23;
	v7 =	vor.u32 v8, v7  }
0x2a8: {  	[hbm4b:s26+s5] =	stream.linear.scatter [tilespmem:s31], [sflag:$0x2], $0x10000, $0x38;
	v8 =	vperm.xlane v7, v2;
	[tilespmem:$0x127A0] =	vst v63  }
0x2a9: {  	s30 =	sadd.s32 $0x2030, s6  }
0x2aa: {  	s28 =	sadd.s32 $0x2010, s6;
	v9 =	vadd.s32 s30, v0;
	[tilespmem:$0x480] =	vst v6;
	v8 =	vadd.s32 v3, v8  }
0x2ab: {  	s29 =	sadd.s32 $0x2020, s6;
	v6 =	vadd.s32 s28, v0;
	[tilespmem:$0x4B0] =	vst v9  }
0x2ac: {  	s6 =	sadd.s32 $0x2034, s6;
	[tilespmem:$0x490] =	vst v6;
	v6 =	vadd.s32 s29, v0  }
0x2ad: {  	[tilespmem:$0x4A0] =	vst v6;
	v6 =	vadd.s32 s6, v0  }
0x2ae: {  	[tilespmem:$0x4B4] =	vst v6  }
0x2af: {  	[hbm4b:s2+s5] =	stream.indirect_vreg.scatter [tilespmem:s31], [sflag:$0x3], $0x80, v8, vm0, $0xb8;
	[tilespmem:$0x127A0] =	vst v63  }
0x2b0: {  	s0 =	simm.s32 $0xF80;
	v6 =	vperm.xlane v7, v4  }
0x2b1: {  	[hbm4b:s8+s5] =	stream.indirect_vreg.scatter [tilespmem:s0], [sflag:$0x3], $0x80, v8, vm0, $0xb8;
	[tilespmem:$0x127A0] =	vst v63  }
0x2b2: {  	v6 =	vadd.s32 v3, v6;
	s31 =	simm.s32 $0x1780  }
0x2b3: {  	[hbm4b:s15+s5] =	stream.indirect_vreg.scatter [tilespmem:s31], [sflag:$0x3], $0x80, v8, vm0, $0xb8;
	[tilespmem:$0x127A0] =	vst v63  }
0x2b4: {  	s6 =	simm.s32 $0x1F80  }
0x2b5: {  	[hbm4b:s16+s5] =	stream.indirect_vreg.scatter [tilespmem:s6], [sflag:$0x3], $0x80, v8, vm0, $0xb8;
	[tilespmem:$0x127A0] =	vst v63  }
0x2b6: {  	s7 =	simm.s32 $0x2780  }
0x2b7: {  	[hbm4b:s2+s5] =	stream.indirect_vreg.scatter [tilespmem:s7], [sflag:$0x3], $0x80, v6, vm0, $0xb8;
	[tilespmem:$0x127A0] =	vst v63  }
0x2b8: {  	s18 =	simm.s32 $0x2F80  }
0x2b9: {  	[hbm4b:s8+s5] =	stream.indirect_vreg.scatter [tilespmem:s18], [sflag:$0x3], $0x80, v6, vm0, $0xb8;
	[tilespmem:$0x127A0] =	vst v63  }
0x2ba: {  	s21 =	simm.s32 $0x3780  }
0x2bb: {  	[hbm4b:s15+s5] =	stream.indirect_vreg.scatter [tilespmem:s21], [sflag:$0x3], $0x80, v6, vm0, $0xb8;
	[tilespmem:$0x127A0] =	vst v63  }
0x2bc: {  	s26 =	simm.s32 $0x3F80  }
0x2bd: {  	[hbm4b:s16+s5] =	stream.indirect_vreg.scatter [tilespmem:s26], [sflag:$0x3], $0x80, v6, vm0, $0xb8;
	[tilespmem:$0x127A0] =	vst v63  }
0x2be: {  	v6 =	vld [tilespmem:$0x490];
	_ =	sdelay $0x4  }
0x2bf: {  	v7 =	vshll.u32 v6, $0x3  }
0x2c0: {  	v6 =	vand.u32 $0x7, v6;
	v7 =	vand.u32 $0xFFFFFFC0, v7  }
0x2c1: {  	v6 =	vor.u32 v6, v7  }
0x2c2: {  	v7 =	vperm.xlane v6, v2;
	_ =	sdelay $0x1  }
0x2c3: {  	v7 =	vadd.s32 v3, v7;
	_ =	sdelay $0x3  }
0x2c4: {  	s28 =	simm.s32 $0x4780  }
0x2c5: {  	[hbm4b:s2+s5] =	stream.indirect_vreg.scatter [tilespmem:s28], [sflag:$0x3], $0x80, v7, vm0, $0xb8;
	[tilespmem:$0x127A0] =	vst v63  }
0x2c6: {  	s29 =	simm.s32 $0x4F80;
	v6 =	vperm.xlane v6, v4  }
0x2c7: {  	[hbm4b:s8+s5] =	stream.indirect_vreg.scatter [tilespmem:s29], [sflag:$0x3], $0x80, v7, vm0, $0xb8;
	[tilespmem:$0x127A0] =	vst v63  }
0x2c8: {  	s30 =	simm.s32 $0x5780;
	v6 =	vadd.s32 v3, v6  }
0x2c9: {  	[hbm4b:s15+s5] =	stream.indirect_vreg.scatter [tilespmem:s30], [sflag:$0x3], $0x80, v7, vm0, $0xb8;
	[tilespmem:$0x127A0] =	vst v63  }
0x2ca: {  	s31 =	simm.s32 $0x5F80  }
0x2cb: {  	[hbm4b:s16+s5] =	stream.indirect_vreg.scatter [tilespmem:s31], [sflag:$0x3], $0x80, v7, vm0, $0xb8;
	[tilespmem:$0x127A0] =	vst v63  }
0x2cc: {  	s6 =	simm.s32 $0x6780  }
0x2cd: {  	[hbm4b:s2+s5] =	stream.indirect_vreg.scatter [tilespmem:s6], [sflag:$0x3], $0x80, v6, vm0, $0xb8;
	[tilespmem:$0x127A0] =	vst v63  }
0x2ce: {  	s7 =	simm.s32 $0x6F80  }
0x2cf: {  	[hbm4b:s8+s5] =	stream.indirect_vreg.scatter [tilespmem:s7], [sflag:$0x3], $0x80, v6, vm0, $0xb8;
	[tilespmem:$0x127A0] =	vst v63  }
0x2d0: {  	s18 =	simm.s32 $0x7780  }
0x2d1: {  	[hbm4b:s15+s5] =	stream.indirect_vreg.scatter [tilespmem:s18], [sflag:$0x3], $0x80, v6, vm0, $0xb8;
	[tilespmem:$0x127A0] =	vst v63  }
0x2d2: {  	s21 =	simm.s32 $0x7F80  }
0x2d3: {  	[hbm4b:s16+s5] =	stream.indirect_vreg.scatter [tilespmem:s21], [sflag:$0x3], $0x80, v6, vm0, $0xb8;
	[tilespmem:$0x127A0] =	vst v63  }
0x2d4: {  	v6 =	vld [tilespmem:$0x4A0];
	_ =	sdelay $0x4  }
0x2d5: {  	v7 =	vshll.u32 v6, $0x3  }
0x2d6: {  	v6 =	vand.u32 $0x7, v6;
	v7 =	vand.u32 $0xFFFFFFC0, v7  }
0x2d7: {  	v6 =	vor.u32 v6, v7  }
0x2d8: {  	v7 =	vperm.xlane v6, v2;
	_ =	sdelay $0x1  }
0x2d9: {  	v7 =	vadd.s32 v3, v7;
	_ =	sdelay $0x4  }
0x2da: {  	[hbm4b:s2+s5] =	stream.indirect_vreg.scatter [tilespmem:s22], [sflag:$0x3], $0x80, v7, vm0, $0xb8;
	[tilespmem:$0x127A0] =	vst v63  }
0x2db: {  	s26 =	simm.s32 $0x8F80;
	v6 =	vperm.xlane v6, v4  }
0x2dc: {  	[hbm4b:s8+s5] =	stream.indirect_vreg.scatter [tilespmem:s26], [sflag:$0x3], $0x80, v7, vm0, $0xb8;
	[tilespmem:$0x127A0] =	vst v63  }
0x2dd: {  	v6 =	vadd.s32 v3, v6  }
0x2de: {  	[hbm4b:s15+s5] =	stream.indirect_vreg.scatter [tilespmem:s3], [sflag:$0x3], $0x80, v7, vm0, $0xb8;
	[tilespmem:$0x127A0] =	vst v63  }
0x2df: {  	s28 =	simm.s32 $0x9F80  }
0x2e0: {  	[hbm4b:s16+s5] =	stream.indirect_vreg.scatter [tilespmem:s28], [sflag:$0x3], $0x80, v7, vm0, $0xb8;
	[tilespmem:$0x127A0] =	vst v63  }
0x2e1: {  	_ = 	snop  }
0x2e2: {  	[hbm4b:s2+s5] =	stream.indirect_vreg.scatter [tilespmem:s25], [sflag:$0x3], $0x80, v6, vm0, $0xb8;
	[tilespmem:$0x127A0] =	vst v63  }
0x2e3: {  	s29 =	simm.s32 $0xAF80  }
0x2e4: {  	[hbm4b:s8+s5] =	stream.indirect_vreg.scatter [tilespmem:s29], [sflag:$0x3], $0x80, v6, vm0, $0xb8;
	[tilespmem:$0x127A0] =	vst v63  }
0x2e5: {  	_ = 	snop  }
0x2e6: {  	[hbm4b:s15+s5] =	stream.indirect_vreg.scatter [tilespmem:s9], [sflag:$0x3], $0x80, v6, vm0, $0xb8;
	[tilespmem:$0x127A0] =	vst v63  }
0x2e7: {  	s30 =	simm.s32 $0xBF80  }
0x2e8: {  	[hbm4b:s16+s5] =	stream.indirect_vreg.scatter [tilespmem:s30], [sflag:$0x3], $0x80, v6, vm0, $0xb8;
	[tilespmem:$0x127A0] =	vst v63  }
0x2e9: {  	v6 =	vld [tilespmem:$0x4B0];
	_ =	sdelay $0x4  }
0x2ea: {  	v7 =	vshll.u32 v6, $0x3  }
0x2eb: {  	v6 =	vand.u32 $0x7, v6;
	v7 =	vand.u32 $0xFFFFFFC0, v7  }
0x2ec: {  	v6 =	vor.u32 v6, v7  }
0x2ed: {  	v7 =	vperm.xlane v6, v2;
	_ =	sdelay $0x1  }
0x2ee: {  	v7 =	vadd.s32 v3, v7;
	_ =	sdelay $0x4  }
0x2ef: {  	[hbm4b:s2+s5] =	stream.indirect_vreg.scatter [tilespmem:s4], [sflag:$0x3], $0x80, v7, vm0, $0xb8;
	[tilespmem:$0x127A0] =	vst v63  }
0x2f0: {  	s31 =	simm.s32 $0xCF80;
	v6 =	vperm.xlane v6, v4  }
0x2f1: {  	[hbm4b:s8+s5] =	stream.indirect_vreg.scatter [tilespmem:s31], [sflag:$0x3], $0x80, v7, vm0, $0xb8;
	[tilespmem:$0x127A0] =	vst v63  }
0x2f2: {  	s6 =	simm.s32 $0xD780;
	v6 =	vadd.s32 v3, v6  }
0x2f3: {  	[hbm4b:s15+s5] =	stream.indirect_vreg.scatter [tilespmem:s6], [sflag:$0x3], $0x80, v7, vm0, $0xb8;
	[tilespmem:$0x127A0] =	vst v63  }
0x2f4: {  	s7 =	simm.s32 $0xDF80  }
0x2f5: {  	[hbm4b:s16+s5] =	stream.indirect_vreg.scatter [tilespmem:s7], [sflag:$0x3], $0x80, v7, vm0, $0xb8;
	[tilespmem:$0x127A0] =	vst v63  }
0x2f6: {  	s18 =	simm.s32 $0xE780  }
0x2f7: {  	[hbm4b:s2+s5] =	stream.indirect_vreg.scatter [tilespmem:s18], [sflag:$0x3], $0x80, v6, vm0, $0xb8;
	[tilespmem:$0x127A0] =	vst v63  }
0x2f8: {  	s21 =	simm.s32 $0xEF80  }
0x2f9: {  	[hbm4b:s8+s5] =	stream.indirect_vreg.scatter [tilespmem:s21], [sflag:$0x3], $0x80, v6, vm0, $0xb8;
	[tilespmem:$0x127A0] =	vst v63  }
0x2fa: {  	_ = 	snop  }
0x2fb: {  	[hbm4b:s15+s5] =	stream.indirect_vreg.scatter [tilespmem:s10], [sflag:$0x3], $0x80, v6, vm0, $0xb8;
	[tilespmem:$0x127A0] =	vst v63  }
0x2fc: {  	_ = 	snop  }
0x2fd: {  	[hbm4b:s16+s5] =	stream.indirect_vreg.scatter [tilespmem:s24], [sflag:$0x3], $0x80, v6, vm0, $0xb8;
	[tilespmem:$0x127A0] =	vst v63  }
0x2fe: {  	v6 =	vld.msk [tilespmem:$0x4C0], $0xf;
	_ =	sdelay $0x4  }
0x2ff: {  	v7 =	vshll.u32 v6, $0x3  }
0x300: {  	v6 =	vand.u32 $0x7, v6;
	v7 =	vand.u32 $0xFFFFFFC0, v7  }
0x301: {  	v6 =	vor.u32 v6, v7  }
0x302: {  	v6 =	vperm.xlane v6, v2;
	_ =	sdelay $0x1  }
0x303: {  	v6 =	vadd.s32 v3, v6;
	_ =	sdelay $0x3  }
0x304: {  	s26 =	simm.s32 $0x10780  }
0x305: {  	[hbm4b:s2+s5] =	stream.indirect_vreg.scatter [tilespmem:s26], [sflag:$0x3], $0x80, v6, vm1, $0xb8;
	[tilespmem:$0x127A0] =	vst v63  }
0x306: {  	s28 =	simm.s32 $0x10F80  }
0x307: {  	[hbm4b:s8+s5] =	stream.indirect_vreg.scatter [tilespmem:s28], [sflag:$0x3], $0x80, v6, vm1, $0xb8;
	[tilespmem:$0x127A0] =	vst v63  }
0x308: {  	s29 =	simm.s32 $0x11780  }
0x309: {  	[hbm4b:s15+s5] =	stream.indirect_vreg.scatter [tilespmem:s29], [sflag:$0x3], $0x80, v6, vm1, $0xb8;
	[tilespmem:$0x127A0] =	vst v63  }
0x30a: {  	s30 =	simm.s32 $0x11F80  }
0x30b: {  	[hbm4b:s16+s5] =	stream.indirect_vreg.scatter [tilespmem:s30], [sflag:$0x3], $0x80, v6, vm1, $0xb8;
	[tilespmem:$0x127A0] =	vst v63  }
0x30c: {  	_ =	swait.ge [sflag:s14], $0x10000  }
.Ltmp13:
0x30d: {  	[sflag:s14] =	ssyncset.done $0x0;
	(pc) =	sbr.rel .LBB2_17-.Ltmp13, $4  }
0x30e: {  	s31 =	simm.s32 $0x3;
	[sflag:s14] =	ssyncadd.s32 $0xFFFF0000  }
0x30f: {  	_ =	swait.ge [sflag:s31], $0x11000  }
0x310: {  	[sflag:s31] =	ssyncset.done $0x0  }
0x311: {  	[sflag:s31] =	ssyncadd.s32 $0xFFFEF000  }
.LBB2_10:
0x312: {  	p1 =	por p2, p1  }
.Ltmp14:
0x313: {  	_ = 	snop;
	(pc) =	sbr.rel @p1 .LBB2_17-.Ltmp14, $1  }
0x314: {  	_ =	sdelay $0x3  }
0x315: {  	v7 =	vshll.u32 v6, $0x3  }
0x316: {  	v6 =	vand.u32 $0x7, v6;
	v7 =	vand.u32 $0xFFFFFFC0, v7  }
0x317: {  	v6 =	vor.u32 v6, v7  }
0x318: {  	v7 =	vperm.xlane v6, v2;
	_ =	sdelay $0x1  }
0x319: {  	v7 =	vadd.s32 v3, v7;
	_ =	sdelay $0x4  }
0x31a: {  	[tilespmem:s31], [sflag:$0x1] =	stream.indirect_vreg.gather [hbm4b:s1+s5], $0x80, v7, vm0, $0xb8;
	[tilespmem:$0x127A0] =	vst v63  }
0x31b: {  	s0 =	simm.s32 $0xF80;
	v6 =	vperm.xlane v6, v4  }
0x31c: {  	[tilespmem:s0], [sflag:$0x1] =	stream.indirect_vreg.gather [hbm4b:s11+s5], $0x80, v7, vm0, $0xb8;
	[tilespmem:$0x127A0] =	vst v63  }
0x31d: {  	s7 =	simm.s32 $0x1780;
	v6 =	vadd.s32 v3, v6  }
0x31e: {  	[tilespmem:s7], [sflag:$0x1] =	stream.indirect_vreg.gather [hbm4b:s12+s5], $0x80, v7, vm0, $0xb8;
	[tilespmem:$0x127A0] =	vst v63  }
0x31f: {  	s18 =	simm.s32 $0x1F80  }
0x320: {  	[tilespmem:s18], [sflag:$0x1] =	stream.indirect_vreg.gather [hbm4b:s13+s5], $0x80, v7, vm0, $0xb8;
	[tilespmem:$0x127A0] =	vst v63  }
0x321: {  	s21 =	simm.s32 $0x2780  }
0x322: {  	[tilespmem:s21], [sflag:$0x1] =	stream.indirect_vreg.gather [hbm4b:s1+s5], $0x80, v6, vm0, $0xb8;
	[tilespmem:$0x127A0] =	vst v63  }
0x323: {  	s26 =	simm.s32 $0x2F80  }
0x324: {  	[tilespmem:s26], [sflag:$0x1] =	stream.indirect_vreg.gather [hbm4b:s11+s5], $0x80, v6, vm0, $0xb8;
	[tilespmem:$0x127A0] =	vst v63  }
0x325: {  	s28 =	simm.s32 $0x3780  }
0x326: {  	[tilespmem:s28], [sflag:$0x1] =	stream.indirect_vreg.gather [hbm4b:s12+s5], $0x80, v6, vm0, $0xb8;
	[tilespmem:$0x127A0] =	vst v63  }
0x327: {  	s29 =	simm.s32 $0x3F80  }
0x328: {  	[tilespmem:s29], [sflag:$0x1] =	stream.indirect_vreg.gather [hbm4b:s13+s5], $0x80, v6, vm0, $0xb8;
	[tilespmem:$0x127A0] =	vst v63  }
0x329: {  	v6 =	vld [tilespmem:s19+$0x10];
	_ =	sdelay $0x4  }
0x32a: {  	v7 =	vshll.u32 v6, $0x3  }
0x32b: {  	v6 =	vand.u32 $0x7, v6;
	v7 =	vand.u32 $0xFFFFFFC0, v7  }
0x32c: {  	v6 =	vor.u32 v6, v7  }
0x32d: {  	v7 =	vperm.xlane v6, v2;
	_ =	sdelay $0x1  }
0x32e: {  	v7 =	vadd.s32 v3, v7;
	_ =	sdelay $0x3  }
0x32f: {  	s30 =	simm.s32 $0x4780  }
0x330: {  	[tilespmem:s30], [sflag:$0x1] =	stream.indirect_vreg.gather [hbm4b:s1+s5], $0x80, v7, vm0, $0xb8;
	[tilespmem:$0x127A0] =	vst v63  }
0x331: {  	s22 =	simm.s32 $0x4F80;
	v6 =	vperm.xlane v6, v4  }
0x332: {  	[tilespmem:s22], [sflag:$0x1] =	stream.indirect_vreg.gather [hbm4b:s11+s5], $0x80, v7, vm0, $0xb8;
	[tilespmem:$0x127A0] =	vst v63  }
0x333: {  	s3 =	simm.s32 $0x5780;
	v6 =	vadd.s32 v3, v6  }
0x334: {  	[tilespmem:s3], [sflag:$0x1] =	stream.indirect_vreg.gather [hbm4b:s12+s5], $0x80, v7, vm0, $0xb8;
	[tilespmem:$0x127A0] =	vst v63  }
0x335: {  	s24 =	simm.s32 $0x5F80  }
0x336: {  	[tilespmem:s24], [sflag:$0x1] =	stream.indirect_vreg.gather [hbm4b:s13+s5], $0x80, v7, vm0, $0xb8;
	[tilespmem:$0x127A0] =	vst v63  }
0x337: {  	s2 =	simm.s32 $0x6780  }
0x338: {  	[tilespmem:s2], [sflag:$0x1] =	stream.indirect_vreg.gather [hbm4b:s1+s5], $0x80, v6, vm0, $0xb8;
	[tilespmem:$0x127A0] =	vst v63  }
0x339: {  	s10 =	simm.s32 $0x6F80  }
0x33a: {  	[tilespmem:s10], [sflag:$0x1] =	stream.indirect_vreg.gather [hbm4b:s11+s5], $0x80, v6, vm0, $0xb8;
	[tilespmem:$0x127A0] =	vst v63  }
0x33b: {  	s9 =	simm.s32 $0x7780  }
0x33c: {  	[tilespmem:s9], [sflag:$0x1] =	stream.indirect_vreg.gather [hbm4b:s12+s5], $0x80, v6, vm0, $0xb8;
	[tilespmem:$0x127A0] =	vst v63  }
0x33d: {  	s25 =	simm.s32 $0x7F80  }
0x33e: {  	[tilespmem:s25], [sflag:$0x1] =	stream.indirect_vreg.gather [hbm4b:s13+s5], $0x80, v6, vm0, $0xb8;
	[tilespmem:$0x127A0] =	vst v63  }
0x33f: {  	v6 =	vld [tilespmem:s19+$0x20];
	_ =	sdelay $0x4  }
0x340: {  	v7 =	vshll.u32 v6, $0x3  }
0x341: {  	v6 =	vand.u32 $0x7, v6;
	v7 =	vand.u32 $0xFFFFFFC0, v7  }
0x342: {  	v6 =	vor.u32 v6, v7  }
0x343: {  	v7 =	vperm.xlane v6, v2;
	_ =	sdelay $0x1  }
0x344: {  	v7 =	vadd.s32 v3, v7;
	_ =	sdelay $0x3  }
0x345: {  	s14 =	simm.s32 $0x8780  }
0x346: {  	[tilespmem:s14], [sflag:$0x1] =	stream.indirect_vreg.gather [hbm4b:s1+s5], $0x80, v7, vm0, $0xb8;
	[tilespmem:$0x127A0] =	vst v63  }
0x347: {  	s3 =	simm.s32 $0x8F80;
	v6 =	vperm.xlane v6, v4  }
0x348: {  	[tilespmem:s3], [sflag:$0x1] =	stream.indirect_vreg.gather [hbm4b:s11+s5], $0x80, v7, vm0, $0xb8;
	[tilespmem:$0x127A0] =	vst v63  }
0x349: {  	s4 =	simm.s32 $0x9780;
	v6 =	vadd.s32 v3, v6  }
0x34a: {  	[tilespmem:s4], [sflag:$0x1] =	stream.indirect_vreg.gather [hbm4b:s12+s5], $0x80, v7, vm0, $0xb8;
	[tilespmem:$0x127A0] =	vst v63  }
0x34b: {  	s25 =	simm.s32 $0x9F80  }
0x34c: {  	[tilespmem:s25], [sflag:$0x1] =	stream.indirect_vreg.gather [hbm4b:s13+s5], $0x80, v7, vm0, $0xb8;
	[tilespmem:$0x127A0] =	vst v63  }
0x34d: {  	s0 =	simm.s32 $0xA780  }
0x34e: {  	[tilespmem:s0], [sflag:$0x1] =	stream.indirect_vreg.gather [hbm4b:s1+s5], $0x80, v6, vm0, $0xb8;
	[tilespmem:$0x127A0] =	vst v63  }
0x34f: {  	s9 =	simm.s32 $0xAF80  }
0x350: {  	[tilespmem:s9], [sflag:$0x1] =	stream.indirect_vreg.gather [hbm4b:s11+s5], $0x80, v6, vm0, $0xb8;
	[tilespmem:$0x127A0] =	vst v63  }
0x351: {  	s2 =	simm.s32 $0xB780  }
0x352: {  	[tilespmem:s2], [sflag:$0x1] =	stream.indirect_vreg.gather [hbm4b:s12+s5], $0x80, v6, vm0, $0xb8;
	[tilespmem:$0x127A0] =	vst v63  }
0x353: {  	s4 =	simm.s32 $0xBF80  }
0x354: {  	[tilespmem:s4], [sflag:$0x1] =	stream.indirect_vreg.gather [hbm4b:s13+s5], $0x80, v6, vm0, $0xb8;
	[tilespmem:$0x127A0] =	vst v63  }
0x355: {  	v6 =	vld [tilespmem:s19+$0x30];
	_ =	sdelay $0x4  }
0x356: {  	v7 =	vshll.u32 v6, $0x3  }
0x357: {  	v6 =	vand.u32 $0x7, v6;
	v7 =	vand.u32 $0xFFFFFFC0, v7  }
0x358: {  	v6 =	vor.u32 v6, v7  }
0x359: {  	v7 =	vperm.xlane v6, v2;
	_ =	sdelay $0x1  }
0x35a: {  	v7 =	vadd.s32 v3, v7;
	_ =	sdelay $0x3  }
0x35b: {  	s6 =	simm.s32 $0xC780  }
0x35c: {  	[tilespmem:s6], [sflag:$0x1] =	stream.indirect_vreg.gather [hbm4b:s1+s5], $0x80, v7, vm0, $0xb8;
	[tilespmem:$0x127A0] =	vst v63  }
0x35d: {  	s2 =	simm.s32 $0xCF80;
	v6 =	vperm.xlane v6, v4  }
0x35e: {  	[tilespmem:s2], [sflag:$0x1] =	stream.indirect_vreg.gather [hbm4b:s11+s5], $0x80, v7, vm0, $0xb8;
	[tilespmem:$0x127A0] =	vst v63  }
0x35f: {  	v6 =	vadd.s32 v3, v6;
	s6 =	simm.s32 $0xD780  }
0x360: {  	[tilespmem:s6], [sflag:$0x1] =	stream.indirect_vreg.gather [hbm4b:s12+s5], $0x80, v7, vm0, $0xb8;
	[tilespmem:$0x127A0] =	vst v63  }
0x361: {  	s14 =	simm.s32 $0xDF80  }
0x362: {  	[tilespmem:s14], [sflag:$0x1] =	stream.indirect_vreg.gather [hbm4b:s13+s5], $0x80, v7, vm0, $0xb8;
	[tilespmem:$0x127A0] =	vst v63  }
0x363: {  	s6 =	simm.s32 $0xE780  }
0x364: {  	[tilespmem:s6], [sflag:$0x1] =	stream.indirect_vreg.gather [hbm4b:s1+s5], $0x80, v6, vm0, $0xb8;
	[tilespmem:$0x127A0] =	vst v63  }
0x365: {  	s14 =	simm.s32 $0xEF80  }
0x366: {  	[tilespmem:s14], [sflag:$0x1] =	stream.indirect_vreg.gather [hbm4b:s11+s5], $0x80, v6, vm0, $0xb8;
	[tilespmem:$0x127A0] =	vst v63  }
0x367: {  	s6 =	simm.s32 $0xF780  }
0x368: {  	[tilespmem:s6], [sflag:$0x1] =	stream.indirect_vreg.gather [hbm4b:s12+s5], $0x80, v6, vm0, $0xb8;
	[tilespmem:$0x127A0] =	vst v63  }
0x369: {  	s14 =	simm.s32 $0xFF80  }
0x36a: {  	[tilespmem:s14], [sflag:$0x1] =	stream.indirect_vreg.gather [hbm4b:s13+s5], $0x80, v6, vm0, $0xb8;
	[tilespmem:$0x127A0] =	vst v63  }
0x36b: {  	s14 =	simm.s32 $0x1  }
0x36c: {  	_ =	swait.ge [sflag:s14], $0x10000  }
0x36d: {  	[sflag:s14] =	ssyncset.done $0x0  }
0x36e: {  	s0 =	simm.s32 $0x2;
	s6 =	sadd.s32 $0xFFF00000, s23;
	[sflag:s14] =	ssyncadd.s32 $0xFFFF0000  }
0x36f: {  	[hbm4b:s6+s5] =	stream.linear.scatter [tilespmem:s31], [sflag:$0x2], $0x10000, $0x38;
	[tilespmem:$0x127A0] =	vst v63  }
0x370: {  	_ =	swait.ge [sflag:s0], $0x10000  }
0x371: {  	[sflag:s0] =	ssyncset.done $0x0  }
0x372: {  	[sflag:s0] =	ssyncadd.s32 $0xFFFF0000  }
0x373: {  	v6 =	vld [tilespmem:s19+$0x200];
	_ =	sdelay $0x4  }
0x374: {  	v7 =	vshll.u32 v6, $0x3  }
0x375: {  	v6 =	vand.u32 $0x7, v6;
	v7 =	vand.u32 $0xFFFFFFC0, v7  }
0x376: {  	v6 =	vor.u32 v6, v7  }
0x377: {  	v7 =	vperm.xlane v6, v2;
	_ =	sdelay $0x1  }
0x378: {  	v7 =	vadd.s32 v3, v7;
	_ =	sdelay $0x4  }
0x379: {  	[tilespmem:s31], [sflag:$0x1] =	stream.indirect_vreg.gather [hbm4b:s1+s5], $0x80, v7, vm0, $0xb8;
	[tilespmem:$0x127A0] =	vst v63  }
0x37a: {  	s6 =	simm.s32 $0xF80;
	v6 =	vperm.xlane v6, v4  }
0x37b: {  	[tilespmem:s6], [sflag:$0x1] =	stream.indirect_vreg.gather [hbm4b:s11+s5], $0x80, v7, vm0, $0xb8;
	[tilespmem:$0x127A0] =	vst v63  }
0x37c: {  	v6 =	vadd.s32 v3, v6  }
0x37d: {  	[tilespmem:s7], [sflag:$0x1] =	stream.indirect_vreg.gather [hbm4b:s12+s5], $0x80, v7, vm0, $0xb8;
	[tilespmem:$0x127A0] =	vst v63  }
0x37e: {  	_ = 	snop  }
0x37f: {  	[tilespmem:s18], [sflag:$0x1] =	stream.indirect_vreg.gather [hbm4b:s13+s5], $0x80, v7, vm0, $0xb8;
	[tilespmem:$0x127A0] =	vst v63  }
0x380: {  	_ = 	snop  }
0x381: {  	[tilespmem:s21], [sflag:$0x1] =	stream.indirect_vreg.gather [hbm4b:s1+s5], $0x80, v6, vm0, $0xb8;
	[tilespmem:$0x127A0] =	vst v63  }
0x382: {  	_ = 	snop  }
0x383: {  	[tilespmem:s26], [sflag:$0x1] =	stream.indirect_vreg.gather [hbm4b:s11+s5], $0x80, v6, vm0, $0xb8;
	[tilespmem:$0x127A0] =	vst v63  }
0x384: {  	_ = 	snop  }
0x385: {  	[tilespmem:s28], [sflag:$0x1] =	stream.indirect_vreg.gather [hbm4b:s12+s5], $0x80, v6, vm0, $0xb8;
	[tilespmem:$0x127A0] =	vst v63  }
0x386: {  	_ = 	snop  }
0x387: {  	[tilespmem:s29], [sflag:$0x1] =	stream.indirect_vreg.gather [hbm4b:s13+s5], $0x80, v6, vm0, $0xb8;
	[tilespmem:$0x127A0] =	vst v63  }
0x388: {  	v6 =	vld [tilespmem:s19+$0x210];
	_ =	sdelay $0x4  }
0x389: {  	v7 =	vshll.u32 v6, $0x3  }
0x38a: {  	v6 =	vand.u32 $0x7, v6;
	v7 =	vand.u32 $0xFFFFFFC0, v7  }
0x38b: {  	v6 =	vor.u32 v6, v7  }
0x38c: {  	v7 =	vperm.xlane v6, v2;
	_ =	sdelay $0x1  }
0x38d: {  	v7 =	vadd.s32 v3, v7;
	_ =	sdelay $0x4  }
0x38e: {  	[tilespmem:s30], [sflag:$0x1] =	stream.indirect_vreg.gather [hbm4b:s1+s5], $0x80, v7, vm0, $0xb8;
	[tilespmem:$0x127A0] =	vst v63  }
0x38f: {  	v6 =	vperm.xlane v6, v4  }
0x390: {  	[tilespmem:s22], [sflag:$0x1] =	stream.indirect_vreg.gather [hbm4b:s11+s5], $0x80, v7, vm0, $0xb8;
	[tilespmem:$0x127A0] =	vst v63  }
0x391: {  	s6 =	simm.s32 $0x5780;
	v6 =	vadd.s32 v3, v6  }
0x392: {  	[tilespmem:s6], [sflag:$0x1] =	stream.indirect_vreg.gather [hbm4b:s12+s5], $0x80, v7, vm0, $0xb8;
	[tilespmem:$0x127A0] =	vst v63  }
0x393: {  	_ = 	snop  }
0x394: {  	[tilespmem:s24], [sflag:$0x1] =	stream.indirect_vreg.gather [hbm4b:s13+s5], $0x80, v7, vm0, $0xb8;
	[tilespmem:$0x127A0] =	vst v63  }
0x395: {  	s7 =	simm.s32 $0x6780  }
0x396: {  	[tilespmem:s7], [sflag:$0x1] =	stream.indirect_vreg.gather [hbm4b:s1+s5], $0x80, v6, vm0, $0xb8;
	[tilespmem:$0x127A0] =	vst v63  }
0x397: {  	_ = 	snop  }
0x398: {  	[tilespmem:s10], [sflag:$0x1] =	stream.indirect_vreg.gather [hbm4b:s11+s5], $0x80, v6, vm0, $0xb8;
	[tilespmem:$0x127A0] =	vst v63  }
0x399: {  	s10 =	simm.s32 $0x7780  }
0x39a: {  	[tilespmem:s10], [sflag:$0x1] =	stream.indirect_vreg.gather [hbm4b:s12+s5], $0x80, v6, vm0, $0xb8;
	[tilespmem:$0x127A0] =	vst v63  }
0x39b: {  	s18 =	simm.s32 $0x7F80  }
0x39c: {  	[tilespmem:s18], [sflag:$0x1] =	stream.indirect_vreg.gather [hbm4b:s13+s5], $0x80, v6, vm0, $0xb8;
	[tilespmem:$0x127A0] =	vst v63  }
0x39d: {  	v6 =	vld [tilespmem:s19+$0x220];
	_ =	sdelay $0x4  }
0x39e: {  	v7 =	vshll.u32 v6, $0x3  }
0x39f: {  	v6 =	vand.u32 $0x7, v6;
	v7 =	vand.u32 $0xFFFFFFC0, v7  }
0x3a0: {  	v6 =	vor.u32 v6, v7  }
0x3a1: {  	v7 =	vperm.xlane v6, v2;
	_ =	sdelay $0x1  }
0x3a2: {  	v7 =	vadd.s32 v3, v7;
	_ =	sdelay $0x3  }
0x3a3: {  	s22 =	simm.s32 $0x8780  }
0x3a4: {  	[tilespmem:s22], [sflag:$0x1] =	stream.indirect_vreg.gather [hbm4b:s1+s5], $0x80, v7, vm0, $0xb8;
	[tilespmem:$0x127A0] =	vst v63  }
0x3a5: {  	v6 =	vperm.xlane v6, v4  }
0x3a6: {  	[tilespmem:s3], [sflag:$0x1] =	stream.indirect_vreg.gather [hbm4b:s11+s5], $0x80, v7, vm0, $0xb8;
	[tilespmem:$0x127A0] =	vst v63  }
0x3a7: {  	v6 =	vadd.s32 v3, v6;
	s3 =	simm.s32 $0x9780  }
0x3a8: {  	[tilespmem:s3], [sflag:$0x1] =	stream.indirect_vreg.gather [hbm4b:s12+s5], $0x80, v7, vm0, $0xb8;
	[tilespmem:$0x127A0] =	vst v63  }
0x3a9: {  	_ = 	snop  }
0x3aa: {  	[tilespmem:s25], [sflag:$0x1] =	stream.indirect_vreg.gather [hbm4b:s13+s5], $0x80, v7, vm0, $0xb8;
	[tilespmem:$0x127A0] =	vst v63  }
0x3ab: {  	s25 =	simm.s32 $0xA780  }
0x3ac: {  	[tilespmem:s25], [sflag:$0x1] =	stream.indirect_vreg.gather [hbm4b:s1+s5], $0x80, v6, vm0, $0xb8;
	[tilespmem:$0x127A0] =	vst v63  }
0x3ad: {  	_ = 	snop  }
0x3ae: {  	[tilespmem:s9], [sflag:$0x1] =	stream.indirect_vreg.gather [hbm4b:s11+s5], $0x80, v6, vm0, $0xb8;
	[tilespmem:$0x127A0] =	vst v63  }
0x3af: {  	s9 =	simm.s32 $0xB780  }
0x3b0: {  	[tilespmem:s9], [sflag:$0x1] =	stream.indirect_vreg.gather [hbm4b:s12+s5], $0x80, v6, vm0, $0xb8;
	[tilespmem:$0x127A0] =	vst v63  }
0x3b1: {  	_ = 	snop  }
0x3b2: {  	[tilespmem:s4], [sflag:$0x1] =	stream.indirect_vreg.gather [hbm4b:s13+s5], $0x80, v6, vm0, $0xb8;
	[tilespmem:$0x127A0] =	vst v63  }
0x3b3: {  	v6 =	vld [tilespmem:s19+$0x230];
	_ =	sdelay $0x4  }
0x3b4: {  	v7 =	vshll.u32 v6, $0x3  }
0x3b5: {  	v6 =	vand.u32 $0x7, v6;
	v7 =	vand.u32 $0xFFFFFFC0, v7  }
0x3b6: {  	v6 =	vor.u32 v6, v7  }
0x3b7: {  	v7 =	vperm.xlane v6, v2;
	_ =	sdelay $0x1  }
0x3b8: {  	v7 =	vadd.s32 v3, v7;
	_ =	sdelay $0x3  }
0x3b9: {  	s4 =	simm.s32 $0xC780  }
0x3ba: {  	[tilespmem:s4], [sflag:$0x1] =	stream.indirect_vreg.gather [hbm4b:s1+s5], $0x80, v7, vm0, $0xb8;
	[tilespmem:$0x127A0] =	vst v63  }
0x3bb: {  	v6 =	vperm.xlane v6, v4  }
0x3bc: {  	[tilespmem:s2], [sflag:$0x1] =	stream.indirect_vreg.gather [hbm4b:s11+s5], $0x80, v7, vm0, $0xb8;
	[tilespmem:$0x127A0] =	vst v63  }
0x3bd: {  	s21 =	simm.s32 $0xD780;
	v6 =	vadd.s32 v3, v6  }
0x3be: {  	[tilespmem:s21], [sflag:$0x1] =	stream.indirect_vreg.gather [hbm4b:s12+s5], $0x80, v7, vm0, $0xb8;
	[tilespmem:$0x127A0] =	vst v63  }
0x3bf: {  	s24 =	simm.s32 $0xDF80  }
0x3c0: {  	[tilespmem:s24], [sflag:$0x1] =	stream.indirect_vreg.gather [hbm4b:s13+s5], $0x80, v7, vm0, $0xb8;
	[tilespmem:$0x127A0] =	vst v63  }
0x3c1: {  	s26 =	simm.s32 $0xE780  }
0x3c2: {  	[tilespmem:s26], [sflag:$0x1] =	stream.indirect_vreg.gather [hbm4b:s1+s5], $0x80, v6, vm0, $0xb8;
	[tilespmem:$0x127A0] =	vst v63  }
0x3c3: {  	s28 =	simm.s32 $0xEF80  }
0x3c4: {  	[tilespmem:s28], [sflag:$0x1] =	stream.indirect_vreg.gather [hbm4b:s11+s5], $0x80, v6, vm0, $0xb8;
	[tilespmem:$0x127A0] =	vst v63  }
0x3c5: {  	s29 =	simm.s32 $0xF780  }
0x3c6: {  	[tilespmem:s29], [sflag:$0x1] =	stream.indirect_vreg.gather [hbm4b:s12+s5], $0x80, v6, vm0, $0xb8;
	[tilespmem:$0x127A0] =	vst v63  }
0x3c7: {  	s30 =	simm.s32 $0xFF80  }
0x3c8: {  	[tilespmem:s30], [sflag:$0x1] =	stream.indirect_vreg.gather [hbm4b:s13+s5], $0x80, v6, vm0, $0xb8;
	[tilespmem:$0x127A0] =	vst v63  }
0x3c9: {  	s2 =	rddreg [dreg:$0x2];
	_ =	swait.ge [sflag:s14], $0x10000  }
0x3ca: {  	[sflag:s14] =	ssyncset.done $0x0  }
0x3cb: {  	[sflag:s14] =	ssyncadd.s32 $0xFFFF0000  }
0x3cc: {  	[hbm4b:s23+s5] =	stream.linear.scatter [tilespmem:s31], [sflag:$0x3], $0x10000, $0x38;
	[tilespmem:$0x127A0] =	vst v63  }
0x3cd: {  	s31 =	simm.s32 $0x3  }
0x3ce: {  	_ =	swait.ge [sflag:s31], $0x10000  }
0x3cf: {  	s10 =	simm.s32 $0xF780;
	[sflag:s31] =	ssyncset.done $0x0  }
0x3d0: {  	s24 =	simm.s32 $0xFF80;
	s14 =	simm.s32 $0x2;
	[sflag:s31] =	ssyncadd.s32 $0xFFFF0000  }
.LBB2_17:
0x3d1: {  	v6 =	vld [tilespmem:s19+$0x40]  }
0x3d2: {  	v7 =	vld [tilespmem:s19+$0x70]  }
0x3d3: {  	v8 =	vld [tilespmem:s19+$0x240];
	_ =	sdelay $0x2  }
0x3d4: {  	(v2sf) =	vpush v6, $0x0  }
0x3d5: {  	(v2sf) =	vpush v7, $0xF  }
0x3d6: {  	(v2sf) =	vpush v8, $0x0;
	_ =	sdelay $0xc  }
0x3d7: {  	s26 =	spop (v2sf)  }
0x3d8: {  	s28 =	spop (v2sf)  }
0x3d9: {  	s6 =	spop (v2sf)  }
0x3da: {  	p1 =	slt.s32 s26, s6;
	s7 =	smov.u32 s6  }
0x3db: {  	v7 =	vld [tilespmem:s19+$0x30];
	s7 =	smov.u32 @p1 s26  }
0x3dc: {  	s21 =	ssub.s32 s26, s7  }
0x3dd: {  	s18 =	sadd.s32 $0x40, s20;
	s30 =	ssub.s32 $0x10, s21  }
0x3de: {  	s29 =	smin.u32 s18, $0x1B0;
	v9 =	vmov s30;
	s30 =	sadd.s32 $0xFFFFFFF0, s26  }
0x3df: {  	v8 =	vld [tilespmem:s29+$0x40];
	v59 =	vadd.s32 s30, v0;
	s30 =	ssub.s32 $0x4, s21  }
0x3e0: {  	v10 =	vld [tilespmem:s19+$0x230];
	vm2 =	vlt.s32 v9, v5;
	vm3 =	vne.s32 v7, v59;
	v7 =	vmov s30  }
0x3e1: {  	vm2 =	vmand vm3, vm2;
	vm3 =	vgt.s32 v7, v0;
	v7 =	vld [tilespmem:s19+$0x270]  }
0x3e2: {  	s31 =	sadd.s32 $0x40, s26;
	s0 =	ssub.s32 s6, s7  }
0x3e3: {  	v11 =	vld [tilespmem:s29+$0x240];
	v60 =	vadd.s32 s31, v0;
	s29 =	ssub.s32 $0x10, s0  }
0x3e4: {  	vm4 =	vne.s32 v8, v60;
	v8 =	vmov s29;
	s29 =	ssub.s32 $0x4, s0;
	s30 =	sadd.s32 $0xFFFFFFF0, s6  }
0x3e5: {  	vm14 =	vlt.s32 v8, v5;
	v62 =	vmov s29;
	v61 =	vadd.s32 s30, v0  }
0x3e6: {  	s30 =	sadd.s32 $0x40, s6;
	v8 =	vsel vm2, $0x1, v1;
	vm2 =	vne.s32 v10, v61;
	(v2sf) =	vpush v7, $0xF  }
0x3e7: {  	vm3 =	vmand vm4, vm3;
	v63 =	vadd.s32 s30, v0;
	vm2 =	vmand vm2, vm14  }
0x3e8: {  	vm15 =	vne.s32 v11, v63;
	(xrf0) =	vadd.scan.msk.s32 $0xffff, v8;
	v8 =	vsel vm3, $0x1, v1;
	vm3 =	vgt.s32 v62, v0  }
0x3e9: {  	vm3 =	vmand vm15, vm3;
	(xrf0) =	vadd.scan.msk.s32 $0xffff, v8;
	v8 =	vsel vm2, $0x1, v1  }
0x3ea: {  	(xrf0) =	vadd.scan.msk.s32 $0xffff, v8;
	v7 =	vsel vm3, $0x1, v1  }
0x3eb: {  	(xrf0) =	vadd.scan.msk.s32 $0xffff, v7;
	_ =	sdelay $0x2  }
0x3ec: {  	v7, _, _ =	vpop (xrf0)  }
0x3ed: {  	v8, _, _ =	vpop (xrf0);
	(v2sf) =	vpush v7, $0xF  }
0x3ee: {  	v7, _, _ =	vpop (xrf0);
	(v2sf) =	vpush v8, $0xF  }
0x3ef: {  	(v2sf) =	vpush v7, $0xF;
	v7, _, _ =	vpop (xrf0)  }
0x3f0: {  	(v2sf) =	vpush v7, $0xF;
	_ =	sdelay $0x2  }
0x3f1: {  	p6 =	sgt.s32 s26, $0x1;
	s26 =	ssub.s32 s28, s26;
	s29 =	spop (v2sf)  }
0x3f2: {  	p2 =	seq.s32 s26, $0x3F;
	s28 =	ssub.s32 s29, s6  }
0x3f3: {  	p3 =	sgt.s32 s6, $0x1;
	p1 =	por !p6, !p2;
	p4 =	seq.s32 s28, $0x3F  }
0x3f4: {  	p1 =	por !p1, !p1;
	p5 =	por !p3, !p4  }
0x3f5: {  	s6 =	smov.u32 s0;
	p3 =	sgt.s32 s21, s0;
	p2 =	por !p5, !p5  }
0x3f6: {  	s6 =	smov.u32 @p3 s21;
	p1 =	por !p1, !p2  }
0x3f7: {  	p6 =	sne.s32 s6, $0x0;
	p1 =	por !p1, !p1  }
0x3f8: {  	p2 =	por p6, !p1  }
.Ltmp15:
0x3f9: {  	_ = 	snop;
	(pc) =	sbr.rel @p2 .LBB2_19-.Ltmp15, $4  }
0x3fa: {  	s26 =	spop (v2sf)  }
0x3fb: {  	s29 =	spop (v2sf)  }
0x3fc: {  	s28 =	spop (v2sf)  }
0x3fd: {  	s31 =	simm.s32 $0x780;
	s30 =	spop (v2sf)  }
0x3fe: {  	v7 =	vshll.u32 v6, $0x3  }
0x3ff: {  	v6 =	vand.u32 $0x7, v6;
	v7 =	vand.u32 $0xFFFFFFC0, v7  }
0x400: {  	v6 =	vor.u32 v6, v7  }
0x401: {  	v7 =	vperm.xlane v6, v2;
	_ =	sdelay $0x1  }
0x402: {  	v7 =	vadd.s32 v3, v7;
	_ =	sdelay $0x4  }
0x403: {  	[tilespmem:s31], [sflag:$0x1] =	stream.indirect_vreg.gather [hbm4b:s1+s5], $0x80, v7, vm0, $0xb8;
	[tilespmem:$0x127A0] =	vst v63  }
0x404: {  	s0 =	simm.s32 $0xF80;
	v6 =	vperm.xlane v6, v4  }
0x405: {  	[tilespmem:s0], [sflag:$0x1] =	stream.indirect_vreg.gather [hbm4b:s11+s5], $0x80, v7, vm0, $0xb8;
	[tilespmem:$0x127A0] =	vst v63  }
0x406: {  	v6 =	vadd.s32 v3, v6;
	s0 =	simm.s32 $0x1780  }
0x407: {  	[tilespmem:s0], [sflag:$0x1] =	stream.indirect_vreg.gather [hbm4b:s12+s5], $0x80, v7, vm0, $0xb8;
	[tilespmem:$0x127A0] =	vst v63  }
0x408: {  	s0 =	simm.s32 $0x1F80  }
0x409: {  	[tilespmem:s0], [sflag:$0x1] =	stream.indirect_vreg.gather [hbm4b:s13+s5], $0x80, v7, vm0, $0xb8;
	[tilespmem:$0x127A0] =	vst v63  }
0x40a: {  	s0 =	simm.s32 $0x2780  }
0x40b: {  	[tilespmem:s0], [sflag:$0x1] =	stream.indirect_vreg.gather [hbm4b:s1+s5], $0x80, v6, vm0, $0xb8;
	[tilespmem:$0x127A0] =	vst v63  }
0x40c: {  	s0 =	simm.s32 $0x2F80  }
0x40d: {  	[tilespmem:s0], [sflag:$0x1] =	stream.indirect_vreg.gather [hbm4b:s11+s5], $0x80, v6, vm0, $0xb8;
	[tilespmem:$0x127A0] =	vst v63  }
0x40e: {  	s0 =	simm.s32 $0x3780  }
0x40f: {  	[tilespmem:s0], [sflag:$0x1] =	stream.indirect_vreg.gather [hbm4b:s12+s5], $0x80, v6, vm0, $0xb8;
	[tilespmem:$0x127A0] =	vst v63  }
0x410: {  	s0 =	simm.s32 $0x3F80  }
0x411: {  	[tilespmem:s0], [sflag:$0x1] =	stream.indirect_vreg.gather [hbm4b:s13+s5], $0x80, v6, vm0, $0xb8;
	[tilespmem:$0x127A0] =	vst v63  }
0x412: {  	v6 =	vld [tilespmem:s19+$0x50];
	_ =	sdelay $0x4  }
0x413: {  	v7 =	vshll.u32 v6, $0x3  }
0x414: {  	v6 =	vand.u32 $0x7, v6;
	v7 =	vand.u32 $0xFFFFFFC0, v7  }
0x415: {  	v6 =	vor.u32 v6, v7  }
0x416: {  	v7 =	vperm.xlane v6, v2;
	_ =	sdelay $0x1  }
0x417: {  	v7 =	vadd.s32 v3, v7;
	_ =	sdelay $0x3  }
0x418: {  	s0 =	simm.s32 $0x4780  }
0x419: {  	[tilespmem:s0], [sflag:$0x1] =	stream.indirect_vreg.gather [hbm4b:s1+s5], $0x80, v7, vm0, $0xb8;
	[tilespmem:$0x127A0] =	vst v63  }
0x41a: {  	v6 =	vperm.xlane v6, v4;
	s0 =	simm.s32 $0x4F80  }
0x41b: {  	[tilespmem:s0], [sflag:$0x1] =	stream.indirect_vreg.gather [hbm4b:s11+s5], $0x80, v7, vm0, $0xb8;
	[tilespmem:$0x127A0] =	vst v63  }
0x41c: {  	v6 =	vadd.s32 v3, v6;
	s0 =	simm.s32 $0x5780  }
0x41d: {  	[tilespmem:s0], [sflag:$0x1] =	stream.indirect_vreg.gather [hbm4b:s12+s5], $0x80, v7, vm0, $0xb8;
	[tilespmem:$0x127A0] =	vst v63  }
0x41e: {  	s0 =	simm.s32 $0x5F80  }
0x41f: {  	[tilespmem:s0], [sflag:$0x1] =	stream.indirect_vreg.gather [hbm4b:s13+s5], $0x80, v7, vm0, $0xb8;
	[tilespmem:$0x127A0] =	vst v63  }
0x420: {  	s0 =	simm.s32 $0x6780  }
0x421: {  	[tilespmem:s0], [sflag:$0x1] =	stream.indirect_vreg.gather [hbm4b:s1+s5], $0x80, v6, vm0, $0xb8;
	[tilespmem:$0x127A0] =	vst v63  }
0x422: {  	s0 =	simm.s32 $0x6F80  }
0x423: {  	[tilespmem:s0], [sflag:$0x1] =	stream.indirect_vreg.gather [hbm4b:s11+s5], $0x80, v6, vm0, $0xb8;
	[tilespmem:$0x127A0] =	vst v63  }
0x424: {  	s0 =	simm.s32 $0x7780  }
0x425: {  	[tilespmem:s0], [sflag:$0x1] =	stream.indirect_vreg.gather [hbm4b:s12+s5], $0x80, v6, vm0, $0xb8;
	[tilespmem:$0x127A0] =	vst v63  }
0x426: {  	s0 =	simm.s32 $0x7F80  }
0x427: {  	[tilespmem:s0], [sflag:$0x1] =	stream.indirect_vreg.gather [hbm4b:s13+s5], $0x80, v6, vm0, $0xb8;
	[tilespmem:$0x127A0] =	vst v63  }
0x428: {  	v6 =	vld [tilespmem:s19+$0x60];
	_ =	sdelay $0x4  }
0x429: {  	v7 =	vshll.u32 v6, $0x3  }
0x42a: {  	v6 =	vand.u32 $0x7, v6;
	v7 =	vand.u32 $0xFFFFFFC0, v7  }
0x42b: {  	v6 =	vor.u32 v6, v7  }
0x42c: {  	v7 =	vperm.xlane v6, v2;
	_ =	sdelay $0x1  }
0x42d: {  	v7 =	vadd.s32 v3, v7;
	_ =	sdelay $0x4  }
0x42e: {  	[tilespmem:s22], [sflag:$0x1] =	stream.indirect_vreg.gather [hbm4b:s1+s5], $0x80, v7, vm0, $0xb8;
	[tilespmem:$0x127A0] =	vst v63  }
0x42f: {  	s0 =	simm.s32 $0x8F80;
	v6 =	vperm.xlane v6, v4  }
0x430: {  	[tilespmem:s0], [sflag:$0x1] =	stream.indirect_vreg.gather [hbm4b:s11+s5], $0x80, v7, vm0, $0xb8;
	[tilespmem:$0x127A0] =	vst v63  }
0x431: {  	v6 =	vadd.s32 v3, v6  }
0x432: {  	[tilespmem:s3], [sflag:$0x1] =	stream.indirect_vreg.gather [hbm4b:s12+s5], $0x80, v7, vm0, $0xb8;
	[tilespmem:$0x127A0] =	vst v63  }
0x433: {  	s0 =	simm.s32 $0x9F80  }
0x434: {  	[tilespmem:s0], [sflag:$0x1] =	stream.indirect_vreg.gather [hbm4b:s13+s5], $0x80, v7, vm0, $0xb8;
	[tilespmem:$0x127A0] =	vst v63  }
0x435: {  	_ = 	snop  }
0x436: {  	[tilespmem:s25], [sflag:$0x1] =	stream.indirect_vreg.gather [hbm4b:s1+s5], $0x80, v6, vm0, $0xb8;
	[tilespmem:$0x127A0] =	vst v63  }
0x437: {  	s0 =	simm.s32 $0xAF80  }
0x438: {  	[tilespmem:s0], [sflag:$0x1] =	stream.indirect_vreg.gather [hbm4b:s11+s5], $0x80, v6, vm0, $0xb8;
	[tilespmem:$0x127A0] =	vst v63  }
0x439: {  	_ = 	snop  }
0x43a: {  	[tilespmem:s9], [sflag:$0x1] =	stream.indirect_vreg.gather [hbm4b:s12+s5], $0x80, v6, vm0, $0xb8;
	[tilespmem:$0x127A0] =	vst v63  }
0x43b: {  	s0 =	simm.s32 $0xBF80  }
0x43c: {  	[tilespmem:s0], [sflag:$0x1] =	stream.indirect_vreg.gather [hbm4b:s13+s5], $0x80, v6, vm0, $0xb8;
	[tilespmem:$0x127A0] =	vst v63  }
0x43d: {  	v6 =	vld [tilespmem:s19+$0x70];
	_ =	sdelay $0x4  }
0x43e: {  	v7 =	vshll.u32 v6, $0x3  }
0x43f: {  	v6 =	vand.u32 $0x7, v6;
	v7 =	vand.u32 $0xFFFFFFC0, v7  }
0x440: {  	v6 =	vor.u32 v6, v7  }
0x441: {  	v7 =	vperm.xlane v6, v2;
	_ =	sdelay $0x1  }
0x442: {  	v7 =	vadd.s32 v3, v7;
	_ =	sdelay $0x4  }
0x443: {  	[tilespmem:s4], [sflag:$0x1] =	stream.indirect_vreg.gather [hbm4b:s1+s5], $0x80, v7, vm0, $0xb8;
	[tilespmem:$0x127A0] =	vst v63  }
0x444: {  	s19 =	simm.s32 $0xCF80;
	v6 =	vperm.xlane v6, v4  }
0x445: {  	[tilespmem:s19], [sflag:$0x1] =	stream.indirect_vreg.gather [hbm4b:s11+s5], $0x80, v7, vm0, $0xb8;
	[tilespmem:$0x127A0] =	vst v63  }
0x446: {  	v6 =	vadd.s32 v3, v6;
	s19 =	simm.s32 $0xD780  }
0x447: {  	[tilespmem:s19], [sflag:$0x1] =	stream.indirect_vreg.gather [hbm4b:s12+s5], $0x80, v7, vm0, $0xb8;
	[tilespmem:$0x127A0] =	vst v63  }
0x448: {  	s19 =	simm.s32 $0xDF80  }
0x449: {  	[tilespmem:s19], [sflag:$0x1] =	stream.indirect_vreg.gather [hbm4b:s13+s5], $0x80, v7, vm0, $0xb8;
	[tilespmem:$0x127A0] =	vst v63  }
0x44a: {  	s19 =	simm.s32 $0xE780  }
0x44b: {  	[tilespmem:s19], [sflag:$0x1] =	stream.indirect_vreg.gather [hbm4b:s1+s5], $0x80, v6, vm0, $0xb8;
	[tilespmem:$0x127A0] =	vst v63  }
0x44c: {  	s19 =	simm.s32 $0xEF80  }
0x44d: {  	[tilespmem:s19], [sflag:$0x1] =	stream.indirect_vreg.gather [hbm4b:s11+s5], $0x80, v6, vm0, $0xb8;
	[tilespmem:$0x127A0] =	vst v63  }
0x44e: {  	_ = 	snop  }
0x44f: {  	[tilespmem:s10], [sflag:$0x1] =	stream.indirect_vreg.gather [hbm4b:s12+s5], $0x80, v6, vm0, $0xb8;
	[tilespmem:$0x127A0] =	vst v63  }
0x450: {  	_ = 	snop  }
0x451: {  	[tilespmem:s24], [sflag:$0x1] =	stream.indirect_vreg.gather [hbm4b:s13+s5], $0x80, v6, vm0, $0xb8;
	[tilespmem:$0x127A0] =	vst v63  }
.LBB2_19:
0x452: {  	s0 =	ssub.s32 $0x0, s29;
	s19 =	ssub.s32 $0x0, s30  }
0x453: {  	p2 =	sgt.s32 s21, $0x0;
	p3 =	seq.s32 s26, s0;
	p4 =	seq.s32 s28, s19  }
0x454: {  	p5 =	sne.s32 s20, $0x180;
	p3 =	por @!p2 p4, p4  }
0x455: {  	s30 =	sadd.s32 $0xFFFFFFFF, s6;
	p2 =	por !p5, !p3  }
0x456: {  	p6 =	slt.u32 s30, $0x4;
	p2 =	por !p2, !p2  }
0x457: {  	p2 =	por !p6, !p2  }
0x458: {  	p2 =	por !p2, !p2  }
0x459: {  	p1 =	por !p1, !p2  }
0x45a: {  	p1 =	por !p1, !p1  }
.Ltmp16:
0x45b: {  	_ = 	snop;
	(pc) =	sbr.rel @!p1 .LBB2_21-.Ltmp16, $1  }
0x45c: {  	_ =	sdelay $0x3  }
0x45d: {  	v6 =	vadd.s32 s7, v0  }
0x45e: {  	v7 =	vshll.u32 v6, $0x3  }
0x45f: {  	v8 =	vand.u32 $0x7, v6;
	v7 =	vand.u32 $0xFFFFFFC0, v7  }
0x460: {  	v7 =	vor.u32 v8, v7  }
0x461: {  	v8 =	vperm.xlane v7, v2  }
0x462: {  	s0 =	sadd.s32 $0x10, s7  }
0x463: {  	s28 =	sadd.s32 $0x30, s7;
	[tilespmem:$0x400] =	vst v6;
	v6 =	vadd.s32 s0, v0;
	v8 =	vadd.s32 v3, v8  }
0x464: {  	s26 =	sadd.s32 $0x20, s7;
	v9 =	vadd.s32 s28, v0;
	[tilespmem:$0x410] =	vst v6  }
0x465: {  	s29 =	sadd.s32 $0x40, s7;
	v6 =	vadd.s32 s26, v0;
	[tilespmem:$0x430] =	vst v9  }
0x466: {  	[tilespmem:$0x420] =	vst v6;
	v6 =	vadd.s32 s29, v0  }
0x467: {  	[tilespmem:$0x440] =	vst v6  }
0x468: {  	[tilespmem:s31], [sflag:$0x1] =	stream.indirect_vreg.gather [hbm4b:s1+s5], $0x80, v8, vm0, $0xb8;
	[tilespmem:$0x127A0] =	vst v63  }
0x469: {  	s30 =	simm.s32 $0xF80;
	v6 =	vperm.xlane v7, v4  }
0x46a: {  	[tilespmem:s30], [sflag:$0x1] =	stream.indirect_vreg.gather [hbm4b:s11+s5], $0x80, v8, vm0, $0xb8;
	[tilespmem:$0x127A0] =	vst v63  }
0x46b: {  	s6 =	simm.s32 $0x1780;
	v6 =	vadd.s32 v3, v6  }
0x46c: {  	[tilespmem:s6], [sflag:$0x1] =	stream.indirect_vreg.gather [hbm4b:s12+s5], $0x80, v8, vm0, $0xb8;
	[tilespmem:$0x127A0] =	vst v63  }
0x46d: {  	s7 =	simm.s32 $0x1F80  }
0x46e: {  	[tilespmem:s7], [sflag:$0x1] =	stream.indirect_vreg.gather [hbm4b:s13+s5], $0x80, v8, vm0, $0xb8;
	[tilespmem:$0x127A0] =	vst v63  }
0x46f: {  	s19 =	simm.s32 $0x2780  }
0x470: {  	[tilespmem:s19], [sflag:$0x1] =	stream.indirect_vreg.gather [hbm4b:s1+s5], $0x80, v6, vm0, $0xb8;
	[tilespmem:$0x127A0] =	vst v63  }
0x471: {  	s20 =	simm.s32 $0x2F80  }
0x472: {  	[tilespmem:s20], [sflag:$0x1] =	stream.indirect_vreg.gather [hbm4b:s11+s5], $0x80, v6, vm0, $0xb8;
	[tilespmem:$0x127A0] =	vst v63  }
0x473: {  	s21 =	simm.s32 $0x3780  }
0x474: {  	[tilespmem:s21], [sflag:$0x1] =	stream.indirect_vreg.gather [hbm4b:s12+s5], $0x80, v6, vm0, $0xb8;
	[tilespmem:$0x127A0] =	vst v63  }
0x475: {  	s26 =	simm.s32 $0x3F80  }
0x476: {  	[tilespmem:s26], [sflag:$0x1] =	stream.indirect_vreg.gather [hbm4b:s13+s5], $0x80, v6, vm0, $0xb8;
	[tilespmem:$0x127A0] =	vst v63  }
0x477: {  	v6 =	vld [tilespmem:$0x410];
	_ =	sdelay $0x4  }
0x478: {  	v7 =	vshll.u32 v6, $0x3  }
0x479: {  	v6 =	vand.u32 $0x7, v6;
	v7 =	vand.u32 $0xFFFFFFC0, v7  }
0x47a: {  	v6 =	vor.u32 v6, v7  }
0x47b: {  	v7 =	vperm.xlane v6, v2;
	_ =	sdelay $0x1  }
0x47c: {  	v7 =	vadd.s32 v3, v7;
	_ =	sdelay $0x3  }
0x47d: {  	s28 =	simm.s32 $0x4780  }
0x47e: {  	[tilespmem:s28], [sflag:$0x1] =	stream.indirect_vreg.gather [hbm4b:s1+s5], $0x80, v7, vm0, $0xb8;
	[tilespmem:$0x127A0] =	vst v63  }
0x47f: {  	s29 =	simm.s32 $0x4F80;
	v6 =	vperm.xlane v6, v4  }
0x480: {  	[tilespmem:s29], [sflag:$0x1] =	stream.indirect_vreg.gather [hbm4b:s11+s5], $0x80, v7, vm0, $0xb8;
	[tilespmem:$0x127A0] =	vst v63  }
0x481: {  	s30 =	simm.s32 $0x5780;
	v6 =	vadd.s32 v3, v6  }
0x482: {  	[tilespmem:s30], [sflag:$0x1] =	stream.indirect_vreg.gather [hbm4b:s12+s5], $0x80, v7, vm0, $0xb8;
	[tilespmem:$0x127A0] =	vst v63  }
0x483: {  	s6 =	simm.s32 $0x5F80  }
0x484: {  	[tilespmem:s6], [sflag:$0x1] =	stream.indirect_vreg.gather [hbm4b:s13+s5], $0x80, v7, vm0, $0xb8;
	[tilespmem:$0x127A0] =	vst v63  }
0x485: {  	s7 =	simm.s32 $0x6780  }
0x486: {  	[tilespmem:s7], [sflag:$0x1] =	stream.indirect_vreg.gather [hbm4b:s1+s5], $0x80, v6, vm0, $0xb8;
	[tilespmem:$0x127A0] =	vst v63  }
0x487: {  	s19 =	simm.s32 $0x6F80  }
0x488: {  	[tilespmem:s19], [sflag:$0x1] =	stream.indirect_vreg.gather [hbm4b:s11+s5], $0x80, v6, vm0, $0xb8;
	[tilespmem:$0x127A0] =	vst v63  }
0x489: {  	s20 =	simm.s32 $0x7780  }
0x48a: {  	[tilespmem:s20], [sflag:$0x1] =	stream.indirect_vreg.gather [hbm4b:s12+s5], $0x80, v6, vm0, $0xb8;
	[tilespmem:$0x127A0] =	vst v63  }
0x48b: {  	s21 =	simm.s32 $0x7F80  }
0x48c: {  	[tilespmem:s21], [sflag:$0x1] =	stream.indirect_vreg.gather [hbm4b:s13+s5], $0x80, v6, vm0, $0xb8;
	[tilespmem:$0x127A0] =	vst v63  }
0x48d: {  	v6 =	vld [tilespmem:$0x420];
	_ =	sdelay $0x4  }
0x48e: {  	v7 =	vshll.u32 v6, $0x3  }
0x48f: {  	v6 =	vand.u32 $0x7, v6;
	v7 =	vand.u32 $0xFFFFFFC0, v7  }
0x490: {  	v6 =	vor.u32 v6, v7  }
0x491: {  	v7 =	vperm.xlane v6, v2;
	_ =	sdelay $0x1  }
0x492: {  	v7 =	vadd.s32 v3, v7;
	_ =	sdelay $0x4  }
0x493: {  	[tilespmem:s22], [sflag:$0x1] =	stream.indirect_vreg.gather [hbm4b:s1+s5], $0x80, v7, vm0, $0xb8;
	[tilespmem:$0x127A0] =	vst v63  }
0x494: {  	s26 =	simm.s32 $0x8F80;
	v6 =	vperm.xlane v6, v4  }
0x495: {  	[tilespmem:s26], [sflag:$0x1] =	stream.indirect_vreg.gather [hbm4b:s11+s5], $0x80, v7, vm0, $0xb8;
	[tilespmem:$0x127A0] =	vst v63  }
0x496: {  	v6 =	vadd.s32 v3, v6  }
0x497: {  	[tilespmem:s3], [sflag:$0x1] =	stream.indirect_vreg.gather [hbm4b:s12+s5], $0x80, v7, vm0, $0xb8;
	[tilespmem:$0x127A0] =	vst v63  }
0x498: {  	s28 =	simm.s32 $0x9F80  }
0x499: {  	[tilespmem:s28], [sflag:$0x1] =	stream.indirect_vreg.gather [hbm4b:s13+s5], $0x80, v7, vm0, $0xb8;
	[tilespmem:$0x127A0] =	vst v63  }
0x49a: {  	_ = 	snop  }
0x49b: {  	[tilespmem:s25], [sflag:$0x1] =	stream.indirect_vreg.gather [hbm4b:s1+s5], $0x80, v6, vm0, $0xb8;
	[tilespmem:$0x127A0] =	vst v63  }
0x49c: {  	s29 =	simm.s32 $0xAF80  }
0x49d: {  	[tilespmem:s29], [sflag:$0x1] =	stream.indirect_vreg.gather [hbm4b:s11+s5], $0x80, v6, vm0, $0xb8;
	[tilespmem:$0x127A0] =	vst v63  }
0x49e: {  	_ = 	snop  }
0x49f: {  	[tilespmem:s9], [sflag:$0x1] =	stream.indirect_vreg.gather [hbm4b:s12+s5], $0x80, v6, vm0, $0xb8;
	[tilespmem:$0x127A0] =	vst v63  }
0x4a0: {  	s30 =	simm.s32 $0xBF80  }
0x4a1: {  	[tilespmem:s30], [sflag:$0x1] =	stream.indirect_vreg.gather [hbm4b:s13+s5], $0x80, v6, vm0, $0xb8;
	[tilespmem:$0x127A0] =	vst v63  }
0x4a2: {  	v6 =	vld [tilespmem:$0x430];
	_ =	sdelay $0x4  }
0x4a3: {  	v7 =	vshll.u32 v6, $0x3  }
0x4a4: {  	v6 =	vand.u32 $0x7, v6;
	v7 =	vand.u32 $0xFFFFFFC0, v7  }
0x4a5: {  	v6 =	vor.u32 v6, v7  }
0x4a6: {  	v7 =	vperm.xlane v6, v2;
	_ =	sdelay $0x1  }
0x4a7: {  	v7 =	vadd.s32 v3, v7;
	_ =	sdelay $0x4  }
0x4a8: {  	[tilespmem:s4], [sflag:$0x1] =	stream.indirect_vreg.gather [hbm4b:s1+s5], $0x80, v7, vm0, $0xb8;
	[tilespmem:$0x127A0] =	vst v63  }
0x4a9: {  	s6 =	simm.s32 $0xCF80;
	v6 =	vperm.xlane v6, v4  }
0x4aa: {  	[tilespmem:s6], [sflag:$0x1] =	stream.indirect_vreg.gather [hbm4b:s11+s5], $0x80, v7, vm0, $0xb8;
	[tilespmem:$0x127A0] =	vst v63  }
0x4ab: {  	s7 =	simm.s32 $0xD780;
	v6 =	vadd.s32 v3, v6  }
0x4ac: {  	[tilespmem:s7], [sflag:$0x1] =	stream.indirect_vreg.gather [hbm4b:s12+s5], $0x80, v7, vm0, $0xb8;
	[tilespmem:$0x127A0] =	vst v63  }
0x4ad: {  	s19 =	simm.s32 $0xDF80  }
0x4ae: {  	[tilespmem:s19], [sflag:$0x1] =	stream.indirect_vreg.gather [hbm4b:s13+s5], $0x80, v7, vm0, $0xb8;
	[tilespmem:$0x127A0] =	vst v63  }
0x4af: {  	s20 =	simm.s32 $0xE780  }
0x4b0: {  	[tilespmem:s20], [sflag:$0x1] =	stream.indirect_vreg.gather [hbm4b:s1+s5], $0x80, v6, vm0, $0xb8;
	[tilespmem:$0x127A0] =	vst v63  }
0x4b1: {  	s21 =	simm.s32 $0xEF80  }
0x4b2: {  	[tilespmem:s21], [sflag:$0x1] =	stream.indirect_vreg.gather [hbm4b:s11+s5], $0x80, v6, vm0, $0xb8;
	[tilespmem:$0x127A0] =	vst v63  }
0x4b3: {  	_ = 	snop  }
0x4b4: {  	[tilespmem:s10], [sflag:$0x1] =	stream.indirect_vreg.gather [hbm4b:s12+s5], $0x80, v6, vm0, $0xb8;
	[tilespmem:$0x127A0] =	vst v63  }
0x4b5: {  	_ = 	snop  }
0x4b6: {  	[tilespmem:s24], [sflag:$0x1] =	stream.indirect_vreg.gather [hbm4b:s13+s5], $0x80, v6, vm0, $0xb8;
	[tilespmem:$0x127A0] =	vst v63  }
0x4b7: {  	v6 =	vld.msk [tilespmem:$0x440], $0xf;
	_ =	sdelay $0x4  }
0x4b8: {  	v7 =	vshll.u32 v6, $0x3  }
0x4b9: {  	v6 =	vand.u32 $0x7, v6;
	v7 =	vand.u32 $0xFFFFFFC0, v7  }
0x4ba: {  	v6 =	vor.u32 v6, v7  }
0x4bb: {  	v6 =	vperm.xlane v6, v2;
	_ =	sdelay $0x1  }
0x4bc: {  	v6 =	vadd.s32 v3, v6;
	_ =	sdelay $0x3  }
0x4bd: {  	s26 =	simm.s32 $0x10780  }
0x4be: {  	[tilespmem:s26], [sflag:$0x1] =	stream.indirect_vreg.gather [hbm4b:s1+s5], $0x80, v6, vm1, $0xb8;
	[tilespmem:$0x127A0] =	vst v63  }
0x4bf: {  	s28 =	simm.s32 $0x10F80  }
0x4c0: {  	[tilespmem:s28], [sflag:$0x1] =	stream.indirect_vreg.gather [hbm4b:s11+s5], $0x80, v6, vm1, $0xb8;
	[tilespmem:$0x127A0] =	vst v63  }
.Ltmp17:
0x4c1: {  	_ = 	snop;
	(pc) =	sbr.rel .LBB2_21-.Ltmp17, $4  }
0x4c2: {  	s29 =	simm.s32 $0x11780  }
0x4c3: {  	[tilespmem:s29], [sflag:$0x1] =	stream.indirect_vreg.gather [hbm4b:s12+s5], $0x80, v6, vm1, $0xb8;
	[tilespmem:$0x127A0] =	vst v63  }
0x4c4: {  	s30 =	simm.s32 $0x11F80  }
0x4c5: {  	[tilespmem:s30], [sflag:$0x1] =	stream.indirect_vreg.gather [hbm4b:s13+s5], $0x80, v6, vm1, $0xb8;
	[tilespmem:$0x127A0] =	vst v63  }
.LBB2_22:
0x4c6: {  	v6 =	vld [tilespmem:$0x1C0]  }
0x4c7: {  	v7 =	vld [tilespmem:$0x1F0]  }
0x4c8: {  	v8 =	vld [tilespmem:$0x3C0];
	_ =	sdelay $0x2  }
0x4c9: {  	(v2sf) =	vpush v6, $0x0  }
0x4ca: {  	(v2sf) =	vpush v7, $0xF  }
0x4cb: {  	(v2sf) =	vpush v8, $0x0;
	_ =	sdelay $0x5  }
0x4cc: {  	v7 =	vld [tilespmem:$0x3F0];
	_ =	sdelay $0x4  }
0x4cd: {  	(v2sf) =	vpush v7, $0xF;
	_ =	sdelay $0x1  }
0x4ce: {  	s0 =	spop (v2sf)  }
0x4cf: {  	s6 =	spop (v2sf)  }
0x4d0: {  	s7 =	spop (v2sf)  }
0x4d1: {  	p1 =	slt.s32 s0, s7;
	s17 =	smov.u32 s7  }
0x4d2: {  	s17 =	smov.u32 @p1 s0  }
0x4d3: {  	s18 =	ssub.s32 s0, s17;
	s17 =	ssub.s32 s7, s17  }
0x4d4: {  	p1 =	sgt.s32 s18, s17  }
0x4d5: {  	s17 =	smov.u32 @p1 s18  }
0x4d6: {  	p1 =	sne.s32 s17, $0x0  }
0x4d7: {  	p2 =	slt.s32 @!p1 s0, $0x2  }
0x4d8: {  	s0 =	ssub.s32 s6, s0;
	p1 =	por p1, p2  }
0x4d9: {  	p2 =	sne.s32 @!p1 s0, $0x3F  }
0x4da: {  	p1 =	por p1, p2  }
0x4db: {  	s30 =	spop (v2sf);
	p2 =	slt.s32 @!p1 s7, $0x2  }
0x4dc: {  	s0 =	ssub.s32 s30, s7;
	p1 =	por p1, p2  }
0x4dd: {  	p2 =	sne.s32 @!p1 s0, $0x3F  }
0x4de: {  	p1 =	por p1, p2  }
.Ltmp18:
0x4df: {  	_ = 	snop;
	(pc) =	sbr.rel @p1 .LBB2_24-.Ltmp18, $1  }
0x4e0: {  	_ =	sdelay $0x3  }
0x4e1: {  	s0 =	simm.s32 $0x1  }
0x4e2: {  	_ =	swait.ge [sflag:s0], $0x10000  }
0x4e3: {  	[sflag:s0] =	ssyncset.done $0x0  }
0x4e4: {  	s29 =	rddreg [dreg:$0xa];
	[sflag:s0] =	ssyncadd.s32 $0xFFFF0000  }
0x4e5: {  	[hbm4b:s29+s5] =	stream.linear.scatter [tilespmem:s31], [sflag:$0x2], $0x10000, $0x38;
	[tilespmem:$0x127A0] =	vst v63  }
.Ltmp19:
0x4e6: {  	s30 =	rddreg [dreg:$0xb];
	(pc) =	sbr.rel .LBB2_25-.Ltmp19, $4  }
0x4e7: {  	[hbm4b:s30+s5] =	stream.linear.scatter [tilespmem:s31], [sflag:$0x3], $0x10000, $0x38;
	[tilespmem:$0x127A0] =	vst v63  }
0x4e8: {  	_ =	swait.ge [sflag:s14], $0x10000  }
0x4e9: {  	[sflag:s14] =	ssyncset.done $0x0  }
0x4ea: {  	s18 =	simm.s32 $0x4;
	s7 =	rddreg [dreg:$0xe];
	[sflag:s14] =	ssyncadd.s32 $0xFFFF0000  }
.LBB2_26:
0x4eb: {  	_ =	sfence.sel $0x180000  }
0x4ec: {  	[bflag:$0x0] =	sbarrier.arrive $0xFFFF  }
0x4ed: {  	_ =	strace $0x90000047  }
0x4ee: {  	s0 =	stileid.u32;
	[bflag:$0x2] =	sbarrier.arrive $0xFFFF  }
0x4ef: {  	p0 =	sne.s32 s0, $0x0;
	s0 =	rddreg [dreg:$0x4]  }
0x4f0: {  	s0 =	sadd.s32 @!p0 $0x100000, s0  }
0x4f1: {  	[sflag:s0] =	ssyncadd.tile.s32 @!p0 $0x1;
	_ =	shalt  }
.Lfunc_end2:
_tile_overlayer_lowered:
.L_overlay_start_2:
0x4f2: {  	(tag) =	ssettag $0x2  }
0x4f3: {  	s0 =	rddreg [dreg:$0x0];
	s2 =	stileid.u32  }
0x4f4: {  	s1 =	rddreg [dreg:$0x1];
	p0 =	sne.s32 s2, $0x0  }
0x4f5: {  	s3 =	rddreg [dreg:$0x2];
	[bflag:$0x3] =	sbarrier.arrive $0xFFFF;
	s2 =	simm.s32 @!p0 $0x1C04  }
0x4f6: {  	[timem:s3], [sflag:s2] =	dma.local @!p0 [hbm:s0], s1  }
0x4f7: {  	s0 =	simm.s32 @!p0 $0x4  }
0x4f8: {  	_ =	swait.ge @!p0 [sflag:s0], s1  }
0x4f9: {  	s1 =	ssub.s32 @!p0 $0x0, s1;
	[sflag:s0] =	ssyncset.done @!p0 $0x0  }
0x4fa: {  	[sflag:s0] =	ssyncadd.s32 @!p0 s1  }
0x4fb: {  	[bflag:$0x3] =	sbarrier.arrive $0xFFFF  }
0x4fc: {  	_ =	shalt  }

</sc_bundles>
